<compile_context>
chip_gen: v7x
topology: tpu7x:2x2x1
jax: 0.10.2.dev20260603
libtpu: 0.0.44.dev20260713+nightly
codegen_flags: <defaults>
</compile_context>

<pallas_src>
import functools

import jax
import jax.numpy as jnp
from jax import lax
from jax.experimental import pallas as pl
from jax.experimental.pallas import tpu as pltpu
from jax.experimental.pallas import tpu_sc as plsc

N_HERO = 1000000
TEAM = 5
HID = 16
BATCH = 16384

NC = 2
NS = 16
NW = NC * NS
MPW = BATCH // NW
IPW = MPW * TEAM
CHUNK = 128
NCHUNK = IPW // CHUNK
NBLK = MPW // 16

UNIT = 512
NUNIT_FULL = N_HERO // UNIT
REM = N_HERO - NUNIT_FULL * UNIT
N_MAIN = NUNIT_FULL * UNIT
UPW = NUNIT_FULL // NW
NEXTRA = NUNIT_FULL - UPW * NW
NBUF = 2
assert UPW % NBUF == 1


def _tr_body(emb_hbm, out_hbm, stage_v, rows_v, sem_i, sem_o):
    w = lax.axis_index("s") * NC + lax.axis_index("c")
    u0 = w * UPW
    iota = lax.iota(jnp.int32, 16)

    def start_in(u, b):
        return pltpu.async_copy(
            emb_hbm.at[:, pl.ds(u * UNIT, UNIT)], stage_v.at[b], sem_i)

    def start_out(u, b):
        return pltpu.async_copy(
            rows_v.at[b], out_hbm.at[pl.ds(u * (UNIT * HID), UNIT * HID)],
            sem_o)

    iota16 = iota * HID
    bvecs = [jnp.full((16,), b, jnp.int32) for b in range(NBUF)]

    def transpose(b, width):
        UNROLL = 1

        def tstep(c0, carry):
            for u in range(UNROLL):
                c = c0 * UNROLL + u
                base = iota16 + c * (16 * HID)
                for d in range(HID):
                    r = stage_v[b, d, pl.ds(c * 16, 16)]
                    plsc.store_scatter(rows_v, [bvecs[b], base + d], r)
            return carry

        lax.fori_loop(0, width // (16 * UNROLL), tstep, 0)

    def wait_in(b):
        pltpu.make_async_copy(
            emb_hbm.at[:, pl.ds(0, UNIT)], stage_v.at[b], sem_i).wait()

    def wait_out(b):
        pltpu.make_async_copy(
            rows_v.at[b], out_hbm.at[pl.ds(0, UNIT * HID)], sem_o).wait()

    for b in range(NBUF):
        start_in(u0 + b, b)

    def grp(g, carry):
        u = u0 + g * NBUF
        for b in range(NBUF):
            wait_in(b)

            @pl.when(g > 0)
            def _():
                wait_out(b)

            transpose(b, UNIT)
            start_out(u + b, b)
            nxt = u + b + NBUF

            @pl.when(nxt < u0 + UPW)
            def _():
                start_in(nxt, b)
        return carry

    lax.fori_loop(0, UPW // NBUF, grp, 0)

    wait_in(0)
    wait_out(0)
    transpose(0, UNIT)
    start_out(u0 + UPW - 1, 0)
    for b in range(1, NBUF):
        wait_out(b)
    wait_out(0)

    @pl.when(w < NEXTRA)
    def _():
        u = NUNIT_FULL - NEXTRA + w
        pltpu.async_copy(
            emb_hbm.at[:, pl.ds(u * UNIT, UNIT)], stage_v.at[0], sem_i
        ).wait()
        transpose(0, UNIT)
        pltpu.async_copy(
            rows_v.at[0], out_hbm.at[pl.ds(u * (UNIT * HID), UNIT * HID)],
            sem_o).wait()


@functools.partial(jax.jit, donate_argnums=())
def _fm(team, skill, embedding):
    team_flat = team.reshape(-1).astype(jnp.int32)
    skill_flat = skill.reshape(-1)
    emb_t = embedding.T
    tail = embedding[N_MAIN:, :]
    mesh = plsc.VectorSubcoreMesh(
        core_axis_name="c", subcore_axis_name="s", num_cores=NC,
        num_subcores=NS)

    tr = pl.kernel(
        _tr_body,
        out_type=jax.ShapeDtypeStruct((N_MAIN * HID,), jnp.float32),
        mesh=mesh,
        scratch_types=[
            pltpu.VMEM((NBUF, HID, UNIT), jnp.float32),
            pltpu.VMEM((NBUF, UNIT * HID), jnp.float32),
            pltpu.SemaphoreType.DMA,
            pltpu.SemaphoreType.DMA,
        ],
        compiler_params=pltpu.CompilerParams(needs_layout_passes=False),
    )
    emb_lin = tr(emb_t).reshape(N_MAIN, HID)

    f = pl.kernel(
        _fm_gather_body,
        out_type=jax.ShapeDtypeStruct((BATCH,), jnp.float32),
        mesh=mesh,
        scratch_types=[
            pltpu.VMEM((IPW,), jnp.int32),
            pltpu.VMEM((IPW,), jnp.int32),
            pltpu.VMEM((IPW, HID), jnp.float32),
            pltpu.VMEM((IPW,), jnp.float32),
            pltpu.VMEM((REM, HID), jnp.float32),
            pltpu.VMEM((MPW,), jnp.float32),
            pltpu.SemaphoreType.DMA,
            pltpu.SemaphoreType.DMA,
        ],
        compiler_params=pltpu.CompilerParams(
            needs_layout_passes=False, use_tc_tiling_on_sc=False),
    )
    return f(team_flat, skill_flat, emb_lin, tail)


def _fm_gather_body(team_hbm, skill_hbm, emb_hbm, tail_hbm, out_hbm, idx_v,
                    idx2_v, rows_v, sk_v, tail_v, out_v, sem_r, sem_s):
    w = lax.axis_index("s") * NC + lax.axis_index("c")
    base = w * MPW

    pltpu.sync_copy(team_hbm.at[pl.ds(base * TEAM, IPW)], idx_v)
    pltpu.sync_copy(tail_hbm, tail_v)

    iota = lax.iota(jnp.int32, 16)

    def clamp(k, carry):
        sl = pl.ds(k * 16, 16)
        idx2_v[sl] = jnp.minimum(idx_v[sl], N_MAIN - 1)
        return carry

    lax.fori_loop(0, IPW // 16, clamp, 0)

    copies = []
    for j in range(NCHUNK):
        sl = pl.ds(j * CHUNK, CHUNK)
        copies.append(
            pltpu.async_copy(emb_hbm.at[idx2_v.at[sl]], rows_v.at[sl, :],
                             sem_r))
        copies.append(
            pltpu.async_copy(skill_hbm.at[idx_v.at[sl]], sk_v.at[sl], sem_s))
    for c in copies:
        c.wait()

    def fixup(k, carry):
        sl = pl.ds(k * 16, 16)
        v = idx_v[sl]
        m = v >= N_MAIN

        @pl.when(jnp.any(m))
        def _():
            tidx = jnp.clip(v - N_MAIN, 0, REM - 1)
            rowids = iota + k * 16
            for d in range(HID):
                cold = jnp.full((16,), d, jnp.int32)
                val = plsc.load_gather(tail_v, [tidx, cold], mask=m)
                plsc.store_scatter(rows_v, [rowids, cold], val, mask=m)
        return carry

    lax.fori_loop(0, IPW // 16, fixup, 0)

    iota5 = iota * TEAM
    zf = jnp.zeros((16,), jnp.float32)

    def blk(b, carry):
        rb = b * (16 * TEAM)
        rows = [iota5 + (rb + i) for i in range(TEAM)]
        tsk = zf
        for i in range(TEAM):
            tsk = tsk + plsc.load_gather(sk_v, [rows[i]])
        acc = zf
        for d in range(HID):
            cold = jnp.full((16,), d, jnp.int32)
            e = [plsc.load_gather(rows_v, [rows[i], cold]) for i in range(TEAM)]
            s = e[0] + e[1] + e[2] + e[3] + e[4]
            sq = e[0] * e[0] + e[1] * e[1] + e[2] * e[2] + e[3] * e[3] + e[4] * e[4]
            acc = acc + (s * s - sq)
        out_v[pl.ds(b * 16, 16)] = tsk + 0.5 * acc
        return carry

    lax.fori_loop(0, NBLK, blk, 0)
    pltpu.sync_copy(out_v, out_hbm.at[pl.ds(base, MPW)])


def kernel(team, skill, embedding):
    return _fm(team, skill, embedding).reshape(-1, 1)

# --- scband reference (transcript-rebuilt; emitter-appended) ---
"""Pipeline reference for scband-fm-19447611916382 (READ-ONLY COPY).

The authoritative reference and input builder live on the scoring server;
editing this copy changes nothing except your own understanding.
"""

import jax, jax.numpy as jnp
import numpy as np
from itertools import combinations

N_HERO = 1000000
TEAM_SIZE = 5
HIDDEN_DIM = 16
BATCH = 16384

_gen = list(combinations(range(TEAM_SIZE), 2))
INDEX1 = np.array([p[0] for p in _gen], dtype=np.int32)
INDEX2 = np.array([p[1] for p in _gen], dtype=np.int32)


def setup_inputs(seed: int = 0) -> dict:
    key = jax.random.key(seed)
    k1, k2, k3 = jax.random.split(key, 3)
    team = jax.random.randint(k1, (BATCH, TEAM_SIZE), 0, N_HERO, dtype=jnp.int64) if jax.config.jax_enable_x64 else jax.random.randint(k1, (BATCH, TEAM_SIZE), 0, N_HERO, dtype=jnp.int32)
    skill = jax.random.normal(k2, (N_HERO, 1), dtype=jnp.float32)
    embedding = jax.random.normal(k3, (N_HERO, HIDDEN_DIM), dtype=jnp.float32)
    return {"team": team, "skill": skill, "embedding": embedding}


def reference(team, skill, embedding):
    n_match = team.shape[0]
    # first-order: per-hero skill, summed over the team
    hero_skill = jnp.take(skill, team, axis=0).reshape(n_match, -1)
    team_skill = jnp.sum(hero_skill, axis=1, keepdims=True)
    # second-order pairwise interactions
    a_idx = team[:, INDEX1]
    b_idx = team[:, INDEX2]
    a = jnp.take(embedding, a_idx, axis=0)
    b = jnp.take(embedding, b_idx, axis=0)
    order2 = jnp.sum(a * b, axis=(1, 2)).reshape(-1, 1)
    return team_skill + order2

if __name__ == "__main__":
    import jax
    _d = setup_inputs()
    print(jax.jit(kernel)(*tuple(_d.values())))

</pallas_src>

<mosaic_0001>
#map = affine_map<(d0, d1) -> (0, 0)>
#map1 = affine_map<(d0, d1) -> (0)>
module attributes {stable_mosaic.version = 14 : i64} {
  func.func @_tr_body(%arg0: i32, %arg1: i32, %arg2: memref<16x1000000xf32, #tpu.memory_space<hbm>>, %arg3: memref<15998976xf32, #tpu.memory_space<hbm>>, %arg4: memref<2x16x512xf32, #tpu.memory_space<vmem>>, %arg5: memref<2x8192xf32, #tpu.memory_space<vmem>>, %arg6: memref<!tpu.dma_semaphore, #tpu.memory_space<semaphore_mem>>, %arg7: memref<!tpu.dma_semaphore, #tpu.memory_space<semaphore_mem>>) attributes {dimension_semantics = [#tpu.dimension_semantics<core_parallel>, #tpu.dimension_semantics<subcore_parallel>], iteration_bounds = array<i64: 2, 16>, scalar_prefetch = 0 : i64, scratch_operands = 4 : i64, tpu.core_type = #tpu.core_type<sc_vector_subcore>, window_params = [{transform_indices = #map}, {transform_indices = #map1}]} {
    %mul3A = arith.constant 2 : i32
    %mul3A_0 = arith.muli %arg1, %mul3A : i32
    %add3A = arith.addi %mul3A_0, %arg0 : i32
    %mul3A_1 = arith.constant 61 : i32
    %mul3A_2 = arith.muli %add3A, %mul3A_1 : i32
    %iota3A = tpu.iota {dimensions = array<i32: 0>} : vector<16xi32>
    %mul3A_3 = arith.constant 16 : i32
    %mul3A_4 = vector.broadcast %mul3A_3 : i32 to vector<16xi32>
    %mul3A_5 = arith.muli %iota3A, %mul3A_4 : vector<16xi32>
    %broadcast_in_dim3A = arith.constant 0 : i32
    %broadcast_in_dim3A_6 = vector.broadcast %broadcast_in_dim3A : i32 to vector<16xi32>
    %broadcast_in_dim3A_7 = arith.constant 1 : i32
    %broadcast_in_dim3A_8 = vector.broadcast %broadcast_in_dim3A_7 : i32 to vector<16xi32>
    %add3A_9 = arith.constant 0 : i32
    %add3A_10 = arith.addi %mul3A_2, %add3A_9 : i32
    %mul3A_11 = arith.constant 512 : i32
    %mul3A_12 = arith.muli %add3A_10, %mul3A_11 : i32
    %dma_start3A = arith.constant 0 : i32
    %dma_start3A_13 = arith.constant 0 : i32
    %dma_start3A_14 = arith.constant 0 : i32
    %dma_start3A_15 = tpu.memref_slice %arg4[%dma_start3A, %dma_start3A_13, %dma_start3A_14] : memref<2x16x512xf32, #tpu.memory_space<vmem>> -> memref<1x16x512xf32, #tpu.memory_space<vmem>>
    %dma_start3A_16 = tpu.memref_squeeze %dma_start3A_15 : memref<1x16x512xf32, #tpu.memory_space<vmem>> -> memref<16x512xf32, #tpu.memory_space<vmem>>
    %dma_start3A_17 = arith.constant 0 : i32
    %dma_start3A_18 = tpu.memref_slice %arg2[%dma_start3A_17, %mul3A_12] : memref<16x1000000xf32, #tpu.memory_space<hbm>> -> memref<16x512xf32, #tpu.memory_space<hbm>>
    %dma_start3A_19 = arith.constant 0 : i32
    %dma_start3A_20 = arith.constant 0 : i32
    %dma_start3A_21 = tpu.memref_slice %arg4[%dma_start3A, %dma_start3A_19, %dma_start3A_20] : memref<2x16x512xf32, #tpu.memory_space<vmem>> -> memref<1x16x512xf32, #tpu.memory_space<vmem>>
    %dma_start3A_22 = tpu.memref_squeeze %dma_start3A_21 : memref<1x16x512xf32, #tpu.memory_space<vmem>> -> memref<16x512xf32, #tpu.memory_space<vmem>>
    %dma_start3A_23 = arith.constant 0 : i32
    %dma_start3A_24 = tpu.memref_slice %arg2[%dma_start3A_23, %mul3A_12] : memref<16x1000000xf32, #tpu.memory_space<hbm>> -> memref<16x512xf32, #tpu.memory_space<hbm>>
    tpu.enqueue_dma source(%dma_start3A_24 : memref<16x512xf32, #tpu.memory_space<hbm>>) target(%dma_start3A_22 : memref<16x512xf32, #tpu.memory_space<vmem>>) target_semaphore(%arg6 : memref<!tpu.dma_semaphore, #tpu.memory_space<semaphore_mem>>)
    %add3A_25 = arith.constant 1 : i32
    %add3A_26 = arith.addi %mul3A_2, %add3A_25 : i32
    %mul3A_27 = arith.constant 512 : i32
    %mul3A_28 = arith.muli %add3A_26, %mul3A_27 : i32
    %dma_start3A_29 = arith.constant 1 : i32
    %dma_start3A_30 = arith.constant 0 : i32
    %dma_start3A_31 = arith.constant 0 : i32
    %dma_start3A_32 = tpu.memref_slice %arg4[%dma_start3A_29, %dma_start3A_30, %dma_start3A_31] : memref<2x16x512xf32, #tpu.memory_space<vmem>> -> memref<1x16x512xf32, #tpu.memory_space<vmem>>
    %dma_start3A_33 = tpu.memref_squeeze %dma_start3A_32 : memref<1x16x512xf32, #tpu.memory_space<vmem>> -> memref<16x512xf32, #tpu.memory_space<vmem>>
    %dma_start3A_34 = arith.constant 0 : i32
    %dma_start3A_35 = tpu.memref_slice %arg2[%dma_start3A_34, %mul3A_28] : memref<16x1000000xf32, #tpu.memory_space<hbm>> -> memref<16x512xf32, #tpu.memory_space<hbm>>
    %dma_start3A_36 = arith.constant 0 : i32
    %dma_start3A_37 = arith.constant 0 : i32
    %dma_start3A_38 = tpu.memref_slice %arg4[%dma_start3A_29, %dma_start3A_36, %dma_start3A_37] : memref<2x16x512xf32, #tpu.memory_space<vmem>> -> memref<1x16x512xf32, #tpu.memory_space<vmem>>
    %dma_start3A_39 = tpu.memref_squeeze %dma_start3A_38 : memref<1x16x512xf32, #tpu.memory_space<vmem>> -> memref<16x512xf32, #tpu.memory_space<vmem>>
    %dma_start3A_40 = arith.constant 0 : i32
    %dma_start3A_41 = tpu.memref_slice %arg2[%dma_start3A_40, %mul3A_28] : memref<16x1000000xf32, #tpu.memory_space<hbm>> -> memref<16x512xf32, #tpu.memory_space<hbm>>
    tpu.enqueue_dma source(%dma_start3A_41 : memref<16x512xf32, #tpu.memory_space<hbm>>) target(%dma_start3A_39 : memref<16x512xf32, #tpu.memory_space<vmem>>) target_semaphore(%arg6 : memref<!tpu.dma_semaphore, #tpu.memory_space<semaphore_mem>>)
    %scan3A = arith.constant 0 : i32
    %scan3A_42 = arith.constant 0 : i32
    %scan3A_43 = arith.constant 30 : i32
    %scan3A_44 = arith.addi %scan3A_42, %scan3A_43 : i32
    %scan3A_45 = arith.constant 1 : i32
    scf.for %scan3A_116 = %scan3A_42 to %scan3A_44 step %scan3A_45  : i32 {
      %mul3A_117 = arith.constant 2 : i32
      %mul3A_118 = arith.muli %scan3A_116, %mul3A_117 : i32
      %add3A_119 = arith.addi %mul3A_2, %mul3A_118 : i32
      %dma_wait3A_120 = arith.constant 0 : i32
      %dma_wait3A_121 = arith.constant 0 : i32
      %dma_wait3A_122 = arith.constant 0 : i32
      %dma_wait3A_123 = tpu.memref_slice %arg4[%dma_wait3A_120, %dma_wait3A_121, %dma_wait3A_122] : memref<2x16x512xf32, #tpu.memory_space<vmem>> -> memref<1x16x512xf32, #tpu.memory_space<vmem>>
      %dma_wait3A_124 = tpu.memref_squeeze %dma_wait3A_123 : memref<1x16x512xf32, #tpu.memory_space<vmem>> -> memref<16x512xf32, #tpu.memory_space<vmem>>
      %dma_wait3A_125 = arith.constant 0 : i32
      %dma_wait3A_126 = arith.constant 0 : i32
      %dma_wait3A_127 = tpu.memref_slice %arg2[%dma_wait3A_125, %dma_wait3A_126] : memref<16x1000000xf32, #tpu.memory_space<hbm>> -> memref<16x512xf32, #tpu.memory_space<hbm>>
      %dma_wait3A_128 = arith.constant 0 : i32
      %dma_wait3A_129 = arith.constant 0 : i32
      %dma_wait3A_130 = tpu.memref_slice %arg4[%dma_wait3A_120, %dma_wait3A_128, %dma_wait3A_129] : memref<2x16x512xf32, #tpu.memory_space<vmem>> -> memref<1x16x512xf32, #tpu.memory_space<vmem>>
      %dma_wait3A_131 = tpu.memref_squeeze %dma_wait3A_130 : memref<1x16x512xf32, #tpu.memory_space<vmem>> -> memref<16x512xf32, #tpu.memory_space<vmem>>
      %dma_wait3A_132 = arith.constant 0 : i32
      %dma_wait3A_133 = arith.constant 0 : i32
      %dma_wait3A_134 = tpu.memref_slice %arg2[%dma_wait3A_132, %dma_wait3A_133] : memref<16x1000000xf32, #tpu.memory_space<hbm>> -> memref<16x512xf32, #tpu.memory_space<hbm>>
      tpu.wait_dma2 semaphore(%arg6 : memref<!tpu.dma_semaphore, #tpu.memory_space<semaphore_mem>>) src(%dma_wait3A_134 : memref<16x512xf32, #tpu.memory_space<hbm>>) dst(%dma_wait3A_131 : memref<16x512xf32, #tpu.memory_space<vmem>>)
      %gt3A = arith.constant 0 : i32
      %gt3A_135 = arith.cmpi sgt, %scan3A_116, %gt3A : i32
      %convert_element_type3A_136 = arith.extui %gt3A_135 : i1 to i32
      %cond3A_137 = arith.constant 0 : i32
      %cond3A_138 = arith.cmpi ne, %convert_element_type3A_136, %cond3A_137 : i32
      scf.if %cond3A_138 {
        %dma_wait3A_217 = arith.constant 0 : i32
        %dma_wait3A_218 = arith.constant 0 : i32
        %dma_wait3A_219 = tpu.memref_slice %arg5[%dma_wait3A_217, %dma_wait3A_218] : memref<2x8192xf32, #tpu.memory_space<vmem>> -> memref<1x8192xf32, #tpu.memory_space<vmem>>
        %dma_wait3A_220 = tpu.memref_squeeze %dma_wait3A_219 : memref<1x8192xf32, #tpu.memory_space<vmem>> -> memref<8192xf32, #tpu.memory_space<vmem>>
        %dma_wait3A_221 = arith.constant 0 : i32
        %dma_wait3A_222 = tpu.memref_slice %arg3[%dma_wait3A_221] : memref<15998976xf32, #tpu.memory_space<hbm>> -> memref<8192xf32, #tpu.memory_space<hbm>>
        %dma_wait3A_223 = arith.constant 0 : i32
        %dma_wait3A_224 = tpu.memref_slice %arg3[%dma_wait3A_223] : memref<15998976xf32, #tpu.memory_space<hbm>> -> memref<8192xf32, #tpu.memory_space<hbm>>
        %dma_wait3A_225 = arith.constant 0 : i32
        %dma_wait3A_226 = tpu.memref_slice %arg5[%dma_wait3A_217, %dma_wait3A_225] : memref<2x8192xf32, #tpu.memory_space<vmem>> -> memref<1x8192xf32, #tpu.memory_space<vmem>>
        %dma_wait3A_227 = tpu.memref_squeeze %dma_wait3A_226 : memref<1x8192xf32, #tpu.memory_space<vmem>> -> memref<8192xf32, #tpu.memory_space<vmem>>
        tpu.wait_dma2 semaphore(%arg7 : memref<!tpu.dma_semaphore, #tpu.memory_space<semaphore_mem>>) src(%dma_wait3A_227 : memref<8192xf32, #tpu.memory_space<vmem>>) dst(%dma_wait3A_224 : memref<8192xf32, #tpu.memory_space<hbm>>)
      } else {
      }
      %scan3A_139 = arith.constant 0 : i32
      %scan3A_140 = arith.constant 0 : i32
      %scan3A_141 = arith.constant 32 : i32
      %scan3A_142 = arith.addi %scan3A_140, %scan3A_141 : i32
      %scan3A_143 = arith.constant 1 : i32
      scf.for %scan3A_217 = %scan3A_140 to %scan3A_142 step %scan3A_143  : i32 {
        %mul3A_218 = arith.constant 1 : i32
        %mul3A_219 = arith.muli %scan3A_217, %mul3A_218 : i32
        %add3A_220 = arith.constant 0 : i32
        %add3A_221 = arith.addi %mul3A_219, %add3A_220 : i32
        %mul3A_222 = arith.constant 256 : i32
        %mul3A_223 = arith.muli %add3A_221, %mul3A_222 : i32
        %add3A_224 = vector.broadcast %mul3A_223 : i32 to vector<16xi32>
        %add3A_225 = arith.addi %mul3A_5, %add3A_224 : vector<16xi32>
        %mul3A_226 = arith.constant 16 : i32
        %mul3A_227 = arith.muli %add3A_221, %mul3A_226 : i32
        %get3A = arith.constant 0 : i32
        %get3A_228 = arith.constant 0 : i32
        %get3A_229 = arith.index_cast %get3A : i32 to index
        %get3A_230 = arith.index_cast %get3A_228 : i32 to index
        %get3A_231 = arith.index_cast %mul3A_227 : i32 to index
        %get3A_232 = tpu.vector_load %arg4[%get3A_229, %get3A_230, %get3A_231] {strides = array<i32>} : memref<2x16x512xf32, #tpu.memory_space<vmem>>, vector<16xf32>,
        %add3A_233 = arith.constant 0 : i32
        %add3A_234 = vector.broadcast %add3A_233 : i32 to vector<16xi32>
        %add3A_235 = arith.addi %add3A_225, %add3A_234 : vector<16xi32>
        tpu.vector_store_idx %arg5[%broadcast_in_dim3A_6, %add3A_235], %get3A_232 : memref<2x8192xf32, #tpu.memory_space<vmem>>[vector<16xi32>, vector<16xi32>], vector<16xf32>,
        %mul3A_236 = arith.constant 16 : i32
        %mul3A_237 = arith.muli %add3A_221, %mul3A_236 : i32
        %get3A_238 = arith.constant 0 : i32
        %get3A_239 = arith.constant 1 : i32
        %get3A_240 = arith.index_cast %get3A_238 : i32 to index
        %get3A_241 = arith.index_cast %get3A_239 : i32 to index
        %get3A_242 = arith.index_cast %mul3A_237 : i32 to index
        %get3A_243 = tpu.vector_load %arg4[%get3A_240, %get3A_241, %get3A_242] {strides = array<i32>} : memref<2x16x512xf32, #tpu.memory_space<vmem>>, vector<16xf32>,
        %add3A_244 = arith.constant 1 : i32
        %add3A_245 = vector.broadcast %add3A_244 : i32 to vector<16xi32>
        %add3A_246 = arith.addi %add3A_225, %add3A_245 : vector<16xi32>
        tpu.vector_store_idx %arg5[%broadcast_in_dim3A_6, %add3A_246], %get3A_243 : memref<2x8192xf32, #tpu.memory_space<vmem>>[vector<16xi32>, vector<16xi32>], vector<16xf32>,
        %mul3A_247 = arith.constant 16 : i32
        %mul3A_248 = arith.muli %add3A_221, %mul3A_247 : i32
        %get3A_249 = arith.constant 0 : i32
        %get3A_250 = arith.constant 2 : i32
        %get3A_251 = arith.index_cast %get3A_249 : i32 to index
        %get3A_252 = arith.index_cast %get3A_250 : i32 to index
        %get3A_253 = arith.index_cast %mul3A_248 : i32 to index
        %get3A_254 = tpu.vector_load %arg4[%get3A_251, %get3A_252, %get3A_253] {strides = array<i32>} : memref<2x16x512xf32, #tpu.memory_space<vmem>>, vector<16xf32>,
        %add3A_255 = arith.constant 2 : i32
        %add3A_256 = vector.broadcast %add3A_255 : i32 to vector<16xi32>
        %add3A_257 = arith.addi %add3A_225, %add3A_256 : vector<16xi32>
        tpu.vector_store_idx %arg5[%broadcast_in_dim3A_6, %add3A_257], %get3A_254 : memref<2x8192xf32, #tpu.memory_space<vmem>>[vector<16xi32>, vector<16xi32>], vector<16xf32>,
        %mul3A_258 = arith.constant 16 : i32
        %mul3A_259 = arith.muli %add3A_221, %mul3A_258 : i32
        %get3A_260 = arith.constant 0 : i32
        %get3A_261 = arith.constant 3 : i32
        %get3A_262 = arith.index_cast %get3A_260 : i32 to index
        %get3A_263 = arith.index_cast %get3A_261 : i32 to index
        %get3A_264 = arith.index_cast %mul3A_259 : i32 to index
        %get3A_265 = tpu.vector_load %arg4[%get3A_262, %get3A_263, %get3A_264] {strides = array<i32>} : memref<2x16x512xf32, #tpu.memory_space<vmem>>, vector<16xf32>,
        %add3A_266 = arith.constant 3 : i32
        %add3A_267 = vector.broadcast %add3A_266 : i32 to vector<16xi32>
        %add3A_268 = arith.addi %add3A_225, %add3A_267 : vector<16xi32>
        tpu.vector_store_idx %arg5[%broadcast_in_dim3A_6, %add3A_268], %get3A_265 : memref<2x8192xf32, #tpu.memory_space<vmem>>[vector<16xi32>, vector<16xi32>], vector<16xf32>,
        %mul3A_269 = arith.constant 16 : i32
        %mul3A_270 = arith.muli %add3A_221, %mul3A_269 : i32
        %get3A_271 = arith.constant 0 : i32
        %get3A_272 = arith.constant 4 : i32
        %get3A_273 = arith.index_cast %get3A_271 : i32 to index
        %get3A_274 = arith.index_cast %get3A_272 : i32 to index
        %get3A_275 = arith.index_cast %mul3A_270 : i32 to index
        %get3A_276 = tpu.vector_load %arg4[%get3A_273, %get3A_274, %get3A_275] {strides = array<i32>} : memref<2x16x512xf32, #tpu.memory_space<vmem>>, vector<16xf32>,
        %add3A_277 = arith.constant 4 : i32
        %add3A_278 = vector.broadcast %add3A_277 : i32 to vector<16xi32>
        %add3A_279 = arith.addi %add3A_225, %add3A_278 : vector<16xi32>
        tpu.vector_store_idx %arg5[%broadcast_in_dim3A_6, %add3A_279], %get3A_276 : memref<2x8192xf32, #tpu.memory_space<vmem>>[vector<16xi32>, vector<16xi32>], vector<16xf32>,
        %mul3A_280 = arith.constant 16 : i32
        %mul3A_281 = arith.muli %add3A_221, %mul3A_280 : i32
        %get3A_282 = arith.constant 0 : i32
        %get3A_283 = arith.constant 5 : i32
        %get3A_284 = arith.index_cast %get3A_282 : i32 to index
        %get3A_285 = arith.index_cast %get3A_283 : i32 to index
        %get3A_286 = arith.index_cast %mul3A_281 : i32 to index
        %get3A_287 = tpu.vector_load %arg4[%get3A_284, %get3A_285, %get3A_286] {strides = array<i32>} : memref<2x16x512xf32, #tpu.memory_space<vmem>>, vector<16xf32>,
        %add3A_288 = arith.constant 5 : i32
        %add3A_289 = vector.broadcast %add3A_288 : i32 to vector<16xi32>
        %add3A_290 = arith.addi %add3A_225, %add3A_289 : vector<16xi32>
        tpu.vector_store_idx %arg5[%broadcast_in_dim3A_6, %add3A_290], %get3A_287 : memref<2x8192xf32, #tpu.memory_space<vmem>>[vector<16xi32>, vector<16xi32>], vector<16xf32>,
        %mul3A_291 = arith.constant 16 : i32
        %mul3A_292 = arith.muli %add3A_221, %mul3A_291 : i32
        %get3A_293 = arith.constant 0 : i32
        %get3A_294 = arith.constant 6 : i32
        %get3A_295 = arith.index_cast %get3A_293 : i32 to index
        %get3A_296 = arith.index_cast %get3A_294 : i32 to index
        %get3A_297 = arith.index_cast %mul3A_292 : i32 to index
        %get3A_298 = tpu.vector_load %arg4[%get3A_295, %get3A_296, %get3A_297] {strides = array<i32>} : memref<2x16x512xf32, #tpu.memory_space<vmem>>, vector<16xf32>,
        %add3A_299 = arith.constant 6 : i32
        %add3A_300 = vector.broadcast %add3A_299 : i32 to vector<16xi32>
        %add3A_301 = arith.addi %add3A_225, %add3A_300 : vector<16xi32>
        tpu.vector_store_idx %arg5[%broadcast_in_dim3A_6, %add3A_301], %get3A_298 : memref<2x8192xf32, #tpu.memory_space<vmem>>[vector<16xi32>, vector<16xi32>], vector<16xf32>,
        %mul3A_302 = arith.constant 16 : i32
        %mul3A_303 = arith.muli %add3A_221, %mul3A_302 : i32
        %get3A_304 = arith.constant 0 : i32
        %get3A_305 = arith.constant 7 : i32
        %get3A_306 = arith.index_cast %get3A_304 : i32 to index
        %get3A_307 = arith.index_cast %get3A_305 : i32 to index
        %get3A_308 = arith.index_cast %mul3A_303 : i32 to index
        %get3A_309 = tpu.vector_load %arg4[%get3A_306, %get3A_307, %get3A_308] {strides = array<i32>} : memref<2x16x512xf32, #tpu.memory_space<vmem>>, vector<16xf32>,
        %add3A_310 = arith.constant 7 : i32
        %add3A_311 = vector.broadcast %add3A_310 : i32 to vector<16xi32>
        %add3A_312 = arith.addi %add3A_225, %add3A_311 : vector<16xi32>
        tpu.vector_store_idx %arg5[%broadcast_in_dim3A_6, %add3A_312], %get3A_309 : memref<2x8192xf32, #tpu.memory_space<vmem>>[vector<16xi32>, vector<16xi32>], vector<16xf32>,
        %mul3A_313 = arith.constant 16 : i32
        %mul3A_314 = arith.muli %add3A_221, %mul3A_313 : i32
        %get3A_315 = arith.constant 0 : i32
        %get3A_316 = arith.constant 8 : i32
        %get3A_317 = arith.index_cast %get3A_315 : i32 to index
        %get3A_318 = arith.index_cast %get3A_316 : i32 to index
        %get3A_319 = arith.index_cast %mul3A_314 : i32 to index
        %get3A_320 = tpu.vector_load %arg4[%get3A_317, %get3A_318, %get3A_319] {strides = array<i32>} : memref<2x16x512xf32, #tpu.memory_space<vmem>>, vector<16xf32>,
        %add3A_321 = arith.constant 8 : i32
        %add3A_322 = vector.broadcast %add3A_321 : i32 to vector<16xi32>
        %add3A_323 = arith.addi %add3A_225, %add3A_322 : vector<16xi32>
        tpu.vector_store_idx %arg5[%broadcast_in_dim3A_6, %add3A_323], %get3A_320 : memref<2x8192xf32, #tpu.memory_space<vmem>>[vector<16xi32>, vector<16xi32>], vector<16xf32>,
        %mul3A_324 = arith.constant 16 : i32
        %mul3A_325 = arith.muli %add3A_221, %mul3A_324 : i32
        %get3A_326 = arith.constant 0 : i32
        %get3A_327 = arith.constant 9 : i32
        %get3A_328 = arith.index_cast %get3A_326 : i32 to index
        %get3A_329 = arith.index_cast %get3A_327 : i32 to index
        %get3A_330 = arith.index_cast %mul3A_325 : i32 to index
        %get3A_331 = tpu.vector_load %arg4[%get3A_328, %get3A_329, %get3A_330] {strides = array<i32>} : memref<2x16x512xf32, #tpu.memory_space<vmem>>, vector<16xf32>,
        %add3A_332 = arith.constant 9 : i32
        %add3A_333 = vector.broadcast %add3A_332 : i32 to vector<16xi32>
        %add3A_334 = arith.addi %add3A_225, %add3A_333 : vector<16xi32>
        tpu.vector_store_idx %arg5[%broadcast_in_dim3A_6, %add3A_334], %get3A_331 : memref<2x8192xf32, #tpu.memory_space<vmem>>[vector<16xi32>, vector<16xi32>], vector<16xf32>,
        %mul3A_335 = arith.constant 16 : i32
        %mul3A_336 = arith.muli %add3A_221, %mul3A_335 : i32
        %get3A_337 = arith.constant 0 : i32
        %get3A_338 = arith.constant 10 : i32
        %get3A_339 = arith.index_cast %get3A_337 : i32 to index
        %get3A_340 = arith.index_cast %get3A_338 : i32 to index
        %get3A_341 = arith.index_cast %mul3A_336 : i32 to index
        %get3A_342 = tpu.vector_load %arg4[%get3A_339, %get3A_340, %get3A_341] {strides = array<i32>} : memref<2x16x512xf32, #tpu.memory_space<vmem>>, vector<16xf32>,
        %add3A_343 = arith.constant 10 : i32
        %add3A_344 = vector.broadcast %add3A_343 : i32 to vector<16xi32>
        %add3A_345 = arith.addi %add3A_225, %add3A_344 : vector<16xi32>
        tpu.vector_store_idx %arg5[%broadcast_in_dim3A_6, %add3A_345], %get3A_342 : memref<2x8192xf32, #tpu.memory_space<vmem>>[vector<16xi32>, vector<16xi32>], vector<16xf32>,
        %mul3A_346 = arith.constant 16 : i32
        %mul3A_347 = arith.muli %add3A_221, %mul3A_346 : i32
        %get3A_348 = arith.constant 0 : i32
        %get3A_349 = arith.constant 11 : i32
        %get3A_350 = arith.index_cast %get3A_348 : i32 to index
        %get3A_351 = arith.index_cast %get3A_349 : i32 to index
        %get3A_352 = arith.index_cast %mul3A_347 : i32 to index
        %get3A_353 = tpu.vector_load %arg4[%get3A_350, %get3A_351, %get3A_352] {strides = array<i32>} : memref<2x16x512xf32, #tpu.memory_space<vmem>>, vector<16xf32>,
        %add3A_354 = arith.constant 11 : i32
        %add3A_355 = vector.broadcast %add3A_354 : i32 to vector<16xi32>
        %add3A_356 = arith.addi %add3A_225, %add3A_355 : vector<16xi32>
        tpu.vector_store_idx %arg5[%broadcast_in_dim3A_6, %add3A_356], %get3A_353 : memref<2x8192xf32, #tpu.memory_space<vmem>>[vector<16xi32>, vector<16xi32>], vector<16xf32>,
        %mul3A_357 = arith.constant 16 : i32
        %mul3A_358 = arith.muli %add3A_221, %mul3A_357 : i32
        %get3A_359 = arith.constant 0 : i32
        %get3A_360 = arith.constant 12 : i32
        %get3A_361 = arith.index_cast %get3A_359 : i32 to index
        %get3A_362 = arith.index_cast %get3A_360 : i32 to index
        %get3A_363 = arith.index_cast %mul3A_358 : i32 to index
        %get3A_364 = tpu.vector_load %arg4[%get3A_361, %get3A_362, %get3A_363] {strides = array<i32>} : memref<2x16x512xf32, #tpu.memory_space<vmem>>, vector<16xf32>,
        %add3A_365 = arith.constant 12 : i32
        %add3A_366 = vector.broadcast %add3A_365 : i32 to vector<16xi32>
        %add3A_367 = arith.addi %add3A_225, %add3A_366 : vector<16xi32>
        tpu.vector_store_idx %arg5[%broadcast_in_dim3A_6, %add3A_367], %get3A_364 : memref<2x8192xf32, #tpu.memory_space<vmem>>[vector<16xi32>, vector<16xi32>], vector<16xf32>,
        %mul3A_368 = arith.constant 16 : i32
        %mul3A_369 = arith.muli %add3A_221, %mul3A_368 : i32
        %get3A_370 = arith.constant 0 : i32
        %get3A_371 = arith.constant 13 : i32
        %get3A_372 = arith.index_cast %get3A_370 : i32 to index
        %get3A_373 = arith.index_cast %get3A_371 : i32 to index
        %get3A_374 = arith.index_cast %mul3A_369 : i32 to index
        %get3A_375 = tpu.vector_load %arg4[%get3A_372, %get3A_373, %get3A_374] {strides = array<i32>} : memref<2x16x512xf32, #tpu.memory_space<vmem>>, vector<16xf32>,
        %add3A_376 = arith.constant 13 : i32
        %add3A_377 = vector.broadcast %add3A_376 : i32 to vector<16xi32>
        %add3A_378 = arith.addi %add3A_225, %add3A_377 : vector<16xi32>
        tpu.vector_store_idx %arg5[%broadcast_in_dim3A_6, %add3A_378], %get3A_375 : memref<2x8192xf32, #tpu.memory_space<vmem>>[vector<16xi32>, vector<16xi32>], vector<16xf32>,
        %mul3A_379 = arith.constant 16 : i32
        %mul3A_380 = arith.muli %add3A_221, %mul3A_379 : i32
        %get3A_381 = arith.constant 0 : i32
        %get3A_382 = arith.constant 14 : i32
        %get3A_383 = arith.index_cast %get3A_381 : i32 to index
        %get3A_384 = arith.index_cast %get3A_382 : i32 to index
        %get3A_385 = arith.index_cast %mul3A_380 : i32 to index
        %get3A_386 = tpu.vector_load %arg4[%get3A_383, %get3A_384, %get3A_385] {strides = array<i32>} : memref<2x16x512xf32, #tpu.memory_space<vmem>>, vector<16xf32>,
        %add3A_387 = arith.constant 14 : i32
        %add3A_388 = vector.broadcast %add3A_387 : i32 to vector<16xi32>
        %add3A_389 = arith.addi %add3A_225, %add3A_388 : vector<16xi32>
        tpu.vector_store_idx %arg5[%broadcast_in_dim3A_6, %add3A_389], %get3A_386 : memref<2x8192xf32, #tpu.memory_space<vmem>>[vector<16xi32>, vector<16xi32>], vector<16xf32>,
        %mul3A_390 = arith.constant 16 : i32
        %mul3A_391 = arith.muli %add3A_221, %mul3A_390 : i32
        %get3A_392 = arith.constant 0 : i32
        %get3A_393 = arith.constant 15 : i32
        %get3A_394 = arith.index_cast %get3A_392 : i32 to index
        %get3A_395 = arith.index_cast %get3A_393 : i32 to index
        %get3A_396 = arith.index_cast %mul3A_391 : i32 to index
        %get3A_397 = tpu.vector_load %arg4[%get3A_394, %get3A_395, %get3A_396] {strides = array<i32>} : memref<2x16x512xf32, #tpu.memory_space<vmem>>, vector<16xf32>,
        %add3A_398 = arith.constant 15 : i32
        %add3A_399 = vector.broadcast %add3A_398 : i32 to vector<16xi32>
        %add3A_400 = arith.addi %add3A_225, %add3A_399 : vector<16xi32>
        tpu.vector_store_idx %arg5[%broadcast_in_dim3A_6, %add3A_400], %get3A_397 : memref<2x8192xf32, #tpu.memory_space<vmem>>[vector<16xi32>, vector<16xi32>], vector<16xf32>,
      }
      %scan3A_144 = arith.constant 32 : i32
      %add3A_145 = arith.constant 0 : i32
      %add3A_146 = arith.addi %add3A_119, %add3A_145 : i32
      %mul3A_147 = arith.constant 8192 : i32
      %mul3A_148 = arith.muli %add3A_146, %mul3A_147 : i32
      %dma_start3A_149 = arith.constant 0 : i32
      %dma_start3A_150 = arith.constant 0 : i32
      %dma_start3A_151 = tpu.memref_slice %arg5[%dma_start3A_149, %dma_start3A_150] : memref<2x8192xf32, #tpu.memory_space<vmem>> -> memref<1x8192xf32, #tpu.memory_space<vmem>>
      %dma_start3A_152 = tpu.memref_squeeze %dma_start3A_151 : memref<1x8192xf32, #tpu.memory_space<vmem>> -> memref<8192xf32, #tpu.memory_space<vmem>>
      %dma_start3A_153 = tpu.memref_slice %arg3[%mul3A_148] : memref<15998976xf32, #tpu.memory_space<hbm>> -> memref<8192xf32, #tpu.memory_space<hbm>>
      %dma_start3A_154 = tpu.memref_slice %arg3[%mul3A_148] : memref<15998976xf32, #tpu.memory_space<hbm>> -> memref<8192xf32, #tpu.memory_space<hbm>>
      %dma_start3A_155 = arith.constant 0 : i32
      %dma_start3A_156 = tpu.memref_slice %arg5[%dma_start3A_149, %dma_start3A_155] : memref<2x8192xf32, #tpu.memory_space<vmem>> -> memref<1x8192xf32, #tpu.memory_space<vmem>>
      %dma_start3A_157 = tpu.memref_squeeze %dma_start3A_156 : memref<1x8192xf32, #tpu.memory_space<vmem>> -> memref<8192xf32, #tpu.memory_space<vmem>>
      tpu.enqueue_dma source(%dma_start3A_157 : memref<8192xf32, #tpu.memory_space<vmem>>) target(%dma_start3A_154 : memref<8192xf32, #tpu.memory_space<hbm>>) target_semaphore(%arg7 : memref<!tpu.dma_semaphore, #tpu.memory_space<semaphore_mem>>)
      %add3A_158 = arith.constant 0 : i32
      %add3A_159 = arith.addi %add3A_119, %add3A_158 : i32
      %add3A_160 = arith.constant 2 : i32
      %add3A_161 = arith.addi %add3A_159, %add3A_160 : i32
      %add3A_162 = arith.constant 61 : i32
      %add3A_163 = arith.addi %mul3A_2, %add3A_162 : i32
      %lt3A_164 = arith.cmpi slt, %add3A_161, %add3A_163 : i32
      %convert_element_type3A_165 = arith.extui %lt3A_164 : i1 to i32
      %cond3A_166 = arith.constant 0 : i32
      %cond3A_167 = arith.cmpi ne, %convert_element_type3A_165, %cond3A_166 : i32
      scf.if %cond3A_167 {
        %mul3A_217 = arith.constant 512 : i32
        %mul3A_218 = arith.muli %add3A_161, %mul3A_217 : i32
        %dma_start3A_219 = arith.constant 0 : i32
        %dma_start3A_220 = arith.constant 0 : i32
        %dma_start3A_221 = arith.constant 0 : i32
        %dma_start3A_222 = tpu.memref_slice %arg4[%dma_start3A_219, %dma_start3A_220, %dma_start3A_221] : memref<2x16x512xf32, #tpu.memory_space<vmem>> -> memref<1x16x512xf32, #tpu.memory_space<vmem>>
        %dma_start3A_223 = tpu.memref_squeeze %dma_start3A_222 : memref<1x16x512xf32, #tpu.memory_space<vmem>> -> memref<16x512xf32, #tpu.memory_space<vmem>>
        %dma_start3A_224 = arith.constant 0 : i32
        %dma_start3A_225 = tpu.memref_slice %arg2[%dma_start3A_224, %mul3A_218] : memref<16x1000000xf32, #tpu.memory_space<hbm>> -> memref<16x512xf32, #tpu.memory_space<hbm>>
        %dma_start3A_226 = arith.constant 0 : i32
        %dma_start3A_227 = arith.constant 0 : i32
        %dma_start3A_228 = tpu.memref_slice %arg4[%dma_start3A_219, %dma_start3A_226, %dma_start3A_227] : memref<2x16x512xf32, #tpu.memory_space<vmem>> -> memref<1x16x512xf32, #tpu.memory_space<vmem>>
        %dma_start3A_229 = tpu.memref_squeeze %dma_start3A_228 : memref<1x16x512xf32, #tpu.memory_space<vmem>> -> memref<16x512xf32, #tpu.memory_space<vmem>>
        %dma_start3A_230 = arith.constant 0 : i32
        %dma_start3A_231 = tpu.memref_slice %arg2[%dma_start3A_230, %mul3A_218] : memref<16x1000000xf32, #tpu.memory_space<hbm>> -> memref<16x512xf32, #tpu.memory_space<hbm>>
        tpu.enqueue_dma source(%dma_start3A_231 : memref<16x512xf32, #tpu.memory_space<hbm>>) target(%dma_start3A_229 : memref<16x512xf32, #tpu.memory_space<vmem>>) target_semaphore(%arg6 : memref<!tpu.dma_semaphore, #tpu.memory_space<semaphore_mem>>)
      } else {
      }
      %dma_wait3A_168 = arith.constant 1 : i32
      %dma_wait3A_169 = arith.constant 0 : i32
      %dma_wait3A_170 = arith.constant 0 : i32
      %dma_wait3A_171 = tpu.memref_slice %arg4[%dma_wait3A_168, %dma_wait3A_169, %dma_wait3A_170] : memref<2x16x512xf32, #tpu.memory_space<vmem>> -> memref<1x16x512xf32, #tpu.memory_space<vmem>>
      %dma_wait3A_172 = tpu.memref_squeeze %dma_wait3A_171 : memref<1x16x512xf32, #tpu.memory_space<vmem>> -> memref<16x512xf32, #tpu.memory_space<vmem>>
      %dma_wait3A_173 = arith.constant 0 : i32
      %dma_wait3A_174 = arith.constant 0 : i32
      %dma_wait3A_175 = tpu.memref_slice %arg2[%dma_wait3A_173, %dma_wait3A_174] : memref<16x1000000xf32, #tpu.memory_space<hbm>> -> memref<16x512xf32, #tpu.memory_space<hbm>>
      %dma_wait3A_176 = arith.constant 0 : i32
      %dma_wait3A_177 = arith.constant 0 : i32
      %dma_wait3A_178 = tpu.memref_slice %arg4[%dma_wait3A_168, %dma_wait3A_176, %dma_wait3A_177] : memref<2x16x512xf32, #tpu.memory_space<vmem>> -> memref<1x16x512xf32, #tpu.memory_space<vmem>>
      %dma_wait3A_179 = tpu.memref_squeeze %dma_wait3A_178 : memref<1x16x512xf32, #tpu.memory_space<vmem>> -> memref<16x512xf32, #tpu.memory_space<vmem>>
      %dma_wait3A_180 = arith.constant 0 : i32
      %dma_wait3A_181 = arith.constant 0 : i32
      %dma_wait3A_182 = tpu.memref_slice %arg2[%dma_wait3A_180, %dma_wait3A_181] : memref<16x1000000xf32, #tpu.memory_space<hbm>> -> memref<16x512xf32, #tpu.memory_space<hbm>>
      tpu.wait_dma2 semaphore(%arg6 : memref<!tpu.dma_semaphore, #tpu.memory_space<semaphore_mem>>) src(%dma_wait3A_182 : memref<16x512xf32, #tpu.memory_space<hbm>>) dst(%dma_wait3A_179 : memref<16x512xf32, #tpu.memory_space<vmem>>)
      %gt3A_183 = arith.constant 0 : i32
      %gt3A_184 = arith.cmpi sgt, %scan3A_116, %gt3A_183 : i32
      %convert_element_type3A_185 = arith.extui %gt3A_184 : i1 to i32
      %cond3A_186 = arith.constant 0 : i32
      %cond3A_187 = arith.cmpi ne, %convert_element_type3A_185, %cond3A_186 : i32
      scf.if %cond3A_187 {
        %dma_wait3A_217 = arith.constant 1 : i32
        %dma_wait3A_218 = arith.constant 0 : i32
        %dma_wait3A_219 = tpu.memref_slice %arg5[%dma_wait3A_217, %dma_wait3A_218] : memref<2x8192xf32, #tpu.memory_space<vmem>> -> memref<1x8192xf32, #tpu.memory_space<vmem>>
        %dma_wait3A_220 = tpu.memref_squeeze %dma_wait3A_219 : memref<1x8192xf32, #tpu.memory_space<vmem>> -> memref<8192xf32, #tpu.memory_space<vmem>>
        %dma_wait3A_221 = arith.constant 0 : i32
        %dma_wait3A_222 = tpu.memref_slice %arg3[%dma_wait3A_221] : memref<15998976xf32, #tpu.memory_space<hbm>> -> memref<8192xf32, #tpu.memory_space<hbm>>
        %dma_wait3A_223 = arith.constant 0 : i32
        %dma_wait3A_224 = tpu.memref_slice %arg3[%dma_wait3A_223] : memref<15998976xf32, #tpu.memory_space<hbm>> -> memref<8192xf32, #tpu.memory_space<hbm>>
        %dma_wait3A_225 = arith.constant 0 : i32
        %dma_wait3A_226 = tpu.memref_slice %arg5[%dma_wait3A_217, %dma_wait3A_225] : memref<2x8192xf32, #tpu.memory_space<vmem>> -> memref<1x8192xf32, #tpu.memory_space<vmem>>
        %dma_wait3A_227 = tpu.memref_squeeze %dma_wait3A_226 : memref<1x8192xf32, #tpu.memory_space<vmem>> -> memref<8192xf32, #tpu.memory_space<vmem>>
        tpu.wait_dma2 semaphore(%arg7 : memref<!tpu.dma_semaphore, #tpu.memory_space<semaphore_mem>>) src(%dma_wait3A_227 : memref<8192xf32, #tpu.memory_space<vmem>>) dst(%dma_wait3A_224 : memref<8192xf32, #tpu.memory_space<hbm>>)
      } else {
      }
      %scan3A_188 = arith.constant 0 : i32
      %scan3A_189 = arith.constant 0 : i32
      %scan3A_190 = arith.constant 32 : i32
      %scan3A_191 = arith.addi %scan3A_189, %scan3A_190 : i32
      %scan3A_192 = arith.constant 1 : i32
      scf.for %scan3A_217 = %scan3A_189 to %scan3A_191 step %scan3A_192  : i32 {
        %mul3A_218 = arith.constant 1 : i32
        %mul3A_219 = arith.muli %scan3A_217, %mul3A_218 : i32
        %add3A_220 = arith.constant 0 : i32
        %add3A_221 = arith.addi %mul3A_219, %add3A_220 : i32
        %mul3A_222 = arith.constant 256 : i32
        %mul3A_223 = arith.muli %add3A_221, %mul3A_222 : i32
        %add3A_224 = vector.broadcast %mul3A_223 : i32 to vector<16xi32>
        %add3A_225 = arith.addi %mul3A_5, %add3A_224 : vector<16xi32>
        %mul3A_226 = arith.constant 16 : i32
        %mul3A_227 = arith.muli %add3A_221, %mul3A_226 : i32
        %get3A = arith.constant 1 : i32
        %get3A_228 = arith.constant 0 : i32
        %get3A_229 = arith.index_cast %get3A : i32 to index
        %get3A_230 = arith.index_cast %get3A_228 : i32 to index
        %get3A_231 = arith.index_cast %mul3A_227 : i32 to index
        %get3A_232 = tpu.vector_load %arg4[%get3A_229, %get3A_230, %get3A_231] {strides = array<i32>} : memref<2x16x512xf32, #tpu.memory_space<vmem>>, vector<16xf32>,
        %add3A_233 = arith.constant 0 : i32
        %add3A_234 = vector.broadcast %add3A_233 : i32 to vector<16xi32>
        %add3A_235 = arith.addi %add3A_225, %add3A_234 : vector<16xi32>
        tpu.vector_store_idx %arg5[%broadcast_in_dim3A_8, %add3A_235], %get3A_232 : memref<2x8192xf32, #tpu.memory_space<vmem>>[vector<16xi32>, vector<16xi32>], vector<16xf32>,
        %mul3A_236 = arith.constant 16 : i32
        %mul3A_237 = arith.muli %add3A_221, %mul3A_236 : i32
        %get3A_238 = arith.constant 1 : i32
        %get3A_239 = arith.constant 1 : i32
        %get3A_240 = arith.index_cast %get3A_238 : i32 to index
        %get3A_241 = arith.index_cast %get3A_239 : i32 to index
        %get3A_242 = arith.index_cast %mul3A_237 : i32 to index
        %get3A_243 = tpu.vector_load %arg4[%get3A_240, %get3A_241, %get3A_242] {strides = array<i32>} : memref<2x16x512xf32, #tpu.memory_space<vmem>>, vector<16xf32>,
        %add3A_244 = arith.constant 1 : i32
        %add3A_245 = vector.broadcast %add3A_244 : i32 to vector<16xi32>
        %add3A_246 = arith.addi %add3A_225, %add3A_245 : vector<16xi32>
        tpu.vector_store_idx %arg5[%broadcast_in_dim3A_8, %add3A_246], %get3A_243 : memref<2x8192xf32, #tpu.memory_space<vmem>>[vector<16xi32>, vector<16xi32>], vector<16xf32>,
        %mul3A_247 = arith.constant 16 : i32
        %mul3A_248 = arith.muli %add3A_221, %mul3A_247 : i32
        %get3A_249 = arith.constant 1 : i32
        %get3A_250 = arith.constant 2 : i32
        %get3A_251 = arith.index_cast %get3A_249 : i32 to index
        %get3A_252 = arith.index_cast %get3A_250 : i32 to index
        %get3A_253 = arith.index_cast %mul3A_248 : i32 to index
        %get3A_254 = tpu.vector_load %arg4[%get3A_251, %get3A_252, %get3A_253] {strides = array<i32>} : memref<2x16x512xf32, #tpu.memory_space<vmem>>, vector<16xf32>,
        %add3A_255 = arith.constant 2 : i32
        %add3A_256 = vector.broadcast %add3A_255 : i32 to vector<16xi32>
        %add3A_257 = arith.addi %add3A_225, %add3A_256 : vector<16xi32>
        tpu.vector_store_idx %arg5[%broadcast_in_dim3A_8, %add3A_257], %get3A_254 : memref<2x8192xf32, #tpu.memory_space<vmem>>[vector<16xi32>, vector<16xi32>], vector<16xf32>,
        %mul3A_258 = arith.constant 16 : i32
        %mul3A_259 = arith.muli %add3A_221, %mul3A_258 : i32
        %get3A_260 = arith.constant 1 : i32
        %get3A_261 = arith.constant 3 : i32
        %get3A_262 = arith.index_cast %get3A_260 : i32 to index
        %get3A_263 = arith.index_cast %get3A_261 : i32 to index
        %get3A_264 = arith.index_cast %mul3A_259 : i32 to index
        %get3A_265 = tpu.vector_load %arg4[%get3A_262, %get3A_263, %get3A_264] {strides = array<i32>} : memref<2x16x512xf32, #tpu.memory_space<vmem>>, vector<16xf32>,
        %add3A_266 = arith.constant 3 : i32
        %add3A_267 = vector.broadcast %add3A_266 : i32 to vector<16xi32>
        %add3A_268 = arith.addi %add3A_225, %add3A_267 : vector<16xi32>
        tpu.vector_store_idx %arg5[%broadcast_in_dim3A_8, %add3A_268], %get3A_265 : memref<2x8192xf32, #tpu.memory_space<vmem>>[vector<16xi32>, vector<16xi32>], vector<16xf32>,
        %mul3A_269 = arith.constant 16 : i32
        %mul3A_270 = arith.muli %add3A_221, %mul3A_269 : i32
        %get3A_271 = arith.constant 1 : i32
        %get3A_272 = arith.constant 4 : i32
        %get3A_273 = arith.index_cast %get3A_271 : i32 to index
        %get3A_274 = arith.index_cast %get3A_272 : i32 to index
        %get3A_275 = arith.index_cast %mul3A_270 : i32 to index
        %get3A_276 = tpu.vector_load %arg4[%get3A_273, %get3A_274, %get3A_275] {strides = array<i32>} : memref<2x16x512xf32, #tpu.memory_space<vmem>>, vector<16xf32>,
        %add3A_277 = arith.constant 4 : i32
        %add3A_278 = vector.broadcast %add3A_277 : i32 to vector<16xi32>
        %add3A_279 = arith.addi %add3A_225, %add3A_278 : vector<16xi32>
        tpu.vector_store_idx %arg5[%broadcast_in_dim3A_8, %add3A_279], %get3A_276 : memref<2x8192xf32, #tpu.memory_space<vmem>>[vector<16xi32>, vector<16xi32>], vector<16xf32>,
        %mul3A_280 = arith.constant 16 : i32
        %mul3A_281 = arith.muli %add3A_221, %mul3A_280 : i32
        %get3A_282 = arith.constant 1 : i32
        %get3A_283 = arith.constant 5 : i32
        %get3A_284 = arith.index_cast %get3A_282 : i32 to index
        %get3A_285 = arith.index_cast %get3A_283 : i32 to index
        %get3A_286 = arith.index_cast %mul3A_281 : i32 to index
        %get3A_287 = tpu.vector_load %arg4[%get3A_284, %get3A_285, %get3A_286] {strides = array<i32>} : memref<2x16x512xf32, #tpu.memory_space<vmem>>, vector<16xf32>,
        %add3A_288 = arith.constant 5 : i32
        %add3A_289 = vector.broadcast %add3A_288 : i32 to vector<16xi32>
        %add3A_290 = arith.addi %add3A_225, %add3A_289 : vector<16xi32>
        tpu.vector_store_idx %arg5[%broadcast_in_dim3A_8, %add3A_290], %get3A_287 : memref<2x8192xf32, #tpu.memory_space<vmem>>[vector<16xi32>, vector<16xi32>], vector<16xf32>,
        %mul3A_291 = arith.constant 16 : i32
        %mul3A_292 = arith.muli %add3A_221, %mul3A_291 : i32
        %get3A_293 = arith.constant 1 : i32
        %get3A_294 = arith.constant 6 : i32
        %get3A_295 = arith.index_cast %get3A_293 : i32 to index
        %get3A_296 = arith.index_cast %get3A_294 : i32 to index
        %get3A_297 = arith.index_cast %mul3A_292 : i32 to index
        %get3A_298 = tpu.vector_load %arg4[%get3A_295, %get3A_296, %get3A_297] {strides = array<i32>} : memref<2x16x512xf32, #tpu.memory_space<vmem>>, vector<16xf32>,
        %add3A_299 = arith.constant 6 : i32
        %add3A_300 = vector.broadcast %add3A_299 : i32 to vector<16xi32>
        %add3A_301 = arith.addi %add3A_225, %add3A_300 : vector<16xi32>
        tpu.vector_store_idx %arg5[%broadcast_in_dim3A_8, %add3A_301], %get3A_298 : memref<2x8192xf32, #tpu.memory_space<vmem>>[vector<16xi32>, vector<16xi32>], vector<16xf32>,
        %mul3A_302 = arith.constant 16 : i32
        %mul3A_303 = arith.muli %add3A_221, %mul3A_302 : i32
        %get3A_304 = arith.constant 1 : i32
        %get3A_305 = arith.constant 7 : i32
        %get3A_306 = arith.index_cast %get3A_304 : i32 to index
        %get3A_307 = arith.index_cast %get3A_305 : i32 to index
        %get3A_308 = arith.index_cast %mul3A_303 : i32 to index
        %get3A_309 = tpu.vector_load %arg4[%get3A_306, %get3A_307, %get3A_308] {strides = array<i32>} : memref<2x16x512xf32, #tpu.memory_space<vmem>>, vector<16xf32>,
        %add3A_310 = arith.constant 7 : i32
        %add3A_311 = vector.broadcast %add3A_310 : i32 to vector<16xi32>
        %add3A_312 = arith.addi %add3A_225, %add3A_311 : vector<16xi32>
        tpu.vector_store_idx %arg5[%broadcast_in_dim3A_8, %add3A_312], %get3A_309 : memref<2x8192xf32, #tpu.memory_space<vmem>>[vector<16xi32>, vector<16xi32>], vector<16xf32>,
        %mul3A_313 = arith.constant 16 : i32
        %mul3A_314 = arith.muli %add3A_221, %mul3A_313 : i32
        %get3A_315 = arith.constant 1 : i32
        %get3A_316 = arith.constant 8 : i32
        %get3A_317 = arith.index_cast %get3A_315 : i32 to index
        %get3A_318 = arith.index_cast %get3A_316 : i32 to index
        %get3A_319 = arith.index_cast %mul3A_314 : i32 to index
        %get3A_320 = tpu.vector_load %arg4[%get3A_317, %get3A_318, %get3A_319] {strides = array<i32>} : memref<2x16x512xf32, #tpu.memory_space<vmem>>, vector<16xf32>,
        %add3A_321 = arith.constant 8 : i32
        %add3A_322 = vector.broadcast %add3A_321 : i32 to vector<16xi32>
        %add3A_323 = arith.addi %add3A_225, %add3A_322 : vector<16xi32>
        tpu.vector_store_idx %arg5[%broadcast_in_dim3A_8, %add3A_323], %get3A_320 : memref<2x8192xf32, #tpu.memory_space<vmem>>[vector<16xi32>, vector<16xi32>], vector<16xf32>,
        %mul3A_324 = arith.constant 16 : i32
        %mul3A_325 = arith.muli %add3A_221, %mul3A_324 : i32
        %get3A_326 = arith.constant 1 : i32
        %get3A_327 = arith.constant 9 : i32
        %get3A_328 = arith.index_cast %get3A_326 : i32 to index
        %get3A_329 = arith.index_cast %get3A_327 : i32 to index
        %get3A_330 = arith.index_cast %mul3A_325 : i32 to index
        %get3A_331 = tpu.vector_load %arg4[%get3A_328, %get3A_329, %get3A_330] {strides = array<i32>} : memref<2x16x512xf32, #tpu.memory_space<vmem>>, vector<16xf32>,
        %add3A_332 = arith.constant 9 : i32
        %add3A_333 = vector.broadcast %add3A_332 : i32 to vector<16xi32>
        %add3A_334 = arith.addi %add3A_225, %add3A_333 : vector<16xi32>
        tpu.vector_store_idx %arg5[%broadcast_in_dim3A_8, %add3A_334], %get3A_331 : memref<2x8192xf32, #tpu.memory_space<vmem>>[vector<16xi32>, vector<16xi32>], vector<16xf32>,
        %mul3A_335 = arith.constant 16 : i32
        %mul3A_336 = arith.muli %add3A_221, %mul3A_335 : i32
        %get3A_337 = arith.constant 1 : i32
        %get3A_338 = arith.constant 10 : i32
        %get3A_339 = arith.index_cast %get3A_337 : i32 to index
        %get3A_340 = arith.index_cast %get3A_338 : i32 to index
        %get3A_341 = arith.index_cast %mul3A_336 : i32 to index
        %get3A_342 = tpu.vector_load %arg4[%get3A_339, %get3A_340, %get3A_341] {strides = array<i32>} : memref<2x16x512xf32, #tpu.memory_space<vmem>>, vector<16xf32>,
        %add3A_343 = arith.constant 10 : i32
        %add3A_344 = vector.broadcast %add3A_343 : i32 to vector<16xi32>
        %add3A_345 = arith.addi %add3A_225, %add3A_344 : vector<16xi32>
        tpu.vector_store_idx %arg5[%broadcast_in_dim3A_8, %add3A_345], %get3A_342 : memref<2x8192xf32, #tpu.memory_space<vmem>>[vector<16xi32>, vector<16xi32>], vector<16xf32>,
        %mul3A_346 = arith.constant 16 : i32
        %mul3A_347 = arith.muli %add3A_221, %mul3A_346 : i32
        %get3A_348 = arith.constant 1 : i32
        %get3A_349 = arith.constant 11 : i32
        %get3A_350 = arith.index_cast %get3A_348 : i32 to index
        %get3A_351 = arith.index_cast %get3A_349 : i32 to index
        %get3A_352 = arith.index_cast %mul3A_347 : i32 to index
        %get3A_353 = tpu.vector_load %arg4[%get3A_350, %get3A_351, %get3A_352] {strides = array<i32>} : memref<2x16x512xf32, #tpu.memory_space<vmem>>, vector<16xf32>,
        %add3A_354 = arith.constant 11 : i32
        %add3A_355 = vector.broadcast %add3A_354 : i32 to vector<16xi32>
        %add3A_356 = arith.addi %add3A_225, %add3A_355 : vector<16xi32>
        tpu.vector_store_idx %arg5[%broadcast_in_dim3A_8, %add3A_356], %get3A_353 : memref<2x8192xf32, #tpu.memory_space<vmem>>[vector<16xi32>, vector<16xi32>], vector<16xf32>,
        %mul3A_357 = arith.constant 16 : i32
        %mul3A_358 = arith.muli %add3A_221, %mul3A_357 : i32
        %get3A_359 = arith.constant 1 : i32
        %get3A_360 = arith.constant 12 : i32
        %get3A_361 = arith.index_cast %get3A_359 : i32 to index
        %get3A_362 = arith.index_cast %get3A_360 : i32 to index
        %get3A_363 = arith.index_cast %mul3A_358 : i32 to index
        %get3A_364 = tpu.vector_load %arg4[%get3A_361, %get3A_362, %get3A_363] {strides = array<i32>} : memref<2x16x512xf32, #tpu.memory_space<vmem>>, vector<16xf32>,
        %add3A_365 = arith.constant 12 : i32
        %add3A_366 = vector.broadcast %add3A_365 : i32 to vector<16xi32>
        %add3A_367 = arith.addi %add3A_225, %add3A_366 : vector<16xi32>
        tpu.vector_store_idx %arg5[%broadcast_in_dim3A_8, %add3A_367], %get3A_364 : memref<2x8192xf32, #tpu.memory_space<vmem>>[vector<16xi32>, vector<16xi32>], vector<16xf32>,
        %mul3A_368 = arith.constant 16 : i32
        %mul3A_369 = arith.muli %add3A_221, %mul3A_368 : i32
        %get3A_370 = arith.constant 1 : i32
        %get3A_371 = arith.constant 13 : i32
        %get3A_372 = arith.index_cast %get3A_370 : i32 to index
        %get3A_373 = arith.index_cast %get3A_371 : i32 to index
        %get3A_374 = arith.index_cast %mul3A_369 : i32 to index
        %get3A_375 = tpu.vector_load %arg4[%get3A_372, %get3A_373, %get3A_374] {strides = array<i32>} : memref<2x16x512xf32, #tpu.memory_space<vmem>>, vector<16xf32>,
        %add3A_376 = arith.constant 13 : i32
        %add3A_377 = vector.broadcast %add3A_376 : i32 to vector<16xi32>
        %add3A_378 = arith.addi %add3A_225, %add3A_377 : vector<16xi32>
        tpu.vector_store_idx %arg5[%broadcast_in_dim3A_8, %add3A_378], %get3A_375 : memref<2x8192xf32, #tpu.memory_space<vmem>>[vector<16xi32>, vector<16xi32>], vector<16xf32>,
        %mul3A_379 = arith.constant 16 : i32
        %mul3A_380 = arith.muli %add3A_221, %mul3A_379 : i32
        %get3A_381 = arith.constant 1 : i32
        %get3A_382 = arith.constant 14 : i32
        %get3A_383 = arith.index_cast %get3A_381 : i32 to index
        %get3A_384 = arith.index_cast %get3A_382 : i32 to index
        %get3A_385 = arith.index_cast %mul3A_380 : i32 to index
        %get3A_386 = tpu.vector_load %arg4[%get3A_383, %get3A_384, %get3A_385] {strides = array<i32>} : memref<2x16x512xf32, #tpu.memory_space<vmem>>, vector<16xf32>,
        %add3A_387 = arith.constant 14 : i32
        %add3A_388 = vector.broadcast %add3A_387 : i32 to vector<16xi32>
        %add3A_389 = arith.addi %add3A_225, %add3A_388 : vector<16xi32>
        tpu.vector_store_idx %arg5[%broadcast_in_dim3A_8, %add3A_389], %get3A_386 : memref<2x8192xf32, #tpu.memory_space<vmem>>[vector<16xi32>, vector<16xi32>], vector<16xf32>,
        %mul3A_390 = arith.constant 16 : i32
        %mul3A_391 = arith.muli %add3A_221, %mul3A_390 : i32
        %get3A_392 = arith.constant 1 : i32
        %get3A_393 = arith.constant 15 : i32
        %get3A_394 = arith.index_cast %get3A_392 : i32 to index
        %get3A_395 = arith.index_cast %get3A_393 : i32 to index
        %get3A_396 = arith.index_cast %mul3A_391 : i32 to index
        %get3A_397 = tpu.vector_load %arg4[%get3A_394, %get3A_395, %get3A_396] {strides = array<i32>} : memref<2x16x512xf32, #tpu.memory_space<vmem>>, vector<16xf32>,
        %add3A_398 = arith.constant 15 : i32
        %add3A_399 = vector.broadcast %add3A_398 : i32 to vector<16xi32>
        %add3A_400 = arith.addi %add3A_225, %add3A_399 : vector<16xi32>
        tpu.vector_store_idx %arg5[%broadcast_in_dim3A_8, %add3A_400], %get3A_397 : memref<2x8192xf32, #tpu.memory_space<vmem>>[vector<16xi32>, vector<16xi32>], vector<16xf32>,
      }
      %scan3A_193 = arith.constant 32 : i32
      %add3A_194 = arith.constant 1 : i32
      %add3A_195 = arith.addi %add3A_119, %add3A_194 : i32
      %mul3A_196 = arith.constant 8192 : i32
      %mul3A_197 = arith.muli %add3A_195, %mul3A_196 : i32
      %dma_start3A_198 = arith.constant 1 : i32
      %dma_start3A_199 = arith.constant 0 : i32
      %dma_start3A_200 = tpu.memref_slice %arg5[%dma_start3A_198, %dma_start3A_199] : memref<2x8192xf32, #tpu.memory_space<vmem>> -> memref<1x8192xf32, #tpu.memory_space<vmem>>
      %dma_start3A_201 = tpu.memref_squeeze %dma_start3A_200 : memref<1x8192xf32, #tpu.memory_space<vmem>> -> memref<8192xf32, #tpu.memory_space<vmem>>
      %dma_start3A_202 = tpu.memref_slice %arg3[%mul3A_197] : memref<15998976xf32, #tpu.memory_space<hbm>> -> memref<8192xf32, #tpu.memory_space<hbm>>
      %dma_start3A_203 = tpu.memref_slice %arg3[%mul3A_197] : memref<15998976xf32, #tpu.memory_space<hbm>> -> memref<8192xf32, #tpu.memory_space<hbm>>
      %dma_start3A_204 = arith.constant 0 : i32
      %dma_start3A_205 = tpu.memref_slice %arg5[%dma_start3A_198, %dma_start3A_204] : memref<2x8192xf32, #tpu.memory_space<vmem>> -> memref<1x8192xf32, #tpu.memory_space<vmem>>
      %dma_start3A_206 = tpu.memref_squeeze %dma_start3A_205 : memref<1x8192xf32, #tpu.memory_space<vmem>> -> memref<8192xf32, #tpu.memory_space<vmem>>
      tpu.enqueue_dma source(%dma_start3A_206 : memref<8192xf32, #tpu.memory_space<vmem>>) target(%dma_start3A_203 : memref<8192xf32, #tpu.memory_space<hbm>>) target_semaphore(%arg7 : memref<!tpu.dma_semaphore, #tpu.memory_space<semaphore_mem>>)
      %add3A_207 = arith.constant 1 : i32
      %add3A_208 = arith.addi %add3A_119, %add3A_207 : i32
      %add3A_209 = arith.constant 2 : i32
      %add3A_210 = arith.addi %add3A_208, %add3A_209 : i32
      %add3A_211 = arith.constant 61 : i32
      %add3A_212 = arith.addi %mul3A_2, %add3A_211 : i32
      %lt3A_213 = arith.cmpi slt, %add3A_210, %add3A_212 : i32
      %convert_element_type3A_214 = arith.extui %lt3A_213 : i1 to i32
      %cond3A_215 = arith.constant 0 : i32
      %cond3A_216 = arith.cmpi ne, %convert_element_type3A_214, %cond3A_215 : i32
      scf.if %cond3A_216 {
        %mul3A_217 = arith.constant 512 : i32
        %mul3A_218 = arith.muli %add3A_210, %mul3A_217 : i32
        %dma_start3A_219 = arith.constant 1 : i32
        %dma_start3A_220 = arith.constant 0 : i32
        %dma_start3A_221 = arith.constant 0 : i32
        %dma_start3A_222 = tpu.memref_slice %arg4[%dma_start3A_219, %dma_start3A_220, %dma_start3A_221] : memref<2x16x512xf32, #tpu.memory_space<vmem>> -> memref<1x16x512xf32, #tpu.memory_space<vmem>>
        %dma_start3A_223 = tpu.memref_squeeze %dma_start3A_222 : memref<1x16x512xf32, #tpu.memory_space<vmem>> -> memref<16x512xf32, #tpu.memory_space<vmem>>
        %dma_start3A_224 = arith.constant 0 : i32
        %dma_start3A_225 = tpu.memref_slice %arg2[%dma_start3A_224, %mul3A_218] : memref<16x1000000xf32, #tpu.memory_space<hbm>> -> memref<16x512xf32, #tpu.memory_space<hbm>>
        %dma_start3A_226 = arith.constant 0 : i32
        %dma_start3A_227 = arith.constant 0 : i32
        %dma_start3A_228 = tpu.memref_slice %arg4[%dma_start3A_219, %dma_start3A_226, %dma_start3A_227] : memref<2x16x512xf32, #tpu.memory_space<vmem>> -> memref<1x16x512xf32, #tpu.memory_space<vmem>>
        %dma_start3A_229 = tpu.memref_squeeze %dma_start3A_228 : memref<1x16x512xf32, #tpu.memory_space<vmem>> -> memref<16x512xf32, #tpu.memory_space<vmem>>
        %dma_start3A_230 = arith.constant 0 : i32
        %dma_start3A_231 = tpu.memref_slice %arg2[%dma_start3A_230, %mul3A_218] : memref<16x1000000xf32, #tpu.memory_space<hbm>> -> memref<16x512xf32, #tpu.memory_space<hbm>>
        tpu.enqueue_dma source(%dma_start3A_231 : memref<16x512xf32, #tpu.memory_space<hbm>>) target(%dma_start3A_229 : memref<16x512xf32, #tpu.memory_space<vmem>>) target_semaphore(%arg6 : memref<!tpu.dma_semaphore, #tpu.memory_space<semaphore_mem>>)
      } else {
      }
    }
    %scan3A_46 = arith.constant 30 : i32
    %dma_wait3A = arith.constant 0 : i32
    %dma_wait3A_47 = arith.constant 0 : i32
    %dma_wait3A_48 = arith.constant 0 : i32
    %dma_wait3A_49 = tpu.memref_slice %arg4[%dma_wait3A, %dma_wait3A_47, %dma_wait3A_48] : memref<2x16x512xf32, #tpu.memory_space<vmem>> -> memref<1x16x512xf32, #tpu.memory_space<vmem>>
    %dma_wait3A_50 = tpu.memref_squeeze %dma_wait3A_49 : memref<1x16x512xf32, #tpu.memory_space<vmem>> -> memref<16x512xf32, #tpu.memory_space<vmem>>
    %dma_wait3A_51 = arith.constant 0 : i32
    %dma_wait3A_52 = arith.constant 0 : i32
    %dma_wait3A_53 = tpu.memref_slice %arg2[%dma_wait3A_51, %dma_wait3A_52] : memref<16x1000000xf32, #tpu.memory_space<hbm>> -> memref<16x512xf32, #tpu.memory_space<hbm>>
    %dma_wait3A_54 = arith.constant 0 : i32
    %dma_wait3A_55 = arith.constant 0 : i32
    %dma_wait3A_56 = tpu.memref_slice %arg4[%dma_wait3A, %dma_wait3A_54, %dma_wait3A_55] : memref<2x16x512xf32, #tpu.memory_space<vmem>> -> memref<1x16x512xf32, #tpu.memory_space<vmem>>
    %dma_wait3A_57 = tpu.memref_squeeze %dma_wait3A_56 : memref<1x16x512xf32, #tpu.memory_space<vmem>> -> memref<16x512xf32, #tpu.memory_space<vmem>>
    %dma_wait3A_58 = arith.constant 0 : i32
    %dma_wait3A_59 = arith.constant 0 : i32
    %dma_wait3A_60 = tpu.memref_slice %arg2[%dma_wait3A_58, %dma_wait3A_59] : memref<16x1000000xf32, #tpu.memory_space<hbm>> -> memref<16x512xf32, #tpu.memory_space<hbm>>
    tpu.wait_dma2 semaphore(%arg6 : memref<!tpu.dma_semaphore, #tpu.memory_space<semaphore_mem>>) src(%dma_wait3A_60 : memref<16x512xf32, #tpu.memory_space<hbm>>) dst(%dma_wait3A_57 : memref<16x512xf32, #tpu.memory_space<vmem>>)
    %dma_wait3A_61 = arith.constant 0 : i32
    %dma_wait3A_62 = arith.constant 0 : i32
    %dma_wait3A_63 = tpu.memref_slice %arg5[%dma_wait3A_61, %dma_wait3A_62] : memref<2x8192xf32, #tpu.memory_space<vmem>> -> memref<1x8192xf32, #tpu.memory_space<vmem>>
    %dma_wait3A_64 = tpu.memref_squeeze %dma_wait3A_63 : memref<1x8192xf32, #tpu.memory_space<vmem>> -> memref<8192xf32, #tpu.memory_space<vmem>>
    %dma_wait3A_65 = arith.constant 0 : i32
    %dma_wait3A_66 = tpu.memref_slice %arg3[%dma_wait3A_65] : memref<15998976xf32, #tpu.memory_space<hbm>> -> memref<8192xf32, #tpu.memory_space<hbm>>
    %dma_wait3A_67 = arith.constant 0 : i32
    %dma_wait3A_68 = tpu.memref_slice %arg3[%dma_wait3A_67] : memref<15998976xf32, #tpu.memory_space<hbm>> -> memref<8192xf32, #tpu.memory_space<hbm>>
    %dma_wait3A_69 = arith.constant 0 : i32
    %dma_wait3A_70 = tpu.memref_slice %arg5[%dma_wait3A_61, %dma_wait3A_69] : memref<2x8192xf32, #tpu.memory_space<vmem>> -> memref<1x8192xf32, #tpu.memory_space<vmem>>
    %dma_wait3A_71 = tpu.memref_squeeze %dma_wait3A_70 : memref<1x8192xf32, #tpu.memory_space<vmem>> -> memref<8192xf32, #tpu.memory_space<vmem>>
    tpu.wait_dma2 semaphore(%arg7 : memref<!tpu.dma_semaphore, #tpu.memory_space<semaphore_mem>>) src(%dma_wait3A_71 : memref<8192xf32, #tpu.memory_space<vmem>>) dst(%dma_wait3A_68 : memref<8192xf32, #tpu.memory_space<hbm>>)
    %scan3A_72 = arith.constant 0 : i32
    %scan3A_73 = arith.constant 0 : i32
    %scan3A_74 = arith.constant 32 : i32
    %scan3A_75 = arith.addi %scan3A_73, %scan3A_74 : i32
    %scan3A_76 = arith.constant 1 : i32
    scf.for %scan3A_116 = %scan3A_73 to %scan3A_75 step %scan3A_76  : i32 {
      %mul3A_117 = arith.constant 1 : i32
      %mul3A_118 = arith.muli %scan3A_116, %mul3A_117 : i32
      %add3A_119 = arith.constant 0 : i32
      %add3A_120 = arith.addi %mul3A_118, %add3A_119 : i32
      %mul3A_121 = arith.constant 256 : i32
      %mul3A_122 = arith.muli %add3A_120, %mul3A_121 : i32
      %add3A_123 = vector.broadcast %mul3A_122 : i32 to vector<16xi32>
      %add3A_124 = arith.addi %mul3A_5, %add3A_123 : vector<16xi32>
      %mul3A_125 = arith.constant 16 : i32
      %mul3A_126 = arith.muli %add3A_120, %mul3A_125 : i32
      %get3A = arith.constant 0 : i32
      %get3A_127 = arith.constant 0 : i32
      %get3A_128 = arith.index_cast %get3A : i32 to index
      %get3A_129 = arith.index_cast %get3A_127 : i32 to index
      %get3A_130 = arith.index_cast %mul3A_126 : i32 to index
      %get3A_131 = tpu.vector_load %arg4[%get3A_128, %get3A_129, %get3A_130] {strides = array<i32>} : memref<2x16x512xf32, #tpu.memory_space<vmem>>, vector<16xf32>,
      %add3A_132 = arith.constant 0 : i32
      %add3A_133 = vector.broadcast %add3A_132 : i32 to vector<16xi32>
      %add3A_134 = arith.addi %add3A_124, %add3A_133 : vector<16xi32>
      tpu.vector_store_idx %arg5[%broadcast_in_dim3A_6, %add3A_134], %get3A_131 : memref<2x8192xf32, #tpu.memory_space<vmem>>[vector<16xi32>, vector<16xi32>], vector<16xf32>,
      %mul3A_135 = arith.constant 16 : i32
      %mul3A_136 = arith.muli %add3A_120, %mul3A_135 : i32
      %get3A_137 = arith.constant 0 : i32
      %get3A_138 = arith.constant 1 : i32
      %get3A_139 = arith.index_cast %get3A_137 : i32 to index
      %get3A_140 = arith.index_cast %get3A_138 : i32 to index
      %get3A_141 = arith.index_cast %mul3A_136 : i32 to index
      %get3A_142 = tpu.vector_load %arg4[%get3A_139, %get3A_140, %get3A_141] {strides = array<i32>} : memref<2x16x512xf32, #tpu.memory_space<vmem>>, vector<16xf32>,
      %add3A_143 = arith.constant 1 : i32
      %add3A_144 = vector.broadcast %add3A_143 : i32 to vector<16xi32>
      %add3A_145 = arith.addi %add3A_124, %add3A_144 : vector<16xi32>
      tpu.vector_store_idx %arg5[%broadcast_in_dim3A_6, %add3A_145], %get3A_142 : memref<2x8192xf32, #tpu.memory_space<vmem>>[vector<16xi32>, vector<16xi32>], vector<16xf32>,
      %mul3A_146 = arith.constant 16 : i32
      %mul3A_147 = arith.muli %add3A_120, %mul3A_146 : i32
      %get3A_148 = arith.constant 0 : i32
      %get3A_149 = arith.constant 2 : i32
      %get3A_150 = arith.index_cast %get3A_148 : i32 to index
      %get3A_151 = arith.index_cast %get3A_149 : i32 to index
      %get3A_152 = arith.index_cast %mul3A_147 : i32 to index
      %get3A_153 = tpu.vector_load %arg4[%get3A_150, %get3A_151, %get3A_152] {strides = array<i32>} : memref<2x16x512xf32, #tpu.memory_space<vmem>>, vector<16xf32>,
      %add3A_154 = arith.constant 2 : i32
      %add3A_155 = vector.broadcast %add3A_154 : i32 to vector<16xi32>
      %add3A_156 = arith.addi %add3A_124, %add3A_155 : vector<16xi32>
      tpu.vector_store_idx %arg5[%broadcast_in_dim3A_6, %add3A_156], %get3A_153 : memref<2x8192xf32, #tpu.memory_space<vmem>>[vector<16xi32>, vector<16xi32>], vector<16xf32>,
      %mul3A_157 = arith.constant 16 : i32
      %mul3A_158 = arith.muli %add3A_120, %mul3A_157 : i32
      %get3A_159 = arith.constant 0 : i32
      %get3A_160 = arith.constant 3 : i32
      %get3A_161 = arith.index_cast %get3A_159 : i32 to index
      %get3A_162 = arith.index_cast %get3A_160 : i32 to index
      %get3A_163 = arith.index_cast %mul3A_158 : i32 to index
      %get3A_164 = tpu.vector_load %arg4[%get3A_161, %get3A_162, %get3A_163] {strides = array<i32>} : memref<2x16x512xf32, #tpu.memory_space<vmem>>, vector<16xf32>,
      %add3A_165 = arith.constant 3 : i32
      %add3A_166 = vector.broadcast %add3A_165 : i32 to vector<16xi32>
      %add3A_167 = arith.addi %add3A_124, %add3A_166 : vector<16xi32>
      tpu.vector_store_idx %arg5[%broadcast_in_dim3A_6, %add3A_167], %get3A_164 : memref<2x8192xf32, #tpu.memory_space<vmem>>[vector<16xi32>, vector<16xi32>], vector<16xf32>,
      %mul3A_168 = arith.constant 16 : i32
      %mul3A_169 = arith.muli %add3A_120, %mul3A_168 : i32
      %get3A_170 = arith.constant 0 : i32
      %get3A_171 = arith.constant 4 : i32
      %get3A_172 = arith.index_cast %get3A_170 : i32 to index
      %get3A_173 = arith.index_cast %get3A_171 : i32 to index
      %get3A_174 = arith.index_cast %mul3A_169 : i32 to index
      %get3A_175 = tpu.vector_load %arg4[%get3A_172, %get3A_173, %get3A_174] {strides = array<i32>} : memref<2x16x512xf32, #tpu.memory_space<vmem>>, vector<16xf32>,
      %add3A_176 = arith.constant 4 : i32
      %add3A_177 = vector.broadcast %add3A_176 : i32 to vector<16xi32>
      %add3A_178 = arith.addi %add3A_124, %add3A_177 : vector<16xi32>
      tpu.vector_store_idx %arg5[%broadcast_in_dim3A_6, %add3A_178], %get3A_175 : memref<2x8192xf32, #tpu.memory_space<vmem>>[vector<16xi32>, vector<16xi32>], vector<16xf32>,
      %mul3A_179 = arith.constant 16 : i32
      %mul3A_180 = arith.muli %add3A_120, %mul3A_179 : i32
      %get3A_181 = arith.constant 0 : i32
      %get3A_182 = arith.constant 5 : i32
      %get3A_183 = arith.index_cast %get3A_181 : i32 to index
      %get3A_184 = arith.index_cast %get3A_182 : i32 to index
      %get3A_185 = arith.index_cast %mul3A_180 : i32 to index
      %get3A_186 = tpu.vector_load %arg4[%get3A_183, %get3A_184, %get3A_185] {strides = array<i32>} : memref<2x16x512xf32, #tpu.memory_space<vmem>>, vector<16xf32>,
      %add3A_187 = arith.constant 5 : i32
      %add3A_188 = vector.broadcast %add3A_187 : i32 to vector<16xi32>
      %add3A_189 = arith.addi %add3A_124, %add3A_188 : vector<16xi32>
      tpu.vector_store_idx %arg5[%broadcast_in_dim3A_6, %add3A_189], %get3A_186 : memref<2x8192xf32, #tpu.memory_space<vmem>>[vector<16xi32>, vector<16xi32>], vector<16xf32>,
      %mul3A_190 = arith.constant 16 : i32
      %mul3A_191 = arith.muli %add3A_120, %mul3A_190 : i32
      %get3A_192 = arith.constant 0 : i32
      %get3A_193 = arith.constant 6 : i32
      %get3A_194 = arith.index_cast %get3A_192 : i32 to index
      %get3A_195 = arith.index_cast %get3A_193 : i32 to index
      %get3A_196 = arith.index_cast %mul3A_191 : i32 to index
      %get3A_197 = tpu.vector_load %arg4[%get3A_194, %get3A_195, %get3A_196] {strides = array<i32>} : memref<2x16x512xf32, #tpu.memory_space<vmem>>, vector<16xf32>,
      %add3A_198 = arith.constant 6 : i32
      %add3A_199 = vector.broadcast %add3A_198 : i32 to vector<16xi32>
      %add3A_200 = arith.addi %add3A_124, %add3A_199 : vector<16xi32>
      tpu.vector_store_idx %arg5[%broadcast_in_dim3A_6, %add3A_200], %get3A_197 : memref<2x8192xf32, #tpu.memory_space<vmem>>[vector<16xi32>, vector<16xi32>], vector<16xf32>,
      %mul3A_201 = arith.constant 16 : i32
      %mul3A_202 = arith.muli %add3A_120, %mul3A_201 : i32
      %get3A_203 = arith.constant 0 : i32
      %get3A_204 = arith.constant 7 : i32
      %get3A_205 = arith.index_cast %get3A_203 : i32 to index
      %get3A_206 = arith.index_cast %get3A_204 : i32 to index
      %get3A_207 = arith.index_cast %mul3A_202 : i32 to index
      %get3A_208 = tpu.vector_load %arg4[%get3A_205, %get3A_206, %get3A_207] {strides = array<i32>} : memref<2x16x512xf32, #tpu.memory_space<vmem>>, vector<16xf32>,
      %add3A_209 = arith.constant 7 : i32
      %add3A_210 = vector.broadcast %add3A_209 : i32 to vector<16xi32>
      %add3A_211 = arith.addi %add3A_124, %add3A_210 : vector<16xi32>
      tpu.vector_store_idx %arg5[%broadcast_in_dim3A_6, %add3A_211], %get3A_208 : memref<2x8192xf32, #tpu.memory_space<vmem>>[vector<16xi32>, vector<16xi32>], vector<16xf32>,
      %mul3A_212 = arith.constant 16 : i32
      %mul3A_213 = arith.muli %add3A_120, %mul3A_212 : i32
      %get3A_214 = arith.constant 0 : i32
      %get3A_215 = arith.constant 8 : i32
      %get3A_216 = arith.index_cast %get3A_214 : i32 to index
      %get3A_217 = arith.index_cast %get3A_215 : i32 to index
      %get3A_218 = arith.index_cast %mul3A_213 : i32 to index
      %get3A_219 = tpu.vector_load %arg4[%get3A_216, %get3A_217, %get3A_218] {strides = array<i32>} : memref<2x16x512xf32, #tpu.memory_space<vmem>>, vector<16xf32>,
      %add3A_220 = arith.constant 8 : i32
      %add3A_221 = vector.broadcast %add3A_220 : i32 to vector<16xi32>
      %add3A_222 = arith.addi %add3A_124, %add3A_221 : vector<16xi32>
      tpu.vector_store_idx %arg5[%broadcast_in_dim3A_6, %add3A_222], %get3A_219 : memref<2x8192xf32, #tpu.memory_space<vmem>>[vector<16xi32>, vector<16xi32>], vector<16xf32>,
      %mul3A_223 = arith.constant 16 : i32
      %mul3A_224 = arith.muli %add3A_120, %mul3A_223 : i32
      %get3A_225 = arith.constant 0 : i32
      %get3A_226 = arith.constant 9 : i32
      %get3A_227 = arith.index_cast %get3A_225 : i32 to index
      %get3A_228 = arith.index_cast %get3A_226 : i32 to index
      %get3A_229 = arith.index_cast %mul3A_224 : i32 to index
      %get3A_230 = tpu.vector_load %arg4[%get3A_227, %get3A_228, %get3A_229] {strides = array<i32>} : memref<2x16x512xf32, #tpu.memory_space<vmem>>, vector<16xf32>,
      %add3A_231 = arith.constant 9 : i32
      %add3A_232 = vector.broadcast %add3A_231 : i32 to vector<16xi32>
      %add3A_233 = arith.addi %add3A_124, %add3A_232 : vector<16xi32>
      tpu.vector_store_idx %arg5[%broadcast_in_dim3A_6, %add3A_233], %get3A_230 : memref<2x8192xf32, #tpu.memory_space<vmem>>[vector<16xi32>, vector<16xi32>], vector<16xf32>,
      %mul3A_234 = arith.constant 16 : i32
      %mul3A_235 = arith.muli %add3A_120, %mul3A_234 : i32
      %get3A_236 = arith.constant 0 : i32
      %get3A_237 = arith.constant 10 : i32
      %get3A_238 = arith.index_cast %get3A_236 : i32 to index
      %get3A_239 = arith.index_cast %get3A_237 : i32 to index
      %get3A_240 = arith.index_cast %mul3A_235 : i32 to index
      %get3A_241 = tpu.vector_load %arg4[%get3A_238, %get3A_239, %get3A_240] {strides = array<i32>} : memref<2x16x512xf32, #tpu.memory_space<vmem>>, vector<16xf32>,
      %add3A_242 = arith.constant 10 : i32
      %add3A_243 = vector.broadcast %add3A_242 : i32 to vector<16xi32>
      %add3A_244 = arith.addi %add3A_124, %add3A_243 : vector<16xi32>
      tpu.vector_store_idx %arg5[%broadcast_in_dim3A_6, %add3A_244], %get3A_241 : memref<2x8192xf32, #tpu.memory_space<vmem>>[vector<16xi32>, vector<16xi32>], vector<16xf32>,
      %mul3A_245 = arith.constant 16 : i32
      %mul3A_246 = arith.muli %add3A_120, %mul3A_245 : i32
      %get3A_247 = arith.constant 0 : i32
      %get3A_248 = arith.constant 11 : i32
      %get3A_249 = arith.index_cast %get3A_247 : i32 to index
      %get3A_250 = arith.index_cast %get3A_248 : i32 to index
      %get3A_251 = arith.index_cast %mul3A_246 : i32 to index
      %get3A_252 = tpu.vector_load %arg4[%get3A_249, %get3A_250, %get3A_251] {strides = array<i32>} : memref<2x16x512xf32, #tpu.memory_space<vmem>>, vector<16xf32>,
      %add3A_253 = arith.constant 11 : i32
      %add3A_254 = vector.broadcast %add3A_253 : i32 to vector<16xi32>
      %add3A_255 = arith.addi %add3A_124, %add3A_254 : vector<16xi32>
      tpu.vector_store_idx %arg5[%broadcast_in_dim3A_6, %add3A_255], %get3A_252 : memref<2x8192xf32, #tpu.memory_space<vmem>>[vector<16xi32>, vector<16xi32>], vector<16xf32>,
      %mul3A_256 = arith.constant 16 : i32
      %mul3A_257 = arith.muli %add3A_120, %mul3A_256 : i32
      %get3A_258 = arith.constant 0 : i32
      %get3A_259 = arith.constant 12 : i32
      %get3A_260 = arith.index_cast %get3A_258 : i32 to index
      %get3A_261 = arith.index_cast %get3A_259 : i32 to index
      %get3A_262 = arith.index_cast %mul3A_257 : i32 to index
      %get3A_263 = tpu.vector_load %arg4[%get3A_260, %get3A_261, %get3A_262] {strides = array<i32>} : memref<2x16x512xf32, #tpu.memory_space<vmem>>, vector<16xf32>,
      %add3A_264 = arith.constant 12 : i32
      %add3A_265 = vector.broadcast %add3A_264 : i32 to vector<16xi32>
      %add3A_266 = arith.addi %add3A_124, %add3A_265 : vector<16xi32>
      tpu.vector_store_idx %arg5[%broadcast_in_dim3A_6, %add3A_266], %get3A_263 : memref<2x8192xf32, #tpu.memory_space<vmem>>[vector<16xi32>, vector<16xi32>], vector<16xf32>,
      %mul3A_267 = arith.constant 16 : i32
      %mul3A_268 = arith.muli %add3A_120, %mul3A_267 : i32
      %get3A_269 = arith.constant 0 : i32
      %get3A_270 = arith.constant 13 : i32
      %get3A_271 = arith.index_cast %get3A_269 : i32 to index
      %get3A_272 = arith.index_cast %get3A_270 : i32 to index
      %get3A_273 = arith.index_cast %mul3A_268 : i32 to index
      %get3A_274 = tpu.vector_load %arg4[%get3A_271, %get3A_272, %get3A_273] {strides = array<i32>} : memref<2x16x512xf32, #tpu.memory_space<vmem>>, vector<16xf32>,
      %add3A_275 = arith.constant 13 : i32
      %add3A_276 = vector.broadcast %add3A_275 : i32 to vector<16xi32>
      %add3A_277 = arith.addi %add3A_124, %add3A_276 : vector<16xi32>
      tpu.vector_store_idx %arg5[%broadcast_in_dim3A_6, %add3A_277], %get3A_274 : memref<2x8192xf32, #tpu.memory_space<vmem>>[vector<16xi32>, vector<16xi32>], vector<16xf32>,
      %mul3A_278 = arith.constant 16 : i32
      %mul3A_279 = arith.muli %add3A_120, %mul3A_278 : i32
      %get3A_280 = arith.constant 0 : i32
      %get3A_281 = arith.constant 14 : i32
      %get3A_282 = arith.index_cast %get3A_280 : i32 to index
      %get3A_283 = arith.index_cast %get3A_281 : i32 to index
      %get3A_284 = arith.index_cast %mul3A_279 : i32 to index
      %get3A_285 = tpu.vector_load %arg4[%get3A_282, %get3A_283, %get3A_284] {strides = array<i32>} : memref<2x16x512xf32, #tpu.memory_space<vmem>>, vector<16xf32>,
      %add3A_286 = arith.constant 14 : i32
      %add3A_287 = vector.broadcast %add3A_286 : i32 to vector<16xi32>
      %add3A_288 = arith.addi %add3A_124, %add3A_287 : vector<16xi32>
      tpu.vector_store_idx %arg5[%broadcast_in_dim3A_6, %add3A_288], %get3A_285 : memref<2x8192xf32, #tpu.memory_space<vmem>>[vector<16xi32>, vector<16xi32>], vector<16xf32>,
      %mul3A_289 = arith.constant 16 : i32
      %mul3A_290 = arith.muli %add3A_120, %mul3A_289 : i32
      %get3A_291 = arith.constant 0 : i32
      %get3A_292 = arith.constant 15 : i32
      %get3A_293 = arith.index_cast %get3A_291 : i32 to index
      %get3A_294 = arith.index_cast %get3A_292 : i32 to index
      %get3A_295 = arith.index_cast %mul3A_290 : i32 to index
      %get3A_296 = tpu.vector_load %arg4[%get3A_293, %get3A_294, %get3A_295] {strides = array<i32>} : memref<2x16x512xf32, #tpu.memory_space<vmem>>, vector<16xf32>,
      %add3A_297 = arith.constant 15 : i32
      %add3A_298 = vector.broadcast %add3A_297 : i32 to vector<16xi32>
      %add3A_299 = arith.addi %add3A_124, %add3A_298 : vector<16xi32>
      tpu.vector_store_idx %arg5[%broadcast_in_dim3A_6, %add3A_299], %get3A_296 : memref<2x8192xf32, #tpu.memory_space<vmem>>[vector<16xi32>, vector<16xi32>], vector<16xf32>,
    }
    %scan3A_77 = arith.constant 32 : i32
    %add3A_78 = arith.constant 61 : i32
    %add3A_79 = arith.addi %mul3A_2, %add3A_78 : i32
    %sub3A = arith.constant 1 : i32
    %sub3A_80 = arith.subi %add3A_79, %sub3A : i32
    %mul3A_81 = arith.constant 8192 : i32
    %mul3A_82 = arith.muli %sub3A_80, %mul3A_81 : i32
    %dma_start3A_83 = arith.constant 0 : i32
    %dma_start3A_84 = arith.constant 0 : i32
    %dma_start3A_85 = tpu.memref_slice %arg5[%dma_start3A_83, %dma_start3A_84] : memref<2x8192xf32, #tpu.memory_space<vmem>> -> memref<1x8192xf32, #tpu.memory_space<vmem>>
    %dma_start3A_86 = tpu.memref_squeeze %dma_start3A_85 : memref<1x8192xf32, #tpu.memory_space<vmem>> -> memref<8192xf32, #tpu.memory_space<vmem>>
    %dma_start3A_87 = tpu.memref_slice %arg3[%mul3A_82] : memref<15998976xf32, #tpu.memory_space<hbm>> -> memref<8192xf32, #tpu.memory_space<hbm>>
    %dma_start3A_88 = tpu.memref_slice %arg3[%mul3A_82] : memref<15998976xf32, #tpu.memory_space<hbm>> -> memref<8192xf32, #tpu.memory_space<hbm>>
    %dma_start3A_89 = arith.constant 0 : i32
    %dma_start3A_90 = tpu.memref_slice %arg5[%dma_start3A_83, %dma_start3A_89] : memref<2x8192xf32, #tpu.memory_space<vmem>> -> memref<1x8192xf32, #tpu.memory_space<vmem>>
    %dma_start3A_91 = tpu.memref_squeeze %dma_start3A_90 : memref<1x8192xf32, #tpu.memory_space<vmem>> -> memref<8192xf32, #tpu.memory_space<vmem>>
    tpu.enqueue_dma source(%dma_start3A_91 : memref<8192xf32, #tpu.memory_space<vmem>>) target(%dma_start3A_88 : memref<8192xf32, #tpu.memory_space<hbm>>) target_semaphore(%arg7 : memref<!tpu.dma_semaphore, #tpu.memory_space<semaphore_mem>>)
    %dma_wait3A_92 = arith.constant 1 : i32
    %dma_wait3A_93 = arith.constant 0 : i32
    %dma_wait3A_94 = tpu.memref_slice %arg5[%dma_wait3A_92, %dma_wait3A_93] : memref<2x8192xf32, #tpu.memory_space<vmem>> -> memref<1x8192xf32, #tpu.memory_space<vmem>>
    %dma_wait3A_95 = tpu.memref_squeeze %dma_wait3A_94 : memref<1x8192xf32, #tpu.memory_space<vmem>> -> memref<8192xf32, #tpu.memory_space<vmem>>
    %dma_wait3A_96 = arith.constant 0 : i32
    %dma_wait3A_97 = tpu.memref_slice %arg3[%dma_wait3A_96] : memref<15998976xf32, #tpu.memory_space<hbm>> -> memref<8192xf32, #tpu.memory_space<hbm>>
    %dma_wait3A_98 = arith.constant 0 : i32
    %dma_wait3A_99 = tpu.memref_slice %arg3[%dma_wait3A_98] : memref<15998976xf32, #tpu.memory_space<hbm>> -> memref<8192xf32, #tpu.memory_space<hbm>>
    %dma_wait3A_100 = arith.constant 0 : i32
    %dma_wait3A_101 = tpu.memref_slice %arg5[%dma_wait3A_92, %dma_wait3A_100] : memref<2x8192xf32, #tpu.memory_space<vmem>> -> memref<1x8192xf32, #tpu.memory_space<vmem>>
    %dma_wait3A_102 = tpu.memref_squeeze %dma_wait3A_101 : memref<1x8192xf32, #tpu.memory_space<vmem>> -> memref<8192xf32, #tpu.memory_space<vmem>>
    tpu.wait_dma2 semaphore(%arg7 : memref<!tpu.dma_semaphore, #tpu.memory_space<semaphore_mem>>) src(%dma_wait3A_102 : memref<8192xf32, #tpu.memory_space<vmem>>) dst(%dma_wait3A_99 : memref<8192xf32, #tpu.memory_space<hbm>>)
    %dma_wait3A_103 = arith.constant 0 : i32
    %dma_wait3A_104 = arith.constant 0 : i32
    %dma_wait3A_105 = tpu.memref_slice %arg5[%dma_wait3A_103, %dma_wait3A_104] : memref<2x8192xf32, #tpu.memory_space<vmem>> -> memref<1x8192xf32, #tpu.memory_space<vmem>>
    %dma_wait3A_106 = tpu.memref_squeeze %dma_wait3A_105 : memref<1x8192xf32, #tpu.memory_space<vmem>> -> memref<8192xf32, #tpu.memory_space<vmem>>
    %dma_wait3A_107 = arith.constant 0 : i32
    %dma_wait3A_108 = tpu.memref_slice %arg3[%dma_wait3A_107] : memref<15998976xf32, #tpu.memory_space<hbm>> -> memref<8192xf32, #tpu.memory_space<hbm>>
    %dma_wait3A_109 = arith.constant 0 : i32
    %dma_wait3A_110 = tpu.memref_slice %arg3[%dma_wait3A_109] : memref<15998976xf32, #tpu.memory_space<hbm>> -> memref<8192xf32, #tpu.memory_space<hbm>>
    %dma_wait3A_111 = arith.constant 0 : i32
    %dma_wait3A_112 = tpu.memref_slice %arg5[%dma_wait3A_103, %dma_wait3A_111] : memref<2x8192xf32, #tpu.memory_space<vmem>> -> memref<1x8192xf32, #tpu.memory_space<vmem>>
    %dma_wait3A_113 = tpu.memref_squeeze %dma_wait3A_112 : memref<1x8192xf32, #tpu.memory_space<vmem>> -> memref<8192xf32, #tpu.memory_space<vmem>>
    tpu.wait_dma2 semaphore(%arg7 : memref<!tpu.dma_semaphore, #tpu.memory_space<semaphore_mem>>) src(%dma_wait3A_113 : memref<8192xf32, #tpu.memory_space<vmem>>) dst(%dma_wait3A_110 : memref<8192xf32, #tpu.memory_space<hbm>>)
    %lt3A = arith.constant 1 : i32
    %lt3A_114 = arith.cmpi slt, %add3A, %lt3A : i32
    %convert_element_type3A = arith.extui %lt3A_114 : i1 to i32
    %cond3A = arith.constant 0 : i32
    %cond3A_115 = arith.cmpi ne, %convert_element_type3A, %cond3A : i32
    scf.if %cond3A_115 {
      %add3A_116 = arith.constant 1952 : i32
      %add3A_117 = arith.addi %add3A_116, %add3A : i32
      %mul3A_118 = arith.constant 512 : i32
      %mul3A_119 = arith.muli %add3A_117, %mul3A_118 : i32
      %dma_start3A_120 = arith.constant 0 : i32
      %dma_start3A_121 = arith.constant 0 : i32
      %dma_start3A_122 = arith.constant 0 : i32
      %dma_start3A_123 = tpu.memref_slice %arg4[%dma_start3A_120, %dma_start3A_121, %dma_start3A_122] : memref<2x16x512xf32, #tpu.memory_space<vmem>> -> memref<1x16x512xf32, #tpu.memory_space<vmem>>
      %dma_start3A_124 = tpu.memref_squeeze %dma_start3A_123 : memref<1x16x512xf32, #tpu.memory_space<vmem>> -> memref<16x512xf32, #tpu.memory_space<vmem>>
      %dma_start3A_125 = arith.constant 0 : i32
      %dma_start3A_126 = tpu.memref_slice %arg2[%dma_start3A_125, %mul3A_119] : memref<16x1000000xf32, #tpu.memory_space<hbm>> -> memref<16x512xf32, #tpu.memory_space<hbm>>
      %dma_start3A_127 = arith.constant 0 : i32
      %dma_start3A_128 = arith.constant 0 : i32
      %dma_start3A_129 = tpu.memref_slice %arg4[%dma_start3A_120, %dma_start3A_127, %dma_start3A_128] : memref<2x16x512xf32, #tpu.memory_space<vmem>> -> memref<1x16x512xf32, #tpu.memory_space<vmem>>
      %dma_start3A_130 = tpu.memref_squeeze %dma_start3A_129 : memref<1x16x512xf32, #tpu.memory_space<vmem>> -> memref<16x512xf32, #tpu.memory_space<vmem>>
      %dma_start3A_131 = arith.constant 0 : i32
      %dma_start3A_132 = tpu.memref_slice %arg2[%dma_start3A_131, %mul3A_119] : memref<16x1000000xf32, #tpu.memory_space<hbm>> -> memref<16x512xf32, #tpu.memory_space<hbm>>
      tpu.enqueue_dma source(%dma_start3A_132 : memref<16x512xf32, #tpu.memory_space<hbm>>) target(%dma_start3A_130 : memref<16x512xf32, #tpu.memory_space<vmem>>) target_semaphore(%arg6 : memref<!tpu.dma_semaphore, #tpu.memory_space<semaphore_mem>>)
      %dma_wait3A_133 = arith.constant 0 : i32
      %dma_wait3A_134 = arith.constant 0 : i32
      %dma_wait3A_135 = arith.constant 0 : i32
      %dma_wait3A_136 = tpu.memref_slice %arg4[%dma_wait3A_133, %dma_wait3A_134, %dma_wait3A_135] : memref<2x16x512xf32, #tpu.memory_space<vmem>> -> memref<1x16x512xf32, #tpu.memory_space<vmem>>
      %dma_wait3A_137 = tpu.memref_squeeze %dma_wait3A_136 : memref<1x16x512xf32, #tpu.memory_space<vmem>> -> memref<16x512xf32, #tpu.memory_space<vmem>>
      %dma_wait3A_138 = arith.constant 0 : i32
      %dma_wait3A_139 = tpu.memref_slice %arg2[%dma_wait3A_138, %mul3A_119] : memref<16x1000000xf32, #tpu.memory_space<hbm>> -> memref<16x512xf32, #tpu.memory_space<hbm>>
      %dma_wait3A_140 = arith.constant 0 : i32
      %dma_wait3A_141 = arith.constant 0 : i32
      %dma_wait3A_142 = tpu.memref_slice %arg4[%dma_wait3A_133, %dma_wait3A_140, %dma_wait3A_141] : memref<2x16x512xf32, #tpu.memory_space<vmem>> -> memref<1x16x512xf32, #tpu.memory_space<vmem>>
      %dma_wait3A_143 = tpu.memref_squeeze %dma_wait3A_142 : memref<1x16x512xf32, #tpu.memory_space<vmem>> -> memref<16x512xf32, #tpu.memory_space<vmem>>
      %dma_wait3A_144 = arith.constant 0 : i32
      %dma_wait3A_145 = tpu.memref_slice %arg2[%dma_wait3A_144, %mul3A_119] : memref<16x1000000xf32, #tpu.memory_space<hbm>> -> memref<16x512xf32, #tpu.memory_space<hbm>>
      tpu.wait_dma2 semaphore(%arg6 : memref<!tpu.dma_semaphore, #tpu.memory_space<semaphore_mem>>) src(%dma_wait3A_145 : memref<16x512xf32, #tpu.memory_space<hbm>>) dst(%dma_wait3A_143 : memref<16x512xf32, #tpu.memory_space<vmem>>)
      %scan3A_146 = arith.constant 0 : i32
      %scan3A_147 = arith.constant 0 : i32
      %scan3A_148 = arith.constant 32 : i32
      %scan3A_149 = arith.addi %scan3A_147, %scan3A_148 : i32
      %scan3A_150 = arith.constant 1 : i32
      scf.for %scan3A_172 = %scan3A_147 to %scan3A_149 step %scan3A_150  : i32 {
        %mul3A_173 = arith.constant 1 : i32
        %mul3A_174 = arith.muli %scan3A_172, %mul3A_173 : i32
        %add3A_175 = arith.constant 0 : i32
        %add3A_176 = arith.addi %mul3A_174, %add3A_175 : i32
        %mul3A_177 = arith.constant 256 : i32
        %mul3A_178 = arith.muli %add3A_176, %mul3A_177 : i32
        %add3A_179 = vector.broadcast %mul3A_178 : i32 to vector<16xi32>
        %add3A_180 = arith.addi %mul3A_5, %add3A_179 : vector<16xi32>
        %mul3A_181 = arith.constant 16 : i32
        %mul3A_182 = arith.muli %add3A_176, %mul3A_181 : i32
        %get3A = arith.constant 0 : i32
        %get3A_183 = arith.constant 0 : i32
        %get3A_184 = arith.index_cast %get3A : i32 to index
        %get3A_185 = arith.index_cast %get3A_183 : i32 to index
        %get3A_186 = arith.index_cast %mul3A_182 : i32 to index
        %get3A_187 = tpu.vector_load %arg4[%get3A_184, %get3A_185, %get3A_186] {strides = array<i32>} : memref<2x16x512xf32, #tpu.memory_space<vmem>>, vector<16xf32>,
        %add3A_188 = arith.constant 0 : i32
        %add3A_189 = vector.broadcast %add3A_188 : i32 to vector<16xi32>
        %add3A_190 = arith.addi %add3A_180, %add3A_189 : vector<16xi32>
        tpu.vector_store_idx %arg5[%broadcast_in_dim3A_6, %add3A_190], %get3A_187 : memref<2x8192xf32, #tpu.memory_space<vmem>>[vector<16xi32>, vector<16xi32>], vector<16xf32>,
        %mul3A_191 = arith.constant 16 : i32
        %mul3A_192 = arith.muli %add3A_176, %mul3A_191 : i32
        %get3A_193 = arith.constant 0 : i32
        %get3A_194 = arith.constant 1 : i32
        %get3A_195 = arith.index_cast %get3A_193 : i32 to index
        %get3A_196 = arith.index_cast %get3A_194 : i32 to index
        %get3A_197 = arith.index_cast %mul3A_192 : i32 to index
        %get3A_198 = tpu.vector_load %arg4[%get3A_195, %get3A_196, %get3A_197] {strides = array<i32>} : memref<2x16x512xf32, #tpu.memory_space<vmem>>, vector<16xf32>,
        %add3A_199 = arith.constant 1 : i32
        %add3A_200 = vector.broadcast %add3A_199 : i32 to vector<16xi32>
        %add3A_201 = arith.addi %add3A_180, %add3A_200 : vector<16xi32>
        tpu.vector_store_idx %arg5[%broadcast_in_dim3A_6, %add3A_201], %get3A_198 : memref<2x8192xf32, #tpu.memory_space<vmem>>[vector<16xi32>, vector<16xi32>], vector<16xf32>,
        %mul3A_202 = arith.constant 16 : i32
        %mul3A_203 = arith.muli %add3A_176, %mul3A_202 : i32
        %get3A_204 = arith.constant 0 : i32
        %get3A_205 = arith.constant 2 : i32
        %get3A_206 = arith.index_cast %get3A_204 : i32 to index
        %get3A_207 = arith.index_cast %get3A_205 : i32 to index
        %get3A_208 = arith.index_cast %mul3A_203 : i32 to index
        %get3A_209 = tpu.vector_load %arg4[%get3A_206, %get3A_207, %get3A_208] {strides = array<i32>} : memref<2x16x512xf32, #tpu.memory_space<vmem>>, vector<16xf32>,
        %add3A_210 = arith.constant 2 : i32
        %add3A_211 = vector.broadcast %add3A_210 : i32 to vector<16xi32>
        %add3A_212 = arith.addi %add3A_180, %add3A_211 : vector<16xi32>
        tpu.vector_store_idx %arg5[%broadcast_in_dim3A_6, %add3A_212], %get3A_209 : memref<2x8192xf32, #tpu.memory_space<vmem>>[vector<16xi32>, vector<16xi32>], vector<16xf32>,
        %mul3A_213 = arith.constant 16 : i32
        %mul3A_214 = arith.muli %add3A_176, %mul3A_213 : i32
        %get3A_215 = arith.constant 0 : i32
        %get3A_216 = arith.constant 3 : i32
        %get3A_217 = arith.index_cast %get3A_215 : i32 to index
        %get3A_218 = arith.index_cast %get3A_216 : i32 to index
        %get3A_219 = arith.index_cast %mul3A_214 : i32 to index
        %get3A_220 = tpu.vector_load %arg4[%get3A_217, %get3A_218, %get3A_219] {strides = array<i32>} : memref<2x16x512xf32, #tpu.memory_space<vmem>>, vector<16xf32>,
        %add3A_221 = arith.constant 3 : i32
        %add3A_222 = vector.broadcast %add3A_221 : i32 to vector<16xi32>
        %add3A_223 = arith.addi %add3A_180, %add3A_222 : vector<16xi32>
        tpu.vector_store_idx %arg5[%broadcast_in_dim3A_6, %add3A_223], %get3A_220 : memref<2x8192xf32, #tpu.memory_space<vmem>>[vector<16xi32>, vector<16xi32>], vector<16xf32>,
        %mul3A_224 = arith.constant 16 : i32
        %mul3A_225 = arith.muli %add3A_176, %mul3A_224 : i32
        %get3A_226 = arith.constant 0 : i32
        %get3A_227 = arith.constant 4 : i32
        %get3A_228 = arith.index_cast %get3A_226 : i32 to index
        %get3A_229 = arith.index_cast %get3A_227 : i32 to index
        %get3A_230 = arith.index_cast %mul3A_225 : i32 to index
        %get3A_231 = tpu.vector_load %arg4[%get3A_228, %get3A_229, %get3A_230] {strides = array<i32>} : memref<2x16x512xf32, #tpu.memory_space<vmem>>, vector<16xf32>,
        %add3A_232 = arith.constant 4 : i32
        %add3A_233 = vector.broadcast %add3A_232 : i32 to vector<16xi32>
        %add3A_234 = arith.addi %add3A_180, %add3A_233 : vector<16xi32>
        tpu.vector_store_idx %arg5[%broadcast_in_dim3A_6, %add3A_234], %get3A_231 : memref<2x8192xf32, #tpu.memory_space<vmem>>[vector<16xi32>, vector<16xi32>], vector<16xf32>,
        %mul3A_235 = arith.constant 16 : i32
        %mul3A_236 = arith.muli %add3A_176, %mul3A_235 : i32
        %get3A_237 = arith.constant 0 : i32
        %get3A_238 = arith.constant 5 : i32
        %get3A_239 = arith.index_cast %get3A_237 : i32 to index
        %get3A_240 = arith.index_cast %get3A_238 : i32 to index
        %get3A_241 = arith.index_cast %mul3A_236 : i32 to index
        %get3A_242 = tpu.vector_load %arg4[%get3A_239, %get3A_240, %get3A_241] {strides = array<i32>} : memref<2x16x512xf32, #tpu.memory_space<vmem>>, vector<16xf32>,
        %add3A_243 = arith.constant 5 : i32
        %add3A_244 = vector.broadcast %add3A_243 : i32 to vector<16xi32>
        %add3A_245 = arith.addi %add3A_180, %add3A_244 : vector<16xi32>
        tpu.vector_store_idx %arg5[%broadcast_in_dim3A_6, %add3A_245], %get3A_242 : memref<2x8192xf32, #tpu.memory_space<vmem>>[vector<16xi32>, vector<16xi32>], vector<16xf32>,
        %mul3A_246 = arith.constant 16 : i32
        %mul3A_247 = arith.muli %add3A_176, %mul3A_246 : i32
        %get3A_248 = arith.constant 0 : i32
        %get3A_249 = arith.constant 6 : i32
        %get3A_250 = arith.index_cast %get3A_248 : i32 to index
        %get3A_251 = arith.index_cast %get3A_249 : i32 to index
        %get3A_252 = arith.index_cast %mul3A_247 : i32 to index
        %get3A_253 = tpu.vector_load %arg4[%get3A_250, %get3A_251, %get3A_252] {strides = array<i32>} : memref<2x16x512xf32, #tpu.memory_space<vmem>>, vector<16xf32>,
        %add3A_254 = arith.constant 6 : i32
        %add3A_255 = vector.broadcast %add3A_254 : i32 to vector<16xi32>
        %add3A_256 = arith.addi %add3A_180, %add3A_255 : vector<16xi32>
        tpu.vector_store_idx %arg5[%broadcast_in_dim3A_6, %add3A_256], %get3A_253 : memref<2x8192xf32, #tpu.memory_space<vmem>>[vector<16xi32>, vector<16xi32>], vector<16xf32>,
        %mul3A_257 = arith.constant 16 : i32
        %mul3A_258 = arith.muli %add3A_176, %mul3A_257 : i32
        %get3A_259 = arith.constant 0 : i32
        %get3A_260 = arith.constant 7 : i32
        %get3A_261 = arith.index_cast %get3A_259 : i32 to index
        %get3A_262 = arith.index_cast %get3A_260 : i32 to index
        %get3A_263 = arith.index_cast %mul3A_258 : i32 to index
        %get3A_264 = tpu.vector_load %arg4[%get3A_261, %get3A_262, %get3A_263] {strides = array<i32>} : memref<2x16x512xf32, #tpu.memory_space<vmem>>, vector<16xf32>,
        %add3A_265 = arith.constant 7 : i32
        %add3A_266 = vector.broadcast %add3A_265 : i32 to vector<16xi32>
        %add3A_267 = arith.addi %add3A_180, %add3A_266 : vector<16xi32>
        tpu.vector_store_idx %arg5[%broadcast_in_dim3A_6, %add3A_267], %get3A_264 : memref<2x8192xf32, #tpu.memory_space<vmem>>[vector<16xi32>, vector<16xi32>], vector<16xf32>,
        %mul3A_268 = arith.constant 16 : i32
        %mul3A_269 = arith.muli %add3A_176, %mul3A_268 : i32
        %get3A_270 = arith.constant 0 : i32
        %get3A_271 = arith.constant 8 : i32
        %get3A_272 = arith.index_cast %get3A_270 : i32 to index
        %get3A_273 = arith.index_cast %get3A_271 : i32 to index
        %get3A_274 = arith.index_cast %mul3A_269 : i32 to index
        %get3A_275 = tpu.vector_load %arg4[%get3A_272, %get3A_273, %get3A_274] {strides = array<i32>} : memref<2x16x512xf32, #tpu.memory_space<vmem>>, vector<16xf32>,
        %add3A_276 = arith.constant 8 : i32
        %add3A_277 = vector.broadcast %add3A_276 : i32 to vector<16xi32>
        %add3A_278 = arith.addi %add3A_180, %add3A_277 : vector<16xi32>
        tpu.vector_store_idx %arg5[%broadcast_in_dim3A_6, %add3A_278], %get3A_275 : memref<2x8192xf32, #tpu.memory_space<vmem>>[vector<16xi32>, vector<16xi32>], vector<16xf32>,
        %mul3A_279 = arith.constant 16 : i32
        %mul3A_280 = arith.muli %add3A_176, %mul3A_279 : i32
        %get3A_281 = arith.constant 0 : i32
        %get3A_282 = arith.constant 9 : i32
        %get3A_283 = arith.index_cast %get3A_281 : i32 to index
        %get3A_284 = arith.index_cast %get3A_282 : i32 to index
        %get3A_285 = arith.index_cast %mul3A_280 : i32 to index
        %get3A_286 = tpu.vector_load %arg4[%get3A_283, %get3A_284, %get3A_285] {strides = array<i32>} : memref<2x16x512xf32, #tpu.memory_space<vmem>>, vector<16xf32>,
        %add3A_287 = arith.constant 9 : i32
        %add3A_288 = vector.broadcast %add3A_287 : i32 to vector<16xi32>
        %add3A_289 = arith.addi %add3A_180, %add3A_288 : vector<16xi32>
        tpu.vector_store_idx %arg5[%broadcast_in_dim3A_6, %add3A_289], %get3A_286 : memref<2x8192xf32, #tpu.memory_space<vmem>>[vector<16xi32>, vector<16xi32>], vector<16xf32>,
        %mul3A_290 = arith.constant 16 : i32
        %mul3A_291 = arith.muli %add3A_176, %mul3A_290 : i32
        %get3A_292 = arith.constant 0 : i32
        %get3A_293 = arith.constant 10 : i32
        %get3A_294 = arith.index_cast %get3A_292 : i32 to index
        %get3A_295 = arith.index_cast %get3A_293 : i32 to index
        %get3A_296 = arith.index_cast %mul3A_291 : i32 to index
        %get3A_297 = tpu.vector_load %arg4[%get3A_294, %get3A_295, %get3A_296] {strides = array<i32>} : memref<2x16x512xf32, #tpu.memory_space<vmem>>, vector<16xf32>,
        %add3A_298 = arith.constant 10 : i32
        %add3A_299 = vector.broadcast %add3A_298 : i32 to vector<16xi32>
        %add3A_300 = arith.addi %add3A_180, %add3A_299 : vector<16xi32>
        tpu.vector_store_idx %arg5[%broadcast_in_dim3A_6, %add3A_300], %get3A_297 : memref<2x8192xf32, #tpu.memory_space<vmem>>[vector<16xi32>, vector<16xi32>], vector<16xf32>,
        %mul3A_301 = arith.constant 16 : i32
        %mul3A_302 = arith.muli %add3A_176, %mul3A_301 : i32
        %get3A_303 = arith.constant 0 : i32
        %get3A_304 = arith.constant 11 : i32
        %get3A_305 = arith.index_cast %get3A_303 : i32 to index
        %get3A_306 = arith.index_cast %get3A_304 : i32 to index
        %get3A_307 = arith.index_cast %mul3A_302 : i32 to index
        %get3A_308 = tpu.vector_load %arg4[%get3A_305, %get3A_306, %get3A_307] {strides = array<i32>} : memref<2x16x512xf32, #tpu.memory_space<vmem>>, vector<16xf32>,
        %add3A_309 = arith.constant 11 : i32
        %add3A_310 = vector.broadcast %add3A_309 : i32 to vector<16xi32>
        %add3A_311 = arith.addi %add3A_180, %add3A_310 : vector<16xi32>
        tpu.vector_store_idx %arg5[%broadcast_in_dim3A_6, %add3A_311], %get3A_308 : memref<2x8192xf32, #tpu.memory_space<vmem>>[vector<16xi32>, vector<16xi32>], vector<16xf32>,
        %mul3A_312 = arith.constant 16 : i32
        %mul3A_313 = arith.muli %add3A_176, %mul3A_312 : i32
        %get3A_314 = arith.constant 0 : i32
        %get3A_315 = arith.constant 12 : i32
        %get3A_316 = arith.index_cast %get3A_314 : i32 to index
        %get3A_317 = arith.index_cast %get3A_315 : i32 to index
        %get3A_318 = arith.index_cast %mul3A_313 : i32 to index
        %get3A_319 = tpu.vector_load %arg4[%get3A_316, %get3A_317, %get3A_318] {strides = array<i32>} : memref<2x16x512xf32, #tpu.memory_space<vmem>>, vector<16xf32>,
        %add3A_320 = arith.constant 12 : i32
        %add3A_321 = vector.broadcast %add3A_320 : i32 to vector<16xi32>
        %add3A_322 = arith.addi %add3A_180, %add3A_321 : vector<16xi32>
        tpu.vector_store_idx %arg5[%broadcast_in_dim3A_6, %add3A_322], %get3A_319 : memref<2x8192xf32, #tpu.memory_space<vmem>>[vector<16xi32>, vector<16xi32>], vector<16xf32>,
        %mul3A_323 = arith.constant 16 : i32
        %mul3A_324 = arith.muli %add3A_176, %mul3A_323 : i32
        %get3A_325 = arith.constant 0 : i32
        %get3A_326 = arith.constant 13 : i32
        %get3A_327 = arith.index_cast %get3A_325 : i32 to index
        %get3A_328 = arith.index_cast %get3A_326 : i32 to index
        %get3A_329 = arith.index_cast %mul3A_324 : i32 to index
        %get3A_330 = tpu.vector_load %arg4[%get3A_327, %get3A_328, %get3A_329] {strides = array<i32>} : memref<2x16x512xf32, #tpu.memory_space<vmem>>, vector<16xf32>,
        %add3A_331 = arith.constant 13 : i32
        %add3A_332 = vector.broadcast %add3A_331 : i32 to vector<16xi32>
        %add3A_333 = arith.addi %add3A_180, %add3A_332 : vector<16xi32>
        tpu.vector_store_idx %arg5[%broadcast_in_dim3A_6, %add3A_333], %get3A_330 : memref<2x8192xf32, #tpu.memory_space<vmem>>[vector<16xi32>, vector<16xi32>], vector<16xf32>,
        %mul3A_334 = arith.constant 16 : i32
        %mul3A_335 = arith.muli %add3A_176, %mul3A_334 : i32
        %get3A_336 = arith.constant 0 : i32
        %get3A_337 = arith.constant 14 : i32
        %get3A_338 = arith.index_cast %get3A_336 : i32 to index
        %get3A_339 = arith.index_cast %get3A_337 : i32 to index
        %get3A_340 = arith.index_cast %mul3A_335 : i32 to index
        %get3A_341 = tpu.vector_load %arg4[%get3A_338, %get3A_339, %get3A_340] {strides = array<i32>} : memref<2x16x512xf32, #tpu.memory_space<vmem>>, vector<16xf32>,
        %add3A_342 = arith.constant 14 : i32
        %add3A_343 = vector.broadcast %add3A_342 : i32 to vector<16xi32>
        %add3A_344 = arith.addi %add3A_180, %add3A_343 : vector<16xi32>
        tpu.vector_store_idx %arg5[%broadcast_in_dim3A_6, %add3A_344], %get3A_341 : memref<2x8192xf32, #tpu.memory_space<vmem>>[vector<16xi32>, vector<16xi32>], vector<16xf32>,
        %mul3A_345 = arith.constant 16 : i32
        %mul3A_346 = arith.muli %add3A_176, %mul3A_345 : i32
        %get3A_347 = arith.constant 0 : i32
        %get3A_348 = arith.constant 15 : i32
        %get3A_349 = arith.index_cast %get3A_347 : i32 to index
        %get3A_350 = arith.index_cast %get3A_348 : i32 to index
        %get3A_351 = arith.index_cast %mul3A_346 : i32 to index
        %get3A_352 = tpu.vector_load %arg4[%get3A_349, %get3A_350, %get3A_351] {strides = array<i32>} : memref<2x16x512xf32, #tpu.memory_space<vmem>>, vector<16xf32>,
        %add3A_353 = arith.constant 15 : i32
        %add3A_354 = vector.broadcast %add3A_353 : i32 to vector<16xi32>
        %add3A_355 = arith.addi %add3A_180, %add3A_354 : vector<16xi32>
        tpu.vector_store_idx %arg5[%broadcast_in_dim3A_6, %add3A_355], %get3A_352 : memref<2x8192xf32, #tpu.memory_space<vmem>>[vector<16xi32>, vector<16xi32>], vector<16xf32>,
      }
      %scan3A_151 = arith.constant 32 : i32
      %mul3A_152 = arith.constant 8192 : i32
      %mul3A_153 = arith.muli %add3A_117, %mul3A_152 : i32
      %dma_start3A_154 = arith.constant 0 : i32
      %dma_start3A_155 = arith.constant 0 : i32
      %dma_start3A_156 = tpu.memref_slice %arg5[%dma_start3A_154, %dma_start3A_155] : memref<2x8192xf32, #tpu.memory_space<vmem>> -> memref<1x8192xf32, #tpu.memory_space<vmem>>
      %dma_start3A_157 = tpu.memref_squeeze %dma_start3A_156 : memref<1x8192xf32, #tpu.memory_space<vmem>> -> memref<8192xf32, #tpu.memory_space<vmem>>
      %dma_start3A_158 = tpu.memref_slice %arg3[%mul3A_153] : memref<15998976xf32, #tpu.memory_space<hbm>> -> memref<8192xf32, #tpu.memory_space<hbm>>
      %dma_start3A_159 = tpu.memref_slice %arg3[%mul3A_153] : memref<15998976xf32, #tpu.memory_space<hbm>> -> memref<8192xf32, #tpu.memory_space<hbm>>
      %dma_start3A_160 = arith.constant 0 : i32
      %dma_start3A_161 = tpu.memref_slice %arg5[%dma_start3A_154, %dma_start3A_160] : memref<2x8192xf32, #tpu.memory_space<vmem>> -> memref<1x8192xf32, #tpu.memory_space<vmem>>
      %dma_start3A_162 = tpu.memref_squeeze %dma_start3A_161 : memref<1x8192xf32, #tpu.memory_space<vmem>> -> memref<8192xf32, #tpu.memory_space<vmem>>
      tpu.enqueue_dma source(%dma_start3A_162 : memref<8192xf32, #tpu.memory_space<vmem>>) target(%dma_start3A_159 : memref<8192xf32, #tpu.memory_space<hbm>>) target_semaphore(%arg7 : memref<!tpu.dma_semaphore, #tpu.memory_space<semaphore_mem>>)
      %dma_wait3A_163 = arith.constant 0 : i32
      %dma_wait3A_164 = arith.constant 0 : i32
      %dma_wait3A_165 = tpu.memref_slice %arg5[%dma_wait3A_163, %dma_wait3A_164] : memref<2x8192xf32, #tpu.memory_space<vmem>> -> memref<1x8192xf32, #tpu.memory_space<vmem>>
      %dma_wait3A_166 = tpu.memref_squeeze %dma_wait3A_165 : memref<1x8192xf32, #tpu.memory_space<vmem>> -> memref<8192xf32, #tpu.memory_space<vmem>>
      %dma_wait3A_167 = tpu.memref_slice %arg3[%mul3A_153] : memref<15998976xf32, #tpu.memory_space<hbm>> -> memref<8192xf32, #tpu.memory_space<hbm>>
      %dma_wait3A_168 = tpu.memref_slice %arg3[%mul3A_153] : memref<15998976xf32, #tpu.memory_space<hbm>> -> memref<8192xf32, #tpu.memory_space<hbm>>
      %dma_wait3A_169 = arith.constant 0 : i32
      %dma_wait3A_170 = tpu.memref_slice %arg5[%dma_wait3A_163, %dma_wait3A_169] : memref<2x8192xf32, #tpu.memory_space<vmem>> -> memref<1x8192xf32, #tpu.memory_space<vmem>>
      %dma_wait3A_171 = tpu.memref_squeeze %dma_wait3A_170 : memref<1x8192xf32, #tpu.memory_space<vmem>> -> memref<8192xf32, #tpu.memory_space<vmem>>
      tpu.wait_dma2 semaphore(%arg7 : memref<!tpu.dma_semaphore, #tpu.memory_space<semaphore_mem>>) src(%dma_wait3A_171 : memref<8192xf32, #tpu.memory_space<vmem>>) dst(%dma_wait3A_168 : memref<8192xf32, #tpu.memory_space<hbm>>)
    } else {
    }
    return
  }
}

#map = affine_map<(d0, d1) -> (0)>
#map1 = affine_map<(d0, d1) -> (0, 0)>
module attributes {stable_mosaic.version = 14 : i64} {
  func.func @_fm_gather_body(%arg0: i32, %arg1: i32, %arg2: memref<81920xi32, #tpu.memory_space<hbm>>, %arg3: memref<1000000xf32, #tpu.memory_space<hbm>>, %arg4: memref<999936x16xf32, #tpu.memory_space<hbm>>, %arg5: memref<64x16xf32, #tpu.memory_space<hbm>>, %arg6: memref<16384xf32, #tpu.memory_space<hbm>>, %arg7: memref<2560xi32, #tpu.memory_space<vmem>>, %arg8: memref<2560xi32, #tpu.memory_space<vmem>>, %arg9: memref<2560x16xf32, #tpu.memory_space<vmem>>, %arg10: memref<2560xf32, #tpu.memory_space<vmem>>, %arg11: memref<64x16xf32, #tpu.memory_space<vmem>>, %arg12: memref<512xf32, #tpu.memory_space<vmem>>, %arg13: memref<!tpu.dma_semaphore, #tpu.memory_space<semaphore_mem>>, %arg14: memref<!tpu.dma_semaphore, #tpu.memory_space<semaphore_mem>>) attributes {dimension_semantics = [#tpu.dimension_semantics<core_parallel>, #tpu.dimension_semantics<subcore_parallel>], iteration_bounds = array<i64: 2, 16>, scalar_prefetch = 0 : i64, scratch_operands = 8 : i64, tpu.core_type = #tpu.core_type<sc_vector_subcore>, window_params = [{transform_indices = #map}, {transform_indices = #map}, {transform_indices = #map1}, {transform_indices = #map1}, {transform_indices = #map}]} {
    %mul3A = arith.constant 2 : i32
    %mul3A_0 = arith.muli %arg1, %mul3A : i32
    %add3A = arith.addi %mul3A_0, %arg0 : i32
    %mul3A_1 = arith.constant 512 : i32
    %mul3A_2 = arith.muli %add3A, %mul3A_1 : i32
    %mul3A_3 = arith.constant 5 : i32
    %mul3A_4 = arith.muli %mul3A_2, %mul3A_3 : i32
    "tpu.region"() ({
      %run_scoped3A = tpu.sem_alloc : memref<!tpu.dma_semaphore, #tpu.memory_space<semaphore_mem>>
      %dma_start3A_584 = tpu.memref_slice %arg2[%mul3A_4] : memref<81920xi32, #tpu.memory_space<hbm>> -> memref<2560xi32, #tpu.memory_space<hbm>>
      %dma_start3A_585 = tpu.memref_slice %arg2[%mul3A_4] : memref<81920xi32, #tpu.memory_space<hbm>> -> memref<2560xi32, #tpu.memory_space<hbm>>
      tpu.enqueue_dma source(%dma_start3A_585 : memref<2560xi32, #tpu.memory_space<hbm>>) target(%arg7 : memref<2560xi32, #tpu.memory_space<vmem>>) target_semaphore(%run_scoped3A : memref<!tpu.dma_semaphore, #tpu.memory_space<semaphore_mem>>)
      %dma_wait3A_586 = tpu.memref_slice %arg2[%mul3A_4] : memref<81920xi32, #tpu.memory_space<hbm>> -> memref<2560xi32, #tpu.memory_space<hbm>>
      %dma_wait3A_587 = tpu.memref_slice %arg2[%mul3A_4] : memref<81920xi32, #tpu.memory_space<hbm>> -> memref<2560xi32, #tpu.memory_space<hbm>>
      tpu.wait_dma2 semaphore(%run_scoped3A : memref<!tpu.dma_semaphore, #tpu.memory_space<semaphore_mem>>) src(%dma_wait3A_587 : memref<2560xi32, #tpu.memory_space<hbm>>) dst(%arg7 : memref<2560xi32, #tpu.memory_space<vmem>>)
      tpu.yield
    }) : () -> ()
    "tpu.region"() ({
      %run_scoped3A = tpu.sem_alloc : memref<!tpu.dma_semaphore, #tpu.memory_space<semaphore_mem>>
      tpu.enqueue_dma source(%arg5 : memref<64x16xf32, #tpu.memory_space<hbm>>) target(%arg11 : memref<64x16xf32, #tpu.memory_space<vmem>>) target_semaphore(%run_scoped3A : memref<!tpu.dma_semaphore, #tpu.memory_space<semaphore_mem>>)
      tpu.wait_dma2 semaphore(%run_scoped3A : memref<!tpu.dma_semaphore, #tpu.memory_space<semaphore_mem>>) src(%arg5 : memref<64x16xf32, #tpu.memory_space<hbm>>) dst(%arg11 : memref<64x16xf32, #tpu.memory_space<vmem>>)
      tpu.yield
    }) : () -> ()
    %iota3A = tpu.iota {dimensions = array<i32: 0>} : vector<16xi32>
    %scan3A = arith.constant 0 : i32
    %scan3A_5 = arith.constant 0 : i32
    %scan3A_6 = arith.constant 160 : i32
    %scan3A_7 = arith.addi %scan3A_5, %scan3A_6 : i32
    %scan3A_8 = arith.constant 1 : i32
    scf.for %scan3A_584 = %scan3A_5 to %scan3A_7 step %scan3A_8  : i32 {
      %mul3A_585 = arith.constant 16 : i32
      %mul3A_586 = arith.muli %scan3A_584, %mul3A_585 : i32
      %get3A = arith.index_cast %mul3A_586 : i32 to index
      %get3A_587 = tpu.vector_load %arg7[%get3A] {strides = array<i32>} : memref<2560xi32, #tpu.memory_space<vmem>>, vector<16xi32>,
      %min3A = arith.constant 999935 : i32
      %min3A_588 = vector.broadcast %min3A : i32 to vector<16xi32>
      %min3A_589 = arith.minsi %get3A_587, %min3A_588 : vector<16xi32>
      %swap3A = arith.index_cast %mul3A_586 : i32 to index
      %swap3A_590 = tpu.vector_load %arg8[%swap3A] {strides = array<i32>} : memref<2560xi32, #tpu.memory_space<vmem>>, vector<16xi32>,
      tpu.vector_store %arg8[%swap3A], %min3A_589 {strides = array<i32>} : memref<2560xi32, #tpu.memory_space<vmem>>, vector<16xi32>,
    }
    %scan3A_9 = arith.constant 160 : i32
    %dma_start3A = arith.constant 0 : i32
    %dma_start3A_10 = arith.constant 0 : i32
    %dma_start3A_11 = tpu.memref_slice %arg9[%dma_start3A, %dma_start3A_10] : memref<2560x16xf32, #tpu.memory_space<vmem>> -> memref<128x16xf32, #tpu.memory_space<vmem>>
    %dma_start3A_12 = arith.constant 0 : i32
    %dma_start3A_13 = tpu.memref_slice %arg8[%dma_start3A_12] : memref<2560xi32, #tpu.memory_space<vmem>> -> memref<128xi32, #tpu.memory_space<vmem>>
    %dma_start3A_14 = arith.constant 0 : i32
    %dma_start3A_15 = arith.constant 0 : i32
    %dma_start3A_16 = tpu.memref_slice %arg4[%dma_start3A_14, %dma_start3A_15] : memref<999936x16xf32, #tpu.memory_space<hbm>> -> memref<999936x16xf32, #tpu.memory_space<hbm>>
    tpu.enqueue_indirect_dma source(%dma_start3A_16 : memref<999936x16xf32, #tpu.memory_space<hbm>>) target(%dma_start3A_11 : memref<128x16xf32, #tpu.memory_space<vmem>>) offsets(%dma_start3A_13 : memref<128xi32, #tpu.memory_space<vmem>>) semaphore(%arg13 : memref<!tpu.dma_semaphore, #tpu.memory_space<semaphore_mem>>)
    %dma_start3A_17 = arith.constant 0 : i32
    %dma_start3A_18 = tpu.memref_slice %arg10[%dma_start3A_17] : memref<2560xf32, #tpu.memory_space<vmem>> -> memref<128xf32, #tpu.memory_space<vmem>>
    %dma_start3A_19 = arith.constant 0 : i32
    %dma_start3A_20 = tpu.memref_slice %arg7[%dma_start3A_19] : memref<2560xi32, #tpu.memory_space<vmem>> -> memref<128xi32, #tpu.memory_space<vmem>>
    %dma_start3A_21 = arith.constant 0 : i32
    %dma_start3A_22 = tpu.memref_slice %arg3[%dma_start3A_21] : memref<1000000xf32, #tpu.memory_space<hbm>> -> memref<1000000xf32, #tpu.memory_space<hbm>>
    tpu.enqueue_indirect_dma source(%dma_start3A_22 : memref<1000000xf32, #tpu.memory_space<hbm>>) target(%dma_start3A_18 : memref<128xf32, #tpu.memory_space<vmem>>) offsets(%dma_start3A_20 : memref<128xi32, #tpu.memory_space<vmem>>) semaphore(%arg14 : memref<!tpu.dma_semaphore, #tpu.memory_space<semaphore_mem>>)
    %dma_start3A_23 = arith.constant 128 : i32
    %dma_start3A_24 = arith.constant 0 : i32
    %dma_start3A_25 = tpu.memref_slice %arg9[%dma_start3A_23, %dma_start3A_24] : memref<2560x16xf32, #tpu.memory_space<vmem>> -> memref<128x16xf32, #tpu.memory_space<vmem>>
    %dma_start3A_26 = arith.constant 128 : i32
    %dma_start3A_27 = tpu.memref_slice %arg8[%dma_start3A_26] : memref<2560xi32, #tpu.memory_space<vmem>> -> memref<128xi32, #tpu.memory_space<vmem>>
    %dma_start3A_28 = arith.constant 0 : i32
    %dma_start3A_29 = arith.constant 0 : i32
    %dma_start3A_30 = tpu.memref_slice %arg4[%dma_start3A_28, %dma_start3A_29] : memref<999936x16xf32, #tpu.memory_space<hbm>> -> memref<999936x16xf32, #tpu.memory_space<hbm>>
    tpu.enqueue_indirect_dma source(%dma_start3A_30 : memref<999936x16xf32, #tpu.memory_space<hbm>>) target(%dma_start3A_25 : memref<128x16xf32, #tpu.memory_space<vmem>>) offsets(%dma_start3A_27 : memref<128xi32, #tpu.memory_space<vmem>>) semaphore(%arg13 : memref<!tpu.dma_semaphore, #tpu.memory_space<semaphore_mem>>)
    %dma_start3A_31 = arith.constant 128 : i32
    %dma_start3A_32 = tpu.memref_slice %arg10[%dma_start3A_31] : memref<2560xf32, #tpu.memory_space<vmem>> -> memref<128xf32, #tpu.memory_space<vmem>>
    %dma_start3A_33 = arith.constant 128 : i32
    %dma_start3A_34 = tpu.memref_slice %arg7[%dma_start3A_33] : memref<2560xi32, #tpu.memory_space<vmem>> -> memref<128xi32, #tpu.memory_space<vmem>>
    %dma_start3A_35 = arith.constant 0 : i32
    %dma_start3A_36 = tpu.memref_slice %arg3[%dma_start3A_35] : memref<1000000xf32, #tpu.memory_space<hbm>> -> memref<1000000xf32, #tpu.memory_space<hbm>>
    tpu.enqueue_indirect_dma source(%dma_start3A_36 : memref<1000000xf32, #tpu.memory_space<hbm>>) target(%dma_start3A_32 : memref<128xf32, #tpu.memory_space<vmem>>) offsets(%dma_start3A_34 : memref<128xi32, #tpu.memory_space<vmem>>) semaphore(%arg14 : memref<!tpu.dma_semaphore, #tpu.memory_space<semaphore_mem>>)
    %dma_start3A_37 = arith.constant 256 : i32
    %dma_start3A_38 = arith.constant 0 : i32
    %dma_start3A_39 = tpu.memref_slice %arg9[%dma_start3A_37, %dma_start3A_38] : memref<2560x16xf32, #tpu.memory_space<vmem>> -> memref<128x16xf32, #tpu.memory_space<vmem>>
    %dma_start3A_40 = arith.constant 256 : i32
    %dma_start3A_41 = tpu.memref_slice %arg8[%dma_start3A_40] : memref<2560xi32, #tpu.memory_space<vmem>> -> memref<128xi32, #tpu.memory_space<vmem>>
    %dma_start3A_42 = arith.constant 0 : i32
    %dma_start3A_43 = arith.constant 0 : i32
    %dma_start3A_44 = tpu.memref_slice %arg4[%dma_start3A_42, %dma_start3A_43] : memref<999936x16xf32, #tpu.memory_space<hbm>> -> memref<999936x16xf32, #tpu.memory_space<hbm>>
    tpu.enqueue_indirect_dma source(%dma_start3A_44 : memref<999936x16xf32, #tpu.memory_space<hbm>>) target(%dma_start3A_39 : memref<128x16xf32, #tpu.memory_space<vmem>>) offsets(%dma_start3A_41 : memref<128xi32, #tpu.memory_space<vmem>>) semaphore(%arg13 : memref<!tpu.dma_semaphore, #tpu.memory_space<semaphore_mem>>)
    %dma_start3A_45 = arith.constant 256 : i32
    %dma_start3A_46 = tpu.memref_slice %arg10[%dma_start3A_45] : memref<2560xf32, #tpu.memory_space<vmem>> -> memref<128xf32, #tpu.memory_space<vmem>>
    %dma_start3A_47 = arith.constant 256 : i32
    %dma_start3A_48 = tpu.memref_slice %arg7[%dma_start3A_47] : memref<2560xi32, #tpu.memory_space<vmem>> -> memref<128xi32, #tpu.memory_space<vmem>>
    %dma_start3A_49 = arith.constant 0 : i32
    %dma_start3A_50 = tpu.memref_slice %arg3[%dma_start3A_49] : memref<1000000xf32, #tpu.memory_space<hbm>> -> memref<1000000xf32, #tpu.memory_space<hbm>>
    tpu.enqueue_indirect_dma source(%dma_start3A_50 : memref<1000000xf32, #tpu.memory_space<hbm>>) target(%dma_start3A_46 : memref<128xf32, #tpu.memory_space<vmem>>) offsets(%dma_start3A_48 : memref<128xi32, #tpu.memory_space<vmem>>) semaphore(%arg14 : memref<!tpu.dma_semaphore, #tpu.memory_space<semaphore_mem>>)
    %dma_start3A_51 = arith.constant 384 : i32
    %dma_start3A_52 = arith.constant 0 : i32
    %dma_start3A_53 = tpu.memref_slice %arg9[%dma_start3A_51, %dma_start3A_52] : memref<2560x16xf32, #tpu.memory_space<vmem>> -> memref<128x16xf32, #tpu.memory_space<vmem>>
    %dma_start3A_54 = arith.constant 384 : i32
    %dma_start3A_55 = tpu.memref_slice %arg8[%dma_start3A_54] : memref<2560xi32, #tpu.memory_space<vmem>> -> memref<128xi32, #tpu.memory_space<vmem>>
    %dma_start3A_56 = arith.constant 0 : i32
    %dma_start3A_57 = arith.constant 0 : i32
    %dma_start3A_58 = tpu.memref_slice %arg4[%dma_start3A_56, %dma_start3A_57] : memref<999936x16xf32, #tpu.memory_space<hbm>> -> memref<999936x16xf32, #tpu.memory_space<hbm>>
    tpu.enqueue_indirect_dma source(%dma_start3A_58 : memref<999936x16xf32, #tpu.memory_space<hbm>>) target(%dma_start3A_53 : memref<128x16xf32, #tpu.memory_space<vmem>>) offsets(%dma_start3A_55 : memref<128xi32, #tpu.memory_space<vmem>>) semaphore(%arg13 : memref<!tpu.dma_semaphore, #tpu.memory_space<semaphore_mem>>)
    %dma_start3A_59 = arith.constant 384 : i32
    %dma_start3A_60 = tpu.memref_slice %arg10[%dma_start3A_59] : memref<2560xf32, #tpu.memory_space<vmem>> -> memref<128xf32, #tpu.memory_space<vmem>>
    %dma_start3A_61 = arith.constant 384 : i32
    %dma_start3A_62 = tpu.memref_slice %arg7[%dma_start3A_61] : memref<2560xi32, #tpu.memory_space<vmem>> -> memref<128xi32, #tpu.memory_space<vmem>>
    %dma_start3A_63 = arith.constant 0 : i32
    %dma_start3A_64 = tpu.memref_slice %arg3[%dma_start3A_63] : memref<1000000xf32, #tpu.memory_space<hbm>> -> memref<1000000xf32, #tpu.memory_space<hbm>>
    tpu.enqueue_indirect_dma source(%dma_start3A_64 : memref<1000000xf32, #tpu.memory_space<hbm>>) target(%dma_start3A_60 : memref<128xf32, #tpu.memory_space<vmem>>) offsets(%dma_start3A_62 : memref<128xi32, #tpu.memory_space<vmem>>) semaphore(%arg14 : memref<!tpu.dma_semaphore, #tpu.memory_space<semaphore_mem>>)
    %dma_start3A_65 = arith.constant 512 : i32
    %dma_start3A_66 = arith.constant 0 : i32
    %dma_start3A_67 = tpu.memref_slice %arg9[%dma_start3A_65, %dma_start3A_66] : memref<2560x16xf32, #tpu.memory_space<vmem>> -> memref<128x16xf32, #tpu.memory_space<vmem>>
    %dma_start3A_68 = arith.constant 512 : i32
    %dma_start3A_69 = tpu.memref_slice %arg8[%dma_start3A_68] : memref<2560xi32, #tpu.memory_space<vmem>> -> memref<128xi32, #tpu.memory_space<vmem>>
    %dma_start3A_70 = arith.constant 0 : i32
    %dma_start3A_71 = arith.constant 0 : i32
    %dma_start3A_72 = tpu.memref_slice %arg4[%dma_start3A_70, %dma_start3A_71] : memref<999936x16xf32, #tpu.memory_space<hbm>> -> memref<999936x16xf32, #tpu.memory_space<hbm>>
    tpu.enqueue_indirect_dma source(%dma_start3A_72 : memref<999936x16xf32, #tpu.memory_space<hbm>>) target(%dma_start3A_67 : memref<128x16xf32, #tpu.memory_space<vmem>>) offsets(%dma_start3A_69 : memref<128xi32, #tpu.memory_space<vmem>>) semaphore(%arg13 : memref<!tpu.dma_semaphore, #tpu.memory_space<semaphore_mem>>)
    %dma_start3A_73 = arith.constant 512 : i32
    %dma_start3A_74 = tpu.memref_slice %arg10[%dma_start3A_73] : memref<2560xf32, #tpu.memory_space<vmem>> -> memref<128xf32, #tpu.memory_space<vmem>>
    %dma_start3A_75 = arith.constant 512 : i32
    %dma_start3A_76 = tpu.memref_slice %arg7[%dma_start3A_75] : memref<2560xi32, #tpu.memory_space<vmem>> -> memref<128xi32, #tpu.memory_space<vmem>>
    %dma_start3A_77 = arith.constant 0 : i32
    %dma_start3A_78 = tpu.memref_slice %arg3[%dma_start3A_77] : memref<1000000xf32, #tpu.memory_space<hbm>> -> memref<1000000xf32, #tpu.memory_space<hbm>>
    tpu.enqueue_indirect_dma source(%dma_start3A_78 : memref<1000000xf32, #tpu.memory_space<hbm>>) target(%dma_start3A_74 : memref<128xf32, #tpu.memory_space<vmem>>) offsets(%dma_start3A_76 : memref<128xi32, #tpu.memory_space<vmem>>) semaphore(%arg14 : memref<!tpu.dma_semaphore, #tpu.memory_space<semaphore_mem>>)
    %dma_start3A_79 = arith.constant 640 : i32
    %dma_start3A_80 = arith.constant 0 : i32
    %dma_start3A_81 = tpu.memref_slice %arg9[%dma_start3A_79, %dma_start3A_80] : memref<2560x16xf32, #tpu.memory_space<vmem>> -> memref<128x16xf32, #tpu.memory_space<vmem>>
    %dma_start3A_82 = arith.constant 640 : i32
    %dma_start3A_83 = tpu.memref_slice %arg8[%dma_start3A_82] : memref<2560xi32, #tpu.memory_space<vmem>> -> memref<128xi32, #tpu.memory_space<vmem>>
    %dma_start3A_84 = arith.constant 0 : i32
    %dma_start3A_85 = arith.constant 0 : i32
    %dma_start3A_86 = tpu.memref_slice %arg4[%dma_start3A_84, %dma_start3A_85] : memref<999936x16xf32, #tpu.memory_space<hbm>> -> memref<999936x16xf32, #tpu.memory_space<hbm>>
    tpu.enqueue_indirect_dma source(%dma_start3A_86 : memref<999936x16xf32, #tpu.memory_space<hbm>>) target(%dma_start3A_81 : memref<128x16xf32, #tpu.memory_space<vmem>>) offsets(%dma_start3A_83 : memref<128xi32, #tpu.memory_space<vmem>>) semaphore(%arg13 : memref<!tpu.dma_semaphore, #tpu.memory_space<semaphore_mem>>)
    %dma_start3A_87 = arith.constant 640 : i32
    %dma_start3A_88 = tpu.memref_slice %arg10[%dma_start3A_87] : memref<2560xf32, #tpu.memory_space<vmem>> -> memref<128xf32, #tpu.memory_space<vmem>>
    %dma_start3A_89 = arith.constant 640 : i32
    %dma_start3A_90 = tpu.memref_slice %arg7[%dma_start3A_89] : memref<2560xi32, #tpu.memory_space<vmem>> -> memref<128xi32, #tpu.memory_space<vmem>>
    %dma_start3A_91 = arith.constant 0 : i32
    %dma_start3A_92 = tpu.memref_slice %arg3[%dma_start3A_91] : memref<1000000xf32, #tpu.memory_space<hbm>> -> memref<1000000xf32, #tpu.memory_space<hbm>>
    tpu.enqueue_indirect_dma source(%dma_start3A_92 : memref<1000000xf32, #tpu.memory_space<hbm>>) target(%dma_start3A_88 : memref<128xf32, #tpu.memory_space<vmem>>) offsets(%dma_start3A_90 : memref<128xi32, #tpu.memory_space<vmem>>) semaphore(%arg14 : memref<!tpu.dma_semaphore, #tpu.memory_space<semaphore_mem>>)
    %dma_start3A_93 = arith.constant 768 : i32
    %dma_start3A_94 = arith.constant 0 : i32
    %dma_start3A_95 = tpu.memref_slice %arg9[%dma_start3A_93, %dma_start3A_94] : memref<2560x16xf32, #tpu.memory_space<vmem>> -> memref<128x16xf32, #tpu.memory_space<vmem>>
    %dma_start3A_96 = arith.constant 768 : i32
    %dma_start3A_97 = tpu.memref_slice %arg8[%dma_start3A_96] : memref<2560xi32, #tpu.memory_space<vmem>> -> memref<128xi32, #tpu.memory_space<vmem>>
    %dma_start3A_98 = arith.constant 0 : i32
    %dma_start3A_99 = arith.constant 0 : i32
    %dma_start3A_100 = tpu.memref_slice %arg4[%dma_start3A_98, %dma_start3A_99] : memref<999936x16xf32, #tpu.memory_space<hbm>> -> memref<999936x16xf32, #tpu.memory_space<hbm>>
    tpu.enqueue_indirect_dma source(%dma_start3A_100 : memref<999936x16xf32, #tpu.memory_space<hbm>>) target(%dma_start3A_95 : memref<128x16xf32, #tpu.memory_space<vmem>>) offsets(%dma_start3A_97 : memref<128xi32, #tpu.memory_space<vmem>>) semaphore(%arg13 : memref<!tpu.dma_semaphore, #tpu.memory_space<semaphore_mem>>)
    %dma_start3A_101 = arith.constant 768 : i32
    %dma_start3A_102 = tpu.memref_slice %arg10[%dma_start3A_101] : memref<2560xf32, #tpu.memory_space<vmem>> -> memref<128xf32, #tpu.memory_space<vmem>>
    %dma_start3A_103 = arith.constant 768 : i32
    %dma_start3A_104 = tpu.memref_slice %arg7[%dma_start3A_103] : memref<2560xi32, #tpu.memory_space<vmem>> -> memref<128xi32, #tpu.memory_space<vmem>>
    %dma_start3A_105 = arith.constant 0 : i32
    %dma_start3A_106 = tpu.memref_slice %arg3[%dma_start3A_105] : memref<1000000xf32, #tpu.memory_space<hbm>> -> memref<1000000xf32, #tpu.memory_space<hbm>>
    tpu.enqueue_indirect_dma source(%dma_start3A_106 : memref<1000000xf32, #tpu.memory_space<hbm>>) target(%dma_start3A_102 : memref<128xf32, #tpu.memory_space<vmem>>) offsets(%dma_start3A_104 : memref<128xi32, #tpu.memory_space<vmem>>) semaphore(%arg14 : memref<!tpu.dma_semaphore, #tpu.memory_space<semaphore_mem>>)
    %dma_start3A_107 = arith.constant 896 : i32
    %dma_start3A_108 = arith.constant 0 : i32
    %dma_start3A_109 = tpu.memref_slice %arg9[%dma_start3A_107, %dma_start3A_108] : memref<2560x16xf32, #tpu.memory_space<vmem>> -> memref<128x16xf32, #tpu.memory_space<vmem>>
    %dma_start3A_110 = arith.constant 896 : i32
    %dma_start3A_111 = tpu.memref_slice %arg8[%dma_start3A_110] : memref<2560xi32, #tpu.memory_space<vmem>> -> memref<128xi32, #tpu.memory_space<vmem>>
    %dma_start3A_112 = arith.constant 0 : i32
    %dma_start3A_113 = arith.constant 0 : i32
    %dma_start3A_114 = tpu.memref_slice %arg4[%dma_start3A_112, %dma_start3A_113] : memref<999936x16xf32, #tpu.memory_space<hbm>> -> memref<999936x16xf32, #tpu.memory_space<hbm>>
    tpu.enqueue_indirect_dma source(%dma_start3A_114 : memref<999936x16xf32, #tpu.memory_space<hbm>>) target(%dma_start3A_109 : memref<128x16xf32, #tpu.memory_space<vmem>>) offsets(%dma_start3A_111 : memref<128xi32, #tpu.memory_space<vmem>>) semaphore(%arg13 : memref<!tpu.dma_semaphore, #tpu.memory_space<semaphore_mem>>)
    %dma_start3A_115 = arith.constant 896 : i32
    %dma_start3A_116 = tpu.memref_slice %arg10[%dma_start3A_115] : memref<2560xf32, #tpu.memory_space<vmem>> -> memref<128xf32, #tpu.memory_space<vmem>>
    %dma_start3A_117 = arith.constant 896 : i32
    %dma_start3A_118 = tpu.memref_slice %arg7[%dma_start3A_117] : memref<2560xi32, #tpu.memory_space<vmem>> -> memref<128xi32, #tpu.memory_space<vmem>>
    %dma_start3A_119 = arith.constant 0 : i32
    %dma_start3A_120 = tpu.memref_slice %arg3[%dma_start3A_119] : memref<1000000xf32, #tpu.memory_space<hbm>> -> memref<1000000xf32, #tpu.memory_space<hbm>>
    tpu.enqueue_indirect_dma source(%dma_start3A_120 : memref<1000000xf32, #tpu.memory_space<hbm>>) target(%dma_start3A_116 : memref<128xf32, #tpu.memory_space<vmem>>) offsets(%dma_start3A_118 : memref<128xi32, #tpu.memory_space<vmem>>) semaphore(%arg14 : memref<!tpu.dma_semaphore, #tpu.memory_space<semaphore_mem>>)
    %dma_start3A_121 = arith.constant 1024 : i32
    %dma_start3A_122 = arith.constant 0 : i32
    %dma_start3A_123 = tpu.memref_slice %arg9[%dma_start3A_121, %dma_start3A_122] : memref<2560x16xf32, #tpu.memory_space<vmem>> -> memref<128x16xf32, #tpu.memory_space<vmem>>
    %dma_start3A_124 = arith.constant 1024 : i32
    %dma_start3A_125 = tpu.memref_slice %arg8[%dma_start3A_124] : memref<2560xi32, #tpu.memory_space<vmem>> -> memref<128xi32, #tpu.memory_space<vmem>>
    %dma_start3A_126 = arith.constant 0 : i32
    %dma_start3A_127 = arith.constant 0 : i32
    %dma_start3A_128 = tpu.memref_slice %arg4[%dma_start3A_126, %dma_start3A_127] : memref<999936x16xf32, #tpu.memory_space<hbm>> -> memref<999936x16xf32, #tpu.memory_space<hbm>>
    tpu.enqueue_indirect_dma source(%dma_start3A_128 : memref<999936x16xf32, #tpu.memory_space<hbm>>) target(%dma_start3A_123 : memref<128x16xf32, #tpu.memory_space<vmem>>) offsets(%dma_start3A_125 : memref<128xi32, #tpu.memory_space<vmem>>) semaphore(%arg13 : memref<!tpu.dma_semaphore, #tpu.memory_space<semaphore_mem>>)
    %dma_start3A_129 = arith.constant 1024 : i32
    %dma_start3A_130 = tpu.memref_slice %arg10[%dma_start3A_129] : memref<2560xf32, #tpu.memory_space<vmem>> -> memref<128xf32, #tpu.memory_space<vmem>>
    %dma_start3A_131 = arith.constant 1024 : i32
    %dma_start3A_132 = tpu.memref_slice %arg7[%dma_start3A_131] : memref<2560xi32, #tpu.memory_space<vmem>> -> memref<128xi32, #tpu.memory_space<vmem>>
    %dma_start3A_133 = arith.constant 0 : i32
    %dma_start3A_134 = tpu.memref_slice %arg3[%dma_start3A_133] : memref<1000000xf32, #tpu.memory_space<hbm>> -> memref<1000000xf32, #tpu.memory_space<hbm>>
    tpu.enqueue_indirect_dma source(%dma_start3A_134 : memref<1000000xf32, #tpu.memory_space<hbm>>) target(%dma_start3A_130 : memref<128xf32, #tpu.memory_space<vmem>>) offsets(%dma_start3A_132 : memref<128xi32, #tpu.memory_space<vmem>>) semaphore(%arg14 : memref<!tpu.dma_semaphore, #tpu.memory_space<semaphore_mem>>)
    %dma_start3A_135 = arith.constant 1152 : i32
    %dma_start3A_136 = arith.constant 0 : i32
    %dma_start3A_137 = tpu.memref_slice %arg9[%dma_start3A_135, %dma_start3A_136] : memref<2560x16xf32, #tpu.memory_space<vmem>> -> memref<128x16xf32, #tpu.memory_space<vmem>>
    %dma_start3A_138 = arith.constant 1152 : i32
    %dma_start3A_139 = tpu.memref_slice %arg8[%dma_start3A_138] : memref<2560xi32, #tpu.memory_space<vmem>> -> memref<128xi32, #tpu.memory_space<vmem>>
    %dma_start3A_140 = arith.constant 0 : i32
    %dma_start3A_141 = arith.constant 0 : i32
    %dma_start3A_142 = tpu.memref_slice %arg4[%dma_start3A_140, %dma_start3A_141] : memref<999936x16xf32, #tpu.memory_space<hbm>> -> memref<999936x16xf32, #tpu.memory_space<hbm>>
    tpu.enqueue_indirect_dma source(%dma_start3A_142 : memref<999936x16xf32, #tpu.memory_space<hbm>>) target(%dma_start3A_137 : memref<128x16xf32, #tpu.memory_space<vmem>>) offsets(%dma_start3A_139 : memref<128xi32, #tpu.memory_space<vmem>>) semaphore(%arg13 : memref<!tpu.dma_semaphore, #tpu.memory_space<semaphore_mem>>)
    %dma_start3A_143 = arith.constant 1152 : i32
    %dma_start3A_144 = tpu.memref_slice %arg10[%dma_start3A_143] : memref<2560xf32, #tpu.memory_space<vmem>> -> memref<128xf32, #tpu.memory_space<vmem>>
    %dma_start3A_145 = arith.constant 1152 : i32
    %dma_start3A_146 = tpu.memref_slice %arg7[%dma_start3A_145] : memref<2560xi32, #tpu.memory_space<vmem>> -> memref<128xi32, #tpu.memory_space<vmem>>
    %dma_start3A_147 = arith.constant 0 : i32
    %dma_start3A_148 = tpu.memref_slice %arg3[%dma_start3A_147] : memref<1000000xf32, #tpu.memory_space<hbm>> -> memref<1000000xf32, #tpu.memory_space<hbm>>
    tpu.enqueue_indirect_dma source(%dma_start3A_148 : memref<1000000xf32, #tpu.memory_space<hbm>>) target(%dma_start3A_144 : memref<128xf32, #tpu.memory_space<vmem>>) offsets(%dma_start3A_146 : memref<128xi32, #tpu.memory_space<vmem>>) semaphore(%arg14 : memref<!tpu.dma_semaphore, #tpu.memory_space<semaphore_mem>>)
    %dma_start3A_149 = arith.constant 1280 : i32
    %dma_start3A_150 = arith.constant 0 : i32
    %dma_start3A_151 = tpu.memref_slice %arg9[%dma_start3A_149, %dma_start3A_150] : memref<2560x16xf32, #tpu.memory_space<vmem>> -> memref<128x16xf32, #tpu.memory_space<vmem>>
    %dma_start3A_152 = arith.constant 1280 : i32
    %dma_start3A_153 = tpu.memref_slice %arg8[%dma_start3A_152] : memref<2560xi32, #tpu.memory_space<vmem>> -> memref<128xi32, #tpu.memory_space<vmem>>
    %dma_start3A_154 = arith.constant 0 : i32
    %dma_start3A_155 = arith.constant 0 : i32
    %dma_start3A_156 = tpu.memref_slice %arg4[%dma_start3A_154, %dma_start3A_155] : memref<999936x16xf32, #tpu.memory_space<hbm>> -> memref<999936x16xf32, #tpu.memory_space<hbm>>
    tpu.enqueue_indirect_dma source(%dma_start3A_156 : memref<999936x16xf32, #tpu.memory_space<hbm>>) target(%dma_start3A_151 : memref<128x16xf32, #tpu.memory_space<vmem>>) offsets(%dma_start3A_153 : memref<128xi32, #tpu.memory_space<vmem>>) semaphore(%arg13 : memref<!tpu.dma_semaphore, #tpu.memory_space<semaphore_mem>>)
    %dma_start3A_157 = arith.constant 1280 : i32
    %dma_start3A_158 = tpu.memref_slice %arg10[%dma_start3A_157] : memref<2560xf32, #tpu.memory_space<vmem>> -> memref<128xf32, #tpu.memory_space<vmem>>
    %dma_start3A_159 = arith.constant 1280 : i32
    %dma_start3A_160 = tpu.memref_slice %arg7[%dma_start3A_159] : memref<2560xi32, #tpu.memory_space<vmem>> -> memref<128xi32, #tpu.memory_space<vmem>>
    %dma_start3A_161 = arith.constant 0 : i32
    %dma_start3A_162 = tpu.memref_slice %arg3[%dma_start3A_161] : memref<1000000xf32, #tpu.memory_space<hbm>> -> memref<1000000xf32, #tpu.memory_space<hbm>>
    tpu.enqueue_indirect_dma source(%dma_start3A_162 : memref<1000000xf32, #tpu.memory_space<hbm>>) target(%dma_start3A_158 : memref<128xf32, #tpu.memory_space<vmem>>) offsets(%dma_start3A_160 : memref<128xi32, #tpu.memory_space<vmem>>) semaphore(%arg14 : memref<!tpu.dma_semaphore, #tpu.memory_space<semaphore_mem>>)
    %dma_start3A_163 = arith.constant 1408 : i32
    %dma_start3A_164 = arith.constant 0 : i32
    %dma_start3A_165 = tpu.memref_slice %arg9[%dma_start3A_163, %dma_start3A_164] : memref<2560x16xf32, #tpu.memory_space<vmem>> -> memref<128x16xf32, #tpu.memory_space<vmem>>
    %dma_start3A_166 = arith.constant 1408 : i32
    %dma_start3A_167 = tpu.memref_slice %arg8[%dma_start3A_166] : memref<2560xi32, #tpu.memory_space<vmem>> -> memref<128xi32, #tpu.memory_space<vmem>>
    %dma_start3A_168 = arith.constant 0 : i32
    %dma_start3A_169 = arith.constant 0 : i32
    %dma_start3A_170 = tpu.memref_slice %arg4[%dma_start3A_168, %dma_start3A_169] : memref<999936x16xf32, #tpu.memory_space<hbm>> -> memref<999936x16xf32, #tpu.memory_space<hbm>>
    tpu.enqueue_indirect_dma source(%dma_start3A_170 : memref<999936x16xf32, #tpu.memory_space<hbm>>) target(%dma_start3A_165 : memref<128x16xf32, #tpu.memory_space<vmem>>) offsets(%dma_start3A_167 : memref<128xi32, #tpu.memory_space<vmem>>) semaphore(%arg13 : memref<!tpu.dma_semaphore, #tpu.memory_space<semaphore_mem>>)
    %dma_start3A_171 = arith.constant 1408 : i32
    %dma_start3A_172 = tpu.memref_slice %arg10[%dma_start3A_171] : memref<2560xf32, #tpu.memory_space<vmem>> -> memref<128xf32, #tpu.memory_space<vmem>>
    %dma_start3A_173 = arith.constant 1408 : i32
    %dma_start3A_174 = tpu.memref_slice %arg7[%dma_start3A_173] : memref<2560xi32, #tpu.memory_space<vmem>> -> memref<128xi32, #tpu.memory_space<vmem>>
    %dma_start3A_175 = arith.constant 0 : i32
    %dma_start3A_176 = tpu.memref_slice %arg3[%dma_start3A_175] : memref<1000000xf32, #tpu.memory_space<hbm>> -> memref<1000000xf32, #tpu.memory_space<hbm>>
    tpu.enqueue_indirect_dma source(%dma_start3A_176 : memref<1000000xf32, #tpu.memory_space<hbm>>) target(%dma_start3A_172 : memref<128xf32, #tpu.memory_space<vmem>>) offsets(%dma_start3A_174 : memref<128xi32, #tpu.memory_space<vmem>>) semaphore(%arg14 : memref<!tpu.dma_semaphore, #tpu.memory_space<semaphore_mem>>)
    %dma_start3A_177 = arith.constant 1536 : i32
    %dma_start3A_178 = arith.constant 0 : i32
    %dma_start3A_179 = tpu.memref_slice %arg9[%dma_start3A_177, %dma_start3A_178] : memref<2560x16xf32, #tpu.memory_space<vmem>> -> memref<128x16xf32, #tpu.memory_space<vmem>>
    %dma_start3A_180 = arith.constant 1536 : i32
    %dma_start3A_181 = tpu.memref_slice %arg8[%dma_start3A_180] : memref<2560xi32, #tpu.memory_space<vmem>> -> memref<128xi32, #tpu.memory_space<vmem>>
    %dma_start3A_182 = arith.constant 0 : i32
    %dma_start3A_183 = arith.constant 0 : i32
    %dma_start3A_184 = tpu.memref_slice %arg4[%dma_start3A_182, %dma_start3A_183] : memref<999936x16xf32, #tpu.memory_space<hbm>> -> memref<999936x16xf32, #tpu.memory_space<hbm>>
    tpu.enqueue_indirect_dma source(%dma_start3A_184 : memref<999936x16xf32, #tpu.memory_space<hbm>>) target(%dma_start3A_179 : memref<128x16xf32, #tpu.memory_space<vmem>>) offsets(%dma_start3A_181 : memref<128xi32, #tpu.memory_space<vmem>>) semaphore(%arg13 : memref<!tpu.dma_semaphore, #tpu.memory_space<semaphore_mem>>)
    %dma_start3A_185 = arith.constant 1536 : i32
    %dma_start3A_186 = tpu.memref_slice %arg10[%dma_start3A_185] : memref<2560xf32, #tpu.memory_space<vmem>> -> memref<128xf32, #tpu.memory_space<vmem>>
    %dma_start3A_187 = arith.constant 1536 : i32
    %dma_start3A_188 = tpu.memref_slice %arg7[%dma_start3A_187] : memref<2560xi32, #tpu.memory_space<vmem>> -> memref<128xi32, #tpu.memory_space<vmem>>
    %dma_start3A_189 = arith.constant 0 : i32
    %dma_start3A_190 = tpu.memref_slice %arg3[%dma_start3A_189] : memref<1000000xf32, #tpu.memory_space<hbm>> -> memref<1000000xf32, #tpu.memory_space<hbm>>
    tpu.enqueue_indirect_dma source(%dma_start3A_190 : memref<1000000xf32, #tpu.memory_space<hbm>>) target(%dma_start3A_186 : memref<128xf32, #tpu.memory_space<vmem>>) offsets(%dma_start3A_188 : memref<128xi32, #tpu.memory_space<vmem>>) semaphore(%arg14 : memref<!tpu.dma_semaphore, #tpu.memory_space<semaphore_mem>>)
    %dma_start3A_191 = arith.constant 1664 : i32
    %dma_start3A_192 = arith.constant 0 : i32
    %dma_start3A_193 = tpu.memref_slice %arg9[%dma_start3A_191, %dma_start3A_192] : memref<2560x16xf32, #tpu.memory_space<vmem>> -> memref<128x16xf32, #tpu.memory_space<vmem>>
    %dma_start3A_194 = arith.constant 1664 : i32
    %dma_start3A_195 = tpu.memref_slice %arg8[%dma_start3A_194] : memref<2560xi32, #tpu.memory_space<vmem>> -> memref<128xi32, #tpu.memory_space<vmem>>
    %dma_start3A_196 = arith.constant 0 : i32
    %dma_start3A_197 = arith.constant 0 : i32
    %dma_start3A_198 = tpu.memref_slice %arg4[%dma_start3A_196, %dma_start3A_197] : memref<999936x16xf32, #tpu.memory_space<hbm>> -> memref<999936x16xf32, #tpu.memory_space<hbm>>
    tpu.enqueue_indirect_dma source(%dma_start3A_198 : memref<999936x16xf32, #tpu.memory_space<hbm>>) target(%dma_start3A_193 : memref<128x16xf32, #tpu.memory_space<vmem>>) offsets(%dma_start3A_195 : memref<128xi32, #tpu.memory_space<vmem>>) semaphore(%arg13 : memref<!tpu.dma_semaphore, #tpu.memory_space<semaphore_mem>>)
    %dma_start3A_199 = arith.constant 1664 : i32
    %dma_start3A_200 = tpu.memref_slice %arg10[%dma_start3A_199] : memref<2560xf32, #tpu.memory_space<vmem>> -> memref<128xf32, #tpu.memory_space<vmem>>
    %dma_start3A_201 = arith.constant 1664 : i32
    %dma_start3A_202 = tpu.memref_slice %arg7[%dma_start3A_201] : memref<2560xi32, #tpu.memory_space<vmem>> -> memref<128xi32, #tpu.memory_space<vmem>>
    %dma_start3A_203 = arith.constant 0 : i32
    %dma_start3A_204 = tpu.memref_slice %arg3[%dma_start3A_203] : memref<1000000xf32, #tpu.memory_space<hbm>> -> memref<1000000xf32, #tpu.memory_space<hbm>>
    tpu.enqueue_indirect_dma source(%dma_start3A_204 : memref<1000000xf32, #tpu.memory_space<hbm>>) target(%dma_start3A_200 : memref<128xf32, #tpu.memory_space<vmem>>) offsets(%dma_start3A_202 : memref<128xi32, #tpu.memory_space<vmem>>) semaphore(%arg14 : memref<!tpu.dma_semaphore, #tpu.memory_space<semaphore_mem>>)
    %dma_start3A_205 = arith.constant 1792 : i32
    %dma_start3A_206 = arith.constant 0 : i32
    %dma_start3A_207 = tpu.memref_slice %arg9[%dma_start3A_205, %dma_start3A_206] : memref<2560x16xf32, #tpu.memory_space<vmem>> -> memref<128x16xf32, #tpu.memory_space<vmem>>
    %dma_start3A_208 = arith.constant 1792 : i32
    %dma_start3A_209 = tpu.memref_slice %arg8[%dma_start3A_208] : memref<2560xi32, #tpu.memory_space<vmem>> -> memref<128xi32, #tpu.memory_space<vmem>>
    %dma_start3A_210 = arith.constant 0 : i32
    %dma_start3A_211 = arith.constant 0 : i32
    %dma_start3A_212 = tpu.memref_slice %arg4[%dma_start3A_210, %dma_start3A_211] : memref<999936x16xf32, #tpu.memory_space<hbm>> -> memref<999936x16xf32, #tpu.memory_space<hbm>>
    tpu.enqueue_indirect_dma source(%dma_start3A_212 : memref<999936x16xf32, #tpu.memory_space<hbm>>) target(%dma_start3A_207 : memref<128x16xf32, #tpu.memory_space<vmem>>) offsets(%dma_start3A_209 : memref<128xi32, #tpu.memory_space<vmem>>) semaphore(%arg13 : memref<!tpu.dma_semaphore, #tpu.memory_space<semaphore_mem>>)
    %dma_start3A_213 = arith.constant 1792 : i32
    %dma_start3A_214 = tpu.memref_slice %arg10[%dma_start3A_213] : memref<2560xf32, #tpu.memory_space<vmem>> -> memref<128xf32, #tpu.memory_space<vmem>>
    %dma_start3A_215 = arith.constant 1792 : i32
    %dma_start3A_216 = tpu.memref_slice %arg7[%dma_start3A_215] : memref<2560xi32, #tpu.memory_space<vmem>> -> memref<128xi32, #tpu.memory_space<vmem>>
    %dma_start3A_217 = arith.constant 0 : i32
    %dma_start3A_218 = tpu.memref_slice %arg3[%dma_start3A_217] : memref<1000000xf32, #tpu.memory_space<hbm>> -> memref<1000000xf32, #tpu.memory_space<hbm>>
    tpu.enqueue_indirect_dma source(%dma_start3A_218 : memref<1000000xf32, #tpu.memory_space<hbm>>) target(%dma_start3A_214 : memref<128xf32, #tpu.memory_space<vmem>>) offsets(%dma_start3A_216 : memref<128xi32, #tpu.memory_space<vmem>>) semaphore(%arg14 : memref<!tpu.dma_semaphore, #tpu.memory_space<semaphore_mem>>)
    %dma_start3A_219 = arith.constant 1920 : i32
    %dma_start3A_220 = arith.constant 0 : i32
    %dma_start3A_221 = tpu.memref_slice %arg9[%dma_start3A_219, %dma_start3A_220] : memref<2560x16xf32, #tpu.memory_space<vmem>> -> memref<128x16xf32, #tpu.memory_space<vmem>>
    %dma_start3A_222 = arith.constant 1920 : i32
    %dma_start3A_223 = tpu.memref_slice %arg8[%dma_start3A_222] : memref<2560xi32, #tpu.memory_space<vmem>> -> memref<128xi32, #tpu.memory_space<vmem>>
    %dma_start3A_224 = arith.constant 0 : i32
    %dma_start3A_225 = arith.constant 0 : i32
    %dma_start3A_226 = tpu.memref_slice %arg4[%dma_start3A_224, %dma_start3A_225] : memref<999936x16xf32, #tpu.memory_space<hbm>> -> memref<999936x16xf32, #tpu.memory_space<hbm>>
    tpu.enqueue_indirect_dma source(%dma_start3A_226 : memref<999936x16xf32, #tpu.memory_space<hbm>>) target(%dma_start3A_221 : memref<128x16xf32, #tpu.memory_space<vmem>>) offsets(%dma_start3A_223 : memref<128xi32, #tpu.memory_space<vmem>>) semaphore(%arg13 : memref<!tpu.dma_semaphore, #tpu.memory_space<semaphore_mem>>)
    %dma_start3A_227 = arith.constant 1920 : i32
    %dma_start3A_228 = tpu.memref_slice %arg10[%dma_start3A_227] : memref<2560xf32, #tpu.memory_space<vmem>> -> memref<128xf32, #tpu.memory_space<vmem>>
    %dma_start3A_229 = arith.constant 1920 : i32
    %dma_start3A_230 = tpu.memref_slice %arg7[%dma_start3A_229] : memref<2560xi32, #tpu.memory_space<vmem>> -> memref<128xi32, #tpu.memory_space<vmem>>
    %dma_start3A_231 = arith.constant 0 : i32
    %dma_start3A_232 = tpu.memref_slice %arg3[%dma_start3A_231] : memref<1000000xf32, #tpu.memory_space<hbm>> -> memref<1000000xf32, #tpu.memory_space<hbm>>
    tpu.enqueue_indirect_dma source(%dma_start3A_232 : memref<1000000xf32, #tpu.memory_space<hbm>>) target(%dma_start3A_228 : memref<128xf32, #tpu.memory_space<vmem>>) offsets(%dma_start3A_230 : memref<128xi32, #tpu.memory_space<vmem>>) semaphore(%arg14 : memref<!tpu.dma_semaphore, #tpu.memory_space<semaphore_mem>>)
    %dma_start3A_233 = arith.constant 2048 : i32
    %dma_start3A_234 = arith.constant 0 : i32
    %dma_start3A_235 = tpu.memref_slice %arg9[%dma_start3A_233, %dma_start3A_234] : memref<2560x16xf32, #tpu.memory_space<vmem>> -> memref<128x16xf32, #tpu.memory_space<vmem>>
    %dma_start3A_236 = arith.constant 2048 : i32
    %dma_start3A_237 = tpu.memref_slice %arg8[%dma_start3A_236] : memref<2560xi32, #tpu.memory_space<vmem>> -> memref<128xi32, #tpu.memory_space<vmem>>
    %dma_start3A_238 = arith.constant 0 : i32
    %dma_start3A_239 = arith.constant 0 : i32
    %dma_start3A_240 = tpu.memref_slice %arg4[%dma_start3A_238, %dma_start3A_239] : memref<999936x16xf32, #tpu.memory_space<hbm>> -> memref<999936x16xf32, #tpu.memory_space<hbm>>
    tpu.enqueue_indirect_dma source(%dma_start3A_240 : memref<999936x16xf32, #tpu.memory_space<hbm>>) target(%dma_start3A_235 : memref<128x16xf32, #tpu.memory_space<vmem>>) offsets(%dma_start3A_237 : memref<128xi32, #tpu.memory_space<vmem>>) semaphore(%arg13 : memref<!tpu.dma_semaphore, #tpu.memory_space<semaphore_mem>>)
    %dma_start3A_241 = arith.constant 2048 : i32
    %dma_start3A_242 = tpu.memref_slice %arg10[%dma_start3A_241] : memref<2560xf32, #tpu.memory_space<vmem>> -> memref<128xf32, #tpu.memory_space<vmem>>
    %dma_start3A_243 = arith.constant 2048 : i32
    %dma_start3A_244 = tpu.memref_slice %arg7[%dma_start3A_243] : memref<2560xi32, #tpu.memory_space<vmem>> -> memref<128xi32, #tpu.memory_space<vmem>>
    %dma_start3A_245 = arith.constant 0 : i32
    %dma_start3A_246 = tpu.memref_slice %arg3[%dma_start3A_245] : memref<1000000xf32, #tpu.memory_space<hbm>> -> memref<1000000xf32, #tpu.memory_space<hbm>>
    tpu.enqueue_indirect_dma source(%dma_start3A_246 : memref<1000000xf32, #tpu.memory_space<hbm>>) target(%dma_start3A_242 : memref<128xf32, #tpu.memory_space<vmem>>) offsets(%dma_start3A_244 : memref<128xi32, #tpu.memory_space<vmem>>) semaphore(%arg14 : memref<!tpu.dma_semaphore, #tpu.memory_space<semaphore_mem>>)
    %dma_start3A_247 = arith.constant 2176 : i32
    %dma_start3A_248 = arith.constant 0 : i32
    %dma_start3A_249 = tpu.memref_slice %arg9[%dma_start3A_247, %dma_start3A_248] : memref<2560x16xf32, #tpu.memory_space<vmem>> -> memref<128x16xf32, #tpu.memory_space<vmem>>
    %dma_start3A_250 = arith.constant 2176 : i32
    %dma_start3A_251 = tpu.memref_slice %arg8[%dma_start3A_250] : memref<2560xi32, #tpu.memory_space<vmem>> -> memref<128xi32, #tpu.memory_space<vmem>>
    %dma_start3A_252 = arith.constant 0 : i32
    %dma_start3A_253 = arith.constant 0 : i32
    %dma_start3A_254 = tpu.memref_slice %arg4[%dma_start3A_252, %dma_start3A_253] : memref<999936x16xf32, #tpu.memory_space<hbm>> -> memref<999936x16xf32, #tpu.memory_space<hbm>>
    tpu.enqueue_indirect_dma source(%dma_start3A_254 : memref<999936x16xf32, #tpu.memory_space<hbm>>) target(%dma_start3A_249 : memref<128x16xf32, #tpu.memory_space<vmem>>) offsets(%dma_start3A_251 : memref<128xi32, #tpu.memory_space<vmem>>) semaphore(%arg13 : memref<!tpu.dma_semaphore, #tpu.memory_space<semaphore_mem>>)
    %dma_start3A_255 = arith.constant 2176 : i32
    %dma_start3A_256 = tpu.memref_slice %arg10[%dma_start3A_255] : memref<2560xf32, #tpu.memory_space<vmem>> -> memref<128xf32, #tpu.memory_space<vmem>>
    %dma_start3A_257 = arith.constant 2176 : i32
    %dma_start3A_258 = tpu.memref_slice %arg7[%dma_start3A_257] : memref<2560xi32, #tpu.memory_space<vmem>> -> memref<128xi32, #tpu.memory_space<vmem>>
    %dma_start3A_259 = arith.constant 0 : i32
    %dma_start3A_260 = tpu.memref_slice %arg3[%dma_start3A_259] : memref<1000000xf32, #tpu.memory_space<hbm>> -> memref<1000000xf32, #tpu.memory_space<hbm>>
    tpu.enqueue_indirect_dma source(%dma_start3A_260 : memref<1000000xf32, #tpu.memory_space<hbm>>) target(%dma_start3A_256 : memref<128xf32, #tpu.memory_space<vmem>>) offsets(%dma_start3A_258 : memref<128xi32, #tpu.memory_space<vmem>>) semaphore(%arg14 : memref<!tpu.dma_semaphore, #tpu.memory_space<semaphore_mem>>)
    %dma_start3A_261 = arith.constant 2304 : i32
    %dma_start3A_262 = arith.constant 0 : i32
    %dma_start3A_263 = tpu.memref_slice %arg9[%dma_start3A_261, %dma_start3A_262] : memref<2560x16xf32, #tpu.memory_space<vmem>> -> memref<128x16xf32, #tpu.memory_space<vmem>>
    %dma_start3A_264 = arith.constant 2304 : i32
    %dma_start3A_265 = tpu.memref_slice %arg8[%dma_start3A_264] : memref<2560xi32, #tpu.memory_space<vmem>> -> memref<128xi32, #tpu.memory_space<vmem>>
    %dma_start3A_266 = arith.constant 0 : i32
    %dma_start3A_267 = arith.constant 0 : i32
    %dma_start3A_268 = tpu.memref_slice %arg4[%dma_start3A_266, %dma_start3A_267] : memref<999936x16xf32, #tpu.memory_space<hbm>> -> memref<999936x16xf32, #tpu.memory_space<hbm>>
    tpu.enqueue_indirect_dma source(%dma_start3A_268 : memref<999936x16xf32, #tpu.memory_space<hbm>>) target(%dma_start3A_263 : memref<128x16xf32, #tpu.memory_space<vmem>>) offsets(%dma_start3A_265 : memref<128xi32, #tpu.memory_space<vmem>>) semaphore(%arg13 : memref<!tpu.dma_semaphore, #tpu.memory_space<semaphore_mem>>)
    %dma_start3A_269 = arith.constant 2304 : i32
    %dma_start3A_270 = tpu.memref_slice %arg10[%dma_start3A_269] : memref<2560xf32, #tpu.memory_space<vmem>> -> memref<128xf32, #tpu.memory_space<vmem>>
    %dma_start3A_271 = arith.constant 2304 : i32
    %dma_start3A_272 = tpu.memref_slice %arg7[%dma_start3A_271] : memref<2560xi32, #tpu.memory_space<vmem>> -> memref<128xi32, #tpu.memory_space<vmem>>
    %dma_start3A_273 = arith.constant 0 : i32
    %dma_start3A_274 = tpu.memref_slice %arg3[%dma_start3A_273] : memref<1000000xf32, #tpu.memory_space<hbm>> -> memref<1000000xf32, #tpu.memory_space<hbm>>
    tpu.enqueue_indirect_dma source(%dma_start3A_274 : memref<1000000xf32, #tpu.memory_space<hbm>>) target(%dma_start3A_270 : memref<128xf32, #tpu.memory_space<vmem>>) offsets(%dma_start3A_272 : memref<128xi32, #tpu.memory_space<vmem>>) semaphore(%arg14 : memref<!tpu.dma_semaphore, #tpu.memory_space<semaphore_mem>>)
    %dma_start3A_275 = arith.constant 2432 : i32
    %dma_start3A_276 = arith.constant 0 : i32
    %dma_start3A_277 = tpu.memref_slice %arg9[%dma_start3A_275, %dma_start3A_276] : memref<2560x16xf32, #tpu.memory_space<vmem>> -> memref<128x16xf32, #tpu.memory_space<vmem>>
    %dma_start3A_278 = arith.constant 2432 : i32
    %dma_start3A_279 = tpu.memref_slice %arg8[%dma_start3A_278] : memref<2560xi32, #tpu.memory_space<vmem>> -> memref<128xi32, #tpu.memory_space<vmem>>
    %dma_start3A_280 = arith.constant 0 : i32
    %dma_start3A_281 = arith.constant 0 : i32
    %dma_start3A_282 = tpu.memref_slice %arg4[%dma_start3A_280, %dma_start3A_281] : memref<999936x16xf32, #tpu.memory_space<hbm>> -> memref<999936x16xf32, #tpu.memory_space<hbm>>
    tpu.enqueue_indirect_dma source(%dma_start3A_282 : memref<999936x16xf32, #tpu.memory_space<hbm>>) target(%dma_start3A_277 : memref<128x16xf32, #tpu.memory_space<vmem>>) offsets(%dma_start3A_279 : memref<128xi32, #tpu.memory_space<vmem>>) semaphore(%arg13 : memref<!tpu.dma_semaphore, #tpu.memory_space<semaphore_mem>>)
    %dma_start3A_283 = arith.constant 2432 : i32
    %dma_start3A_284 = tpu.memref_slice %arg10[%dma_start3A_283] : memref<2560xf32, #tpu.memory_space<vmem>> -> memref<128xf32, #tpu.memory_space<vmem>>
    %dma_start3A_285 = arith.constant 2432 : i32
    %dma_start3A_286 = tpu.memref_slice %arg7[%dma_start3A_285] : memref<2560xi32, #tpu.memory_space<vmem>> -> memref<128xi32, #tpu.memory_space<vmem>>
    %dma_start3A_287 = arith.constant 0 : i32
    %dma_start3A_288 = tpu.memref_slice %arg3[%dma_start3A_287] : memref<1000000xf32, #tpu.memory_space<hbm>> -> memref<1000000xf32, #tpu.memory_space<hbm>>
    tpu.enqueue_indirect_dma source(%dma_start3A_288 : memref<1000000xf32, #tpu.memory_space<hbm>>) target(%dma_start3A_284 : memref<128xf32, #tpu.memory_space<vmem>>) offsets(%dma_start3A_286 : memref<128xi32, #tpu.memory_space<vmem>>) semaphore(%arg14 : memref<!tpu.dma_semaphore, #tpu.memory_space<semaphore_mem>>)
    %dma_wait3A = arith.constant 0 : i32
    %dma_wait3A_289 = arith.constant 0 : i32
    %dma_wait3A_290 = tpu.memref_slice %arg9[%dma_wait3A, %dma_wait3A_289] : memref<2560x16xf32, #tpu.memory_space<vmem>> -> memref<128x16xf32, #tpu.memory_space<vmem>>
    %dma_wait3A_291 = arith.constant 0 : i32
    %dma_wait3A_292 = tpu.memref_slice %arg8[%dma_wait3A_291] : memref<2560xi32, #tpu.memory_space<vmem>> -> memref<128xi32, #tpu.memory_space<vmem>>
    %dma_wait3A_293 = arith.constant 0 : i32
    %dma_wait3A_294 = arith.constant 0 : i32
    %dma_wait3A_295 = tpu.memref_slice %arg4[%dma_wait3A_293, %dma_wait3A_294] : memref<999936x16xf32, #tpu.memory_space<hbm>> -> memref<999936x16xf32, #tpu.memory_space<hbm>>
    tpu.wait_indirect_dma semaphore(%arg13 : memref<!tpu.dma_semaphore, #tpu.memory_space<semaphore_mem>>) src(%dma_wait3A_295 : memref<999936x16xf32, #tpu.memory_space<hbm>>) dst(%dma_wait3A_290 : memref<128x16xf32, #tpu.memory_space<vmem>>)
    %dma_wait3A_296 = arith.constant 0 : i32
    %dma_wait3A_297 = tpu.memref_slice %arg10[%dma_wait3A_296] : memref<2560xf32, #tpu.memory_space<vmem>> -> memref<128xf32, #tpu.memory_space<vmem>>
    %dma_wait3A_298 = arith.constant 0 : i32
    %dma_wait3A_299 = tpu.memref_slice %arg7[%dma_wait3A_298] : memref<2560xi32, #tpu.memory_space<vmem>> -> memref<128xi32, #tpu.memory_space<vmem>>
    %dma_wait3A_300 = arith.constant 0 : i32
    %dma_wait3A_301 = tpu.memref_slice %arg3[%dma_wait3A_300] : memref<1000000xf32, #tpu.memory_space<hbm>> -> memref<1000000xf32, #tpu.memory_space<hbm>>
    tpu.wait_indirect_dma semaphore(%arg14 : memref<!tpu.dma_semaphore, #tpu.memory_space<semaphore_mem>>) src(%dma_wait3A_301 : memref<1000000xf32, #tpu.memory_space<hbm>>) dst(%dma_wait3A_297 : memref<128xf32, #tpu.memory_space<vmem>>)
    %dma_wait3A_302 = arith.constant 128 : i32
    %dma_wait3A_303 = arith.constant 0 : i32
    %dma_wait3A_304 = tpu.memref_slice %arg9[%dma_wait3A_302, %dma_wait3A_303] : memref<2560x16xf32, #tpu.memory_space<vmem>> -> memref<128x16xf32, #tpu.memory_space<vmem>>
    %dma_wait3A_305 = arith.constant 128 : i32
    %dma_wait3A_306 = tpu.memref_slice %arg8[%dma_wait3A_305] : memref<2560xi32, #tpu.memory_space<vmem>> -> memref<128xi32, #tpu.memory_space<vmem>>
    %dma_wait3A_307 = arith.constant 0 : i32
    %dma_wait3A_308 = arith.constant 0 : i32
    %dma_wait3A_309 = tpu.memref_slice %arg4[%dma_wait3A_307, %dma_wait3A_308] : memref<999936x16xf32, #tpu.memory_space<hbm>> -> memref<999936x16xf32, #tpu.memory_space<hbm>>
    tpu.wait_indirect_dma semaphore(%arg13 : memref<!tpu.dma_semaphore, #tpu.memory_space<semaphore_mem>>) src(%dma_wait3A_309 : memref<999936x16xf32, #tpu.memory_space<hbm>>) dst(%dma_wait3A_304 : memref<128x16xf32, #tpu.memory_space<vmem>>)
    %dma_wait3A_310 = arith.constant 128 : i32
    %dma_wait3A_311 = tpu.memref_slice %arg10[%dma_wait3A_310] : memref<2560xf32, #tpu.memory_space<vmem>> -> memref<128xf32, #tpu.memory_space<vmem>>
    %dma_wait3A_312 = arith.constant 128 : i32
    %dma_wait3A_313 = tpu.memref_slice %arg7[%dma_wait3A_312] : memref<2560xi32, #tpu.memory_space<vmem>> -> memref<128xi32, #tpu.memory_space<vmem>>
    %dma_wait3A_314 = arith.constant 0 : i32
    %dma_wait3A_315 = tpu.memref_slice %arg3[%dma_wait3A_314] : memref<1000000xf32, #tpu.memory_space<hbm>> -> memref<1000000xf32, #tpu.memory_space<hbm>>
    tpu.wait_indirect_dma semaphore(%arg14 : memref<!tpu.dma_semaphore, #tpu.memory_space<semaphore_mem>>) src(%dma_wait3A_315 : memref<1000000xf32, #tpu.memory_space<hbm>>) dst(%dma_wait3A_311 : memref<128xf32, #tpu.memory_space<vmem>>)
    %dma_wait3A_316 = arith.constant 256 : i32
    %dma_wait3A_317 = arith.constant 0 : i32
    %dma_wait3A_318 = tpu.memref_slice %arg9[%dma_wait3A_316, %dma_wait3A_317] : memref<2560x16xf32, #tpu.memory_space<vmem>> -> memref<128x16xf32, #tpu.memory_space<vmem>>
    %dma_wait3A_319 = arith.constant 256 : i32
    %dma_wait3A_320 = tpu.memref_slice %arg8[%dma_wait3A_319] : memref<2560xi32, #tpu.memory_space<vmem>> -> memref<128xi32, #tpu.memory_space<vmem>>
    %dma_wait3A_321 = arith.constant 0 : i32
    %dma_wait3A_322 = arith.constant 0 : i32
    %dma_wait3A_323 = tpu.memref_slice %arg4[%dma_wait3A_321, %dma_wait3A_322] : memref<999936x16xf32, #tpu.memory_space<hbm>> -> memref<999936x16xf32, #tpu.memory_space<hbm>>
    tpu.wait_indirect_dma semaphore(%arg13 : memref<!tpu.dma_semaphore, #tpu.memory_space<semaphore_mem>>) src(%dma_wait3A_323 : memref<999936x16xf32, #tpu.memory_space<hbm>>) dst(%dma_wait3A_318 : memref<128x16xf32, #tpu.memory_space<vmem>>)
    %dma_wait3A_324 = arith.constant 256 : i32
    %dma_wait3A_325 = tpu.memref_slice %arg10[%dma_wait3A_324] : memref<2560xf32, #tpu.memory_space<vmem>> -> memref<128xf32, #tpu.memory_space<vmem>>
    %dma_wait3A_326 = arith.constant 256 : i32
    %dma_wait3A_327 = tpu.memref_slice %arg7[%dma_wait3A_326] : memref<2560xi32, #tpu.memory_space<vmem>> -> memref<128xi32, #tpu.memory_space<vmem>>
    %dma_wait3A_328 = arith.constant 0 : i32
    %dma_wait3A_329 = tpu.memref_slice %arg3[%dma_wait3A_328] : memref<1000000xf32, #tpu.memory_space<hbm>> -> memref<1000000xf32, #tpu.memory_space<hbm>>
    tpu.wait_indirect_dma semaphore(%arg14 : memref<!tpu.dma_semaphore, #tpu.memory_space<semaphore_mem>>) src(%dma_wait3A_329 : memref<1000000xf32, #tpu.memory_space<hbm>>) dst(%dma_wait3A_325 : memref<128xf32, #tpu.memory_space<vmem>>)
    %dma_wait3A_330 = arith.constant 384 : i32
    %dma_wait3A_331 = arith.constant 0 : i32
    %dma_wait3A_332 = tpu.memref_slice %arg9[%dma_wait3A_330, %dma_wait3A_331] : memref<2560x16xf32, #tpu.memory_space<vmem>> -> memref<128x16xf32, #tpu.memory_space<vmem>>
    %dma_wait3A_333 = arith.constant 384 : i32
    %dma_wait3A_334 = tpu.memref_slice %arg8[%dma_wait3A_333] : memref<2560xi32, #tpu.memory_space<vmem>> -> memref<128xi32, #tpu.memory_space<vmem>>
    %dma_wait3A_335 = arith.constant 0 : i32
    %dma_wait3A_336 = arith.constant 0 : i32
    %dma_wait3A_337 = tpu.memref_slice %arg4[%dma_wait3A_335, %dma_wait3A_336] : memref<999936x16xf32, #tpu.memory_space<hbm>> -> memref<999936x16xf32, #tpu.memory_space<hbm>>
    tpu.wait_indirect_dma semaphore(%arg13 : memref<!tpu.dma_semaphore, #tpu.memory_space<semaphore_mem>>) src(%dma_wait3A_337 : memref<999936x16xf32, #tpu.memory_space<hbm>>) dst(%dma_wait3A_332 : memref<128x16xf32, #tpu.memory_space<vmem>>)
    %dma_wait3A_338 = arith.constant 384 : i32
    %dma_wait3A_339 = tpu.memref_slice %arg10[%dma_wait3A_338] : memref<2560xf32, #tpu.memory_space<vmem>> -> memref<128xf32, #tpu.memory_space<vmem>>
    %dma_wait3A_340 = arith.constant 384 : i32
    %dma_wait3A_341 = tpu.memref_slice %arg7[%dma_wait3A_340] : memref<2560xi32, #tpu.memory_space<vmem>> -> memref<128xi32, #tpu.memory_space<vmem>>
    %dma_wait3A_342 = arith.constant 0 : i32
    %dma_wait3A_343 = tpu.memref_slice %arg3[%dma_wait3A_342] : memref<1000000xf32, #tpu.memory_space<hbm>> -> memref<1000000xf32, #tpu.memory_space<hbm>>
    tpu.wait_indirect_dma semaphore(%arg14 : memref<!tpu.dma_semaphore, #tpu.memory_space<semaphore_mem>>) src(%dma_wait3A_343 : memref<1000000xf32, #tpu.memory_space<hbm>>) dst(%dma_wait3A_339 : memref<128xf32, #tpu.memory_space<vmem>>)
    %dma_wait3A_344 = arith.constant 512 : i32
    %dma_wait3A_345 = arith.constant 0 : i32
    %dma_wait3A_346 = tpu.memref_slice %arg9[%dma_wait3A_344, %dma_wait3A_345] : memref<2560x16xf32, #tpu.memory_space<vmem>> -> memref<128x16xf32, #tpu.memory_space<vmem>>
    %dma_wait3A_347 = arith.constant 512 : i32
    %dma_wait3A_348 = tpu.memref_slice %arg8[%dma_wait3A_347] : memref<2560xi32, #tpu.memory_space<vmem>> -> memref<128xi32, #tpu.memory_space<vmem>>
    %dma_wait3A_349 = arith.constant 0 : i32
    %dma_wait3A_350 = arith.constant 0 : i32
    %dma_wait3A_351 = tpu.memref_slice %arg4[%dma_wait3A_349, %dma_wait3A_350] : memref<999936x16xf32, #tpu.memory_space<hbm>> -> memref<999936x16xf32, #tpu.memory_space<hbm>>
    tpu.wait_indirect_dma semaphore(%arg13 : memref<!tpu.dma_semaphore, #tpu.memory_space<semaphore_mem>>) src(%dma_wait3A_351 : memref<999936x16xf32, #tpu.memory_space<hbm>>) dst(%dma_wait3A_346 : memref<128x16xf32, #tpu.memory_space<vmem>>)
    %dma_wait3A_352 = arith.constant 512 : i32
    %dma_wait3A_353 = tpu.memref_slice %arg10[%dma_wait3A_352] : memref<2560xf32, #tpu.memory_space<vmem>> -> memref<128xf32, #tpu.memory_space<vmem>>
    %dma_wait3A_354 = arith.constant 512 : i32
    %dma_wait3A_355 = tpu.memref_slice %arg7[%dma_wait3A_354] : memref<2560xi32, #tpu.memory_space<vmem>> -> memref<128xi32, #tpu.memory_space<vmem>>
    %dma_wait3A_356 = arith.constant 0 : i32
    %dma_wait3A_357 = tpu.memref_slice %arg3[%dma_wait3A_356] : memref<1000000xf32, #tpu.memory_space<hbm>> -> memref<1000000xf32, #tpu.memory_space<hbm>>
    tpu.wait_indirect_dma semaphore(%arg14 : memref<!tpu.dma_semaphore, #tpu.memory_space<semaphore_mem>>) src(%dma_wait3A_357 : memref<1000000xf32, #tpu.memory_space<hbm>>) dst(%dma_wait3A_353 : memref<128xf32, #tpu.memory_space<vmem>>)
    %dma_wait3A_358 = arith.constant 640 : i32
    %dma_wait3A_359 = arith.constant 0 : i32
    %dma_wait3A_360 = tpu.memref_slice %arg9[%dma_wait3A_358, %dma_wait3A_359] : memref<2560x16xf32, #tpu.memory_space<vmem>> -> memref<128x16xf32, #tpu.memory_space<vmem>>
    %dma_wait3A_361 = arith.constant 640 : i32
    %dma_wait3A_362 = tpu.memref_slice %arg8[%dma_wait3A_361] : memref<2560xi32, #tpu.memory_space<vmem>> -> memref<128xi32, #tpu.memory_space<vmem>>
    %dma_wait3A_363 = arith.constant 0 : i32
    %dma_wait3A_364 = arith.constant 0 : i32
    %dma_wait3A_365 = tpu.memref_slice %arg4[%dma_wait3A_363, %dma_wait3A_364] : memref<999936x16xf32, #tpu.memory_space<hbm>> -> memref<999936x16xf32, #tpu.memory_space<hbm>>
    tpu.wait_indirect_dma semaphore(%arg13 : memref<!tpu.dma_semaphore, #tpu.memory_space<semaphore_mem>>) src(%dma_wait3A_365 : memref<999936x16xf32, #tpu.memory_space<hbm>>) dst(%dma_wait3A_360 : memref<128x16xf32, #tpu.memory_space<vmem>>)
    %dma_wait3A_366 = arith.constant 640 : i32
    %dma_wait3A_367 = tpu.memref_slice %arg10[%dma_wait3A_366] : memref<2560xf32, #tpu.memory_space<vmem>> -> memref<128xf32, #tpu.memory_space<vmem>>
    %dma_wait3A_368 = arith.constant 640 : i32
    %dma_wait3A_369 = tpu.memref_slice %arg7[%dma_wait3A_368] : memref<2560xi32, #tpu.memory_space<vmem>> -> memref<128xi32, #tpu.memory_space<vmem>>
    %dma_wait3A_370 = arith.constant 0 : i32
    %dma_wait3A_371 = tpu.memref_slice %arg3[%dma_wait3A_370] : memref<1000000xf32, #tpu.memory_space<hbm>> -> memref<1000000xf32, #tpu.memory_space<hbm>>
    tpu.wait_indirect_dma semaphore(%arg14 : memref<!tpu.dma_semaphore, #tpu.memory_space<semaphore_mem>>) src(%dma_wait3A_371 : memref<1000000xf32, #tpu.memory_space<hbm>>) dst(%dma_wait3A_367 : memref<128xf32, #tpu.memory_space<vmem>>)
    %dma_wait3A_372 = arith.constant 768 : i32
    %dma_wait3A_373 = arith.constant 0 : i32
    %dma_wait3A_374 = tpu.memref_slice %arg9[%dma_wait3A_372, %dma_wait3A_373] : memref<2560x16xf32, #tpu.memory_space<vmem>> -> memref<128x16xf32, #tpu.memory_space<vmem>>
    %dma_wait3A_375 = arith.constant 768 : i32
    %dma_wait3A_376 = tpu.memref_slice %arg8[%dma_wait3A_375] : memref<2560xi32, #tpu.memory_space<vmem>> -> memref<128xi32, #tpu.memory_space<vmem>>
    %dma_wait3A_377 = arith.constant 0 : i32
    %dma_wait3A_378 = arith.constant 0 : i32
    %dma_wait3A_379 = tpu.memref_slice %arg4[%dma_wait3A_377, %dma_wait3A_378] : memref<999936x16xf32, #tpu.memory_space<hbm>> -> memref<999936x16xf32, #tpu.memory_space<hbm>>
    tpu.wait_indirect_dma semaphore(%arg13 : memref<!tpu.dma_semaphore, #tpu.memory_space<semaphore_mem>>) src(%dma_wait3A_379 : memref<999936x16xf32, #tpu.memory_space<hbm>>) dst(%dma_wait3A_374 : memref<128x16xf32, #tpu.memory_space<vmem>>)
    %dma_wait3A_380 = arith.constant 768 : i32
    %dma_wait3A_381 = tpu.memref_slice %arg10[%dma_wait3A_380] : memref<2560xf32, #tpu.memory_space<vmem>> -> memref<128xf32, #tpu.memory_space<vmem>>
    %dma_wait3A_382 = arith.constant 768 : i32
    %dma_wait3A_383 = tpu.memref_slice %arg7[%dma_wait3A_382] : memref<2560xi32, #tpu.memory_space<vmem>> -> memref<128xi32, #tpu.memory_space<vmem>>
    %dma_wait3A_384 = arith.constant 0 : i32
    %dma_wait3A_385 = tpu.memref_slice %arg3[%dma_wait3A_384] : memref<1000000xf32, #tpu.memory_space<hbm>> -> memref<1000000xf32, #tpu.memory_space<hbm>>
    tpu.wait_indirect_dma semaphore(%arg14 : memref<!tpu.dma_semaphore, #tpu.memory_space<semaphore_mem>>) src(%dma_wait3A_385 : memref<1000000xf32, #tpu.memory_space<hbm>>) dst(%dma_wait3A_381 : memref<128xf32, #tpu.memory_space<vmem>>)
    %dma_wait3A_386 = arith.constant 896 : i32
    %dma_wait3A_387 = arith.constant 0 : i32
    %dma_wait3A_388 = tpu.memref_slice %arg9[%dma_wait3A_386, %dma_wait3A_387] : memref<2560x16xf32, #tpu.memory_space<vmem>> -> memref<128x16xf32, #tpu.memory_space<vmem>>
    %dma_wait3A_389 = arith.constant 896 : i32
    %dma_wait3A_390 = tpu.memref_slice %arg8[%dma_wait3A_389] : memref<2560xi32, #tpu.memory_space<vmem>> -> memref<128xi32, #tpu.memory_space<vmem>>
    %dma_wait3A_391 = arith.constant 0 : i32
    %dma_wait3A_392 = arith.constant 0 : i32
    %dma_wait3A_393 = tpu.memref_slice %arg4[%dma_wait3A_391, %dma_wait3A_392] : memref<999936x16xf32, #tpu.memory_space<hbm>> -> memref<999936x16xf32, #tpu.memory_space<hbm>>
    tpu.wait_indirect_dma semaphore(%arg13 : memref<!tpu.dma_semaphore, #tpu.memory_space<semaphore_mem>>) src(%dma_wait3A_393 : memref<999936x16xf32, #tpu.memory_space<hbm>>) dst(%dma_wait3A_388 : memref<128x16xf32, #tpu.memory_space<vmem>>)
    %dma_wait3A_394 = arith.constant 896 : i32
    %dma_wait3A_395 = tpu.memref_slice %arg10[%dma_wait3A_394] : memref<2560xf32, #tpu.memory_space<vmem>> -> memref<128xf32, #tpu.memory_space<vmem>>
    %dma_wait3A_396 = arith.constant 896 : i32
    %dma_wait3A_397 = tpu.memref_slice %arg7[%dma_wait3A_396] : memref<2560xi32, #tpu.memory_space<vmem>> -> memref<128xi32, #tpu.memory_space<vmem>>
    %dma_wait3A_398 = arith.constant 0 : i32
    %dma_wait3A_399 = tpu.memref_slice %arg3[%dma_wait3A_398] : memref<1000000xf32, #tpu.memory_space<hbm>> -> memref<1000000xf32, #tpu.memory_space<hbm>>
    tpu.wait_indirect_dma semaphore(%arg14 : memref<!tpu.dma_semaphore, #tpu.memory_space<semaphore_mem>>) src(%dma_wait3A_399 : memref<1000000xf32, #tpu.memory_space<hbm>>) dst(%dma_wait3A_395 : memref<128xf32, #tpu.memory_space<vmem>>)
    %dma_wait3A_400 = arith.constant 1024 : i32
    %dma_wait3A_401 = arith.constant 0 : i32
    %dma_wait3A_402 = tpu.memref_slice %arg9[%dma_wait3A_400, %dma_wait3A_401] : memref<2560x16xf32, #tpu.memory_space<vmem>> -> memref<128x16xf32, #tpu.memory_space<vmem>>
    %dma_wait3A_403 = arith.constant 1024 : i32
    %dma_wait3A_404 = tpu.memref_slice %arg8[%dma_wait3A_403] : memref<2560xi32, #tpu.memory_space<vmem>> -> memref<128xi32, #tpu.memory_space<vmem>>
    %dma_wait3A_405 = arith.constant 0 : i32
    %dma_wait3A_406 = arith.constant 0 : i32
    %dma_wait3A_407 = tpu.memref_slice %arg4[%dma_wait3A_405, %dma_wait3A_406] : memref<999936x16xf32, #tpu.memory_space<hbm>> -> memref<999936x16xf32, #tpu.memory_space<hbm>>
    tpu.wait_indirect_dma semaphore(%arg13 : memref<!tpu.dma_semaphore, #tpu.memory_space<semaphore_mem>>) src(%dma_wait3A_407 : memref<999936x16xf32, #tpu.memory_space<hbm>>) dst(%dma_wait3A_402 : memref<128x16xf32, #tpu.memory_space<vmem>>)
    %dma_wait3A_408 = arith.constant 1024 : i32
    %dma_wait3A_409 = tpu.memref_slice %arg10[%dma_wait3A_408] : memref<2560xf32, #tpu.memory_space<vmem>> -> memref<128xf32, #tpu.memory_space<vmem>>
    %dma_wait3A_410 = arith.constant 1024 : i32
    %dma_wait3A_411 = tpu.memref_slice %arg7[%dma_wait3A_410] : memref<2560xi32, #tpu.memory_space<vmem>> -> memref<128xi32, #tpu.memory_space<vmem>>
    %dma_wait3A_412 = arith.constant 0 : i32
    %dma_wait3A_413 = tpu.memref_slice %arg3[%dma_wait3A_412] : memref<1000000xf32, #tpu.memory_space<hbm>> -> memref<1000000xf32, #tpu.memory_space<hbm>>
    tpu.wait_indirect_dma semaphore(%arg14 : memref<!tpu.dma_semaphore, #tpu.memory_space<semaphore_mem>>) src(%dma_wait3A_413 : memref<1000000xf32, #tpu.memory_space<hbm>>) dst(%dma_wait3A_409 : memref<128xf32, #tpu.memory_space<vmem>>)
    %dma_wait3A_414 = arith.constant 1152 : i32
    %dma_wait3A_415 = arith.constant 0 : i32
    %dma_wait3A_416 = tpu.memref_slice %arg9[%dma_wait3A_414, %dma_wait3A_415] : memref<2560x16xf32, #tpu.memory_space<vmem>> -> memref<128x16xf32, #tpu.memory_space<vmem>>
    %dma_wait3A_417 = arith.constant 1152 : i32
    %dma_wait3A_418 = tpu.memref_slice %arg8[%dma_wait3A_417] : memref<2560xi32, #tpu.memory_space<vmem>> -> memref<128xi32, #tpu.memory_space<vmem>>
    %dma_wait3A_419 = arith.constant 0 : i32
    %dma_wait3A_420 = arith.constant 0 : i32
    %dma_wait3A_421 = tpu.memref_slice %arg4[%dma_wait3A_419, %dma_wait3A_420] : memref<999936x16xf32, #tpu.memory_space<hbm>> -> memref<999936x16xf32, #tpu.memory_space<hbm>>
    tpu.wait_indirect_dma semaphore(%arg13 : memref<!tpu.dma_semaphore, #tpu.memory_space<semaphore_mem>>) src(%dma_wait3A_421 : memref<999936x16xf32, #tpu.memory_space<hbm>>) dst(%dma_wait3A_416 : memref<128x16xf32, #tpu.memory_space<vmem>>)
    %dma_wait3A_422 = arith.constant 1152 : i32
    %dma_wait3A_423 = tpu.memref_slice %arg10[%dma_wait3A_422] : memref<2560xf32, #tpu.memory_space<vmem>> -> memref<128xf32, #tpu.memory_space<vmem>>
    %dma_wait3A_424 = arith.constant 1152 : i32
    %dma_wait3A_425 = tpu.memref_slice %arg7[%dma_wait3A_424] : memref<2560xi32, #tpu.memory_space<vmem>> -> memref<128xi32, #tpu.memory_space<vmem>>
    %dma_wait3A_426 = arith.constant 0 : i32
    %dma_wait3A_427 = tpu.memref_slice %arg3[%dma_wait3A_426] : memref<1000000xf32, #tpu.memory_space<hbm>> -> memref<1000000xf32, #tpu.memory_space<hbm>>
    tpu.wait_indirect_dma semaphore(%arg14 : memref<!tpu.dma_semaphore, #tpu.memory_space<semaphore_mem>>) src(%dma_wait3A_427 : memref<1000000xf32, #tpu.memory_space<hbm>>) dst(%dma_wait3A_423 : memref<128xf32, #tpu.memory_space<vmem>>)
    %dma_wait3A_428 = arith.constant 1280 : i32
    %dma_wait3A_429 = arith.constant 0 : i32
    %dma_wait3A_430 = tpu.memref_slice %arg9[%dma_wait3A_428, %dma_wait3A_429] : memref<2560x16xf32, #tpu.memory_space<vmem>> -> memref<128x16xf32, #tpu.memory_space<vmem>>
    %dma_wait3A_431 = arith.constant 1280 : i32
    %dma_wait3A_432 = tpu.memref_slice %arg8[%dma_wait3A_431] : memref<2560xi32, #tpu.memory_space<vmem>> -> memref<128xi32, #tpu.memory_space<vmem>>
    %dma_wait3A_433 = arith.constant 0 : i32
    %dma_wait3A_434 = arith.constant 0 : i32
    %dma_wait3A_435 = tpu.memref_slice %arg4[%dma_wait3A_433, %dma_wait3A_434] : memref<999936x16xf32, #tpu.memory_space<hbm>> -> memref<999936x16xf32, #tpu.memory_space<hbm>>
    tpu.wait_indirect_dma semaphore(%arg13 : memref<!tpu.dma_semaphore, #tpu.memory_space<semaphore_mem>>) src(%dma_wait3A_435 : memref<999936x16xf32, #tpu.memory_space<hbm>>) dst(%dma_wait3A_430 : memref<128x16xf32, #tpu.memory_space<vmem>>)
    %dma_wait3A_436 = arith.constant 1280 : i32
    %dma_wait3A_437 = tpu.memref_slice %arg10[%dma_wait3A_436] : memref<2560xf32, #tpu.memory_space<vmem>> -> memref<128xf32, #tpu.memory_space<vmem>>
    %dma_wait3A_438 = arith.constant 1280 : i32
    %dma_wait3A_439 = tpu.memref_slice %arg7[%dma_wait3A_438] : memref<2560xi32, #tpu.memory_space<vmem>> -> memref<128xi32, #tpu.memory_space<vmem>>
    %dma_wait3A_440 = arith.constant 0 : i32
    %dma_wait3A_441 = tpu.memref_slice %arg3[%dma_wait3A_440] : memref<1000000xf32, #tpu.memory_space<hbm>> -> memref<1000000xf32, #tpu.memory_space<hbm>>
    tpu.wait_indirect_dma semaphore(%arg14 : memref<!tpu.dma_semaphore, #tpu.memory_space<semaphore_mem>>) src(%dma_wait3A_441 : memref<1000000xf32, #tpu.memory_space<hbm>>) dst(%dma_wait3A_437 : memref<128xf32, #tpu.memory_space<vmem>>)
    %dma_wait3A_442 = arith.constant 1408 : i32
    %dma_wait3A_443 = arith.constant 0 : i32
    %dma_wait3A_444 = tpu.memref_slice %arg9[%dma_wait3A_442, %dma_wait3A_443] : memref<2560x16xf32, #tpu.memory_space<vmem>> -> memref<128x16xf32, #tpu.memory_space<vmem>>
    %dma_wait3A_445 = arith.constant 1408 : i32
    %dma_wait3A_446 = tpu.memref_slice %arg8[%dma_wait3A_445] : memref<2560xi32, #tpu.memory_space<vmem>> -> memref<128xi32, #tpu.memory_space<vmem>>
    %dma_wait3A_447 = arith.constant 0 : i32
    %dma_wait3A_448 = arith.constant 0 : i32
    %dma_wait3A_449 = tpu.memref_slice %arg4[%dma_wait3A_447, %dma_wait3A_448] : memref<999936x16xf32, #tpu.memory_space<hbm>> -> memref<999936x16xf32, #tpu.memory_space<hbm>>
    tpu.wait_indirect_dma semaphore(%arg13 : memref<!tpu.dma_semaphore, #tpu.memory_space<semaphore_mem>>) src(%dma_wait3A_449 : memref<999936x16xf32, #tpu.memory_space<hbm>>) dst(%dma_wait3A_444 : memref<128x16xf32, #tpu.memory_space<vmem>>)
    %dma_wait3A_450 = arith.constant 1408 : i32
    %dma_wait3A_451 = tpu.memref_slice %arg10[%dma_wait3A_450] : memref<2560xf32, #tpu.memory_space<vmem>> -> memref<128xf32, #tpu.memory_space<vmem>>
    %dma_wait3A_452 = arith.constant 1408 : i32
    %dma_wait3A_453 = tpu.memref_slice %arg7[%dma_wait3A_452] : memref<2560xi32, #tpu.memory_space<vmem>> -> memref<128xi32, #tpu.memory_space<vmem>>
    %dma_wait3A_454 = arith.constant 0 : i32
    %dma_wait3A_455 = tpu.memref_slice %arg3[%dma_wait3A_454] : memref<1000000xf32, #tpu.memory_space<hbm>> -> memref<1000000xf32, #tpu.memory_space<hbm>>
    tpu.wait_indirect_dma semaphore(%arg14 : memref<!tpu.dma_semaphore, #tpu.memory_space<semaphore_mem>>) src(%dma_wait3A_455 : memref<1000000xf32, #tpu.memory_space<hbm>>) dst(%dma_wait3A_451 : memref<128xf32, #tpu.memory_space<vmem>>)
    %dma_wait3A_456 = arith.constant 1536 : i32
    %dma_wait3A_457 = arith.constant 0 : i32
    %dma_wait3A_458 = tpu.memref_slice %arg9[%dma_wait3A_456, %dma_wait3A_457] : memref<2560x16xf32, #tpu.memory_space<vmem>> -> memref<128x16xf32, #tpu.memory_space<vmem>>
    %dma_wait3A_459 = arith.constant 1536 : i32
    %dma_wait3A_460 = tpu.memref_slice %arg8[%dma_wait3A_459] : memref<2560xi32, #tpu.memory_space<vmem>> -> memref<128xi32, #tpu.memory_space<vmem>>
    %dma_wait3A_461 = arith.constant 0 : i32
    %dma_wait3A_462 = arith.constant 0 : i32
    %dma_wait3A_463 = tpu.memref_slice %arg4[%dma_wait3A_461, %dma_wait3A_462] : memref<999936x16xf32, #tpu.memory_space<hbm>> -> memref<999936x16xf32, #tpu.memory_space<hbm>>
    tpu.wait_indirect_dma semaphore(%arg13 : memref<!tpu.dma_semaphore, #tpu.memory_space<semaphore_mem>>) src(%dma_wait3A_463 : memref<999936x16xf32, #tpu.memory_space<hbm>>) dst(%dma_wait3A_458 : memref<128x16xf32, #tpu.memory_space<vmem>>)
    %dma_wait3A_464 = arith.constant 1536 : i32
    %dma_wait3A_465 = tpu.memref_slice %arg10[%dma_wait3A_464] : memref<2560xf32, #tpu.memory_space<vmem>> -> memref<128xf32, #tpu.memory_space<vmem>>
    %dma_wait3A_466 = arith.constant 1536 : i32
    %dma_wait3A_467 = tpu.memref_slice %arg7[%dma_wait3A_466] : memref<2560xi32, #tpu.memory_space<vmem>> -> memref<128xi32, #tpu.memory_space<vmem>>
    %dma_wait3A_468 = arith.constant 0 : i32
    %dma_wait3A_469 = tpu.memref_slice %arg3[%dma_wait3A_468] : memref<1000000xf32, #tpu.memory_space<hbm>> -> memref<1000000xf32, #tpu.memory_space<hbm>>
    tpu.wait_indirect_dma semaphore(%arg14 : memref<!tpu.dma_semaphore, #tpu.memory_space<semaphore_mem>>) src(%dma_wait3A_469 : memref<1000000xf32, #tpu.memory_space<hbm>>) dst(%dma_wait3A_465 : memref<128xf32, #tpu.memory_space<vmem>>)
    %dma_wait3A_470 = arith.constant 1664 : i32
    %dma_wait3A_471 = arith.constant 0 : i32
    %dma_wait3A_472 = tpu.memref_slice %arg9[%dma_wait3A_470, %dma_wait3A_471] : memref<2560x16xf32, #tpu.memory_space<vmem>> -> memref<128x16xf32, #tpu.memory_space<vmem>>
    %dma_wait3A_473 = arith.constant 1664 : i32
    %dma_wait3A_474 = tpu.memref_slice %arg8[%dma_wait3A_473] : memref<2560xi32, #tpu.memory_space<vmem>> -> memref<128xi32, #tpu.memory_space<vmem>>
    %dma_wait3A_475 = arith.constant 0 : i32
    %dma_wait3A_476 = arith.constant 0 : i32
    %dma_wait3A_477 = tpu.memref_slice %arg4[%dma_wait3A_475, %dma_wait3A_476] : memref<999936x16xf32, #tpu.memory_space<hbm>> -> memref<999936x16xf32, #tpu.memory_space<hbm>>
    tpu.wait_indirect_dma semaphore(%arg13 : memref<!tpu.dma_semaphore, #tpu.memory_space<semaphore_mem>>) src(%dma_wait3A_477 : memref<999936x16xf32, #tpu.memory_space<hbm>>) dst(%dma_wait3A_472 : memref<128x16xf32, #tpu.memory_space<vmem>>)
    %dma_wait3A_478 = arith.constant 1664 : i32
    %dma_wait3A_479 = tpu.memref_slice %arg10[%dma_wait3A_478] : memref<2560xf32, #tpu.memory_space<vmem>> -> memref<128xf32, #tpu.memory_space<vmem>>
    %dma_wait3A_480 = arith.constant 1664 : i32
    %dma_wait3A_481 = tpu.memref_slice %arg7[%dma_wait3A_480] : memref<2560xi32, #tpu.memory_space<vmem>> -> memref<128xi32, #tpu.memory_space<vmem>>
    %dma_wait3A_482 = arith.constant 0 : i32
    %dma_wait3A_483 = tpu.memref_slice %arg3[%dma_wait3A_482] : memref<1000000xf32, #tpu.memory_space<hbm>> -> memref<1000000xf32, #tpu.memory_space<hbm>>
    tpu.wait_indirect_dma semaphore(%arg14 : memref<!tpu.dma_semaphore, #tpu.memory_space<semaphore_mem>>) src(%dma_wait3A_483 : memref<1000000xf32, #tpu.memory_space<hbm>>) dst(%dma_wait3A_479 : memref<128xf32, #tpu.memory_space<vmem>>)
    %dma_wait3A_484 = arith.constant 1792 : i32
    %dma_wait3A_485 = arith.constant 0 : i32
    %dma_wait3A_486 = tpu.memref_slice %arg9[%dma_wait3A_484, %dma_wait3A_485] : memref<2560x16xf32, #tpu.memory_space<vmem>> -> memref<128x16xf32, #tpu.memory_space<vmem>>
    %dma_wait3A_487 = arith.constant 1792 : i32
    %dma_wait3A_488 = tpu.memref_slice %arg8[%dma_wait3A_487] : memref<2560xi32, #tpu.memory_space<vmem>> -> memref<128xi32, #tpu.memory_space<vmem>>
    %dma_wait3A_489 = arith.constant 0 : i32
    %dma_wait3A_490 = arith.constant 0 : i32
    %dma_wait3A_491 = tpu.memref_slice %arg4[%dma_wait3A_489, %dma_wait3A_490] : memref<999936x16xf32, #tpu.memory_space<hbm>> -> memref<999936x16xf32, #tpu.memory_space<hbm>>
    tpu.wait_indirect_dma semaphore(%arg13 : memref<!tpu.dma_semaphore, #tpu.memory_space<semaphore_mem>>) src(%dma_wait3A_491 : memref<999936x16xf32, #tpu.memory_space<hbm>>) dst(%dma_wait3A_486 : memref<128x16xf32, #tpu.memory_space<vmem>>)
    %dma_wait3A_492 = arith.constant 1792 : i32
    %dma_wait3A_493 = tpu.memref_slice %arg10[%dma_wait3A_492] : memref<2560xf32, #tpu.memory_space<vmem>> -> memref<128xf32, #tpu.memory_space<vmem>>
    %dma_wait3A_494 = arith.constant 1792 : i32
    %dma_wait3A_495 = tpu.memref_slice %arg7[%dma_wait3A_494] : memref<2560xi32, #tpu.memory_space<vmem>> -> memref<128xi32, #tpu.memory_space<vmem>>
    %dma_wait3A_496 = arith.constant 0 : i32
    %dma_wait3A_497 = tpu.memref_slice %arg3[%dma_wait3A_496] : memref<1000000xf32, #tpu.memory_space<hbm>> -> memref<1000000xf32, #tpu.memory_space<hbm>>
    tpu.wait_indirect_dma semaphore(%arg14 : memref<!tpu.dma_semaphore, #tpu.memory_space<semaphore_mem>>) src(%dma_wait3A_497 : memref<1000000xf32, #tpu.memory_space<hbm>>) dst(%dma_wait3A_493 : memref<128xf32, #tpu.memory_space<vmem>>)
    %dma_wait3A_498 = arith.constant 1920 : i32
    %dma_wait3A_499 = arith.constant 0 : i32
    %dma_wait3A_500 = tpu.memref_slice %arg9[%dma_wait3A_498, %dma_wait3A_499] : memref<2560x16xf32, #tpu.memory_space<vmem>> -> memref<128x16xf32, #tpu.memory_space<vmem>>
    %dma_wait3A_501 = arith.constant 1920 : i32
    %dma_wait3A_502 = tpu.memref_slice %arg8[%dma_wait3A_501] : memref<2560xi32, #tpu.memory_space<vmem>> -> memref<128xi32, #tpu.memory_space<vmem>>
    %dma_wait3A_503 = arith.constant 0 : i32
    %dma_wait3A_504 = arith.constant 0 : i32
    %dma_wait3A_505 = tpu.memref_slice %arg4[%dma_wait3A_503, %dma_wait3A_504] : memref<999936x16xf32, #tpu.memory_space<hbm>> -> memref<999936x16xf32, #tpu.memory_space<hbm>>
    tpu.wait_indirect_dma semaphore(%arg13 : memref<!tpu.dma_semaphore, #tpu.memory_space<semaphore_mem>>) src(%dma_wait3A_505 : memref<999936x16xf32, #tpu.memory_space<hbm>>) dst(%dma_wait3A_500 : memref<128x16xf32, #tpu.memory_space<vmem>>)
    %dma_wait3A_506 = arith.constant 1920 : i32
    %dma_wait3A_507 = tpu.memref_slice %arg10[%dma_wait3A_506] : memref<2560xf32, #tpu.memory_space<vmem>> -> memref<128xf32, #tpu.memory_space<vmem>>
    %dma_wait3A_508 = arith.constant 1920 : i32
    %dma_wait3A_509 = tpu.memref_slice %arg7[%dma_wait3A_508] : memref<2560xi32, #tpu.memory_space<vmem>> -> memref<128xi32, #tpu.memory_space<vmem>>
    %dma_wait3A_510 = arith.constant 0 : i32
    %dma_wait3A_511 = tpu.memref_slice %arg3[%dma_wait3A_510] : memref<1000000xf32, #tpu.memory_space<hbm>> -> memref<1000000xf32, #tpu.memory_space<hbm>>
    tpu.wait_indirect_dma semaphore(%arg14 : memref<!tpu.dma_semaphore, #tpu.memory_space<semaphore_mem>>) src(%dma_wait3A_511 : memref<1000000xf32, #tpu.memory_space<hbm>>) dst(%dma_wait3A_507 : memref<128xf32, #tpu.memory_space<vmem>>)
    %dma_wait3A_512 = arith.constant 2048 : i32
    %dma_wait3A_513 = arith.constant 0 : i32
    %dma_wait3A_514 = tpu.memref_slice %arg9[%dma_wait3A_512, %dma_wait3A_513] : memref<2560x16xf32, #tpu.memory_space<vmem>> -> memref<128x16xf32, #tpu.memory_space<vmem>>
    %dma_wait3A_515 = arith.constant 2048 : i32
    %dma_wait3A_516 = tpu.memref_slice %arg8[%dma_wait3A_515] : memref<2560xi32, #tpu.memory_space<vmem>> -> memref<128xi32, #tpu.memory_space<vmem>>
    %dma_wait3A_517 = arith.constant 0 : i32
    %dma_wait3A_518 = arith.constant 0 : i32
    %dma_wait3A_519 = tpu.memref_slice %arg4[%dma_wait3A_517, %dma_wait3A_518] : memref<999936x16xf32, #tpu.memory_space<hbm>> -> memref<999936x16xf32, #tpu.memory_space<hbm>>
    tpu.wait_indirect_dma semaphore(%arg13 : memref<!tpu.dma_semaphore, #tpu.memory_space<semaphore_mem>>) src(%dma_wait3A_519 : memref<999936x16xf32, #tpu.memory_space<hbm>>) dst(%dma_wait3A_514 : memref<128x16xf32, #tpu.memory_space<vmem>>)
    %dma_wait3A_520 = arith.constant 2048 : i32
    %dma_wait3A_521 = tpu.memref_slice %arg10[%dma_wait3A_520] : memref<2560xf32, #tpu.memory_space<vmem>> -> memref<128xf32, #tpu.memory_space<vmem>>
    %dma_wait3A_522 = arith.constant 2048 : i32
    %dma_wait3A_523 = tpu.memref_slice %arg7[%dma_wait3A_522] : memref<2560xi32, #tpu.memory_space<vmem>> -> memref<128xi32, #tpu.memory_space<vmem>>
    %dma_wait3A_524 = arith.constant 0 : i32
    %dma_wait3A_525 = tpu.memref_slice %arg3[%dma_wait3A_524] : memref<1000000xf32, #tpu.memory_space<hbm>> -> memref<1000000xf32, #tpu.memory_space<hbm>>
    tpu.wait_indirect_dma semaphore(%arg14 : memref<!tpu.dma_semaphore, #tpu.memory_space<semaphore_mem>>) src(%dma_wait3A_525 : memref<1000000xf32, #tpu.memory_space<hbm>>) dst(%dma_wait3A_521 : memref<128xf32, #tpu.memory_space<vmem>>)
    %dma_wait3A_526 = arith.constant 2176 : i32
    %dma_wait3A_527 = arith.constant 0 : i32
    %dma_wait3A_528 = tpu.memref_slice %arg9[%dma_wait3A_526, %dma_wait3A_527] : memref<2560x16xf32, #tpu.memory_space<vmem>> -> memref<128x16xf32, #tpu.memory_space<vmem>>
    %dma_wait3A_529 = arith.constant 2176 : i32
    %dma_wait3A_530 = tpu.memref_slice %arg8[%dma_wait3A_529] : memref<2560xi32, #tpu.memory_space<vmem>> -> memref<128xi32, #tpu.memory_space<vmem>>
    %dma_wait3A_531 = arith.constant 0 : i32
    %dma_wait3A_532 = arith.constant 0 : i32
    %dma_wait3A_533 = tpu.memref_slice %arg4[%dma_wait3A_531, %dma_wait3A_532] : memref<999936x16xf32, #tpu.memory_space<hbm>> -> memref<999936x16xf32, #tpu.memory_space<hbm>>
    tpu.wait_indirect_dma semaphore(%arg13 : memref<!tpu.dma_semaphore, #tpu.memory_space<semaphore_mem>>) src(%dma_wait3A_533 : memref<999936x16xf32, #tpu.memory_space<hbm>>) dst(%dma_wait3A_528 : memref<128x16xf32, #tpu.memory_space<vmem>>)
    %dma_wait3A_534 = arith.constant 2176 : i32
    %dma_wait3A_535 = tpu.memref_slice %arg10[%dma_wait3A_534] : memref<2560xf32, #tpu.memory_space<vmem>> -> memref<128xf32, #tpu.memory_space<vmem>>
    %dma_wait3A_536 = arith.constant 2176 : i32
    %dma_wait3A_537 = tpu.memref_slice %arg7[%dma_wait3A_536] : memref<2560xi32, #tpu.memory_space<vmem>> -> memref<128xi32, #tpu.memory_space<vmem>>
    %dma_wait3A_538 = arith.constant 0 : i32
    %dma_wait3A_539 = tpu.memref_slice %arg3[%dma_wait3A_538] : memref<1000000xf32, #tpu.memory_space<hbm>> -> memref<1000000xf32, #tpu.memory_space<hbm>>
    tpu.wait_indirect_dma semaphore(%arg14 : memref<!tpu.dma_semaphore, #tpu.memory_space<semaphore_mem>>) src(%dma_wait3A_539 : memref<1000000xf32, #tpu.memory_space<hbm>>) dst(%dma_wait3A_535 : memref<128xf32, #tpu.memory_space<vmem>>)
    %dma_wait3A_540 = arith.constant 2304 : i32
    %dma_wait3A_541 = arith.constant 0 : i32
    %dma_wait3A_542 = tpu.memref_slice %arg9[%dma_wait3A_540, %dma_wait3A_541] : memref<2560x16xf32, #tpu.memory_space<vmem>> -> memref<128x16xf32, #tpu.memory_space<vmem>>
    %dma_wait3A_543 = arith.constant 2304 : i32
    %dma_wait3A_544 = tpu.memref_slice %arg8[%dma_wait3A_543] : memref<2560xi32, #tpu.memory_space<vmem>> -> memref<128xi32, #tpu.memory_space<vmem>>
    %dma_wait3A_545 = arith.constant 0 : i32
    %dma_wait3A_546 = arith.constant 0 : i32
    %dma_wait3A_547 = tpu.memref_slice %arg4[%dma_wait3A_545, %dma_wait3A_546] : memref<999936x16xf32, #tpu.memory_space<hbm>> -> memref<999936x16xf32, #tpu.memory_space<hbm>>
    tpu.wait_indirect_dma semaphore(%arg13 : memref<!tpu.dma_semaphore, #tpu.memory_space<semaphore_mem>>) src(%dma_wait3A_547 : memref<999936x16xf32, #tpu.memory_space<hbm>>) dst(%dma_wait3A_542 : memref<128x16xf32, #tpu.memory_space<vmem>>)
    %dma_wait3A_548 = arith.constant 2304 : i32
    %dma_wait3A_549 = tpu.memref_slice %arg10[%dma_wait3A_548] : memref<2560xf32, #tpu.memory_space<vmem>> -> memref<128xf32, #tpu.memory_space<vmem>>
    %dma_wait3A_550 = arith.constant 2304 : i32
    %dma_wait3A_551 = tpu.memref_slice %arg7[%dma_wait3A_550] : memref<2560xi32, #tpu.memory_space<vmem>> -> memref<128xi32, #tpu.memory_space<vmem>>
    %dma_wait3A_552 = arith.constant 0 : i32
    %dma_wait3A_553 = tpu.memref_slice %arg3[%dma_wait3A_552] : memref<1000000xf32, #tpu.memory_space<hbm>> -> memref<1000000xf32, #tpu.memory_space<hbm>>
    tpu.wait_indirect_dma semaphore(%arg14 : memref<!tpu.dma_semaphore, #tpu.memory_space<semaphore_mem>>) src(%dma_wait3A_553 : memref<1000000xf32, #tpu.memory_space<hbm>>) dst(%dma_wait3A_549 : memref<128xf32, #tpu.memory_space<vmem>>)
    %dma_wait3A_554 = arith.constant 2432 : i32
    %dma_wait3A_555 = arith.constant 0 : i32
    %dma_wait3A_556 = tpu.memref_slice %arg9[%dma_wait3A_554, %dma_wait3A_555] : memref<2560x16xf32, #tpu.memory_space<vmem>> -> memref<128x16xf32, #tpu.memory_space<vmem>>
    %dma_wait3A_557 = arith.constant 2432 : i32
    %dma_wait3A_558 = tpu.memref_slice %arg8[%dma_wait3A_557] : memref<2560xi32, #tpu.memory_space<vmem>> -> memref<128xi32, #tpu.memory_space<vmem>>
    %dma_wait3A_559 = arith.constant 0 : i32
    %dma_wait3A_560 = arith.constant 0 : i32
    %dma_wait3A_561 = tpu.memref_slice %arg4[%dma_wait3A_559, %dma_wait3A_560] : memref<999936x16xf32, #tpu.memory_space<hbm>> -> memref<999936x16xf32, #tpu.memory_space<hbm>>
    tpu.wait_indirect_dma semaphore(%arg13 : memref<!tpu.dma_semaphore, #tpu.memory_space<semaphore_mem>>) src(%dma_wait3A_561 : memref<999936x16xf32, #tpu.memory_space<hbm>>) dst(%dma_wait3A_556 : memref<128x16xf32, #tpu.memory_space<vmem>>)
    %dma_wait3A_562 = arith.constant 2432 : i32
    %dma_wait3A_563 = tpu.memref_slice %arg10[%dma_wait3A_562] : memref<2560xf32, #tpu.memory_space<vmem>> -> memref<128xf32, #tpu.memory_space<vmem>>
    %dma_wait3A_564 = arith.constant 2432 : i32
    %dma_wait3A_565 = tpu.memref_slice %arg7[%dma_wait3A_564] : memref<2560xi32, #tpu.memory_space<vmem>> -> memref<128xi32, #tpu.memory_space<vmem>>
    %dma_wait3A_566 = arith.constant 0 : i32
    %dma_wait3A_567 = tpu.memref_slice %arg3[%dma_wait3A_566] : memref<1000000xf32, #tpu.memory_space<hbm>> -> memref<1000000xf32, #tpu.memory_space<hbm>>
    tpu.wait_indirect_dma semaphore(%arg14 : memref<!tpu.dma_semaphore, #tpu.memory_space<semaphore_mem>>) src(%dma_wait3A_567 : memref<1000000xf32, #tpu.memory_space<hbm>>) dst(%dma_wait3A_563 : memref<128xf32, #tpu.memory_space<vmem>>)
    %scan3A_568 = arith.constant 0 : i32
    %scan3A_569 = arith.constant 0 : i32
    %scan3A_570 = arith.constant 160 : i32
    %scan3A_571 = arith.addi %scan3A_569, %scan3A_570 : i32
    %scan3A_572 = arith.constant 1 : i32
    scf.for %scan3A_584 = %scan3A_569 to %scan3A_571 step %scan3A_572  : i32 {
      %mul3A_585 = arith.constant 16 : i32
      %mul3A_586 = arith.muli %scan3A_584, %mul3A_585 : i32
      %get3A = arith.index_cast %mul3A_586 : i32 to index
      %get3A_587 = tpu.vector_load %arg7[%get3A] {strides = array<i32>} : memref<2560xi32, #tpu.memory_space<vmem>>, vector<16xi32>,
      %ge3A = arith.constant 999936 : i32
      %ge3A_588 = vector.broadcast %ge3A : i32 to vector<16xi32>
      %ge3A_589 = arith.cmpi sge, %get3A_587, %ge3A_588 : vector<16xi32>
      %reduce_or3A = arith.constant 1.000000e+00 : f32
      %reduce_or3A_590 = arith.constant 0.000000e+00 : f32
      %reduce_or3A_591 = vector.broadcast %reduce_or3A : f32 to vector<16xf32>
      %reduce_or3A_592 = vector.broadcast %reduce_or3A_590 : f32 to vector<16xf32>
      %reduce_or3A_593 = arith.select %ge3A_589, %reduce_or3A_591, %reduce_or3A_592 : vector<16xi1>, vector<16xf32>
      %reduce_or3A_594 = arith.constant true
      %reduce_or3A_595 = vector.broadcast %reduce_or3A_594 : i1 to vector<16xi1>
      %reduce_or3A_596 = tpu.scan <max>, %reduce_or3A_593 masked %reduce_or3A_595 : vector<16xf32>, vector<16xi1> -> vector<16xf32>
      %reduce_or3A_597 = vector.extract %reduce_or3A_596[15] : f32 from vector<16xf32>
      %reduce_or3A_598 = arith.constant 0.000000e+00 : f32
      %reduce_or3A_599 = arith.cmpf ogt, %reduce_or3A_597, %reduce_or3A_598 : f32
      %convert_element_type3A = arith.extui %reduce_or3A_599 : i1 to i32
      %cond3A = arith.constant 0 : i32
      %cond3A_600 = arith.cmpi ne, %convert_element_type3A, %cond3A : i32
      scf.if %cond3A_600 {
        %sub3A = arith.constant 999936 : i32
        %sub3A_601 = vector.broadcast %sub3A : i32 to vector<16xi32>
        %sub3A_602 = arith.subi %get3A_587, %sub3A_601 : vector<16xi32>
        %jit3A = arith.constant 0 : i32
        %jit3A_603 = arith.constant 63 : i32
        %max3A = vector.broadcast %jit3A : i32 to vector<16xi32>
        %max3A_604 = arith.maxsi %max3A, %sub3A_602 : vector<16xi32>
        %min3A = vector.broadcast %jit3A_603 : i32 to vector<16xi32>
        %min3A_605 = arith.minsi %min3A, %max3A_604 : vector<16xi32>
        %mul3A_606 = arith.constant 16 : i32
        %mul3A_607 = arith.muli %scan3A_584, %mul3A_606 : i32
        %add3A_608 = vector.broadcast %mul3A_607 : i32 to vector<16xi32>
        %add3A_609 = arith.addi %iota3A, %add3A_608 : vector<16xi32>
        %broadcast_in_dim3A_610 = arith.constant 0 : i32
        %broadcast_in_dim3A_611 = vector.broadcast %broadcast_in_dim3A_610 : i32 to vector<16xi32>
        %gather3A = tpu.vector_load_idx %arg11[%min3A_605, %broadcast_in_dim3A_611] masked %ge3A_589 : memref<64x16xf32, #tpu.memory_space<vmem>>[vector<16xi32>, vector<16xi32>], vector<16xf32>, vector<16xi1>
        tpu.vector_store_idx %arg9[%add3A_609, %broadcast_in_dim3A_611], %gather3A masked %ge3A_589 : memref<2560x16xf32, #tpu.memory_space<vmem>>[vector<16xi32>, vector<16xi32>], vector<16xf32>, vector<16xi1>
        %broadcast_in_dim3A_612 = arith.constant 1 : i32
        %broadcast_in_dim3A_613 = vector.broadcast %broadcast_in_dim3A_612 : i32 to vector<16xi32>
        %gather3A_614 = tpu.vector_load_idx %arg11[%min3A_605, %broadcast_in_dim3A_613] masked %ge3A_589 : memref<64x16xf32, #tpu.memory_space<vmem>>[vector<16xi32>, vector<16xi32>], vector<16xf32>, vector<16xi1>
        tpu.vector_store_idx %arg9[%add3A_609, %broadcast_in_dim3A_613], %gather3A_614 masked %ge3A_589 : memref<2560x16xf32, #tpu.memory_space<vmem>>[vector<16xi32>, vector<16xi32>], vector<16xf32>, vector<16xi1>
        %broadcast_in_dim3A_615 = arith.constant 2 : i32
        %broadcast_in_dim3A_616 = vector.broadcast %broadcast_in_dim3A_615 : i32 to vector<16xi32>
        %gather3A_617 = tpu.vector_load_idx %arg11[%min3A_605, %broadcast_in_dim3A_616] masked %ge3A_589 : memref<64x16xf32, #tpu.memory_space<vmem>>[vector<16xi32>, vector<16xi32>], vector<16xf32>, vector<16xi1>
        tpu.vector_store_idx %arg9[%add3A_609, %broadcast_in_dim3A_616], %gather3A_617 masked %ge3A_589 : memref<2560x16xf32, #tpu.memory_space<vmem>>[vector<16xi32>, vector<16xi32>], vector<16xf32>, vector<16xi1>
        %broadcast_in_dim3A_618 = arith.constant 3 : i32
        %broadcast_in_dim3A_619 = vector.broadcast %broadcast_in_dim3A_618 : i32 to vector<16xi32>
        %gather3A_620 = tpu.vector_load_idx %arg11[%min3A_605, %broadcast_in_dim3A_619] masked %ge3A_589 : memref<64x16xf32, #tpu.memory_space<vmem>>[vector<16xi32>, vector<16xi32>], vector<16xf32>, vector<16xi1>
        tpu.vector_store_idx %arg9[%add3A_609, %broadcast_in_dim3A_619], %gather3A_620 masked %ge3A_589 : memref<2560x16xf32, #tpu.memory_space<vmem>>[vector<16xi32>, vector<16xi32>], vector<16xf32>, vector<16xi1>
        %broadcast_in_dim3A_621 = arith.constant 4 : i32
        %broadcast_in_dim3A_622 = vector.broadcast %broadcast_in_dim3A_621 : i32 to vector<16xi32>
        %gather3A_623 = tpu.vector_load_idx %arg11[%min3A_605, %broadcast_in_dim3A_622] masked %ge3A_589 : memref<64x16xf32, #tpu.memory_space<vmem>>[vector<16xi32>, vector<16xi32>], vector<16xf32>, vector<16xi1>
        tpu.vector_store_idx %arg9[%add3A_609, %broadcast_in_dim3A_622], %gather3A_623 masked %ge3A_589 : memref<2560x16xf32, #tpu.memory_space<vmem>>[vector<16xi32>, vector<16xi32>], vector<16xf32>, vector<16xi1>
        %broadcast_in_dim3A_624 = arith.constant 5 : i32
        %broadcast_in_dim3A_625 = vector.broadcast %broadcast_in_dim3A_624 : i32 to vector<16xi32>
        %gather3A_626 = tpu.vector_load_idx %arg11[%min3A_605, %broadcast_in_dim3A_625] masked %ge3A_589 : memref<64x16xf32, #tpu.memory_space<vmem>>[vector<16xi32>, vector<16xi32>], vector<16xf32>, vector<16xi1>
        tpu.vector_store_idx %arg9[%add3A_609, %broadcast_in_dim3A_625], %gather3A_626 masked %ge3A_589 : memref<2560x16xf32, #tpu.memory_space<vmem>>[vector<16xi32>, vector<16xi32>], vector<16xf32>, vector<16xi1>
        %broadcast_in_dim3A_627 = arith.constant 6 : i32
        %broadcast_in_dim3A_628 = vector.broadcast %broadcast_in_dim3A_627 : i32 to vector<16xi32>
        %gather3A_629 = tpu.vector_load_idx %arg11[%min3A_605, %broadcast_in_dim3A_628] masked %ge3A_589 : memref<64x16xf32, #tpu.memory_space<vmem>>[vector<16xi32>, vector<16xi32>], vector<16xf32>, vector<16xi1>
        tpu.vector_store_idx %arg9[%add3A_609, %broadcast_in_dim3A_628], %gather3A_629 masked %ge3A_589 : memref<2560x16xf32, #tpu.memory_space<vmem>>[vector<16xi32>, vector<16xi32>], vector<16xf32>, vector<16xi1>
        %broadcast_in_dim3A_630 = arith.constant 7 : i32
        %broadcast_in_dim3A_631 = vector.broadcast %broadcast_in_dim3A_630 : i32 to vector<16xi32>
        %gather3A_632 = tpu.vector_load_idx %arg11[%min3A_605, %broadcast_in_dim3A_631] masked %ge3A_589 : memref<64x16xf32, #tpu.memory_space<vmem>>[vector<16xi32>, vector<16xi32>], vector<16xf32>, vector<16xi1>
        tpu.vector_store_idx %arg9[%add3A_609, %broadcast_in_dim3A_631], %gather3A_632 masked %ge3A_589 : memref<2560x16xf32, #tpu.memory_space<vmem>>[vector<16xi32>, vector<16xi32>], vector<16xf32>, vector<16xi1>
        %broadcast_in_dim3A_633 = arith.constant 8 : i32
        %broadcast_in_dim3A_634 = vector.broadcast %broadcast_in_dim3A_633 : i32 to vector<16xi32>
        %gather3A_635 = tpu.vector_load_idx %arg11[%min3A_605, %broadcast_in_dim3A_634] masked %ge3A_589 : memref<64x16xf32, #tpu.memory_space<vmem>>[vector<16xi32>, vector<16xi32>], vector<16xf32>, vector<16xi1>
        tpu.vector_store_idx %arg9[%add3A_609, %broadcast_in_dim3A_634], %gather3A_635 masked %ge3A_589 : memref<2560x16xf32, #tpu.memory_space<vmem>>[vector<16xi32>, vector<16xi32>], vector<16xf32>, vector<16xi1>
        %broadcast_in_dim3A_636 = arith.constant 9 : i32
        %broadcast_in_dim3A_637 = vector.broadcast %broadcast_in_dim3A_636 : i32 to vector<16xi32>
        %gather3A_638 = tpu.vector_load_idx %arg11[%min3A_605, %broadcast_in_dim3A_637] masked %ge3A_589 : memref<64x16xf32, #tpu.memory_space<vmem>>[vector<16xi32>, vector<16xi32>], vector<16xf32>, vector<16xi1>
        tpu.vector_store_idx %arg9[%add3A_609, %broadcast_in_dim3A_637], %gather3A_638 masked %ge3A_589 : memref<2560x16xf32, #tpu.memory_space<vmem>>[vector<16xi32>, vector<16xi32>], vector<16xf32>, vector<16xi1>
        %broadcast_in_dim3A_639 = arith.constant 10 : i32
        %broadcast_in_dim3A_640 = vector.broadcast %broadcast_in_dim3A_639 : i32 to vector<16xi32>
        %gather3A_641 = tpu.vector_load_idx %arg11[%min3A_605, %broadcast_in_dim3A_640] masked %ge3A_589 : memref<64x16xf32, #tpu.memory_space<vmem>>[vector<16xi32>, vector<16xi32>], vector<16xf32>, vector<16xi1>
        tpu.vector_store_idx %arg9[%add3A_609, %broadcast_in_dim3A_640], %gather3A_641 masked %ge3A_589 : memref<2560x16xf32, #tpu.memory_space<vmem>>[vector<16xi32>, vector<16xi32>], vector<16xf32>, vector<16xi1>
        %broadcast_in_dim3A_642 = arith.constant 11 : i32
        %broadcast_in_dim3A_643 = vector.broadcast %broadcast_in_dim3A_642 : i32 to vector<16xi32>
        %gather3A_644 = tpu.vector_load_idx %arg11[%min3A_605, %broadcast_in_dim3A_643] masked %ge3A_589 : memref<64x16xf32, #tpu.memory_space<vmem>>[vector<16xi32>, vector<16xi32>], vector<16xf32>, vector<16xi1>
        tpu.vector_store_idx %arg9[%add3A_609, %broadcast_in_dim3A_643], %gather3A_644 masked %ge3A_589 : memref<2560x16xf32, #tpu.memory_space<vmem>>[vector<16xi32>, vector<16xi32>], vector<16xf32>, vector<16xi1>
        %broadcast_in_dim3A_645 = arith.constant 12 : i32
        %broadcast_in_dim3A_646 = vector.broadcast %broadcast_in_dim3A_645 : i32 to vector<16xi32>
        %gather3A_647 = tpu.vector_load_idx %arg11[%min3A_605, %broadcast_in_dim3A_646] masked %ge3A_589 : memref<64x16xf32, #tpu.memory_space<vmem>>[vector<16xi32>, vector<16xi32>], vector<16xf32>, vector<16xi1>
        tpu.vector_store_idx %arg9[%add3A_609, %broadcast_in_dim3A_646], %gather3A_647 masked %ge3A_589 : memref<2560x16xf32, #tpu.memory_space<vmem>>[vector<16xi32>, vector<16xi32>], vector<16xf32>, vector<16xi1>
        %broadcast_in_dim3A_648 = arith.constant 13 : i32
        %broadcast_in_dim3A_649 = vector.broadcast %broadcast_in_dim3A_648 : i32 to vector<16xi32>
        %gather3A_650 = tpu.vector_load_idx %arg11[%min3A_605, %broadcast_in_dim3A_649] masked %ge3A_589 : memref<64x16xf32, #tpu.memory_space<vmem>>[vector<16xi32>, vector<16xi32>], vector<16xf32>, vector<16xi1>
        tpu.vector_store_idx %arg9[%add3A_609, %broadcast_in_dim3A_649], %gather3A_650 masked %ge3A_589 : memref<2560x16xf32, #tpu.memory_space<vmem>>[vector<16xi32>, vector<16xi32>], vector<16xf32>, vector<16xi1>
        %broadcast_in_dim3A_651 = arith.constant 14 : i32
        %broadcast_in_dim3A_652 = vector.broadcast %broadcast_in_dim3A_651 : i32 to vector<16xi32>
        %gather3A_653 = tpu.vector_load_idx %arg11[%min3A_605, %broadcast_in_dim3A_652] masked %ge3A_589 : memref<64x16xf32, #tpu.memory_space<vmem>>[vector<16xi32>, vector<16xi32>], vector<16xf32>, vector<16xi1>
        tpu.vector_store_idx %arg9[%add3A_609, %broadcast_in_dim3A_652], %gather3A_653 masked %ge3A_589 : memref<2560x16xf32, #tpu.memory_space<vmem>>[vector<16xi32>, vector<16xi32>], vector<16xf32>, vector<16xi1>
        %broadcast_in_dim3A_654 = arith.constant 15 : i32
        %broadcast_in_dim3A_655 = vector.broadcast %broadcast_in_dim3A_654 : i32 to vector<16xi32>
        %gather3A_656 = tpu.vector_load_idx %arg11[%min3A_605, %broadcast_in_dim3A_655] masked %ge3A_589 : memref<64x16xf32, #tpu.memory_space<vmem>>[vector<16xi32>, vector<16xi32>], vector<16xf32>, vector<16xi1>
        tpu.vector_store_idx %arg9[%add3A_609, %broadcast_in_dim3A_655], %gather3A_656 masked %ge3A_589 : memref<2560x16xf32, #tpu.memory_space<vmem>>[vector<16xi32>, vector<16xi32>], vector<16xf32>, vector<16xi1>
      } else {
      }
    }
    %scan3A_573 = arith.constant 160 : i32
    %mul3A_574 = arith.constant 5 : i32
    %mul3A_575 = vector.broadcast %mul3A_574 : i32 to vector<16xi32>
    %mul3A_576 = arith.muli %iota3A, %mul3A_575 : vector<16xi32>
    %broadcast_in_dim3A = arith.constant 0.000000e+00 : f32
    %broadcast_in_dim3A_577 = vector.broadcast %broadcast_in_dim3A : f32 to vector<16xf32>
    %scan3A_578 = arith.constant 0 : i32
    %scan3A_579 = arith.constant 0 : i32
    %scan3A_580 = arith.constant 32 : i32
    %scan3A_581 = arith.addi %scan3A_579, %scan3A_580 : i32
    %scan3A_582 = arith.constant 1 : i32
    scf.for %scan3A_584 = %scan3A_579 to %scan3A_581 step %scan3A_582  : i32 {
      %mul3A_585 = arith.constant 80 : i32
      %mul3A_586 = arith.muli %scan3A_584, %mul3A_585 : i32
      %add3A_587 = arith.constant 0 : i32
      %add3A_588 = arith.addi %mul3A_586, %add3A_587 : i32
      %add3A_589 = vector.broadcast %add3A_588 : i32 to vector<16xi32>
      %add3A_590 = arith.addi %mul3A_576, %add3A_589 : vector<16xi32>
      %add3A_591 = arith.constant 1 : i32
      %add3A_592 = arith.addi %mul3A_586, %add3A_591 : i32
      %add3A_593 = vector.broadcast %add3A_592 : i32 to vector<16xi32>
      %add3A_594 = arith.addi %mul3A_576, %add3A_593 : vector<16xi32>
      %add3A_595 = arith.constant 2 : i32
      %add3A_596 = arith.addi %mul3A_586, %add3A_595 : i32
      %add3A_597 = vector.broadcast %add3A_596 : i32 to vector<16xi32>
      %add3A_598 = arith.addi %mul3A_576, %add3A_597 : vector<16xi32>
      %add3A_599 = arith.constant 3 : i32
      %add3A_600 = arith.addi %mul3A_586, %add3A_599 : i32
      %add3A_601 = vector.broadcast %add3A_600 : i32 to vector<16xi32>
      %add3A_602 = arith.addi %mul3A_576, %add3A_601 : vector<16xi32>
      %add3A_603 = arith.constant 4 : i32
      %add3A_604 = arith.addi %mul3A_586, %add3A_603 : i32
      %add3A_605 = vector.broadcast %add3A_604 : i32 to vector<16xi32>
      %add3A_606 = arith.addi %mul3A_576, %add3A_605 : vector<16xi32>
      %gather3A = tpu.vector_load_idx %arg10[%add3A_590] : memref<2560xf32, #tpu.memory_space<vmem>>[vector<16xi32>], vector<16xf32>,
      %add3A_607 = arith.addf %broadcast_in_dim3A_577, %gather3A : vector<16xf32>
      %gather3A_608 = tpu.vector_load_idx %arg10[%add3A_594] : memref<2560xf32, #tpu.memory_space<vmem>>[vector<16xi32>], vector<16xf32>,
      %add3A_609 = arith.addf %add3A_607, %gather3A_608 : vector<16xf32>
      %gather3A_610 = tpu.vector_load_idx %arg10[%add3A_598] : memref<2560xf32, #tpu.memory_space<vmem>>[vector<16xi32>], vector<16xf32>,
      %add3A_611 = arith.addf %add3A_609, %gather3A_610 : vector<16xf32>
      %gather3A_612 = tpu.vector_load_idx %arg10[%add3A_602] : memref<2560xf32, #tpu.memory_space<vmem>>[vector<16xi32>], vector<16xf32>,
      %add3A_613 = arith.addf %add3A_611, %gather3A_612 : vector<16xf32>
      %gather3A_614 = tpu.vector_load_idx %arg10[%add3A_606] : memref<2560xf32, #tpu.memory_space<vmem>>[vector<16xi32>], vector<16xf32>,
      %add3A_615 = arith.addf %add3A_613, %gather3A_614 : vector<16xf32>
      %broadcast_in_dim3A_616 = arith.constant 0 : i32
      %broadcast_in_dim3A_617 = vector.broadcast %broadcast_in_dim3A_616 : i32 to vector<16xi32>
      %gather3A_618 = tpu.vector_load_idx %arg9[%add3A_590, %broadcast_in_dim3A_617] : memref<2560x16xf32, #tpu.memory_space<vmem>>[vector<16xi32>, vector<16xi32>], vector<16xf32>,
      %gather3A_619 = tpu.vector_load_idx %arg9[%add3A_594, %broadcast_in_dim3A_617] : memref<2560x16xf32, #tpu.memory_space<vmem>>[vector<16xi32>, vector<16xi32>], vector<16xf32>,
      %gather3A_620 = tpu.vector_load_idx %arg9[%add3A_598, %broadcast_in_dim3A_617] : memref<2560x16xf32, #tpu.memory_space<vmem>>[vector<16xi32>, vector<16xi32>], vector<16xf32>,
      %gather3A_621 = tpu.vector_load_idx %arg9[%add3A_602, %broadcast_in_dim3A_617] : memref<2560x16xf32, #tpu.memory_space<vmem>>[vector<16xi32>, vector<16xi32>], vector<16xf32>,
      %gather3A_622 = tpu.vector_load_idx %arg9[%add3A_606, %broadcast_in_dim3A_617] : memref<2560x16xf32, #tpu.memory_space<vmem>>[vector<16xi32>, vector<16xi32>], vector<16xf32>,
      %add3A_623 = arith.addf %gather3A_618, %gather3A_619 : vector<16xf32>
      %add3A_624 = arith.addf %add3A_623, %gather3A_620 : vector<16xf32>
      %add3A_625 = arith.addf %add3A_624, %gather3A_621 : vector<16xf32>
      %add3A_626 = arith.addf %add3A_625, %gather3A_622 : vector<16xf32>
      %mul3A_627 = arith.mulf %gather3A_618, %gather3A_618 : vector<16xf32>
      %mul3A_628 = arith.mulf %gather3A_619, %gather3A_619 : vector<16xf32>
      %add3A_629 = arith.addf %mul3A_627, %mul3A_628 : vector<16xf32>
      %mul3A_630 = arith.mulf %gather3A_620, %gather3A_620 : vector<16xf32>
      %add3A_631 = arith.addf %add3A_629, %mul3A_630 : vector<16xf32>
      %mul3A_632 = arith.mulf %gather3A_621, %gather3A_621 : vector<16xf32>
      %add3A_633 = arith.addf %add3A_631, %mul3A_632 : vector<16xf32>
      %mul3A_634 = arith.mulf %gather3A_622, %gather3A_622 : vector<16xf32>
      %add3A_635 = arith.addf %add3A_633, %mul3A_634 : vector<16xf32>
      %mul3A_636 = arith.mulf %add3A_626, %add3A_626 : vector<16xf32>
      %sub3A = arith.subf %mul3A_636, %add3A_635 : vector<16xf32>
      %add3A_637 = arith.addf %broadcast_in_dim3A_577, %sub3A : vector<16xf32>
      %broadcast_in_dim3A_638 = arith.constant 1 : i32
      %broadcast_in_dim3A_639 = vector.broadcast %broadcast_in_dim3A_638 : i32 to vector<16xi32>
      %gather3A_640 = tpu.vector_load_idx %arg9[%add3A_590, %broadcast_in_dim3A_639] : memref<2560x16xf32, #tpu.memory_space<vmem>>[vector<16xi32>, vector<16xi32>], vector<16xf32>,
      %gather3A_641 = tpu.vector_load_idx %arg9[%add3A_594, %broadcast_in_dim3A_639] : memref<2560x16xf32, #tpu.memory_space<vmem>>[vector<16xi32>, vector<16xi32>], vector<16xf32>,
      %gather3A_642 = tpu.vector_load_idx %arg9[%add3A_598, %broadcast_in_dim3A_639] : memref<2560x16xf32, #tpu.memory_space<vmem>>[vector<16xi32>, vector<16xi32>], vector<16xf32>,
      %gather3A_643 = tpu.vector_load_idx %arg9[%add3A_602, %broadcast_in_dim3A_639] : memref<2560x16xf32, #tpu.memory_space<vmem>>[vector<16xi32>, vector<16xi32>], vector<16xf32>,
      %gather3A_644 = tpu.vector_load_idx %arg9[%add3A_606, %broadcast_in_dim3A_639] : memref<2560x16xf32, #tpu.memory_space<vmem>>[vector<16xi32>, vector<16xi32>], vector<16xf32>,
      %add3A_645 = arith.addf %gather3A_640, %gather3A_641 : vector<16xf32>
      %add3A_646 = arith.addf %add3A_645, %gather3A_642 : vector<16xf32>
      %add3A_647 = arith.addf %add3A_646, %gather3A_643 : vector<16xf32>
      %add3A_648 = arith.addf %add3A_647, %gather3A_644 : vector<16xf32>
      %mul3A_649 = arith.mulf %gather3A_640, %gather3A_640 : vector<16xf32>
      %mul3A_650 = arith.mulf %gather3A_641, %gather3A_641 : vector<16xf32>
      %add3A_651 = arith.addf %mul3A_649, %mul3A_650 : vector<16xf32>
      %mul3A_652 = arith.mulf %gather3A_642, %gather3A_642 : vector<16xf32>
      %add3A_653 = arith.addf %add3A_651, %mul3A_652 : vector<16xf32>
      %mul3A_654 = arith.mulf %gather3A_643, %gather3A_643 : vector<16xf32>
      %add3A_655 = arith.addf %add3A_653, %mul3A_654 : vector<16xf32>
      %mul3A_656 = arith.mulf %gather3A_644, %gather3A_644 : vector<16xf32>
      %add3A_657 = arith.addf %add3A_655, %mul3A_656 : vector<16xf32>
      %mul3A_658 = arith.mulf %add3A_648, %add3A_648 : vector<16xf32>
      %sub3A_659 = arith.subf %mul3A_658, %add3A_657 : vector<16xf32>
      %add3A_660 = arith.addf %add3A_637, %sub3A_659 : vector<16xf32>
      %broadcast_in_dim3A_661 = arith.constant 2 : i32
      %broadcast_in_dim3A_662 = vector.broadcast %broadcast_in_dim3A_661 : i32 to vector<16xi32>
      %gather3A_663 = tpu.vector_load_idx %arg9[%add3A_590, %broadcast_in_dim3A_662] : memref<2560x16xf32, #tpu.memory_space<vmem>>[vector<16xi32>, vector<16xi32>], vector<16xf32>,
      %gather3A_664 = tpu.vector_load_idx %arg9[%add3A_594, %broadcast_in_dim3A_662] : memref<2560x16xf32, #tpu.memory_space<vmem>>[vector<16xi32>, vector<16xi32>], vector<16xf32>,
      %gather3A_665 = tpu.vector_load_idx %arg9[%add3A_598, %broadcast_in_dim3A_662] : memref<2560x16xf32, #tpu.memory_space<vmem>>[vector<16xi32>, vector<16xi32>], vector<16xf32>,
      %gather3A_666 = tpu.vector_load_idx %arg9[%add3A_602, %broadcast_in_dim3A_662] : memref<2560x16xf32, #tpu.memory_space<vmem>>[vector<16xi32>, vector<16xi32>], vector<16xf32>,
      %gather3A_667 = tpu.vector_load_idx %arg9[%add3A_606, %broadcast_in_dim3A_662] : memref<2560x16xf32, #tpu.memory_space<vmem>>[vector<16xi32>, vector<16xi32>], vector<16xf32>,
      %add3A_668 = arith.addf %gather3A_663, %gather3A_664 : vector<16xf32>
      %add3A_669 = arith.addf %add3A_668, %gather3A_665 : vector<16xf32>
      %add3A_670 = arith.addf %add3A_669, %gather3A_666 : vector<16xf32>
      %add3A_671 = arith.addf %add3A_670, %gather3A_667 : vector<16xf32>
      %mul3A_672 = arith.mulf %gather3A_663, %gather3A_663 : vector<16xf32>
      %mul3A_673 = arith.mulf %gather3A_664, %gather3A_664 : vector<16xf32>
      %add3A_674 = arith.addf %mul3A_672, %mul3A_673 : vector<16xf32>
      %mul3A_675 = arith.mulf %gather3A_665, %gather3A_665 : vector<16xf32>
      %add3A_676 = arith.addf %add3A_674, %mul3A_675 : vector<16xf32>
      %mul3A_677 = arith.mulf %gather3A_666, %gather3A_666 : vector<16xf32>
      %add3A_678 = arith.addf %add3A_676, %mul3A_677 : vector<16xf32>
      %mul3A_679 = arith.mulf %gather3A_667, %gather3A_667 : vector<16xf32>
      %add3A_680 = arith.addf %add3A_678, %mul3A_679 : vector<16xf32>
      %mul3A_681 = arith.mulf %add3A_671, %add3A_671 : vector<16xf32>
      %sub3A_682 = arith.subf %mul3A_681, %add3A_680 : vector<16xf32>
      %add3A_683 = arith.addf %add3A_660, %sub3A_682 : vector<16xf32>
      %broadcast_in_dim3A_684 = arith.constant 3 : i32
      %broadcast_in_dim3A_685 = vector.broadcast %broadcast_in_dim3A_684 : i32 to vector<16xi32>
      %gather3A_686 = tpu.vector_load_idx %arg9[%add3A_590, %broadcast_in_dim3A_685] : memref<2560x16xf32, #tpu.memory_space<vmem>>[vector<16xi32>, vector<16xi32>], vector<16xf32>,
      %gather3A_687 = tpu.vector_load_idx %arg9[%add3A_594, %broadcast_in_dim3A_685] : memref<2560x16xf32, #tpu.memory_space<vmem>>[vector<16xi32>, vector<16xi32>], vector<16xf32>,
      %gather3A_688 = tpu.vector_load_idx %arg9[%add3A_598, %broadcast_in_dim3A_685] : memref<2560x16xf32, #tpu.memory_space<vmem>>[vector<16xi32>, vector<16xi32>], vector<16xf32>,
      %gather3A_689 = tpu.vector_load_idx %arg9[%add3A_602, %broadcast_in_dim3A_685] : memref<2560x16xf32, #tpu.memory_space<vmem>>[vector<16xi32>, vector<16xi32>], vector<16xf32>,
      %gather3A_690 = tpu.vector_load_idx %arg9[%add3A_606, %broadcast_in_dim3A_685] : memref<2560x16xf32, #tpu.memory_space<vmem>>[vector<16xi32>, vector<16xi32>], vector<16xf32>,
      %add3A_691 = arith.addf %gather3A_686, %gather3A_687 : vector<16xf32>
      %add3A_692 = arith.addf %add3A_691, %gather3A_688 : vector<16xf32>
      %add3A_693 = arith.addf %add3A_692, %gather3A_689 : vector<16xf32>
      %add3A_694 = arith.addf %add3A_693, %gather3A_690 : vector<16xf32>
      %mul3A_695 = arith.mulf %gather3A_686, %gather3A_686 : vector<16xf32>
      %mul3A_696 = arith.mulf %gather3A_687, %gather3A_687 : vector<16xf32>
      %add3A_697 = arith.addf %mul3A_695, %mul3A_696 : vector<16xf32>
      %mul3A_698 = arith.mulf %gather3A_688, %gather3A_688 : vector<16xf32>
      %add3A_699 = arith.addf %add3A_697, %mul3A_698 : vector<16xf32>
      %mul3A_700 = arith.mulf %gather3A_689, %gather3A_689 : vector<16xf32>
      %add3A_701 = arith.addf %add3A_699, %mul3A_700 : vector<16xf32>
      %mul3A_702 = arith.mulf %gather3A_690, %gather3A_690 : vector<16xf32>
      %add3A_703 = arith.addf %add3A_701, %mul3A_702 : vector<16xf32>
      %mul3A_704 = arith.mulf %add3A_694, %add3A_694 : vector<16xf32>
      %sub3A_705 = arith.subf %mul3A_704, %add3A_703 : vector<16xf32>
      %add3A_706 = arith.addf %add3A_683, %sub3A_705 : vector<16xf32>
      %broadcast_in_dim3A_707 = arith.constant 4 : i32
      %broadcast_in_dim3A_708 = vector.broadcast %broadcast_in_dim3A_707 : i32 to vector<16xi32>
      %gather3A_709 = tpu.vector_load_idx %arg9[%add3A_590, %broadcast_in_dim3A_708] : memref<2560x16xf32, #tpu.memory_space<vmem>>[vector<16xi32>, vector<16xi32>], vector<16xf32>,
      %gather3A_710 = tpu.vector_load_idx %arg9[%add3A_594, %broadcast_in_dim3A_708] : memref<2560x16xf32, #tpu.memory_space<vmem>>[vector<16xi32>, vector<16xi32>], vector<16xf32>,
      %gather3A_711 = tpu.vector_load_idx %arg9[%add3A_598, %broadcast_in_dim3A_708] : memref<2560x16xf32, #tpu.memory_space<vmem>>[vector<16xi32>, vector<16xi32>], vector<16xf32>,
      %gather3A_712 = tpu.vector_load_idx %arg9[%add3A_602, %broadcast_in_dim3A_708] : memref<2560x16xf32, #tpu.memory_space<vmem>>[vector<16xi32>, vector<16xi32>], vector<16xf32>,
      %gather3A_713 = tpu.vector_load_idx %arg9[%add3A_606, %broadcast_in_dim3A_708] : memref<2560x16xf32, #tpu.memory_space<vmem>>[vector<16xi32>, vector<16xi32>], vector<16xf32>,
      %add3A_714 = arith.addf %gather3A_709, %gather3A_710 : vector<16xf32>
      %add3A_715 = arith.addf %add3A_714, %gather3A_711 : vector<16xf32>
      %add3A_716 = arith.addf %add3A_715, %gather3A_712 : vector<16xf32>
      %add3A_717 = arith.addf %add3A_716, %gather3A_713 : vector<16xf32>
      %mul3A_718 = arith.mulf %gather3A_709, %gather3A_709 : vector<16xf32>
      %mul3A_719 = arith.mulf %gather3A_710, %gather3A_710 : vector<16xf32>
      %add3A_720 = arith.addf %mul3A_718, %mul3A_719 : vector<16xf32>
      %mul3A_721 = arith.mulf %gather3A_711, %gather3A_711 : vector<16xf32>
      %add3A_722 = arith.addf %add3A_720, %mul3A_721 : vector<16xf32>
      %mul3A_723 = arith.mulf %gather3A_712, %gather3A_712 : vector<16xf32>
      %add3A_724 = arith.addf %add3A_722, %mul3A_723 : vector<16xf32>
      %mul3A_725 = arith.mulf %gather3A_713, %gather3A_713 : vector<16xf32>
      %add3A_726 = arith.addf %add3A_724, %mul3A_725 : vector<16xf32>
      %mul3A_727 = arith.mulf %add3A_717, %add3A_717 : vector<16xf32>
      %sub3A_728 = arith.subf %mul3A_727, %add3A_726 : vector<16xf32>
      %add3A_729 = arith.addf %add3A_706, %sub3A_728 : vector<16xf32>
      %broadcast_in_dim3A_730 = arith.constant 5 : i32
      %broadcast_in_dim3A_731 = vector.broadcast %broadcast_in_dim3A_730 : i32 to vector<16xi32>
      %gather3A_732 = tpu.vector_load_idx %arg9[%add3A_590, %broadcast_in_dim3A_731] : memref<2560x16xf32, #tpu.memory_space<vmem>>[vector<16xi32>, vector<16xi32>], vector<16xf32>,
      %gather3A_733 = tpu.vector_load_idx %arg9[%add3A_594, %broadcast_in_dim3A_731] : memref<2560x16xf32, #tpu.memory_space<vmem>>[vector<16xi32>, vector<16xi32>], vector<16xf32>,
      %gather3A_734 = tpu.vector_load_idx %arg9[%add3A_598, %broadcast_in_dim3A_731] : memref<2560x16xf32, #tpu.memory_space<vmem>>[vector<16xi32>, vector<16xi32>], vector<16xf32>,
      %gather3A_735 = tpu.vector_load_idx %arg9[%add3A_602, %broadcast_in_dim3A_731] : memref<2560x16xf32, #tpu.memory_space<vmem>>[vector<16xi32>, vector<16xi32>], vector<16xf32>,
      %gather3A_736 = tpu.vector_load_idx %arg9[%add3A_606, %broadcast_in_dim3A_731] : memref<2560x16xf32, #tpu.memory_space<vmem>>[vector<16xi32>, vector<16xi32>], vector<16xf32>,
      %add3A_737 = arith.addf %gather3A_732, %gather3A_733 : vector<16xf32>
      %add3A_738 = arith.addf %add3A_737, %gather3A_734 : vector<16xf32>
      %add3A_739 = arith.addf %add3A_738, %gather3A_735 : vector<16xf32>
      %add3A_740 = arith.addf %add3A_739, %gather3A_736 : vector<16xf32>
      %mul3A_741 = arith.mulf %gather3A_732, %gather3A_732 : vector<16xf32>
      %mul3A_742 = arith.mulf %gather3A_733, %gather3A_733 : vector<16xf32>
      %add3A_743 = arith.addf %mul3A_741, %mul3A_742 : vector<16xf32>
      %mul3A_744 = arith.mulf %gather3A_734, %gather3A_734 : vector<16xf32>
      %add3A_745 = arith.addf %add3A_743, %mul3A_744 : vector<16xf32>
      %mul3A_746 = arith.mulf %gather3A_735, %gather3A_735 : vector<16xf32>
      %add3A_747 = arith.addf %add3A_745, %mul3A_746 : vector<16xf32>
      %mul3A_748 = arith.mulf %gather3A_736, %gather3A_736 : vector<16xf32>
      %add3A_749 = arith.addf %add3A_747, %mul3A_748 : vector<16xf32>
      %mul3A_750 = arith.mulf %add3A_740, %add3A_740 : vector<16xf32>
      %sub3A_751 = arith.subf %mul3A_750, %add3A_749 : vector<16xf32>
      %add3A_752 = arith.addf %add3A_729, %sub3A_751 : vector<16xf32>
      %broadcast_in_dim3A_753 = arith.constant 6 : i32
      %broadcast_in_dim3A_754 = vector.broadcast %broadcast_in_dim3A_753 : i32 to vector<16xi32>
      %gather3A_755 = tpu.vector_load_idx %arg9[%add3A_590, %broadcast_in_dim3A_754] : memref<2560x16xf32, #tpu.memory_space<vmem>>[vector<16xi32>, vector<16xi32>], vector<16xf32>,
      %gather3A_756 = tpu.vector_load_idx %arg9[%add3A_594, %broadcast_in_dim3A_754] : memref<2560x16xf32, #tpu.memory_space<vmem>>[vector<16xi32>, vector<16xi32>], vector<16xf32>,
      %gather3A_757 = tpu.vector_load_idx %arg9[%add3A_598, %broadcast_in_dim3A_754] : memref<2560x16xf32, #tpu.memory_space<vmem>>[vector<16xi32>, vector<16xi32>], vector<16xf32>,
      %gather3A_758 = tpu.vector_load_idx %arg9[%add3A_602, %broadcast_in_dim3A_754] : memref<2560x16xf32, #tpu.memory_space<vmem>>[vector<16xi32>, vector<16xi32>], vector<16xf32>,
      %gather3A_759 = tpu.vector_load_idx %arg9[%add3A_606, %broadcast_in_dim3A_754] : memref<2560x16xf32, #tpu.memory_space<vmem>>[vector<16xi32>, vector<16xi32>], vector<16xf32>,
      %add3A_760 = arith.addf %gather3A_755, %gather3A_756 : vector<16xf32>
      %add3A_761 = arith.addf %add3A_760, %gather3A_757 : vector<16xf32>
      %add3A_762 = arith.addf %add3A_761, %gather3A_758 : vector<16xf32>
      %add3A_763 = arith.addf %add3A_762, %gather3A_759 : vector<16xf32>
      %mul3A_764 = arith.mulf %gather3A_755, %gather3A_755 : vector<16xf32>
      %mul3A_765 = arith.mulf %gather3A_756, %gather3A_756 : vector<16xf32>
      %add3A_766 = arith.addf %mul3A_764, %mul3A_765 : vector<16xf32>
      %mul3A_767 = arith.mulf %gather3A_757, %gather3A_757 : vector<16xf32>
      %add3A_768 = arith.addf %add3A_766, %mul3A_767 : vector<16xf32>
      %mul3A_769 = arith.mulf %gather3A_758, %gather3A_758 : vector<16xf32>
      %add3A_770 = arith.addf %add3A_768, %mul3A_769 : vector<16xf32>
      %mul3A_771 = arith.mulf %gather3A_759, %gather3A_759 : vector<16xf32>
      %add3A_772 = arith.addf %add3A_770, %mul3A_771 : vector<16xf32>
      %mul3A_773 = arith.mulf %add3A_763, %add3A_763 : vector<16xf32>
      %sub3A_774 = arith.subf %mul3A_773, %add3A_772 : vector<16xf32>
      %add3A_775 = arith.addf %add3A_752, %sub3A_774 : vector<16xf32>
      %broadcast_in_dim3A_776 = arith.constant 7 : i32
      %broadcast_in_dim3A_777 = vector.broadcast %broadcast_in_dim3A_776 : i32 to vector<16xi32>
      %gather3A_778 = tpu.vector_load_idx %arg9[%add3A_590, %broadcast_in_dim3A_777] : memref<2560x16xf32, #tpu.memory_space<vmem>>[vector<16xi32>, vector<16xi32>], vector<16xf32>,
      %gather3A_779 = tpu.vector_load_idx %arg9[%add3A_594, %broadcast_in_dim3A_777] : memref<2560x16xf32, #tpu.memory_space<vmem>>[vector<16xi32>, vector<16xi32>], vector<16xf32>,
      %gather3A_780 = tpu.vector_load_idx %arg9[%add3A_598, %broadcast_in_dim3A_777] : memref<2560x16xf32, #tpu.memory_space<vmem>>[vector<16xi32>, vector<16xi32>], vector<16xf32>,
      %gather3A_781 = tpu.vector_load_idx %arg9[%add3A_602, %broadcast_in_dim3A_777] : memref<2560x16xf32, #tpu.memory_space<vmem>>[vector<16xi32>, vector<16xi32>], vector<16xf32>,
      %gather3A_782 = tpu.vector_load_idx %arg9[%add3A_606, %broadcast_in_dim3A_777] : memref<2560x16xf32, #tpu.memory_space<vmem>>[vector<16xi32>, vector<16xi32>], vector<16xf32>,
      %add3A_783 = arith.addf %gather3A_778, %gather3A_779 : vector<16xf32>
      %add3A_784 = arith.addf %add3A_783, %gather3A_780 : vector<16xf32>
      %add3A_785 = arith.addf %add3A_784, %gather3A_781 : vector<16xf32>
      %add3A_786 = arith.addf %add3A_785, %gather3A_782 : vector<16xf32>
      %mul3A_787 = arith.mulf %gather3A_778, %gather3A_778 : vector<16xf32>
      %mul3A_788 = arith.mulf %gather3A_779, %gather3A_779 : vector<16xf32>
      %add3A_789 = arith.addf %mul3A_787, %mul3A_788 : vector<16xf32>
      %mul3A_790 = arith.mulf %gather3A_780, %gather3A_780 : vector<16xf32>
      %add3A_791 = arith.addf %add3A_789, %mul3A_790 : vector<16xf32>
      %mul3A_792 = arith.mulf %gather3A_781, %gather3A_781 : vector<16xf32>
      %add3A_793 = arith.addf %add3A_791, %mul3A_792 : vector<16xf32>
      %mul3A_794 = arith.mulf %gather3A_782, %gather3A_782 : vector<16xf32>
      %add3A_795 = arith.addf %add3A_793, %mul3A_794 : vector<16xf32>
      %mul3A_796 = arith.mulf %add3A_786, %add3A_786 : vector<16xf32>
      %sub3A_797 = arith.subf %mul3A_796, %add3A_795 : vector<16xf32>
      %add3A_798 = arith.addf %add3A_775, %sub3A_797 : vector<16xf32>
      %broadcast_in_dim3A_799 = arith.constant 8 : i32
      %broadcast_in_dim3A_800 = vector.broadcast %broadcast_in_dim3A_799 : i32 to vector<16xi32>
      %gather3A_801 = tpu.vector_load_idx %arg9[%add3A_590, %broadcast_in_dim3A_800] : memref<2560x16xf32, #tpu.memory_space<vmem>>[vector<16xi32>, vector<16xi32>], vector<16xf32>,
      %gather3A_802 = tpu.vector_load_idx %arg9[%add3A_594, %broadcast_in_dim3A_800] : memref<2560x16xf32, #tpu.memory_space<vmem>>[vector<16xi32>, vector<16xi32>], vector<16xf32>,
      %gather3A_803 = tpu.vector_load_idx %arg9[%add3A_598, %broadcast_in_dim3A_800] : memref<2560x16xf32, #tpu.memory_space<vmem>>[vector<16xi32>, vector<16xi32>], vector<16xf32>,
      %gather3A_804 = tpu.vector_load_idx %arg9[%add3A_602, %broadcast_in_dim3A_800] : memref<2560x16xf32, #tpu.memory_space<vmem>>[vector<16xi32>, vector<16xi32>], vector<16xf32>,
      %gather3A_805 = tpu.vector_load_idx %arg9[%add3A_606, %broadcast_in_dim3A_800] : memref<2560x16xf32, #tpu.memory_space<vmem>>[vector<16xi32>, vector<16xi32>], vector<16xf32>,
      %add3A_806 = arith.addf %gather3A_801, %gather3A_802 : vector<16xf32>
      %add3A_807 = arith.addf %add3A_806, %gather3A_803 : vector<16xf32>
      %add3A_808 = arith.addf %add3A_807, %gather3A_804 : vector<16xf32>
      %add3A_809 = arith.addf %add3A_808, %gather3A_805 : vector<16xf32>
      %mul3A_810 = arith.mulf %gather3A_801, %gather3A_801 : vector<16xf32>
      %mul3A_811 = arith.mulf %gather3A_802, %gather3A_802 : vector<16xf32>
      %add3A_812 = arith.addf %mul3A_810, %mul3A_811 : vector<16xf32>
      %mul3A_813 = arith.mulf %gather3A_803, %gather3A_803 : vector<16xf32>
      %add3A_814 = arith.addf %add3A_812, %mul3A_813 : vector<16xf32>
      %mul3A_815 = arith.mulf %gather3A_804, %gather3A_804 : vector<16xf32>
      %add3A_816 = arith.addf %add3A_814, %mul3A_815 : vector<16xf32>
      %mul3A_817 = arith.mulf %gather3A_805, %gather3A_805 : vector<16xf32>
      %add3A_818 = arith.addf %add3A_816, %mul3A_817 : vector<16xf32>
      %mul3A_819 = arith.mulf %add3A_809, %add3A_809 : vector<16xf32>
      %sub3A_820 = arith.subf %mul3A_819, %add3A_818 : vector<16xf32>
      %add3A_821 = arith.addf %add3A_798, %sub3A_820 : vector<16xf32>
      %broadcast_in_dim3A_822 = arith.constant 9 : i32
      %broadcast_in_dim3A_823 = vector.broadcast %broadcast_in_dim3A_822 : i32 to vector<16xi32>
      %gather3A_824 = tpu.vector_load_idx %arg9[%add3A_590, %broadcast_in_dim3A_823] : memref<2560x16xf32, #tpu.memory_space<vmem>>[vector<16xi32>, vector<16xi32>], vector<16xf32>,
      %gather3A_825 = tpu.vector_load_idx %arg9[%add3A_594, %broadcast_in_dim3A_823] : memref<2560x16xf32, #tpu.memory_space<vmem>>[vector<16xi32>, vector<16xi32>], vector<16xf32>,
      %gather3A_826 = tpu.vector_load_idx %arg9[%add3A_598, %broadcast_in_dim3A_823] : memref<2560x16xf32, #tpu.memory_space<vmem>>[vector<16xi32>, vector<16xi32>], vector<16xf32>,
      %gather3A_827 = tpu.vector_load_idx %arg9[%add3A_602, %broadcast_in_dim3A_823] : memref<2560x16xf32, #tpu.memory_space<vmem>>[vector<16xi32>, vector<16xi32>], vector<16xf32>,
      %gather3A_828 = tpu.vector_load_idx %arg9[%add3A_606, %broadcast_in_dim3A_823] : memref<2560x16xf32, #tpu.memory_space<vmem>>[vector<16xi32>, vector<16xi32>], vector<16xf32>,
      %add3A_829 = arith.addf %gather3A_824, %gather3A_825 : vector<16xf32>
      %add3A_830 = arith.addf %add3A_829, %gather3A_826 : vector<16xf32>
      %add3A_831 = arith.addf %add3A_830, %gather3A_827 : vector<16xf32>
      %add3A_832 = arith.addf %add3A_831, %gather3A_828 : vector<16xf32>
      %mul3A_833 = arith.mulf %gather3A_824, %gather3A_824 : vector<16xf32>
      %mul3A_834 = arith.mulf %gather3A_825, %gather3A_825 : vector<16xf32>
      %add3A_835 = arith.addf %mul3A_833, %mul3A_834 : vector<16xf32>
      %mul3A_836 = arith.mulf %gather3A_826, %gather3A_826 : vector<16xf32>
      %add3A_837 = arith.addf %add3A_835, %mul3A_836 : vector<16xf32>
      %mul3A_838 = arith.mulf %gather3A_827, %gather3A_827 : vector<16xf32>
      %add3A_839 = arith.addf %add3A_837, %mul3A_838 : vector<16xf32>
      %mul3A_840 = arith.mulf %gather3A_828, %gather3A_828 : vector<16xf32>
      %add3A_841 = arith.addf %add3A_839, %mul3A_840 : vector<16xf32>
      %mul3A_842 = arith.mulf %add3A_832, %add3A_832 : vector<16xf32>
      %sub3A_843 = arith.subf %mul3A_842, %add3A_841 : vector<16xf32>
      %add3A_844 = arith.addf %add3A_821, %sub3A_843 : vector<16xf32>
      %broadcast_in_dim3A_845 = arith.constant 10 : i32
      %broadcast_in_dim3A_846 = vector.broadcast %broadcast_in_dim3A_845 : i32 to vector<16xi32>
      %gather3A_847 = tpu.vector_load_idx %arg9[%add3A_590, %broadcast_in_dim3A_846] : memref<2560x16xf32, #tpu.memory_space<vmem>>[vector<16xi32>, vector<16xi32>], vector<16xf32>,
      %gather3A_848 = tpu.vector_load_idx %arg9[%add3A_594, %broadcast_in_dim3A_846] : memref<2560x16xf32, #tpu.memory_space<vmem>>[vector<16xi32>, vector<16xi32>], vector<16xf32>,
      %gather3A_849 = tpu.vector_load_idx %arg9[%add3A_598, %broadcast_in_dim3A_846] : memref<2560x16xf32, #tpu.memory_space<vmem>>[vector<16xi32>, vector<16xi32>], vector<16xf32>,
      %gather3A_850 = tpu.vector_load_idx %arg9[%add3A_602, %broadcast_in_dim3A_846] : memref<2560x16xf32, #tpu.memory_space<vmem>>[vector<16xi32>, vector<16xi32>], vector<16xf32>,
      %gather3A_851 = tpu.vector_load_idx %arg9[%add3A_606, %broadcast_in_dim3A_846] : memref<2560x16xf32, #tpu.memory_space<vmem>>[vector<16xi32>, vector<16xi32>], vector<16xf32>,
      %add3A_852 = arith.addf %gather3A_847, %gather3A_848 : vector<16xf32>
      %add3A_853 = arith.addf %add3A_852, %gather3A_849 : vector<16xf32>
      %add3A_854 = arith.addf %add3A_853, %gather3A_850 : vector<16xf32>
      %add3A_855 = arith.addf %add3A_854, %gather3A_851 : vector<16xf32>
      %mul3A_856 = arith.mulf %gather3A_847, %gather3A_847 : vector<16xf32>
      %mul3A_857 = arith.mulf %gather3A_848, %gather3A_848 : vector<16xf32>
      %add3A_858 = arith.addf %mul3A_856, %mul3A_857 : vector<16xf32>
      %mul3A_859 = arith.mulf %gather3A_849, %gather3A_849 : vector<16xf32>
      %add3A_860 = arith.addf %add3A_858, %mul3A_859 : vector<16xf32>
      %mul3A_861 = arith.mulf %gather3A_850, %gather3A_850 : vector<16xf32>
      %add3A_862 = arith.addf %add3A_860, %mul3A_861 : vector<16xf32>
      %mul3A_863 = arith.mulf %gather3A_851, %gather3A_851 : vector<16xf32>
      %add3A_864 = arith.addf %add3A_862, %mul3A_863 : vector<16xf32>
      %mul3A_865 = arith.mulf %add3A_855, %add3A_855 : vector<16xf32>
      %sub3A_866 = arith.subf %mul3A_865, %add3A_864 : vector<16xf32>
      %add3A_867 = arith.addf %add3A_844, %sub3A_866 : vector<16xf32>
      %broadcast_in_dim3A_868 = arith.constant 11 : i32
      %broadcast_in_dim3A_869 = vector.broadcast %broadcast_in_dim3A_868 : i32 to vector<16xi32>
      %gather3A_870 = tpu.vector_load_idx %arg9[%add3A_590, %broadcast_in_dim3A_869] : memref<2560x16xf32, #tpu.memory_space<vmem>>[vector<16xi32>, vector<16xi32>], vector<16xf32>,
      %gather3A_871 = tpu.vector_load_idx %arg9[%add3A_594, %broadcast_in_dim3A_869] : memref<2560x16xf32, #tpu.memory_space<vmem>>[vector<16xi32>, vector<16xi32>], vector<16xf32>,
      %gather3A_872 = tpu.vector_load_idx %arg9[%add3A_598, %broadcast_in_dim3A_869] : memref<2560x16xf32, #tpu.memory_space<vmem>>[vector<16xi32>, vector<16xi32>], vector<16xf32>,
      %gather3A_873 = tpu.vector_load_idx %arg9[%add3A_602, %broadcast_in_dim3A_869] : memref<2560x16xf32, #tpu.memory_space<vmem>>[vector<16xi32>, vector<16xi32>], vector<16xf32>,
      %gather3A_874 = tpu.vector_load_idx %arg9[%add3A_606, %broadcast_in_dim3A_869] : memref<2560x16xf32, #tpu.memory_space<vmem>>[vector<16xi32>, vector<16xi32>], vector<16xf32>,
      %add3A_875 = arith.addf %gather3A_870, %gather3A_871 : vector<16xf32>
      %add3A_876 = arith.addf %add3A_875, %gather3A_872 : vector<16xf32>
      %add3A_877 = arith.addf %add3A_876, %gather3A_873 : vector<16xf32>
      %add3A_878 = arith.addf %add3A_877, %gather3A_874 : vector<16xf32>
      %mul3A_879 = arith.mulf %gather3A_870, %gather3A_870 : vector<16xf32>
      %mul3A_880 = arith.mulf %gather3A_871, %gather3A_871 : vector<16xf32>
      %add3A_881 = arith.addf %mul3A_879, %mul3A_880 : vector<16xf32>
      %mul3A_882 = arith.mulf %gather3A_872, %gather3A_872 : vector<16xf32>
      %add3A_883 = arith.addf %add3A_881, %mul3A_882 : vector<16xf32>
      %mul3A_884 = arith.mulf %gather3A_873, %gather3A_873 : vector<16xf32>
      %add3A_885 = arith.addf %add3A_883, %mul3A_884 : vector<16xf32>
      %mul3A_886 = arith.mulf %gather3A_874, %gather3A_874 : vector<16xf32>
      %add3A_887 = arith.addf %add3A_885, %mul3A_886 : vector<16xf32>
      %mul3A_888 = arith.mulf %add3A_878, %add3A_878 : vector<16xf32>
      %sub3A_889 = arith.subf %mul3A_888, %add3A_887 : vector<16xf32>
      %add3A_890 = arith.addf %add3A_867, %sub3A_889 : vector<16xf32>
      %broadcast_in_dim3A_891 = arith.constant 12 : i32
      %broadcast_in_dim3A_892 = vector.broadcast %broadcast_in_dim3A_891 : i32 to vector<16xi32>
      %gather3A_893 = tpu.vector_load_idx %arg9[%add3A_590, %broadcast_in_dim3A_892] : memref<2560x16xf32, #tpu.memory_space<vmem>>[vector<16xi32>, vector<16xi32>], vector<16xf32>,
      %gather3A_894 = tpu.vector_load_idx %arg9[%add3A_594, %broadcast_in_dim3A_892] : memref<2560x16xf32, #tpu.memory_space<vmem>>[vector<16xi32>, vector<16xi32>], vector<16xf32>,
      %gather3A_895 = tpu.vector_load_idx %arg9[%add3A_598, %broadcast_in_dim3A_892] : memref<2560x16xf32, #tpu.memory_space<vmem>>[vector<16xi32>, vector<16xi32>], vector<16xf32>,
      %gather3A_896 = tpu.vector_load_idx %arg9[%add3A_602, %broadcast_in_dim3A_892] : memref<2560x16xf32, #tpu.memory_space<vmem>>[vector<16xi32>, vector<16xi32>], vector<16xf32>,
      %gather3A_897 = tpu.vector_load_idx %arg9[%add3A_606, %broadcast_in_dim3A_892] : memref<2560x16xf32, #tpu.memory_space<vmem>>[vector<16xi32>, vector<16xi32>], vector<16xf32>,
      %add3A_898 = arith.addf %gather3A_893, %gather3A_894 : vector<16xf32>
      %add3A_899 = arith.addf %add3A_898, %gather3A_895 : vector<16xf32>
      %add3A_900 = arith.addf %add3A_899, %gather3A_896 : vector<16xf32>
      %add3A_901 = arith.addf %add3A_900, %gather3A_897 : vector<16xf32>
      %mul3A_902 = arith.mulf %gather3A_893, %gather3A_893 : vector<16xf32>
      %mul3A_903 = arith.mulf %gather3A_894, %gather3A_894 : vector<16xf32>
      %add3A_904 = arith.addf %mul3A_902, %mul3A_903 : vector<16xf32>
      %mul3A_905 = arith.mulf %gather3A_895, %gather3A_895 : vector<16xf32>
      %add3A_906 = arith.addf %add3A_904, %mul3A_905 : vector<16xf32>
      %mul3A_907 = arith.mulf %gather3A_896, %gather3A_896 : vector<16xf32>
      %add3A_908 = arith.addf %add3A_906, %mul3A_907 : vector<16xf32>
      %mul3A_909 = arith.mulf %gather3A_897, %gather3A_897 : vector<16xf32>
      %add3A_910 = arith.addf %add3A_908, %mul3A_909 : vector<16xf32>
      %mul3A_911 = arith.mulf %add3A_901, %add3A_901 : vector<16xf32>
      %sub3A_912 = arith.subf %mul3A_911, %add3A_910 : vector<16xf32>
      %add3A_913 = arith.addf %add3A_890, %sub3A_912 : vector<16xf32>
      %broadcast_in_dim3A_914 = arith.constant 13 : i32
      %broadcast_in_dim3A_915 = vector.broadcast %broadcast_in_dim3A_914 : i32 to vector<16xi32>
      %gather3A_916 = tpu.vector_load_idx %arg9[%add3A_590, %broadcast_in_dim3A_915] : memref<2560x16xf32, #tpu.memory_space<vmem>>[vector<16xi32>, vector<16xi32>], vector<16xf32>,
      %gather3A_917 = tpu.vector_load_idx %arg9[%add3A_594, %broadcast_in_dim3A_915] : memref<2560x16xf32, #tpu.memory_space<vmem>>[vector<16xi32>, vector<16xi32>], vector<16xf32>,
      %gather3A_918 = tpu.vector_load_idx %arg9[%add3A_598, %broadcast_in_dim3A_915] : memref<2560x16xf32, #tpu.memory_space<vmem>>[vector<16xi32>, vector<16xi32>], vector<16xf32>,
      %gather3A_919 = tpu.vector_load_idx %arg9[%add3A_602, %broadcast_in_dim3A_915] : memref<2560x16xf32, #tpu.memory_space<vmem>>[vector<16xi32>, vector<16xi32>], vector<16xf32>,
      %gather3A_920 = tpu.vector_load_idx %arg9[%add3A_606, %broadcast_in_dim3A_915] : memref<2560x16xf32, #tpu.memory_space<vmem>>[vector<16xi32>, vector<16xi32>], vector<16xf32>,
      %add3A_921 = arith.addf %gather3A_916, %gather3A_917 : vector<16xf32>
      %add3A_922 = arith.addf %add3A_921, %gather3A_918 : vector<16xf32>
      %add3A_923 = arith.addf %add3A_922, %gather3A_919 : vector<16xf32>
      %add3A_924 = arith.addf %add3A_923, %gather3A_920 : vector<16xf32>
      %mul3A_925 = arith.mulf %gather3A_916, %gather3A_916 : vector<16xf32>
      %mul3A_926 = arith.mulf %gather3A_917, %gather3A_917 : vector<16xf32>
      %add3A_927 = arith.addf %mul3A_925, %mul3A_926 : vector<16xf32>
      %mul3A_928 = arith.mulf %gather3A_918, %gather3A_918 : vector<16xf32>
      %add3A_929 = arith.addf %add3A_927, %mul3A_928 : vector<16xf32>
      %mul3A_930 = arith.mulf %gather3A_919, %gather3A_919 : vector<16xf32>
      %add3A_931 = arith.addf %add3A_929, %mul3A_930 : vector<16xf32>
      %mul3A_932 = arith.mulf %gather3A_920, %gather3A_920 : vector<16xf32>
      %add3A_933 = arith.addf %add3A_931, %mul3A_932 : vector<16xf32>
      %mul3A_934 = arith.mulf %add3A_924, %add3A_924 : vector<16xf32>
      %sub3A_935 = arith.subf %mul3A_934, %add3A_933 : vector<16xf32>
      %add3A_936 = arith.addf %add3A_913, %sub3A_935 : vector<16xf32>
      %broadcast_in_dim3A_937 = arith.constant 14 : i32
      %broadcast_in_dim3A_938 = vector.broadcast %broadcast_in_dim3A_937 : i32 to vector<16xi32>
      %gather3A_939 = tpu.vector_load_idx %arg9[%add3A_590, %broadcast_in_dim3A_938] : memref<2560x16xf32, #tpu.memory_space<vmem>>[vector<16xi32>, vector<16xi32>], vector<16xf32>,
      %gather3A_940 = tpu.vector_load_idx %arg9[%add3A_594, %broadcast_in_dim3A_938] : memref<2560x16xf32, #tpu.memory_space<vmem>>[vector<16xi32>, vector<16xi32>], vector<16xf32>,
      %gather3A_941 = tpu.vector_load_idx %arg9[%add3A_598, %broadcast_in_dim3A_938] : memref<2560x16xf32, #tpu.memory_space<vmem>>[vector<16xi32>, vector<16xi32>], vector<16xf32>,
      %gather3A_942 = tpu.vector_load_idx %arg9[%add3A_602, %broadcast_in_dim3A_938] : memref<2560x16xf32, #tpu.memory_space<vmem>>[vector<16xi32>, vector<16xi32>], vector<16xf32>,
      %gather3A_943 = tpu.vector_load_idx %arg9[%add3A_606, %broadcast_in_dim3A_938] : memref<2560x16xf32, #tpu.memory_space<vmem>>[vector<16xi32>, vector<16xi32>], vector<16xf32>,
      %add3A_944 = arith.addf %gather3A_939, %gather3A_940 : vector<16xf32>
      %add3A_945 = arith.addf %add3A_944, %gather3A_941 : vector<16xf32>
      %add3A_946 = arith.addf %add3A_945, %gather3A_942 : vector<16xf32>
      %add3A_947 = arith.addf %add3A_946, %gather3A_943 : vector<16xf32>
      %mul3A_948 = arith.mulf %gather3A_939, %gather3A_939 : vector<16xf32>
      %mul3A_949 = arith.mulf %gather3A_940, %gather3A_940 : vector<16xf32>
      %add3A_950 = arith.addf %mul3A_948, %mul3A_949 : vector<16xf32>
      %mul3A_951 = arith.mulf %gather3A_941, %gather3A_941 : vector<16xf32>
      %add3A_952 = arith.addf %add3A_950, %mul3A_951 : vector<16xf32>
      %mul3A_953 = arith.mulf %gather3A_942, %gather3A_942 : vector<16xf32>
      %add3A_954 = arith.addf %add3A_952, %mul3A_953 : vector<16xf32>
      %mul3A_955 = arith.mulf %gather3A_943, %gather3A_943 : vector<16xf32>
      %add3A_956 = arith.addf %add3A_954, %mul3A_955 : vector<16xf32>
      %mul3A_957 = arith.mulf %add3A_947, %add3A_947 : vector<16xf32>
      %sub3A_958 = arith.subf %mul3A_957, %add3A_956 : vector<16xf32>
      %add3A_959 = arith.addf %add3A_936, %sub3A_958 : vector<16xf32>
      %broadcast_in_dim3A_960 = arith.constant 15 : i32
      %broadcast_in_dim3A_961 = vector.broadcast %broadcast_in_dim3A_960 : i32 to vector<16xi32>
      %gather3A_962 = tpu.vector_load_idx %arg9[%add3A_590, %broadcast_in_dim3A_961] : memref<2560x16xf32, #tpu.memory_space<vmem>>[vector<16xi32>, vector<16xi32>], vector<16xf32>,
      %gather3A_963 = tpu.vector_load_idx %arg9[%add3A_594, %broadcast_in_dim3A_961] : memref<2560x16xf32, #tpu.memory_space<vmem>>[vector<16xi32>, vector<16xi32>], vector<16xf32>,
      %gather3A_964 = tpu.vector_load_idx %arg9[%add3A_598, %broadcast_in_dim3A_961] : memref<2560x16xf32, #tpu.memory_space<vmem>>[vector<16xi32>, vector<16xi32>], vector<16xf32>,
      %gather3A_965 = tpu.vector_load_idx %arg9[%add3A_602, %broadcast_in_dim3A_961] : memref<2560x16xf32, #tpu.memory_space<vmem>>[vector<16xi32>, vector<16xi32>], vector<16xf32>,
      %gather3A_966 = tpu.vector_load_idx %arg9[%add3A_606, %broadcast_in_dim3A_961] : memref<2560x16xf32, #tpu.memory_space<vmem>>[vector<16xi32>, vector<16xi32>], vector<16xf32>,
      %add3A_967 = arith.addf %gather3A_962, %gather3A_963 : vector<16xf32>
      %add3A_968 = arith.addf %add3A_967, %gather3A_964 : vector<16xf32>
      %add3A_969 = arith.addf %add3A_968, %gather3A_965 : vector<16xf32>
      %add3A_970 = arith.addf %add3A_969, %gather3A_966 : vector<16xf32>
      %mul3A_971 = arith.mulf %gather3A_962, %gather3A_962 : vector<16xf32>
      %mul3A_972 = arith.mulf %gather3A_963, %gather3A_963 : vector<16xf32>
      %add3A_973 = arith.addf %mul3A_971, %mul3A_972 : vector<16xf32>
      %mul3A_974 = arith.mulf %gather3A_964, %gather3A_964 : vector<16xf32>
      %add3A_975 = arith.addf %add3A_973, %mul3A_974 : vector<16xf32>
      %mul3A_976 = arith.mulf %gather3A_965, %gather3A_965 : vector<16xf32>
      %add3A_977 = arith.addf %add3A_975, %mul3A_976 : vector<16xf32>
      %mul3A_978 = arith.mulf %gather3A_966, %gather3A_966 : vector<16xf32>
      %add3A_979 = arith.addf %add3A_977, %mul3A_978 : vector<16xf32>
      %mul3A_980 = arith.mulf %add3A_970, %add3A_970 : vector<16xf32>
      %sub3A_981 = arith.subf %mul3A_980, %add3A_979 : vector<16xf32>
      %add3A_982 = arith.addf %add3A_959, %sub3A_981 : vector<16xf32>
      %mul3A_983 = arith.constant 5.000000e-01 : f32
      %mul3A_984 = vector.broadcast %mul3A_983 : f32 to vector<16xf32>
      %mul3A_985 = arith.mulf %mul3A_984, %add3A_982 : vector<16xf32>
      %add3A_986 = arith.addf %add3A_615, %mul3A_985 : vector<16xf32>
      %mul3A_987 = arith.constant 16 : i32
      %mul3A_988 = arith.muli %scan3A_584, %mul3A_987 : i32
      %swap3A = arith.index_cast %mul3A_988 : i32 to index
      %swap3A_989 = tpu.vector_load %arg12[%swap3A] {strides = array<i32>} : memref<512xf32, #tpu.memory_space<vmem>>, vector<16xf32>,
      tpu.vector_store %arg12[%swap3A], %add3A_986 {strides = array<i32>} : memref<512xf32, #tpu.memory_space<vmem>>, vector<16xf32>,
    }
    %scan3A_583 = arith.constant 32 : i32
    "tpu.region"() ({
      %run_scoped3A = tpu.sem_alloc : memref<!tpu.dma_semaphore, #tpu.memory_space<semaphore_mem>>
      %dma_start3A_584 = tpu.memref_slice %arg6[%mul3A_2] : memref<16384xf32, #tpu.memory_space<hbm>> -> memref<512xf32, #tpu.memory_space<hbm>>
      %dma_start3A_585 = tpu.memref_slice %arg6[%mul3A_2] : memref<16384xf32, #tpu.memory_space<hbm>> -> memref<512xf32, #tpu.memory_space<hbm>>
      tpu.enqueue_dma source(%arg12 : memref<512xf32, #tpu.memory_space<vmem>>) target(%dma_start3A_585 : memref<512xf32, #tpu.memory_space<hbm>>) target_semaphore(%run_scoped3A : memref<!tpu.dma_semaphore, #tpu.memory_space<semaphore_mem>>)
      %dma_wait3A_586 = tpu.memref_slice %arg6[%mul3A_2] : memref<16384xf32, #tpu.memory_space<hbm>> -> memref<512xf32, #tpu.memory_space<hbm>>
      %dma_wait3A_587 = tpu.memref_slice %arg6[%mul3A_2] : memref<16384xf32, #tpu.memory_space<hbm>> -> memref<512xf32, #tpu.memory_space<hbm>>
      tpu.wait_dma2 semaphore(%run_scoped3A : memref<!tpu.dma_semaphore, #tpu.memory_space<semaphore_mem>>) src(%arg12 : memref<512xf32, #tpu.memory_space<vmem>>) dst(%dma_wait3A_587 : memref<512xf32, #tpu.memory_space<hbm>>)
      tpu.yield
    }) : () -> ()
    return
  }
}

</mosaic_0001>

<sc_bundles>
// kernel: _fm.4.cloned.1.call-start
scs
__scs_entry_jumppad:
0x0: {  	(pc) =	sbr.rel $0x88, $3  }
0x1: {  	(tag) =	ssettag $0x0;
	lr =	simm.s32 $0x1  }
0x2: {  	[smem:$0x3F9E] =	sst lr;
	_ =	strace $0xD0000000  }
0x3: {  	_ = 	snop  }
0x4: {  	_ = 	snop  }
0x5: {  	_ = 	snop  }
0x6: {  	_ = 	snop  }
0x7: {  	_ = 	snop  }
__scs_overlays_trampoline_lowered:
0x8: {  	[smem:$0x3FAD] =	sst s0  }
0x9: {  	[smem:$0x3FAE] =	sst s1  }
0xa: {  	[smem:$0x3FAF] =	sst s2  }
0xb: {  	[smem:$0x3FB0] =	sst s3  }
0xc: {  	[smem:$0x3FB1] =	sst s4  }
0xd: {  	[smem:$0x3FB2] =	sst s5  }
0xe: {  	[smem:$0x3FB3] =	sst s6  }
0xf: {  	[smem:$0x3FB4] =	sst s7  }
0x10: {  	[smem:$0x3FB5] =	sst s8  }
0x11: {  	[smem:$0x3FB6] =	sst s9;
	s0 =	simm.s32 @!p0 $0x0  }
0x12: {  	s1 =	sld [smem:$0x3F9C];
	s0 =	simm.s32 @p0 $0x1  }
0x13: {  	[smem:$0x3FB7] =	sst s0;
	s0 =	simm.s32 @!p1 $0x0  }
0x14: {  	s2 =	sld [smem:$0x3F9B];
	s0 =	simm.s32 @p1 $0x1  }
0x15: {  	[smem:$0x3FB8] =	sst s0;
	s0 =	simm.s32 @!p2 $0x0  }
0x16: {  	s3 =	sld [smem:$0x3FDB];
	s0 =	simm.s32 @p2 $0x1  }
0x17: {  	s4 =	simm.s32 $0x1BF5;
	[smem:$0x3FBA] =	sst s0  }
0x18: {  	s0 =	sld [smem:$0x3F9D];
	_ =	swait.ge [sflag:s4], $0x0  }
0x19: {  	s7 =	sld [smem:$0x3F9E]  }
0x1a: {  	s8 =	sadd.s32 $0xFFFFE003, lr  }
0x1b: {  	s9 =	sadd.s32 $0xFFFFFEF7, lr;
	s5 =	simm.s32 $0xFFFFFFFF;
	p2 =	slt.u32 s8, $0xFFFFF086  }
0x1c: {  	p1 =	slt.u32 s9, $0xF7A;
	s5 =	simm.s32 @!p2 $0x0  }
0x1d: {  	s5 =	simm.s32 @p1 $0x1;
	p0 =	seq.s32 s7, s2  }
0x1e: {  	s7 =	smul.u32 @!p0 $0xF7A, s2;
	p2 =	seq.s32 @!p0 s5, $0x0  }
0x1f: {  	s9 =	smul.u32 $0xF7A, s1;
	s8 =	simm.s32 @!p0 $0x1BF5;
	p2 =	por !p2, p0  }
0x20: {  	[sflag:s8] =	ssyncset.s32 @!p0 $0xFFFFF086;
	s6 =	sadd.s32 @!p0 s3, s7;
	s7 =	simm.s32 @!p0 $0x108  }
0x21: {  	s3 =	sadd.s32 s3, s9;
	s6 =	sadd.s32 @!p0 $0x88, s6;
	s7 =	simm.s32 @p2 $0x1082  }
0x22: {  	[simem:s7], [sflag:s8] =	dma.local @!p0 [hbm:s6], $0xF7A  }
0x23: {  	s9 =	sor.u32 $0xD0000000, s2;
	s6 =	simm.s32 $0x108;
	_ =	swait.ge @!p0 [sflag:s8], $0x0  }
0x24: {  	s3 =	sadd.s32 $0x88, s3;
	s6 =	simm.s32 @!p1 $0x1082;
	[sflag:s4] =	ssyncset.s32 $0xFFFFF086  }
0x25: {  	[simem:s6], [sflag:s4] =	dma.local [hbm:s3], $0xF7A  }
0x26: {  	[smem:$0x3F9E] =	sst s1;
	(tag) =	ssettag s2;
	_ =	strace s9  }
0x27: {  	s1 =	sld [smem:$0x3FAE]  }
0x28: {  	s2 =	sld [smem:$0x3FAF]  }
0x29: {  	s4 =	sld [smem:$0x3FB1]  }
0x2a: {  	p0 =	seq.s32 s5, $0x0;
	s5 =	sld [smem:$0x3FB2]  }
0x2b: {  	s6 =	sld [smem:$0x3FB3]  }
0x2c: {  	s7 =	sld [smem:$0x3FB4]  }
0x2d: {  	s3 =	simm.s32 $0x108;
	s8 =	sld [smem:$0x3FB5]  }
0x2e: {  	s3 =	simm.s32 @!p0 $0x1082;
	s9 =	sld [smem:$0x3FB6]  }
0x2f: {  	lr =	sadd.s32 s0, s3;
	s0 =	sld [smem:$0x3FAD]  }
0x30: {  	s3 =	sld [smem:$0x3FB0]  }
0x31: {  	[smem:$0x3FB9] =	sst s10  }
0x32: {  	s10 =	sld [smem:$0x3FB7];
	_ =	sdelay $0x3  }
0x33: {  	p0 =	seq.s32 s10, $0x1;
	s10 =	sld [smem:$0x3FB9];
	_ =	sdelay $0x3  }
0x34: {  	[smem:$0x3FB9] =	sst s10  }
0x35: {  	s10 =	sld [smem:$0x3FB8];
	_ =	sdelay $0x3  }
0x36: {  	p1 =	seq.s32 s10, $0x1;
	s10 =	sld [smem:$0x3FB9];
	_ =	sdelay $0x3  }
0x37: {  	[smem:$0x3FB9] =	sst s10  }
0x38: {  	s10 =	sld [smem:$0x3FBA]  }
0x39: {  	_ = 	snop;
	(pc) =	sbr.ind lr, $3  }
0x3a: {  	_ = 	snop  }
0x3b: {  	_ = 	snop  }
0x3c: {  	p2 =	seq.s32 s10, $0x1;
	s10 =	sld [smem:$0x3FB9]  }
0x3d: {  	_ =	shalt  }
0x3e: {  	_ =	shalt  }
0x3f: {  	_ =	shalt  }
0x40: {  	_ =	shalt  }
0x41: {  	_ =	shalt  }
0x42: {  	_ =	shalt  }
0x43: {  	_ =	shalt  }
0x44: {  	_ =	shalt  }
0x45: {  	_ =	shalt  }
0x46: {  	_ =	shalt  }
0x47: {  	_ =	shalt  }
0x48: {  	_ =	shalt  }
0x49: {  	_ =	shalt  }
0x4a: {  	_ =	shalt  }
0x4b: {  	_ =	shalt  }
0x4c: {  	_ =	shalt  }
0x4d: {  	_ =	shalt  }
0x4e: {  	_ =	shalt  }
0x4f: {  	_ =	shalt  }
0x50: {  	_ =	shalt  }
0x51: {  	_ =	shalt  }
0x52: {  	_ =	shalt  }
0x53: {  	_ =	shalt  }
0x54: {  	_ =	shalt  }
0x55: {  	_ =	shalt  }
0x56: {  	_ =	shalt  }
0x57: {  	_ =	shalt  }
0x58: {  	_ =	shalt  }
0x59: {  	_ =	shalt  }
0x5a: {  	_ =	shalt  }
0x5b: {  	_ =	shalt  }
0x5c: {  	_ =	shalt  }
0x5d: {  	_ =	shalt  }
0x5e: {  	_ =	shalt  }
0x5f: {  	_ =	shalt  }
0x60: {  	_ =	shalt  }
0x61: {  	_ =	shalt  }
0x62: {  	_ =	shalt  }
0x63: {  	_ =	shalt  }
0x64: {  	_ =	shalt  }
0x65: {  	_ =	shalt  }
0x66: {  	_ =	shalt  }
0x67: {  	_ =	shalt  }
0x68: {  	_ =	shalt  }
0x69: {  	_ =	shalt  }
0x6a: {  	_ =	shalt  }
0x6b: {  	_ =	shalt  }
0x6c: {  	_ =	shalt  }
0x6d: {  	_ =	shalt  }
0x6e: {  	_ =	shalt  }
0x6f: {  	_ =	shalt  }
0x70: {  	_ =	shalt  }
0x71: {  	_ =	shalt  }
0x72: {  	_ =	shalt  }
0x73: {  	_ =	shalt  }
0x74: {  	_ =	shalt  }
0x75: {  	_ =	shalt  }
0x76: {  	_ =	shalt  }
0x77: {  	_ =	shalt  }
0x78: {  	_ =	shalt  }
0x79: {  	_ =	shalt  }
0x7a: {  	_ =	shalt  }
0x7b: {  	_ =	shalt  }
0x7c: {  	_ =	shalt  }
0x7d: {  	_ =	shalt  }
0x7e: {  	_ =	shalt  }
0x7f: {  	_ =	shalt  }
0x80: {  	_ =	shalt  }
0x81: {  	_ =	shalt  }
0x82: {  	_ =	shalt  }
0x83: {  	_ =	shalt  }
0x84: {  	_ =	shalt  }
0x85: {  	_ =	shalt  }
0x86: {  	_ =	shalt  }
0x87: {  	_ =	shalt  }
.Lfunc_end0:
.L_simem_size_0:
called_computation_lowered:
.L_overlay_start_0:
0x88: {  	s2 =	sld [smem:$0x3FD9]  }
0x89: {  	s3 =	sld [smem:$0x3FFE];
	_ =	sdelay $0x1  }
0x8a: {  	s1 =	srdreg.scid  }
0x8b: {  	s0 =	sand.u32 $0x1, s1  }
0x8c: {  	s17 =	sshll.u32 s0, $0xA;
	s2 =	sadd.s32 s3, s2  }
0x8d: {  	s2 =	sadd.s32 s2, s17  }
0x8e: {  	[smem:$0x3FC5] =	sst s2  }
0x8f: {  	_ = 	snop  }
0x90: {  	s2 =	sld [smem:$0x3FC7];
	(tm) =	ssettm $0x1  }
0x91: {  	s18 =	sld [smem:$0x3FFB];
	_ =	sdelay $0x3  }
0x92: {  	_ =	strace s18  }
0x93: {  	s3 =	sld [smem:$0x3FFC];
	_ =	sdelay $0x3  }
0x94: {  	_ =	strace s3  }
0x95: {  	s3 =	sld [smem:$0x3FFD];
	_ =	sdelay $0x3  }
0x96: {  	_ =	strace s3  }
0x97: {  	_ =	strace $0x8FFFFFFF  }
0x98: {  	s19 =	sld [smem:$0x3FDB];
	_ =	sdelay $0x1  }
0x99: {  	s4 =	simm.s32 $_scs_section_size  }
0x9a: {  	s5 =	simm.s32 $_size__tile_overlayer_lowered;
	s6 =	simm.s32 $_tile_overlayer_lowered  }
0x9b: {  	s22 =	simm.s32 $0x1BFF;
	s21 =	sshll.u32 s6, $0x1;
	s3 =	sadd.s32 s4, s19  }
0x9c: {  	s7 =	simm.s32 $0x0;
	s20 =	sshll.u32 s5, $0x1;
	s5 =	sadd.s32 s21, s3  }
0x9d: {  	[timem:s7], [sflag:s22] =	dma.local [hbm:s5], s20  }
0x9e: {  	_ =	swait.ge [sflag:s22], s20  }
0x9f: {  	s4 =	ssub.s32 $0x0, s20;
	[sflag:s22] =	ssyncset.done $0x0  }
0xa0: {  	[sflag:s22] =	ssyncadd.s32 s4;
	_ =	sdelay $0x1  }
0xa1: {  	s23 =	simm.s32 $0x1B8B  }
0xa2: {  	_ =	swait.ge [sflag:s23], $0x1  }
0xa3: {  	[sflag:s23] =	ssyncset.done $0x0  }
0xa4: {  	s25 =	simm.s32 $0x1B8E;
	s24 =	sld [smem:$0x3FFE];
	[sflag:s23] =	ssyncadd.s32 $0xFFFFFFFF  }
0xa5: {  	s26 =	simm.s32 $execute0_lowered;
	[smem:$0x3FD2] =	sst s25  }
0xa6: {  	s5 =	sshll.u32 s26, $0x1;
	_ =	strace $0x80000046;
	[dreg:$0x1] =	wrdreg $0xFFFFFFFF  }
0xa7: {  	s28 =	simm.s32 $_size_execute0_lowered;
	s3 =	sadd.s32 s3, s5;
	[dreg:$0x0] =	wrdreg $0x0  }
0xa8: {  	s5 =	sshll.u32 s28, $0x1;
	[dreg:$0x2] =	wrdreg s3  }
0xa9: {  	[dreg:$0x3] =	wrdreg s5  }
0xaa: {  	[dreg:$0x4] =	wrdreg $0xC0  }
0xab: {  	_ =	task [dreg:s7], $0x5FFFF  }
0xac: {  	[dreg:$0x1] =	wrdreg $0xFFFFFFFF  }
0xad: {  	[dreg:$0x0] =	wrdreg $0x60  }
0xae: {  	[dreg:$0x2] =	wrdreg s2  }
0xaf: {  	[dreg:$0x3] =	wrdreg s24  }
0xb0: {  	[dreg:$0x4] =	wrdreg $0x9  }
0xb1: {  	_ =	task.clear_ibuf [dreg:s7], $0x5FFFF;
	_ =	strace $0x90000046  }
0xb2: {  	s29 =	simm.s32 $0x9;
	_ =	strace $0x80000048  }
0xb3: {  	_ =	swait.ge [sflag:s29], $0x1  }
0xb4: {  	[sflag:s29] =	ssyncadd.s32 $0xFFFFFFFF  }
0xb5: {  	_ =	strace $0x90000048  }
0xb6: {  	_ =	sfence  }
0xb7: {  	s30 =	sld [smem:$0x0];
	_ =	sdelay $0x2  }
0xb8: {  	s31 =	sshll.u32 s1, $0xD;
	s1 =	sshrl.u32 s1, $0x2  }
0xb9: {  	s3 =	sand.u32 $0x4000, s31;
	s1 =	sadd.s32 s1, s30  }
0xba: {  	s0 =	sor.u32 s3, s0;
	s1 =	sshll.u32 s1, $0x11  }
0xbb: {  	s0 =	sor.u32 s1, s0  }
0xbc: {  	s0 =	sadd.s32 $0x8F2B, s0  }
0xbd: {  	[sflag:s0] =	ssyncadd.remote.s32 $0x1  }
0xbe: {  	_ =	sfence.sel $0xFFFF  }
0xbf: {  	[dreg:$0x0] =	wrdreg $0xFFFFFFFF;
	(pc) =	sbr.abs _section_cstart, $3  }
0xc0: {  	[dreg:$0x1] =	wrdreg $0xFFFFFFFF  }
0xc1: {  	_ =	task.clear_ibuf [dreg:s7], $0x2FFFF;
	_ =	strace $0x9FFFFFFF  }
0xc2: {  	(tm) =	ssettm $0x7FFFFFFF  }
0xc3: {  	_ =	shalt  }
tec
execute0_lowered:
.L_overlay_start_1:
0x0: {  	(tag) =	ssettag $0x1  }
0x1: {  	s1 =	rddreg [dreg:$0x0]  }
0x2: {  	s12 =	rddreg [dreg:$0x1];
	v1 =	vlaneseq.u32  }
0x3: {  	s0 =	rddreg [dreg:$0x2];
	v0 =	vand.u32 $0x7, v1  }
0x4: {  	s4 =	srdreg.scid;
	s2 =	stileid.u32;
	v0 =	vmul.u32 $0x10, v0  }
0x5: {  	s3 =	simm.s32 $0x0;
	s15 =	simm.s32 $0x1000;
	s16 =	simm.s32 $0x7A1400  }
0x6: {  	s17 =	simm.s32 $0x2000;
	s4 =	sand.u32 $0x1, s4;
	s5 =	sshll.u32 s2, $0x1;
	v1 =	vmul.u32 $0x20, v1;
	v2 =	vor.u32 $0x1, v0  }
0x7: {  	s18 =	simm.s32 $0x1;
	s19 =	simm.s32 $0x4000;
	s21 =	sor.u32 s4, s5;
	v3 =	vor.u32 $0x2, v0;
	v4 =	vor.u32 $0x3, v0;
	v5 =	vor.u32 $0x4, v0  }
0x8: {  	s20 =	simm.s32 $0x2;
	[smem:$0x7FF] =	sst s3;
	s6 =	smul.u32 $0x3D000, s21;
	v6 =	vor.u32 $0x5, v0;
	v7 =	vor.u32 $0x6, v0;
	v8 =	vor.u32 $0x7, v0  }
0x9: {  	s10 =	sadd.s32 $0xF4000, s1;
	s13 =	sadd.s32 $0x400, s1;
	s8 =	smul.u32 $0x7A000, s21;
	v10 =	vor.u32 $0x9, v0;
	v11 =	vor.u32 $0xA, v0;
	v12 =	vor.u32 $0xB, v0  }
0xa: {  	_ =	strace $0x80000047;
	s31 =	ssub.s32 $0x2, s4;
	s5 =	smul.u32 $0x3D, s21;
	v13 =	vor.u32 $0xC, v0;
	v14 =	vor.u32 $0xD, v0;
	v15 =	vor.u32 $0xE, v0  }
0xb: {  	s4 =	sadd.s32 $0x800, s12;
	s7 =	sshrl.u32 s31, $0x1;
	s11 =	smul.u32 $0x7A00, s21;
	v16 =	vor.u32 $0xF, v0;
	v17 =	vor.u32 $0x80, v0;
	v18 =	vor.u32 $0x81, v0  }
.Ltmp0:
0xc: {  	p0 =	sne.s32 s21, $0x0;
	s21 =	simm.s32 $0x0;
	v19 =	vor.u32 $0x82, v0;
	v20 =	vor.u32 $0x83, v0;
	v21 =	vor.u32 $0x84, v0;
	(pc) =	sbr.rel .LBB2_1-.Ltmp0, $4  }
0xd: {  	s14 =	ssub.s32 s31, s7;
	v22 =	vor.u32 $0x85, v0;
	v23 =	vor.u32 $0x86, v0;
	v24 =	vor.u32 $0x87, v0;
	s6 =	sshrl.u32 s6, $0x3;
	s8 =	sshrl.u32 s8, $0x3  }
0xe: {  	v25 =	vor.u32 $0x88, v0;
	v26 =	vor.u32 $0x89, v0;
	v27 =	vor.u32 $0x8A, v0;
	s7 =	sadd.s32 $0x3D, s5;
	s11 =	sadd.s32 s1, s11;
	s14 =	smax.u32 s14, $0x1  }
0xf: {  	v28 =	vor.u32 $0x8B, v0;
	v29 =	vor.u32 $0x8C, v0;
	v30 =	vor.u32 $0x8D, v0;
	s6 =	sadd.s32 s1, s6;
	s9 =	sadd.s32 s4, s8;
	s8 =	sadd.s32 $0xC00, s12  }
0x10: {  	v9 =	vor.u32 $0x8, v0;
	v31 =	vor.u32 $0x8E, v0;
	v32 =	vor.u32 $0x8F, v0;
	s12 =	sadd.s32 $0x1E8800, s12;
	s6 =	sadd.s32 $0x200, s6;
	s9 =	sadd.s32 $0xF000, s9  }
.LBB2_21:
0x11: {  	s21 =	sadd.s32 $0x1, s21  }
0x12: {  	p1 =	sne.s32 s21, s14  }
.Ltmp1:
0x13: {  	_ = 	snop;
	(pc) =	sbr.rel @!p1 .LBB2_22-.Ltmp1, $1  }
0x14: {  	_ =	sdelay $0x3  }
.LBB2_1:
0x15: {  	[tilespmem:s3], [sflag:$0x1] =	stream.strided.gather [hbm4b:s11+s15], $0x2000, s16, s15, $0x38;
	[tilespmem:$0x8000] =	vst v63  }
0x16: {  	s22 =	simm.s32 $0x0  }
0x17: {  	[tilespmem:s17], [sflag:$0x1] =	stream.strided.gather [hbm4b:s6+s15], $0x2000, s16, s15, $0x38;
	[tilespmem:$0x8000] =	vst v63  }
.LBB2_2:
0x18: {  	_ =	swait.ge [sflag:s18], $0x2000  }
0x19: {  	p1 =	seq.s32 s22, $0x0;
	s24 =	simm.s32 $0x0;
	[sflag:s18] =	ssyncset.done $0x0  }
0x1a: {  	s23 =	simm.s32 @!p1 $0x2;
	v33 =	vmov s24;
	[sflag:s18] =	ssyncadd.s32 $0xFFFFE000  }
0x1b: {  	v33 =	vshll.u32 v33, $0x1;
	_ =	swait.ge @!p1 [sflag:s23], $0x2000  }
0x1c: {  	s25 =	sand.u32 $0x70, s24;
	s26 =	sand.u32 $0xC00, s24;
	v33 =	vor.u32 v1, v33;
	[sflag:s23] =	ssyncset.done @!p1 $0x0  }
0x1d: {  	s25 =	sor.u32 s25, s26;
	v33 =	vand.u32 $0x3F00, v33;
	[sflag:s23] =	ssyncadd.s32 @!p1 $0xFFFFE000  }
0x1e: {  	v35 =	vor.u32 v0, v33;
	v34 =	vld [tilespmem:s25+$0x0];
	_ =	sdelay $0x4  }
0x1f: {  	[tilespmem:v35+s19+$0x0] =	vst.idx.msk $0xffff, v34  }
0x20: {  	v50 =	vor.u32 v2, v33;
	v34 =	vld [tilespmem:s25+$0x80];
	_ =	sdelay $0x4  }
0x21: {  	[tilespmem:v50+s19+$0x0] =	vst.idx.msk $0xffff, v34  }
0x22: {  	v51 =	vor.u32 v3, v33;
	v34 =	vld [tilespmem:s25+$0x100];
	_ =	sdelay $0x4  }
0x23: {  	[tilespmem:v51+s19+$0x0] =	vst.idx.msk $0xffff, v34  }
0x24: {  	v52 =	vor.u32 v4, v33;
	v34 =	vld [tilespmem:s25+$0x180];
	_ =	sdelay $0x4  }
0x25: {  	[tilespmem:v52+s19+$0x0] =	vst.idx.msk $0xffff, v34  }
0x26: {  	v53 =	vor.u32 v5, v33;
	v34 =	vld [tilespmem:s25+$0x200];
	_ =	sdelay $0x4  }
0x27: {  	[tilespmem:v53+s19+$0x0] =	vst.idx.msk $0xffff, v34  }
0x28: {  	v54 =	vor.u32 v6, v33;
	v34 =	vld [tilespmem:s25+$0x280];
	_ =	sdelay $0x4  }
0x29: {  	[tilespmem:v54+s19+$0x0] =	vst.idx.msk $0xffff, v34  }
0x2a: {  	v55 =	vor.u32 v7, v33;
	v34 =	vld [tilespmem:s25+$0x300];
	_ =	sdelay $0x3  }
0x2b: {  	s29 =	sor.u32 s24, s24  }
0x2c: {  	s23 =	sor.u32 $0x380, s29;
	[tilespmem:v55+s19+$0x0] =	vst.idx.msk $0xffff, v34  }
0x2d: {  	v56 =	vor.u32 v8, v33;
	v34 =	vld [tilespmem:s23+$0x0];
	_ =	sdelay $0x4  }
0x2e: {  	[tilespmem:v56+s19+$0x0] =	vst.idx.msk $0xffff, v34  }
0x2f: {  	v57 =	vor.u32 v9, v33;
	v34 =	vld [tilespmem:s25+$0x1000];
	_ =	sdelay $0x4  }
0x30: {  	[tilespmem:v57+s19+$0x0] =	vst.idx.msk $0xffff, v34  }
0x31: {  	v58 =	vor.u32 v10, v33;
	v34 =	vld [tilespmem:s25+$0x1080];
	_ =	sdelay $0x4  }
0x32: {  	[tilespmem:v58+s19+$0x0] =	vst.idx.msk $0xffff, v34  }
0x33: {  	v59 =	vor.u32 v11, v33;
	v34 =	vld [tilespmem:s25+$0x1100];
	_ =	sdelay $0x4  }
0x34: {  	[tilespmem:v59+s19+$0x0] =	vst.idx.msk $0xffff, v34  }
0x35: {  	v60 =	vor.u32 v12, v33;
	v34 =	vld [tilespmem:s25+$0x1180];
	_ =	sdelay $0x4  }
0x36: {  	[tilespmem:v60+s19+$0x0] =	vst.idx.msk $0xffff, v34  }
0x37: {  	v61 =	vor.u32 v13, v33;
	v34 =	vld [tilespmem:s25+$0x1200];
	_ =	sdelay $0x4  }
0x38: {  	[tilespmem:v61+s19+$0x0] =	vst.idx.msk $0xffff, v34  }
0x39: {  	v62 =	vor.u32 v14, v33;
	v34 =	vld [tilespmem:s25+$0x1280];
	_ =	sdelay $0x4  }
0x3a: {  	[tilespmem:v62+s19+$0x0] =	vst.idx.msk $0xffff, v34  }
0x3b: {  	v63 =	vor.u32 v15, v33;
	v34 =	vld [tilespmem:s25+$0x1300];
	_ =	sdelay $0x4  }
0x3c: {  	[tilespmem:v63+s19+$0x0] =	vst.idx.msk $0xffff, v34  }
0x3d: {  	v35 =	vor.u32 v16, v33;
	v34 =	vld [tilespmem:s25+$0x1380]  }
0x3e: {  	s30 =	sshll.u32 s22, $0x1;
	s31 =	simm.s32 $0x100  }
0x3f: {  	s26 =	simm.s32 $0x200;
	v33 =	vmov s31;
	s23 =	sadd.s32 s5, s30;
	s25 =	simm.s32 $0x0  }
.LBB2_3:
0x40: {  	p2 =	sne.s32 s26, $0x1F00;
	v33 =	vshll.u32 v33, $0x1;
	s24 =	sadd.s32 $0x80, s24;
	s25 =	sadd.s32 $0x10, s25  }
0x41: {  	s28 =	sand.u32 $0x70, s25;
	s29 =	sand.u32 $0xC00, s24;
	v33 =	vor.u32 v1, v33  }
0x42: {  	s28 =	sor.u32 s28, s29;
	v33 =	vand.u32 $0x3F00, v33;
	[tilespmem:v35+s19+$0x0] =	vst.idx.msk $0xffff, v34  }
0x43: {  	v34 =	vld [tilespmem:s28+$0x0];
	v35 =	vor.u32 v0, v33;
	_ =	sdelay $0x4  }
0x44: {  	[tilespmem:v35+s19+$0x0] =	vst.idx.msk $0xffff, v34  }
0x45: {  	v35 =	vor.u32 v2, v33;
	v34 =	vld [tilespmem:s28+$0x80];
	_ =	sdelay $0x4  }
0x46: {  	[tilespmem:v35+s19+$0x0] =	vst.idx.msk $0xffff, v34  }
0x47: {  	v35 =	vor.u32 v3, v33;
	v34 =	vld [tilespmem:s28+$0x100];
	_ =	sdelay $0x4  }
0x48: {  	[tilespmem:v35+s19+$0x0] =	vst.idx.msk $0xffff, v34  }
0x49: {  	v35 =	vor.u32 v4, v33;
	v34 =	vld [tilespmem:s28+$0x180];
	_ =	sdelay $0x4  }
0x4a: {  	[tilespmem:v35+s19+$0x0] =	vst.idx.msk $0xffff, v34  }
0x4b: {  	v35 =	vor.u32 v5, v33;
	v34 =	vld [tilespmem:s28+$0x200];
	_ =	sdelay $0x4  }
0x4c: {  	[tilespmem:v35+s19+$0x0] =	vst.idx.msk $0xffff, v34  }
0x4d: {  	v35 =	vor.u32 v6, v33;
	v34 =	vld [tilespmem:s28+$0x280];
	_ =	sdelay $0x4  }
0x4e: {  	[tilespmem:v35+s19+$0x0] =	vst.idx.msk $0xffff, v34  }
0x4f: {  	v35 =	vor.u32 v7, v33;
	v34 =	vld [tilespmem:s28+$0x300];
	_ =	sdelay $0x3  }
0x50: {  	s29 =	sor.u32 s24, s25  }
0x51: {  	s29 =	sor.u32 $0x380, s29;
	[tilespmem:v35+s19+$0x0] =	vst.idx.msk $0xffff, v34  }
0x52: {  	v35 =	vor.u32 v8, v33;
	v34 =	vld [tilespmem:s29+$0x0];
	_ =	sdelay $0x4  }
0x53: {  	[tilespmem:v35+s19+$0x0] =	vst.idx.msk $0xffff, v34  }
0x54: {  	v35 =	vor.u32 v9, v33;
	v34 =	vld [tilespmem:s28+$0x1000];
	_ =	sdelay $0x4  }
0x55: {  	[tilespmem:v35+s19+$0x0] =	vst.idx.msk $0xffff, v34  }
0x56: {  	v35 =	vor.u32 v10, v33;
	v34 =	vld [tilespmem:s28+$0x1080];
	_ =	sdelay $0x4  }
0x57: {  	[tilespmem:v35+s19+$0x0] =	vst.idx.msk $0xffff, v34  }
0x58: {  	v35 =	vor.u32 v11, v33;
	v34 =	vld [tilespmem:s28+$0x1100];
	_ =	sdelay $0x4  }
0x59: {  	[tilespmem:v35+s19+$0x0] =	vst.idx.msk $0xffff, v34  }
0x5a: {  	v35 =	vor.u32 v12, v33;
	v34 =	vld [tilespmem:s28+$0x1180];
	_ =	sdelay $0x4  }
0x5b: {  	[tilespmem:v35+s19+$0x0] =	vst.idx.msk $0xffff, v34  }
0x5c: {  	v35 =	vor.u32 v13, v33;
	v34 =	vld [tilespmem:s28+$0x1200];
	_ =	sdelay $0x4  }
0x5d: {  	[tilespmem:v35+s19+$0x0] =	vst.idx.msk $0xffff, v34  }
0x5e: {  	v35 =	vor.u32 v14, v33;
	v34 =	vld [tilespmem:s28+$0x1280];
	_ =	sdelay $0x4  }
0x5f: {  	[tilespmem:v35+s19+$0x0] =	vst.idx.msk $0xffff, v34  }
0x60: {  	v35 =	vor.u32 v15, v33;
	v34 =	vld [tilespmem:s28+$0x1300];
	_ =	sdelay $0x3  }
.Ltmp2:
0x61: {  	(pc) =	sbr.rel @p2 .LBB2_3-.Ltmp2, $3  }
0x62: {  	[tilespmem:v35+s19+$0x0] =	vst.idx.msk $0xffff, v34  }
0x63: {  	v35 =	vor.u32 v16, v33;
	v34 =	vld [tilespmem:s28+$0x1380];
	_ =	sdelay $0x1  }
0x64: {  	v33 =	vmov s26;
	s26 =	sadd.s32 $0x100, s26  }
0x65: {  	_ =	sdelay $0x1  }
0x66: {  	v33 =	vshll.u32 v33, $0x1;
	s24 =	sadd.s32 $0x80, s24;
	s25 =	sadd.s32 $0x10, s25  }
0x67: {  	s26 =	sand.u32 $0x70, s25;
	s28 =	sand.u32 $0xC00, s24;
	v33 =	vor.u32 v1, v33  }
0x68: {  	s26 =	sor.u32 s26, s28;
	v33 =	vand.u32 $0x3F00, v33;
	[tilespmem:v35+s19+$0x0] =	vst.idx.msk $0xffff, v34  }
0x69: {  	v34 =	vld [tilespmem:s26+$0x0];
	v49 =	vor.u32 v0, v33;
	_ =	sdelay $0x4  }
0x6a: {  	[tilespmem:v49+s19+$0x0] =	vst.idx.msk $0xffff, v34  }
0x6b: {  	v50 =	vor.u32 v2, v33;
	v34 =	vld [tilespmem:s26+$0x80];
	_ =	sdelay $0x4  }
0x6c: {  	[tilespmem:v50+s19+$0x0] =	vst.idx.msk $0xffff, v34  }
0x6d: {  	v51 =	vor.u32 v3, v33;
	v34 =	vld [tilespmem:s26+$0x100];
	_ =	sdelay $0x4  }
0x6e: {  	[tilespmem:v51+s19+$0x0] =	vst.idx.msk $0xffff, v34  }
0x6f: {  	v52 =	vor.u32 v4, v33;
	v34 =	vld [tilespmem:s26+$0x180];
	_ =	sdelay $0x4  }
0x70: {  	[tilespmem:v52+s19+$0x0] =	vst.idx.msk $0xffff, v34  }
0x71: {  	v53 =	vor.u32 v5, v33;
	v34 =	vld [tilespmem:s26+$0x200];
	_ =	sdelay $0x4  }
0x72: {  	[tilespmem:v53+s19+$0x0] =	vst.idx.msk $0xffff, v34  }
0x73: {  	v54 =	vor.u32 v6, v33;
	v34 =	vld [tilespmem:s26+$0x280];
	_ =	sdelay $0x4  }
0x74: {  	[tilespmem:v54+s19+$0x0] =	vst.idx.msk $0xffff, v34  }
0x75: {  	v55 =	vor.u32 v7, v33;
	v34 =	vld [tilespmem:s26+$0x300];
	_ =	sdelay $0x3  }
0x76: {  	s24 =	sor.u32 s24, s25  }
0x77: {  	s24 =	sor.u32 $0x380, s24;
	[tilespmem:v55+s19+$0x0] =	vst.idx.msk $0xffff, v34  }
0x78: {  	v56 =	vor.u32 v8, v33;
	v34 =	vld [tilespmem:s24+$0x0];
	_ =	sdelay $0x4  }
0x79: {  	[tilespmem:v56+s19+$0x0] =	vst.idx.msk $0xffff, v34  }
0x7a: {  	v57 =	vor.u32 v9, v33;
	v34 =	vld [tilespmem:s26+$0x1000];
	_ =	sdelay $0x4  }
0x7b: {  	[tilespmem:v57+s19+$0x0] =	vst.idx.msk $0xffff, v34  }
0x7c: {  	v58 =	vor.u32 v10, v33;
	v34 =	vld [tilespmem:s26+$0x1080];
	_ =	sdelay $0x4  }
0x7d: {  	[tilespmem:v58+s19+$0x0] =	vst.idx.msk $0xffff, v34  }
0x7e: {  	v59 =	vor.u32 v11, v33;
	v34 =	vld [tilespmem:s26+$0x1100];
	_ =	sdelay $0x4  }
0x7f: {  	[tilespmem:v59+s19+$0x0] =	vst.idx.msk $0xffff, v34  }
0x80: {  	v60 =	vor.u32 v12, v33;
	v34 =	vld [tilespmem:s26+$0x1180];
	_ =	sdelay $0x4  }
0x81: {  	[tilespmem:v60+s19+$0x0] =	vst.idx.msk $0xffff, v34  }
0x82: {  	v61 =	vor.u32 v13, v33;
	v34 =	vld [tilespmem:s26+$0x1200];
	_ =	sdelay $0x4  }
0x83: {  	[tilespmem:v61+s19+$0x0] =	vst.idx.msk $0xffff, v34  }
0x84: {  	v62 =	vor.u32 v14, v33;
	v34 =	vld [tilespmem:s26+$0x1280];
	_ =	sdelay $0x4  }
0x85: {  	[tilespmem:v62+s19+$0x0] =	vst.idx.msk $0xffff, v34  }
0x86: {  	v63 =	vor.u32 v15, v33;
	v34 =	vld [tilespmem:s26+$0x1300];
	_ =	sdelay $0x4  }
0x87: {  	[tilespmem:v63+s19+$0x0] =	vst.idx.msk $0xffff, v34  }
0x88: {  	v33 =	vor.u32 v16, v33;
	v34 =	vld [tilespmem:s26+$0x1380];
	_ =	sdelay $0x2  }
0x89: {  	s24 =	sshll.u32 s23, $0xA  }
0x8a: {  	s29 =	simm.s32 $0x4100;
	s25 =	sadd.s32 s4, s24  }
0x8b: {  	s28 =	simm.s32 $0x10;
	s30 =	sadd.s32 $0x0, s25;
	s26 =	simm.s32 $0x4000;
	[tilespmem:v33+s19+$0x0] =	vst.idx.msk $0xffff, v34  }
.LBB2_5:
0x8c: {  	[hbm4b:s30+s3] =	stream.linear.scatter [tilespmem:s26], [sflag:$0x2], $0x80, $0x38;
	[tilespmem:$0x8000] =	vst v63  }
0x8d: {  	s30 =	smov.u32 s28;
	s26 =	smov.u32 s29;
	p2 =	sne.s32 s28, $0x3F0  }
.Ltmp3:
0x8e: {  	s28 =	sadd.s32 $0x10, s28;
	(pc) =	sbr.rel @p2 .LBB2_5-.Ltmp3, $2  }
0x8f: {  	_ =	sdelay $0x2  }
0x90: {  	s29 =	sadd.s32 $0x100, s29;
	s30 =	sadd.s32 s30, s25  }
0x91: {  	[hbm4b:s30+s3] =	stream.linear.scatter [tilespmem:s26], [sflag:$0x2], $0x80, $0x38;
	[tilespmem:$0x8000] =	vst v63  }
0x92: {  	s25 =	sshll.u32 s23, $0x9  }
0x93: {  	s25 =	sadd.s32 s13, s25  }
0x94: {  	[tilespmem:s3], [sflag:$0x1] =	stream.strided.gather [hbm4b:s25+s15], $0x2000, s16, s15, $0x38;
	[tilespmem:$0x8000] =	vst v63  }
0x95: {  	_ =	swait.ge [sflag:s18], $0x2000  }
0x96: {  	s25 =	simm.s32 $0x0;
	[sflag:s18] =	ssyncset.done $0x0  }
0x97: {  	s26 =	simm.s32 @!p1 $0x2;
	v33 =	vmov s25;
	[sflag:s18] =	ssyncadd.s32 $0xFFFFE000  }
0x98: {  	v33 =	vshll.u32 v33, $0x1;
	_ =	swait.ge @!p1 [sflag:s26], $0x2000  }
0x99: {  	s28 =	sand.u32 $0x70, s25;
	s29 =	sand.u32 $0xC00, s25;
	v33 =	vor.u32 v1, v33;
	[sflag:s26] =	ssyncset.done @!p1 $0x0  }
0x9a: {  	s31 =	sor.u32 s28, s29;
	v33 =	vand.u32 $0x3F00, v33;
	[sflag:s26] =	ssyncadd.s32 @!p1 $0xFFFFE000  }
0x9b: {  	v35 =	vor.u32 v17, v33;
	v34 =	vld [tilespmem:s31+$0x2000];
	_ =	sdelay $0x4  }
0x9c: {  	[tilespmem:v35+s19+$0x0] =	vst.idx.msk $0xffff, v34  }
0x9d: {  	v50 =	vor.u32 v18, v33;
	v34 =	vld [tilespmem:s31+$0x2080];
	_ =	sdelay $0x4  }
0x9e: {  	[tilespmem:v50+s19+$0x0] =	vst.idx.msk $0xffff, v34  }
0x9f: {  	v51 =	vor.u32 v19, v33;
	v34 =	vld [tilespmem:s31+$0x2100];
	_ =	sdelay $0x4  }
0xa0: {  	[tilespmem:v51+s19+$0x0] =	vst.idx.msk $0xffff, v34  }
0xa1: {  	v52 =	vor.u32 v20, v33;
	v34 =	vld [tilespmem:s31+$0x2180];
	_ =	sdelay $0x4  }
0xa2: {  	[tilespmem:v52+s19+$0x0] =	vst.idx.msk $0xffff, v34  }
0xa3: {  	v53 =	vor.u32 v21, v33;
	v34 =	vld [tilespmem:s31+$0x2200];
	_ =	sdelay $0x4  }
0xa4: {  	[tilespmem:v53+s19+$0x0] =	vst.idx.msk $0xffff, v34  }
0xa5: {  	v54 =	vor.u32 v22, v33;
	v34 =	vld [tilespmem:s31+$0x2280];
	_ =	sdelay $0x4  }
0xa6: {  	[tilespmem:v54+s19+$0x0] =	vst.idx.msk $0xffff, v34  }
0xa7: {  	v55 =	vor.u32 v23, v33;
	v34 =	vld [tilespmem:s31+$0x2300];
	_ =	sdelay $0x4  }
0xa8: {  	[tilespmem:v55+s19+$0x0] =	vst.idx.msk $0xffff, v34  }
0xa9: {  	v56 =	vor.u32 v24, v33;
	v34 =	vld [tilespmem:s31+$0x2380];
	_ =	sdelay $0x4  }
0xaa: {  	[tilespmem:v56+s19+$0x0] =	vst.idx.msk $0xffff, v34  }
0xab: {  	v57 =	vor.u32 v25, v33;
	v34 =	vld [tilespmem:s31+$0x3000];
	_ =	sdelay $0x4  }
0xac: {  	[tilespmem:v57+s19+$0x0] =	vst.idx.msk $0xffff, v34  }
0xad: {  	v58 =	vor.u32 v26, v33;
	v34 =	vld [tilespmem:s31+$0x3080];
	_ =	sdelay $0x4  }
0xae: {  	[tilespmem:v58+s19+$0x0] =	vst.idx.msk $0xffff, v34  }
0xaf: {  	v59 =	vor.u32 v27, v33;
	v34 =	vld [tilespmem:s31+$0x3100];
	_ =	sdelay $0x4  }
0xb0: {  	[tilespmem:v59+s19+$0x0] =	vst.idx.msk $0xffff, v34  }
0xb1: {  	v60 =	vor.u32 v28, v33;
	v34 =	vld [tilespmem:s31+$0x3180];
	_ =	sdelay $0x4  }
0xb2: {  	[tilespmem:v60+s19+$0x0] =	vst.idx.msk $0xffff, v34  }
0xb3: {  	v61 =	vor.u32 v29, v33;
	v34 =	vld [tilespmem:s31+$0x3200];
	_ =	sdelay $0x4  }
0xb4: {  	[tilespmem:v61+s19+$0x0] =	vst.idx.msk $0xffff, v34  }
0xb5: {  	v62 =	vor.u32 v30, v33;
	v34 =	vld [tilespmem:s31+$0x3280];
	_ =	sdelay $0x4  }
0xb6: {  	[tilespmem:v62+s19+$0x0] =	vst.idx.msk $0xffff, v34  }
0xb7: {  	v63 =	vor.u32 v31, v33;
	v34 =	vld [tilespmem:s31+$0x3300];
	_ =	sdelay $0x4  }
0xb8: {  	[tilespmem:v63+s19+$0x0] =	vst.idx.msk $0xffff, v34  }
0xb9: {  	v35 =	vor.u32 v32, v33;
	v34 =	vld [tilespmem:s31+$0x3380]  }
0xba: {  	s28 =	simm.s32 $0x100  }
0xbb: {  	s26 =	simm.s32 $0x0;
	v33 =	vmov s28;
	s28 =	simm.s32 $0x200  }
.LBB2_7:
0xbc: {  	p1 =	sne.s32 s28, $0x1F00;
	v33 =	vshll.u32 v33, $0x1;
	s25 =	sadd.s32 $0x80, s25;
	s26 =	sadd.s32 $0x10, s26  }
0xbd: {  	s29 =	sand.u32 $0x70, s26;
	s30 =	sand.u32 $0xC00, s25;
	v33 =	vor.u32 v1, v33  }
0xbe: {  	s29 =	sor.u32 s29, s30;
	v33 =	vand.u32 $0x3F00, v33;
	[tilespmem:v35+s19+$0x0] =	vst.idx.msk $0xffff, v34  }
0xbf: {  	v34 =	vld [tilespmem:s29+$0x2000];
	v35 =	vor.u32 v17, v33;
	_ =	sdelay $0x4  }
0xc0: {  	[tilespmem:v35+s19+$0x0] =	vst.idx.msk $0xffff, v34  }
0xc1: {  	v35 =	vor.u32 v18, v33;
	v34 =	vld [tilespmem:s29+$0x2080];
	_ =	sdelay $0x4  }
0xc2: {  	[tilespmem:v35+s19+$0x0] =	vst.idx.msk $0xffff, v34  }
0xc3: {  	v35 =	vor.u32 v19, v33;
	v34 =	vld [tilespmem:s29+$0x2100];
	_ =	sdelay $0x4  }
0xc4: {  	[tilespmem:v35+s19+$0x0] =	vst.idx.msk $0xffff, v34  }
0xc5: {  	v35 =	vor.u32 v20, v33;
	v34 =	vld [tilespmem:s29+$0x2180];
	_ =	sdelay $0x4  }
0xc6: {  	[tilespmem:v35+s19+$0x0] =	vst.idx.msk $0xffff, v34  }
0xc7: {  	v35 =	vor.u32 v21, v33;
	v34 =	vld [tilespmem:s29+$0x2200];
	_ =	sdelay $0x4  }
0xc8: {  	[tilespmem:v35+s19+$0x0] =	vst.idx.msk $0xffff, v34  }
0xc9: {  	v35 =	vor.u32 v22, v33;
	v34 =	vld [tilespmem:s29+$0x2280];
	_ =	sdelay $0x4  }
0xca: {  	[tilespmem:v35+s19+$0x0] =	vst.idx.msk $0xffff, v34  }
0xcb: {  	v35 =	vor.u32 v23, v33;
	v34 =	vld [tilespmem:s29+$0x2300];
	_ =	sdelay $0x4  }
0xcc: {  	[tilespmem:v35+s19+$0x0] =	vst.idx.msk $0xffff, v34  }
0xcd: {  	v35 =	vor.u32 v24, v33;
	v34 =	vld [tilespmem:s29+$0x2380];
	_ =	sdelay $0x4  }
0xce: {  	[tilespmem:v35+s19+$0x0] =	vst.idx.msk $0xffff, v34  }
0xcf: {  	v35 =	vor.u32 v25, v33;
	v34 =	vld [tilespmem:s29+$0x3000];
	_ =	sdelay $0x4  }
0xd0: {  	[tilespmem:v35+s19+$0x0] =	vst.idx.msk $0xffff, v34  }
0xd1: {  	v35 =	vor.u32 v26, v33;
	v34 =	vld [tilespmem:s29+$0x3080];
	_ =	sdelay $0x4  }
0xd2: {  	[tilespmem:v35+s19+$0x0] =	vst.idx.msk $0xffff, v34  }
0xd3: {  	v35 =	vor.u32 v27, v33;
	v34 =	vld [tilespmem:s29+$0x3100];
	_ =	sdelay $0x4  }
0xd4: {  	[tilespmem:v35+s19+$0x0] =	vst.idx.msk $0xffff, v34  }
0xd5: {  	v35 =	vor.u32 v28, v33;
	v34 =	vld [tilespmem:s29+$0x3180];
	_ =	sdelay $0x4  }
0xd6: {  	[tilespmem:v35+s19+$0x0] =	vst.idx.msk $0xffff, v34  }
0xd7: {  	v35 =	vor.u32 v29, v33;
	v34 =	vld [tilespmem:s29+$0x3200];
	_ =	sdelay $0x4  }
0xd8: {  	[tilespmem:v35+s19+$0x0] =	vst.idx.msk $0xffff, v34  }
0xd9: {  	v35 =	vor.u32 v30, v33;
	v34 =	vld [tilespmem:s29+$0x3280];
	_ =	sdelay $0x4  }
0xda: {  	[tilespmem:v35+s19+$0x0] =	vst.idx.msk $0xffff, v34  }
0xdb: {  	v35 =	vor.u32 v31, v33;
	v34 =	vld [tilespmem:s29+$0x3300];
	_ =	sdelay $0x3  }
.Ltmp4:
0xdc: {  	(pc) =	sbr.rel @p1 .LBB2_7-.Ltmp4, $3  }
0xdd: {  	[tilespmem:v35+s19+$0x0] =	vst.idx.msk $0xffff, v34  }
0xde: {  	v35 =	vor.u32 v32, v33;
	v34 =	vld [tilespmem:s29+$0x3380];
	_ =	sdelay $0x1  }
0xdf: {  	v33 =	vmov s28;
	s28 =	sadd.s32 $0x100, s28  }
0xe0: {  	_ =	sdelay $0x1  }
0xe1: {  	v33 =	vshll.u32 v33, $0x1;
	s25 =	sadd.s32 $0x80, s25;
	s26 =	sadd.s32 $0x10, s26  }
0xe2: {  	s26 =	sand.u32 $0x70, s26;
	s25 =	sand.u32 $0xC00, s25;
	v33 =	vor.u32 v1, v33  }
0xe3: {  	s25 =	sor.u32 s26, s25;
	v33 =	vand.u32 $0x3F00, v33;
	[tilespmem:v35+s19+$0x0] =	vst.idx.msk $0xffff, v34  }
0xe4: {  	v34 =	vld [tilespmem:s25+$0x2000];
	v49 =	vor.u32 v17, v33;
	_ =	sdelay $0x4  }
0xe5: {  	[tilespmem:v49+s19+$0x0] =	vst.idx.msk $0xffff, v34  }
0xe6: {  	v50 =	vor.u32 v18, v33;
	v34 =	vld [tilespmem:s25+$0x2080];
	_ =	sdelay $0x4  }
0xe7: {  	[tilespmem:v50+s19+$0x0] =	vst.idx.msk $0xffff, v34  }
0xe8: {  	v51 =	vor.u32 v19, v33;
	v34 =	vld [tilespmem:s25+$0x2100];
	_ =	sdelay $0x4  }
0xe9: {  	[tilespmem:v51+s19+$0x0] =	vst.idx.msk $0xffff, v34  }
0xea: {  	v52 =	vor.u32 v20, v33;
	v34 =	vld [tilespmem:s25+$0x2180];
	_ =	sdelay $0x4  }
0xeb: {  	[tilespmem:v52+s19+$0x0] =	vst.idx.msk $0xffff, v34  }
0xec: {  	v53 =	vor.u32 v21, v33;
	v34 =	vld [tilespmem:s25+$0x2200];
	_ =	sdelay $0x4  }
0xed: {  	[tilespmem:v53+s19+$0x0] =	vst.idx.msk $0xffff, v34  }
0xee: {  	v54 =	vor.u32 v22, v33;
	v34 =	vld [tilespmem:s25+$0x2280];
	_ =	sdelay $0x4  }
0xef: {  	[tilespmem:v54+s19+$0x0] =	vst.idx.msk $0xffff, v34  }
0xf0: {  	v55 =	vor.u32 v23, v33;
	v34 =	vld [tilespmem:s25+$0x2300];
	_ =	sdelay $0x4  }
0xf1: {  	[tilespmem:v55+s19+$0x0] =	vst.idx.msk $0xffff, v34  }
0xf2: {  	v56 =	vor.u32 v24, v33;
	v34 =	vld [tilespmem:s25+$0x2380];
	_ =	sdelay $0x4  }
0xf3: {  	[tilespmem:v56+s19+$0x0] =	vst.idx.msk $0xffff, v34  }
0xf4: {  	v57 =	vor.u32 v25, v33;
	v34 =	vld [tilespmem:s25+$0x3000];
	_ =	sdelay $0x4  }
0xf5: {  	[tilespmem:v57+s19+$0x0] =	vst.idx.msk $0xffff, v34  }
0xf6: {  	v58 =	vor.u32 v26, v33;
	v34 =	vld [tilespmem:s25+$0x3080];
	_ =	sdelay $0x4  }
0xf7: {  	[tilespmem:v58+s19+$0x0] =	vst.idx.msk $0xffff, v34  }
0xf8: {  	v59 =	vor.u32 v27, v33;
	v34 =	vld [tilespmem:s25+$0x3100];
	_ =	sdelay $0x4  }
0xf9: {  	[tilespmem:v59+s19+$0x0] =	vst.idx.msk $0xffff, v34  }
0xfa: {  	v60 =	vor.u32 v28, v33;
	v34 =	vld [tilespmem:s25+$0x3180];
	_ =	sdelay $0x4  }
0xfb: {  	[tilespmem:v60+s19+$0x0] =	vst.idx.msk $0xffff, v34  }
0xfc: {  	v61 =	vor.u32 v29, v33;
	v34 =	vld [tilespmem:s25+$0x3200];
	_ =	sdelay $0x4  }
0xfd: {  	[tilespmem:v61+s19+$0x0] =	vst.idx.msk $0xffff, v34  }
0xfe: {  	v62 =	vor.u32 v30, v33;
	v34 =	vld [tilespmem:s25+$0x3280];
	_ =	sdelay $0x4  }
0xff: {  	[tilespmem:v62+s19+$0x0] =	vst.idx.msk $0xffff, v34  }
0x100: {  	v63 =	vor.u32 v31, v33;
	v34 =	vld [tilespmem:s25+$0x3300];
	_ =	sdelay $0x4  }
0x101: {  	[tilespmem:v63+s19+$0x0] =	vst.idx.msk $0xffff, v34  }
0x102: {  	v33 =	vor.u32 v32, v33;
	v34 =	vld [tilespmem:s25+$0x3380];
	_ =	sdelay $0x3  }
0x103: {  	s24 =	sadd.s32 s24, s8;
	s28 =	simm.s32 $0x4180  }
0x104: {  	s29 =	sadd.s32 $0x0, s24;
	s26 =	simm.s32 $0x10;
	s25 =	simm.s32 $0x4080;
	[tilespmem:v33+s19+$0x0] =	vst.idx.msk $0xffff, v34  }
.LBB2_9:
0x105: {  	[hbm4b:s29+s3] =	stream.linear.scatter [tilespmem:s25], [sflag:$0x2], $0x80, $0x38;
	[tilespmem:$0x8000] =	vst v63  }
0x106: {  	s29 =	smov.u32 s26;
	s25 =	smov.u32 s28;
	p1 =	sne.s32 s26, $0x3F0  }
.Ltmp5:
0x107: {  	s26 =	sadd.s32 $0x10, s26;
	(pc) =	sbr.rel @p1 .LBB2_9-.Ltmp5, $2  }
0x108: {  	_ =	sdelay $0x2  }
0x109: {  	s28 =	sadd.s32 $0x100, s28;
	s29 =	sadd.s32 s29, s24  }
0x10a: {  	[hbm4b:s29+s3] =	stream.linear.scatter [tilespmem:s25], [sflag:$0x2], $0x80, $0x38;
	[tilespmem:$0x8000] =	vst v63  }
0x10b: {  	s23 =	sadd.s32 $0x3, s23  }
0x10c: {  	p1 =	sge.u32 s23, s7  }
0x10d: {  	s23 =	sshll.u32 @!p1 s23, $0x9  }
0x10e: {  	s22 =	sadd.s32 $0x1, s22;
	s24 =	simm.s32 @!p1 $0x1000;
	s23 =	sand.u32 @!p1 $0x1FFFFE00, s23  }
0x10f: {  	s25 =	simm.s32 @!p1 $0x7A1400;
	s26 =	simm.s32 @!p1 $0x2000;
	s23 =	sadd.s32 @!p1 s1, s23  }
0x110: {  	[tilespmem:s26], [sflag:$0x1] =	stream.strided.gather @!p1 [hbm4b:s23+s24], $0x2000, s25, s24, $0x38;
	[tilespmem:$0x8000] =	vst v63  }
0x111: {  	p1 =	sne.s32 s22, $0x1E  }
.Ltmp6:
0x112: {  	_ = 	snop;
	(pc) =	sbr.rel @p1 .LBB2_2-.Ltmp6, $1  }
0x113: {  	_ =	sdelay $0x3  }
0x114: {  	_ =	swait.ge [sflag:s18], $0x2000  }
0x115: {  	s22 =	simm.s32 $0x0;
	[sflag:s18] =	ssyncset.done $0x0  }
0x116: {  	v33 =	vmov s22;
	[sflag:s18] =	ssyncadd.s32 $0xFFFFE000  }
0x117: {  	v33 =	vshll.u32 v33, $0x1;
	_ =	swait.ge [sflag:s20], $0x2000  }
0x118: {  	s23 =	sand.u32 $0x70, s22;
	s24 =	sand.u32 $0xC00, s22;
	v33 =	vor.u32 v1, v33;
	[sflag:s20] =	ssyncset.done $0x0  }
0x119: {  	s23 =	sor.u32 s23, s24;
	v33 =	vand.u32 $0x3F00, v33;
	[sflag:s20] =	ssyncadd.s32 $0xFFFFE000  }
0x11a: {  	v35 =	vor.u32 v0, v33;
	v34 =	vld [tilespmem:s23+$0x0];
	_ =	sdelay $0x4  }
0x11b: {  	[tilespmem:v35+s19+$0x0] =	vst.idx.msk $0xffff, v34  }
0x11c: {  	v50 =	vor.u32 v2, v33;
	v34 =	vld [tilespmem:s23+$0x80];
	_ =	sdelay $0x4  }
0x11d: {  	[tilespmem:v50+s19+$0x0] =	vst.idx.msk $0xffff, v34  }
0x11e: {  	v51 =	vor.u32 v3, v33;
	v34 =	vld [tilespmem:s23+$0x100];
	_ =	sdelay $0x4  }
0x11f: {  	[tilespmem:v51+s19+$0x0] =	vst.idx.msk $0xffff, v34  }
0x120: {  	v52 =	vor.u32 v4, v33;
	v34 =	vld [tilespmem:s23+$0x180];
	_ =	sdelay $0x4  }
0x121: {  	[tilespmem:v52+s19+$0x0] =	vst.idx.msk $0xffff, v34  }
0x122: {  	v53 =	vor.u32 v5, v33;
	v34 =	vld [tilespmem:s23+$0x200];
	_ =	sdelay $0x4  }
0x123: {  	[tilespmem:v53+s19+$0x0] =	vst.idx.msk $0xffff, v34  }
0x124: {  	v54 =	vor.u32 v6, v33;
	v34 =	vld [tilespmem:s23+$0x280];
	_ =	sdelay $0x4  }
0x125: {  	[tilespmem:v54+s19+$0x0] =	vst.idx.msk $0xffff, v34  }
0x126: {  	v55 =	vor.u32 v7, v33;
	v34 =	vld [tilespmem:s23+$0x300];
	_ =	sdelay $0x3  }
0x127: {  	s30 =	sor.u32 s22, s22  }
0x128: {  	s24 =	sor.u32 $0x380, s30;
	[tilespmem:v55+s19+$0x0] =	vst.idx.msk $0xffff, v34  }
0x129: {  	v56 =	vor.u32 v8, v33;
	v34 =	vld [tilespmem:s24+$0x0];
	_ =	sdelay $0x4  }
0x12a: {  	[tilespmem:v56+s19+$0x0] =	vst.idx.msk $0xffff, v34  }
0x12b: {  	v57 =	vor.u32 v9, v33;
	v34 =	vld [tilespmem:s23+$0x1000];
	_ =	sdelay $0x4  }
0x12c: {  	[tilespmem:v57+s19+$0x0] =	vst.idx.msk $0xffff, v34  }
0x12d: {  	v58 =	vor.u32 v10, v33;
	v34 =	vld [tilespmem:s23+$0x1080];
	_ =	sdelay $0x4  }
0x12e: {  	[tilespmem:v58+s19+$0x0] =	vst.idx.msk $0xffff, v34  }
0x12f: {  	v59 =	vor.u32 v11, v33;
	v34 =	vld [tilespmem:s23+$0x1100];
	_ =	sdelay $0x4  }
0x130: {  	[tilespmem:v59+s19+$0x0] =	vst.idx.msk $0xffff, v34  }
0x131: {  	v60 =	vor.u32 v12, v33;
	v34 =	vld [tilespmem:s23+$0x1180];
	_ =	sdelay $0x4  }
0x132: {  	[tilespmem:v60+s19+$0x0] =	vst.idx.msk $0xffff, v34  }
0x133: {  	v61 =	vor.u32 v13, v33;
	v34 =	vld [tilespmem:s23+$0x1200];
	_ =	sdelay $0x4  }
0x134: {  	[tilespmem:v61+s19+$0x0] =	vst.idx.msk $0xffff, v34  }
0x135: {  	v62 =	vor.u32 v14, v33;
	v34 =	vld [tilespmem:s23+$0x1280];
	_ =	sdelay $0x4  }
0x136: {  	[tilespmem:v62+s19+$0x0] =	vst.idx.msk $0xffff, v34  }
0x137: {  	v63 =	vor.u32 v15, v33;
	v34 =	vld [tilespmem:s23+$0x1300];
	_ =	sdelay $0x4  }
0x138: {  	[tilespmem:v63+s19+$0x0] =	vst.idx.msk $0xffff, v34  }
0x139: {  	v35 =	vor.u32 v16, v33;
	v34 =	vld [tilespmem:s23+$0x1380]  }
0x13a: {  	s31 =	simm.s32 $0x100  }
0x13b: {  	v33 =	vmov s31;
	s24 =	simm.s32 $0x200;
	s23 =	simm.s32 $0x0  }
.LBB2_12:
0x13c: {  	p1 =	sne.s32 s24, $0x1F00;
	v33 =	vshll.u32 v33, $0x1;
	s22 =	sadd.s32 $0x80, s22;
	s23 =	sadd.s32 $0x10, s23  }
0x13d: {  	s25 =	sand.u32 $0x70, s23;
	s26 =	sand.u32 $0xC00, s22;
	v33 =	vor.u32 v1, v33  }
0x13e: {  	s25 =	sor.u32 s25, s26;
	v33 =	vand.u32 $0x3F00, v33;
	[tilespmem:v35+s19+$0x0] =	vst.idx.msk $0xffff, v34  }
0x13f: {  	v34 =	vld [tilespmem:s25+$0x0];
	v35 =	vor.u32 v0, v33;
	_ =	sdelay $0x4  }
0x140: {  	[tilespmem:v35+s19+$0x0] =	vst.idx.msk $0xffff, v34  }
0x141: {  	v35 =	vor.u32 v2, v33;
	v34 =	vld [tilespmem:s25+$0x80];
	_ =	sdelay $0x4  }
0x142: {  	[tilespmem:v35+s19+$0x0] =	vst.idx.msk $0xffff, v34  }
0x143: {  	v35 =	vor.u32 v3, v33;
	v34 =	vld [tilespmem:s25+$0x100];
	_ =	sdelay $0x4  }
0x144: {  	[tilespmem:v35+s19+$0x0] =	vst.idx.msk $0xffff, v34  }
0x145: {  	v35 =	vor.u32 v4, v33;
	v34 =	vld [tilespmem:s25+$0x180];
	_ =	sdelay $0x4  }
0x146: {  	[tilespmem:v35+s19+$0x0] =	vst.idx.msk $0xffff, v34  }
0x147: {  	v35 =	vor.u32 v5, v33;
	v34 =	vld [tilespmem:s25+$0x200];
	_ =	sdelay $0x4  }
0x148: {  	[tilespmem:v35+s19+$0x0] =	vst.idx.msk $0xffff, v34  }
0x149: {  	v35 =	vor.u32 v6, v33;
	v34 =	vld [tilespmem:s25+$0x280];
	_ =	sdelay $0x4  }
0x14a: {  	[tilespmem:v35+s19+$0x0] =	vst.idx.msk $0xffff, v34  }
0x14b: {  	v35 =	vor.u32 v7, v33;
	v34 =	vld [tilespmem:s25+$0x300];
	_ =	sdelay $0x3  }
0x14c: {  	s26 =	sor.u32 s22, s23  }
0x14d: {  	s26 =	sor.u32 $0x380, s26;
	[tilespmem:v35+s19+$0x0] =	vst.idx.msk $0xffff, v34  }
0x14e: {  	v35 =	vor.u32 v8, v33;
	v34 =	vld [tilespmem:s26+$0x0];
	_ =	sdelay $0x4  }
0x14f: {  	[tilespmem:v35+s19+$0x0] =	vst.idx.msk $0xffff, v34  }
0x150: {  	v35 =	vor.u32 v9, v33;
	v34 =	vld [tilespmem:s25+$0x1000];
	_ =	sdelay $0x4  }
0x151: {  	[tilespmem:v35+s19+$0x0] =	vst.idx.msk $0xffff, v34  }
0x152: {  	v35 =	vor.u32 v10, v33;
	v34 =	vld [tilespmem:s25+$0x1080];
	_ =	sdelay $0x4  }
0x153: {  	[tilespmem:v35+s19+$0x0] =	vst.idx.msk $0xffff, v34  }
0x154: {  	v35 =	vor.u32 v11, v33;
	v34 =	vld [tilespmem:s25+$0x1100];
	_ =	sdelay $0x4  }
0x155: {  	[tilespmem:v35+s19+$0x0] =	vst.idx.msk $0xffff, v34  }
0x156: {  	v35 =	vor.u32 v12, v33;
	v34 =	vld [tilespmem:s25+$0x1180];
	_ =	sdelay $0x4  }
0x157: {  	[tilespmem:v35+s19+$0x0] =	vst.idx.msk $0xffff, v34  }
0x158: {  	v35 =	vor.u32 v13, v33;
	v34 =	vld [tilespmem:s25+$0x1200];
	_ =	sdelay $0x4  }
0x159: {  	[tilespmem:v35+s19+$0x0] =	vst.idx.msk $0xffff, v34  }
0x15a: {  	v35 =	vor.u32 v14, v33;
	v34 =	vld [tilespmem:s25+$0x1280];
	_ =	sdelay $0x4  }
0x15b: {  	[tilespmem:v35+s19+$0x0] =	vst.idx.msk $0xffff, v34  }
0x15c: {  	v35 =	vor.u32 v15, v33;
	v34 =	vld [tilespmem:s25+$0x1300];
	_ =	sdelay $0x3  }
.Ltmp7:
0x15d: {  	(pc) =	sbr.rel @p1 .LBB2_12-.Ltmp7, $3  }
0x15e: {  	[tilespmem:v35+s19+$0x0] =	vst.idx.msk $0xffff, v34  }
0x15f: {  	v35 =	vor.u32 v16, v33;
	v34 =	vld [tilespmem:s25+$0x1380];
	_ =	sdelay $0x1  }
0x160: {  	v33 =	vmov s24;
	s24 =	sadd.s32 $0x100, s24  }
0x161: {  	_ =	sdelay $0x1  }
0x162: {  	v33 =	vshll.u32 v33, $0x1;
	s22 =	sadd.s32 $0x80, s22;
	s23 =	sadd.s32 $0x10, s23  }
0x163: {  	s24 =	sand.u32 $0x70, s23;
	s25 =	sand.u32 $0xC00, s22;
	v33 =	vor.u32 v1, v33  }
0x164: {  	s24 =	sor.u32 s24, s25;
	v33 =	vand.u32 $0x3F00, v33;
	[tilespmem:v35+s19+$0x0] =	vst.idx.msk $0xffff, v34  }
0x165: {  	v34 =	vld [tilespmem:s24+$0x0];
	v49 =	vor.u32 v0, v33;
	_ =	sdelay $0x4  }
0x166: {  	[tilespmem:v49+s19+$0x0] =	vst.idx.msk $0xffff, v34  }
0x167: {  	v50 =	vor.u32 v2, v33;
	v34 =	vld [tilespmem:s24+$0x80];
	_ =	sdelay $0x4  }
0x168: {  	[tilespmem:v50+s19+$0x0] =	vst.idx.msk $0xffff, v34  }
0x169: {  	v51 =	vor.u32 v3, v33;
	v34 =	vld [tilespmem:s24+$0x100];
	_ =	sdelay $0x4  }
0x16a: {  	[tilespmem:v51+s19+$0x0] =	vst.idx.msk $0xffff, v34  }
0x16b: {  	v52 =	vor.u32 v4, v33;
	v34 =	vld [tilespmem:s24+$0x180];
	_ =	sdelay $0x4  }
0x16c: {  	[tilespmem:v52+s19+$0x0] =	vst.idx.msk $0xffff, v34  }
0x16d: {  	v53 =	vor.u32 v5, v33;
	v34 =	vld [tilespmem:s24+$0x200];
	_ =	sdelay $0x4  }
0x16e: {  	[tilespmem:v53+s19+$0x0] =	vst.idx.msk $0xffff, v34  }
0x16f: {  	v54 =	vor.u32 v6, v33;
	v34 =	vld [tilespmem:s24+$0x280];
	_ =	sdelay $0x4  }
0x170: {  	[tilespmem:v54+s19+$0x0] =	vst.idx.msk $0xffff, v34  }
0x171: {  	v55 =	vor.u32 v7, v33;
	v34 =	vld [tilespmem:s24+$0x300];
	_ =	sdelay $0x3  }
0x172: {  	s22 =	sor.u32 s22, s23  }
0x173: {  	s22 =	sor.u32 $0x380, s22;
	[tilespmem:v55+s19+$0x0] =	vst.idx.msk $0xffff, v34  }
0x174: {  	v56 =	vor.u32 v8, v33;
	v34 =	vld [tilespmem:s22+$0x0];
	_ =	sdelay $0x4  }
0x175: {  	[tilespmem:v56+s19+$0x0] =	vst.idx.msk $0xffff, v34  }
0x176: {  	v57 =	vor.u32 v9, v33;
	v34 =	vld [tilespmem:s24+$0x1000];
	_ =	sdelay $0x4  }
0x177: {  	[tilespmem:v57+s19+$0x0] =	vst.idx.msk $0xffff, v34  }
0x178: {  	v58 =	vor.u32 v10, v33;
	v34 =	vld [tilespmem:s24+$0x1080];
	_ =	sdelay $0x4  }
0x179: {  	[tilespmem:v58+s19+$0x0] =	vst.idx.msk $0xffff, v34  }
0x17a: {  	v59 =	vor.u32 v11, v33;
	v34 =	vld [tilespmem:s24+$0x1100];
	_ =	sdelay $0x4  }
0x17b: {  	[tilespmem:v59+s19+$0x0] =	vst.idx.msk $0xffff, v34  }
0x17c: {  	v60 =	vor.u32 v12, v33;
	v34 =	vld [tilespmem:s24+$0x1180];
	_ =	sdelay $0x4  }
0x17d: {  	[tilespmem:v60+s19+$0x0] =	vst.idx.msk $0xffff, v34  }
0x17e: {  	v61 =	vor.u32 v13, v33;
	v34 =	vld [tilespmem:s24+$0x1200];
	_ =	sdelay $0x4  }
0x17f: {  	[tilespmem:v61+s19+$0x0] =	vst.idx.msk $0xffff, v34  }
0x180: {  	v62 =	vor.u32 v14, v33;
	v34 =	vld [tilespmem:s24+$0x1280];
	_ =	sdelay $0x4  }
0x181: {  	[tilespmem:v62+s19+$0x0] =	vst.idx.msk $0xffff, v34  }
0x182: {  	v63 =	vor.u32 v15, v33;
	v34 =	vld [tilespmem:s24+$0x1300];
	_ =	sdelay $0x4  }
0x183: {  	[tilespmem:v63+s19+$0x0] =	vst.idx.msk $0xffff, v34  }
0x184: {  	v33 =	vor.u32 v16, v33;
	v34 =	vld [tilespmem:s24+$0x1380];
	_ =	sdelay $0x3  }
0x185: {  	s23 =	simm.s32 $0x10  }
0x186: {  	s25 =	sadd.s32 $0x0, s9;
	s22 =	simm.s32 $0x4000;
	s24 =	simm.s32 $0x4100;
	[tilespmem:v33+s19+$0x0] =	vst.idx.msk $0xffff, v34  }
.LBB2_14:
0x187: {  	[hbm4b:s25+s3] =	stream.linear.scatter [tilespmem:s22], [sflag:$0x2], $0x80, $0x38;
	[tilespmem:$0x8000] =	vst v63  }
0x188: {  	s25 =	smov.u32 s23;
	s22 =	smov.u32 s24;
	p1 =	sne.s32 s23, $0x3F0  }
.Ltmp8:
0x189: {  	s23 =	sadd.s32 $0x10, s23;
	(pc) =	sbr.rel @p1 .LBB2_14-.Ltmp8, $2  }
0x18a: {  	_ =	sdelay $0x2  }
0x18b: {  	s24 =	sadd.s32 $0x100, s24;
	s25 =	sadd.s32 s25, s9  }
0x18c: {  	[hbm4b:s25+s3] =	stream.linear.scatter [tilespmem:s22], [sflag:$0x2], $0x80, $0x38;
	[tilespmem:$0x8000] =	vst v63  }
0x18d: {  	_ =	swait.ge [sflag:s20], $0x2000  }
.Ltmp9:
0x18e: {  	[sflag:s20] =	ssyncset.done $0x0;
	(pc) =	sbr.rel @p0 .LBB2_21-.Ltmp9, $4  }
0x18f: {  	[sflag:s20] =	ssyncadd.s32 $0xFFFFE000  }
0x190: {  	_ =	swait.ge [sflag:s20], $0x2000  }
0x191: {  	[sflag:s20] =	ssyncset.done $0x0  }
0x192: {  	[sflag:s20] =	ssyncadd.s32 $0xFFFFE000  }
0x193: {  	s22 =	simm.s32 $0x0  }
0x194: {  	[tilespmem:s22], [sflag:$0x1] =	stream.strided.gather [hbm4b:s10+s15], $0x2000, s16, s15, $0x38;
	v33 =	vmov s22;
	[tilespmem:$0x8000] =	vst v63  }
0x195: {  	_ =	swait.ge [sflag:s18], $0x2000;
	v33 =	vshll.u32 v33, $0x1  }
0x196: {  	s23 =	sand.u32 $0x70, s22;
	s24 =	sand.u32 $0xC00, s22;
	[sflag:s18] =	ssyncset.done $0x0;
	v33 =	vor.u32 v1, v33  }
0x197: {  	s23 =	sor.u32 s23, s24;
	[sflag:s18] =	ssyncadd.s32 $0xFFFFE000;
	v33 =	vand.u32 $0x3F00, v33  }
0x198: {  	v34 =	vld [tilespmem:s23+$0x0];
	v35 =	vor.u32 v0, v33;
	_ =	sdelay $0x4  }
0x199: {  	[tilespmem:v35+s19+$0x0] =	vst.idx.msk $0xffff, v34  }
0x19a: {  	v50 =	vor.u32 v2, v33;
	v34 =	vld [tilespmem:s23+$0x80];
	_ =	sdelay $0x4  }
0x19b: {  	[tilespmem:v50+s19+$0x0] =	vst.idx.msk $0xffff, v34  }
0x19c: {  	v51 =	vor.u32 v3, v33;
	v34 =	vld [tilespmem:s23+$0x100];
	_ =	sdelay $0x4  }
0x19d: {  	[tilespmem:v51+s19+$0x0] =	vst.idx.msk $0xffff, v34  }
0x19e: {  	v52 =	vor.u32 v4, v33;
	v34 =	vld [tilespmem:s23+$0x180];
	_ =	sdelay $0x4  }
0x19f: {  	[tilespmem:v52+s19+$0x0] =	vst.idx.msk $0xffff, v34  }
0x1a0: {  	v53 =	vor.u32 v5, v33;
	v34 =	vld [tilespmem:s23+$0x200];
	_ =	sdelay $0x4  }
0x1a1: {  	[tilespmem:v53+s19+$0x0] =	vst.idx.msk $0xffff, v34  }
0x1a2: {  	v54 =	vor.u32 v6, v33;
	v34 =	vld [tilespmem:s23+$0x280];
	_ =	sdelay $0x4  }
0x1a3: {  	[tilespmem:v54+s19+$0x0] =	vst.idx.msk $0xffff, v34  }
0x1a4: {  	v55 =	vor.u32 v7, v33;
	v34 =	vld [tilespmem:s23+$0x300];
	_ =	sdelay $0x3  }
0x1a5: {  	s30 =	sor.u32 s22, s22  }
0x1a6: {  	s24 =	sor.u32 $0x380, s30;
	[tilespmem:v55+s19+$0x0] =	vst.idx.msk $0xffff, v34  }
0x1a7: {  	v56 =	vor.u32 v8, v33;
	v34 =	vld [tilespmem:s24+$0x0];
	_ =	sdelay $0x4  }
0x1a8: {  	[tilespmem:v56+s19+$0x0] =	vst.idx.msk $0xffff, v34  }
0x1a9: {  	v57 =	vor.u32 v9, v33;
	v34 =	vld [tilespmem:s23+$0x1000];
	_ =	sdelay $0x4  }
0x1aa: {  	[tilespmem:v57+s19+$0x0] =	vst.idx.msk $0xffff, v34  }
0x1ab: {  	v58 =	vor.u32 v10, v33;
	v34 =	vld [tilespmem:s23+$0x1080];
	_ =	sdelay $0x4  }
0x1ac: {  	[tilespmem:v58+s19+$0x0] =	vst.idx.msk $0xffff, v34  }
0x1ad: {  	v59 =	vor.u32 v11, v33;
	v34 =	vld [tilespmem:s23+$0x1100];
	_ =	sdelay $0x4  }
0x1ae: {  	[tilespmem:v59+s19+$0x0] =	vst.idx.msk $0xffff, v34  }
0x1af: {  	v60 =	vor.u32 v12, v33;
	v34 =	vld [tilespmem:s23+$0x1180];
	_ =	sdelay $0x4  }
0x1b0: {  	[tilespmem:v60+s19+$0x0] =	vst.idx.msk $0xffff, v34  }
0x1b1: {  	v61 =	vor.u32 v13, v33;
	v34 =	vld [tilespmem:s23+$0x1200];
	_ =	sdelay $0x4  }
0x1b2: {  	[tilespmem:v61+s19+$0x0] =	vst.idx.msk $0xffff, v34  }
0x1b3: {  	v62 =	vor.u32 v14, v33;
	v34 =	vld [tilespmem:s23+$0x1280];
	_ =	sdelay $0x4  }
0x1b4: {  	[tilespmem:v62+s19+$0x0] =	vst.idx.msk $0xffff, v34  }
0x1b5: {  	v63 =	vor.u32 v15, v33;
	v34 =	vld [tilespmem:s23+$0x1300];
	_ =	sdelay $0x4  }
0x1b6: {  	[tilespmem:v63+s19+$0x0] =	vst.idx.msk $0xffff, v34  }
0x1b7: {  	v35 =	vor.u32 v16, v33;
	v34 =	vld [tilespmem:s23+$0x1380]  }
0x1b8: {  	s31 =	simm.s32 $0x100  }
0x1b9: {  	v33 =	vmov s31;
	s24 =	simm.s32 $0x200;
	s23 =	simm.s32 $0x0  }
.LBB2_17:
0x1ba: {  	p1 =	sne.s32 s24, $0x1F00;
	v33 =	vshll.u32 v33, $0x1;
	s22 =	sadd.s32 $0x80, s22;
	s23 =	sadd.s32 $0x10, s23  }
0x1bb: {  	s25 =	sand.u32 $0x70, s23;
	s26 =	sand.u32 $0xC00, s22;
	v33 =	vor.u32 v1, v33  }
0x1bc: {  	s25 =	sor.u32 s25, s26;
	v33 =	vand.u32 $0x3F00, v33;
	[tilespmem:v35+s19+$0x0] =	vst.idx.msk $0xffff, v34  }
0x1bd: {  	v34 =	vld [tilespmem:s25+$0x0];
	v35 =	vor.u32 v0, v33;
	_ =	sdelay $0x4  }
0x1be: {  	[tilespmem:v35+s19+$0x0] =	vst.idx.msk $0xffff, v34  }
0x1bf: {  	v35 =	vor.u32 v2, v33;
	v34 =	vld [tilespmem:s25+$0x80];
	_ =	sdelay $0x4  }
0x1c0: {  	[tilespmem:v35+s19+$0x0] =	vst.idx.msk $0xffff, v34  }
0x1c1: {  	v35 =	vor.u32 v3, v33;
	v34 =	vld [tilespmem:s25+$0x100];
	_ =	sdelay $0x4  }
0x1c2: {  	[tilespmem:v35+s19+$0x0] =	vst.idx.msk $0xffff, v34  }
0x1c3: {  	v35 =	vor.u32 v4, v33;
	v34 =	vld [tilespmem:s25+$0x180];
	_ =	sdelay $0x4  }
0x1c4: {  	[tilespmem:v35+s19+$0x0] =	vst.idx.msk $0xffff, v34  }
0x1c5: {  	v35 =	vor.u32 v5, v33;
	v34 =	vld [tilespmem:s25+$0x200];
	_ =	sdelay $0x4  }
0x1c6: {  	[tilespmem:v35+s19+$0x0] =	vst.idx.msk $0xffff, v34  }
0x1c7: {  	v35 =	vor.u32 v6, v33;
	v34 =	vld [tilespmem:s25+$0x280];
	_ =	sdelay $0x4  }
0x1c8: {  	[tilespmem:v35+s19+$0x0] =	vst.idx.msk $0xffff, v34  }
0x1c9: {  	v35 =	vor.u32 v7, v33;
	v34 =	vld [tilespmem:s25+$0x300];
	_ =	sdelay $0x3  }
0x1ca: {  	s26 =	sor.u32 s22, s23  }
0x1cb: {  	s26 =	sor.u32 $0x380, s26;
	[tilespmem:v35+s19+$0x0] =	vst.idx.msk $0xffff, v34  }
0x1cc: {  	v35 =	vor.u32 v8, v33;
	v34 =	vld [tilespmem:s26+$0x0];
	_ =	sdelay $0x4  }
0x1cd: {  	[tilespmem:v35+s19+$0x0] =	vst.idx.msk $0xffff, v34  }
0x1ce: {  	v35 =	vor.u32 v9, v33;
	v34 =	vld [tilespmem:s25+$0x1000];
	_ =	sdelay $0x4  }
0x1cf: {  	[tilespmem:v35+s19+$0x0] =	vst.idx.msk $0xffff, v34  }
0x1d0: {  	v35 =	vor.u32 v10, v33;
	v34 =	vld [tilespmem:s25+$0x1080];
	_ =	sdelay $0x4  }
0x1d1: {  	[tilespmem:v35+s19+$0x0] =	vst.idx.msk $0xffff, v34  }
0x1d2: {  	v35 =	vor.u32 v11, v33;
	v34 =	vld [tilespmem:s25+$0x1100];
	_ =	sdelay $0x4  }
0x1d3: {  	[tilespmem:v35+s19+$0x0] =	vst.idx.msk $0xffff, v34  }
0x1d4: {  	v35 =	vor.u32 v12, v33;
	v34 =	vld [tilespmem:s25+$0x1180];
	_ =	sdelay $0x4  }
0x1d5: {  	[tilespmem:v35+s19+$0x0] =	vst.idx.msk $0xffff, v34  }
0x1d6: {  	v35 =	vor.u32 v13, v33;
	v34 =	vld [tilespmem:s25+$0x1200];
	_ =	sdelay $0x4  }
0x1d7: {  	[tilespmem:v35+s19+$0x0] =	vst.idx.msk $0xffff, v34  }
0x1d8: {  	v35 =	vor.u32 v14, v33;
	v34 =	vld [tilespmem:s25+$0x1280];
	_ =	sdelay $0x4  }
0x1d9: {  	[tilespmem:v35+s19+$0x0] =	vst.idx.msk $0xffff, v34  }
0x1da: {  	v35 =	vor.u32 v15, v33;
	v34 =	vld [tilespmem:s25+$0x1300];
	_ =	sdelay $0x3  }
.Ltmp10:
0x1db: {  	(pc) =	sbr.rel @p1 .LBB2_17-.Ltmp10, $3  }
0x1dc: {  	[tilespmem:v35+s19+$0x0] =	vst.idx.msk $0xffff, v34  }
0x1dd: {  	v35 =	vor.u32 v16, v33;
	v34 =	vld [tilespmem:s25+$0x1380];
	_ =	sdelay $0x1  }
0x1de: {  	v33 =	vmov s24;
	s24 =	sadd.s32 $0x100, s24  }
0x1df: {  	_ =	sdelay $0x1  }
0x1e0: {  	v33 =	vshll.u32 v33, $0x1;
	s22 =	sadd.s32 $0x80, s22;
	s23 =	sadd.s32 $0x10, s23  }
0x1e1: {  	s24 =	sand.u32 $0x70, s23;
	s25 =	sand.u32 $0xC00, s22;
	v33 =	vor.u32 v1, v33  }
0x1e2: {  	s24 =	sor.u32 s24, s25;
	v33 =	vand.u32 $0x3F00, v33;
	[tilespmem:v35+s19+$0x0] =	vst.idx.msk $0xffff, v34  }
0x1e3: {  	v34 =	vld [tilespmem:s24+$0x0];
	v49 =	vor.u32 v0, v33;
	_ =	sdelay $0x4  }
0x1e4: {  	[tilespmem:v49+s19+$0x0] =	vst.idx.msk $0xffff, v34  }
0x1e5: {  	v50 =	vor.u32 v2, v33;
	v34 =	vld [tilespmem:s24+$0x80];
	_ =	sdelay $0x4  }
0x1e6: {  	[tilespmem:v50+s19+$0x0] =	vst.idx.msk $0xffff, v34  }
0x1e7: {  	v51 =	vor.u32 v3, v33;
	v34 =	vld [tilespmem:s24+$0x100];
	_ =	sdelay $0x4  }
0x1e8: {  	[tilespmem:v51+s19+$0x0] =	vst.idx.msk $0xffff, v34  }
0x1e9: {  	v52 =	vor.u32 v4, v33;
	v34 =	vld [tilespmem:s24+$0x180];
	_ =	sdelay $0x4  }
0x1ea: {  	[tilespmem:v52+s19+$0x0] =	vst.idx.msk $0xffff, v34  }
0x1eb: {  	v53 =	vor.u32 v5, v33;
	v34 =	vld [tilespmem:s24+$0x200];
	_ =	sdelay $0x4  }
0x1ec: {  	[tilespmem:v53+s19+$0x0] =	vst.idx.msk $0xffff, v34  }
0x1ed: {  	v54 =	vor.u32 v6, v33;
	v34 =	vld [tilespmem:s24+$0x280];
	_ =	sdelay $0x4  }
0x1ee: {  	[tilespmem:v54+s19+$0x0] =	vst.idx.msk $0xffff, v34  }
0x1ef: {  	v55 =	vor.u32 v7, v33;
	v34 =	vld [tilespmem:s24+$0x300];
	_ =	sdelay $0x3  }
0x1f0: {  	s22 =	sor.u32 s22, s23  }
0x1f1: {  	s22 =	sor.u32 $0x380, s22;
	[tilespmem:v55+s19+$0x0] =	vst.idx.msk $0xffff, v34  }
0x1f2: {  	v56 =	vor.u32 v8, v33;
	v34 =	vld [tilespmem:s22+$0x0];
	_ =	sdelay $0x4  }
0x1f3: {  	[tilespmem:v56+s19+$0x0] =	vst.idx.msk $0xffff, v34  }
0x1f4: {  	v57 =	vor.u32 v9, v33;
	v34 =	vld [tilespmem:s24+$0x1000];
	_ =	sdelay $0x4  }
0x1f5: {  	[tilespmem:v57+s19+$0x0] =	vst.idx.msk $0xffff, v34  }
0x1f6: {  	v58 =	vor.u32 v10, v33;
	v34 =	vld [tilespmem:s24+$0x1080];
	_ =	sdelay $0x4  }
0x1f7: {  	[tilespmem:v58+s19+$0x0] =	vst.idx.msk $0xffff, v34  }
0x1f8: {  	v59 =	vor.u32 v11, v33;
	v34 =	vld [tilespmem:s24+$0x1100];
	_ =	sdelay $0x4  }
0x1f9: {  	[tilespmem:v59+s19+$0x0] =	vst.idx.msk $0xffff, v34  }
0x1fa: {  	v60 =	vor.u32 v12, v33;
	v34 =	vld [tilespmem:s24+$0x1180];
	_ =	sdelay $0x4  }
0x1fb: {  	[tilespmem:v60+s19+$0x0] =	vst.idx.msk $0xffff, v34  }
0x1fc: {  	v61 =	vor.u32 v13, v33;
	v34 =	vld [tilespmem:s24+$0x1200];
	_ =	sdelay $0x4  }
0x1fd: {  	[tilespmem:v61+s19+$0x0] =	vst.idx.msk $0xffff, v34  }
0x1fe: {  	v62 =	vor.u32 v14, v33;
	v34 =	vld [tilespmem:s24+$0x1280];
	_ =	sdelay $0x4  }
0x1ff: {  	[tilespmem:v62+s19+$0x0] =	vst.idx.msk $0xffff, v34  }
0x200: {  	v63 =	vor.u32 v15, v33;
	v34 =	vld [tilespmem:s24+$0x1300];
	_ =	sdelay $0x4  }
0x201: {  	[tilespmem:v63+s19+$0x0] =	vst.idx.msk $0xffff, v34  }
0x202: {  	v33 =	vor.u32 v16, v33;
	v34 =	vld [tilespmem:s24+$0x1380];
	_ =	sdelay $0x3  }
0x203: {  	s23 =	simm.s32 $0x10  }
0x204: {  	s25 =	sadd.s32 $0x0, s12;
	s22 =	simm.s32 $0x4000;
	s24 =	simm.s32 $0x4100;
	[tilespmem:v33+s19+$0x0] =	vst.idx.msk $0xffff, v34  }
.LBB2_19:
0x205: {  	[hbm4b:s25+s3] =	stream.linear.scatter [tilespmem:s22], [sflag:$0x2], $0x80, $0x38;
	[tilespmem:$0x8000] =	vst v63  }
0x206: {  	s25 =	smov.u32 s23;
	s22 =	smov.u32 s24;
	p1 =	sne.s32 s23, $0x3F0  }
.Ltmp11:
0x207: {  	s23 =	sadd.s32 $0x10, s23;
	(pc) =	sbr.rel @p1 .LBB2_19-.Ltmp11, $2  }
0x208: {  	_ =	sdelay $0x2  }
0x209: {  	s24 =	sadd.s32 $0x100, s24;
	s25 =	sadd.s32 s25, s12  }
.Ltmp12:
0x20a: {  	(pc) =	sbr.rel .LBB2_21-.Ltmp12, $4  }
0x20b: {  	[hbm4b:s25+s3] =	stream.linear.scatter [tilespmem:s22], [sflag:$0x2], $0x80, $0x38;
	[tilespmem:$0x8000] =	vst v63  }
0x20c: {  	_ =	swait.ge [sflag:s20], $0x2000  }
0x20d: {  	[sflag:s20] =	ssyncset.done $0x0  }
0x20e: {  	[sflag:s20] =	ssyncadd.s32 $0xFFFFE000  }
.LBB2_22:
0x20f: {  	_ =	sfence.sel $0x180000  }
0x210: {  	[bflag:$0x0] =	sbarrier.arrive $0xFFFF  }
0x211: {  	p0 =	sne.s32 s2, $0x0;
	_ =	strace $0x90000047  }
0x212: {  	s0 =	sadd.s32 @!p0 $0x100000, s0;
	[bflag:$0x2] =	sbarrier.arrive $0xFFFF  }
0x213: {  	[sflag:s0] =	ssyncadd.tile.s32 @!p0 $0x1;
	_ =	shalt  }
.Lfunc_end2:
_tile_overlayer_lowered:
.L_overlay_start_2:
0x214: {  	(tag) =	ssettag $0x2  }
0x215: {  	s0 =	rddreg [dreg:$0x0];
	s2 =	stileid.u32  }
0x216: {  	s1 =	rddreg [dreg:$0x1];
	p0 =	sne.s32 s2, $0x0  }
0x217: {  	s3 =	rddreg [dreg:$0x2];
	[bflag:$0x3] =	sbarrier.arrive $0xFFFF;
	s2 =	simm.s32 @!p0 $0x1C03  }
0x218: {  	[timem:s3], [sflag:s2] =	dma.local @!p0 [hbm:s0], s1  }
0x219: {  	s0 =	simm.s32 @!p0 $0x3  }
0x21a: {  	_ =	swait.ge @!p0 [sflag:s0], s1  }
0x21b: {  	s1 =	ssub.s32 @!p0 $0x0, s1;
	[sflag:s0] =	ssyncset.done @!p0 $0x0  }
0x21c: {  	[sflag:s0] =	ssyncadd.s32 @!p0 s1  }
0x21d: {  	[bflag:$0x3] =	sbarrier.arrive $0xFFFF  }
0x21e: {  	_ =	shalt  }

// kernel: _fm.7.cloned.1.call-start
scs
__scs_entry_jumppad:
0x0: {  	(pc) =	sbr.rel $0x88, $3  }
0x1: {  	(tag) =	ssettag $0x0;
	lr =	simm.s32 $0x1  }
0x2: {  	[smem:$0x3F9E] =	sst lr;
	_ =	strace $0xD0000000  }
0x3: {  	_ = 	snop  }
0x4: {  	_ = 	snop  }
0x5: {  	_ = 	snop  }
0x6: {  	_ = 	snop  }
0x7: {  	_ = 	snop  }
__scs_overlays_trampoline_lowered:
0x8: {  	[smem:$0x3FAD] =	sst s0  }
0x9: {  	[smem:$0x3FAE] =	sst s1  }
0xa: {  	[smem:$0x3FAF] =	sst s2  }
0xb: {  	[smem:$0x3FB0] =	sst s3  }
0xc: {  	[smem:$0x3FB1] =	sst s4  }
0xd: {  	[smem:$0x3FB2] =	sst s5  }
0xe: {  	[smem:$0x3FB3] =	sst s6  }
0xf: {  	[smem:$0x3FB4] =	sst s7  }
0x10: {  	[smem:$0x3FB5] =	sst s8  }
0x11: {  	[smem:$0x3FB6] =	sst s9;
	s0 =	simm.s32 @!p0 $0x0  }
0x12: {  	s1 =	sld [smem:$0x3F9C];
	s0 =	simm.s32 @p0 $0x1  }
0x13: {  	[smem:$0x3FB7] =	sst s0;
	s0 =	simm.s32 @!p1 $0x0  }
0x14: {  	s2 =	sld [smem:$0x3F9B];
	s0 =	simm.s32 @p1 $0x1  }
0x15: {  	[smem:$0x3FB8] =	sst s0;
	s0 =	simm.s32 @!p2 $0x0  }
0x16: {  	s3 =	sld [smem:$0x3FDB];
	s0 =	simm.s32 @p2 $0x1  }
0x17: {  	s4 =	simm.s32 $0x1BF5;
	[smem:$0x3FBA] =	sst s0  }
0x18: {  	s0 =	sld [smem:$0x3F9D];
	_ =	swait.ge [sflag:s4], $0x0  }
0x19: {  	s7 =	sld [smem:$0x3F9E]  }
0x1a: {  	s8 =	sadd.s32 $0xFFFFE003, lr  }
0x1b: {  	s9 =	sadd.s32 $0xFFFFFEF7, lr;
	s5 =	simm.s32 $0xFFFFFFFF;
	p2 =	slt.u32 s8, $0xFFFFF086  }
0x1c: {  	p1 =	slt.u32 s9, $0xF7A;
	s5 =	simm.s32 @!p2 $0x0  }
0x1d: {  	s5 =	simm.s32 @p1 $0x1;
	p0 =	seq.s32 s7, s2  }
0x1e: {  	s7 =	smul.u32 @!p0 $0xF7A, s2;
	p2 =	seq.s32 @!p0 s5, $0x0  }
0x1f: {  	s9 =	smul.u32 $0xF7A, s1;
	s8 =	simm.s32 @!p0 $0x1BF5;
	p2 =	por !p2, p0  }
0x20: {  	[sflag:s8] =	ssyncset.s32 @!p0 $0xFFFFF086;
	s6 =	sadd.s32 @!p0 s3, s7;
	s7 =	simm.s32 @!p0 $0x108  }
0x21: {  	s3 =	sadd.s32 s3, s9;
	s6 =	sadd.s32 @!p0 $0x88, s6;
	s7 =	simm.s32 @p2 $0x1082  }
0x22: {  	[simem:s7], [sflag:s8] =	dma.local @!p0 [hbm:s6], $0xF7A  }
0x23: {  	s9 =	sor.u32 $0xD0000000, s2;
	s6 =	simm.s32 $0x108;
	_ =	swait.ge @!p0 [sflag:s8], $0x0  }
0x24: {  	s3 =	sadd.s32 $0x88, s3;
	s6 =	simm.s32 @!p1 $0x1082;
	[sflag:s4] =	ssyncset.s32 $0xFFFFF086  }
0x25: {  	[simem:s6], [sflag:s4] =	dma.local [hbm:s3], $0xF7A  }
0x26: {  	[smem:$0x3F9E] =	sst s1;
	(tag) =	ssettag s2;
	_ =	strace s9  }
0x27: {  	s1 =	sld [smem:$0x3FAE]  }
0x28: {  	s2 =	sld [smem:$0x3FAF]  }
0x29: {  	s4 =	sld [smem:$0x3FB1]  }
0x2a: {  	p0 =	seq.s32 s5, $0x0;
	s5 =	sld [smem:$0x3FB2]  }
0x2b: {  	s6 =	sld [smem:$0x3FB3]  }
0x2c: {  	s7 =	sld [smem:$0x3FB4]  }
0x2d: {  	s3 =	simm.s32 $0x108;
	s8 =	sld [smem:$0x3FB5]  }
0x2e: {  	s3 =	simm.s32 @!p0 $0x1082;
	s9 =	sld [smem:$0x3FB6]  }
0x2f: {  	lr =	sadd.s32 s0, s3;
	s0 =	sld [smem:$0x3FAD]  }
0x30: {  	s3 =	sld [smem:$0x3FB0]  }
0x31: {  	[smem:$0x3FB9] =	sst s10  }
0x32: {  	s10 =	sld [smem:$0x3FB7];
	_ =	sdelay $0x3  }
0x33: {  	p0 =	seq.s32 s10, $0x1;
	s10 =	sld [smem:$0x3FB9];
	_ =	sdelay $0x3  }
0x34: {  	[smem:$0x3FB9] =	sst s10  }
0x35: {  	s10 =	sld [smem:$0x3FB8];
	_ =	sdelay $0x3  }
0x36: {  	p1 =	seq.s32 s10, $0x1;
	s10 =	sld [smem:$0x3FB9];
	_ =	sdelay $0x3  }
0x37: {  	[smem:$0x3FB9] =	sst s10  }
0x38: {  	s10 =	sld [smem:$0x3FBA]  }
0x39: {  	_ = 	snop;
	(pc) =	sbr.ind lr, $3  }
0x3a: {  	_ = 	snop  }
0x3b: {  	_ = 	snop  }
0x3c: {  	p2 =	seq.s32 s10, $0x1;
	s10 =	sld [smem:$0x3FB9]  }
0x3d: {  	_ =	shalt  }
0x3e: {  	_ =	shalt  }
0x3f: {  	_ =	shalt  }
0x40: {  	_ =	shalt  }
0x41: {  	_ =	shalt  }
0x42: {  	_ =	shalt  }
0x43: {  	_ =	shalt  }
0x44: {  	_ =	shalt  }
0x45: {  	_ =	shalt  }
0x46: {  	_ =	shalt  }
0x47: {  	_ =	shalt  }
0x48: {  	_ =	shalt  }
0x49: {  	_ =	shalt  }
0x4a: {  	_ =	shalt  }
0x4b: {  	_ =	shalt  }
0x4c: {  	_ =	shalt  }
0x4d: {  	_ =	shalt  }
0x4e: {  	_ =	shalt  }
0x4f: {  	_ =	shalt  }
0x50: {  	_ =	shalt  }
0x51: {  	_ =	shalt  }
0x52: {  	_ =	shalt  }
0x53: {  	_ =	shalt  }
0x54: {  	_ =	shalt  }
0x55: {  	_ =	shalt  }
0x56: {  	_ =	shalt  }
0x57: {  	_ =	shalt  }
0x58: {  	_ =	shalt  }
0x59: {  	_ =	shalt  }
0x5a: {  	_ =	shalt  }
0x5b: {  	_ =	shalt  }
0x5c: {  	_ =	shalt  }
0x5d: {  	_ =	shalt  }
0x5e: {  	_ =	shalt  }
0x5f: {  	_ =	shalt  }
0x60: {  	_ =	shalt  }
0x61: {  	_ =	shalt  }
0x62: {  	_ =	shalt  }
0x63: {  	_ =	shalt  }
0x64: {  	_ =	shalt  }
0x65: {  	_ =	shalt  }
0x66: {  	_ =	shalt  }
0x67: {  	_ =	shalt  }
0x68: {  	_ =	shalt  }
0x69: {  	_ =	shalt  }
0x6a: {  	_ =	shalt  }
0x6b: {  	_ =	shalt  }
0x6c: {  	_ =	shalt  }
0x6d: {  	_ =	shalt  }
0x6e: {  	_ =	shalt  }
0x6f: {  	_ =	shalt  }
0x70: {  	_ =	shalt  }
0x71: {  	_ =	shalt  }
0x72: {  	_ =	shalt  }
0x73: {  	_ =	shalt  }
0x74: {  	_ =	shalt  }
0x75: {  	_ =	shalt  }
0x76: {  	_ =	shalt  }
0x77: {  	_ =	shalt  }
0x78: {  	_ =	shalt  }
0x79: {  	_ =	shalt  }
0x7a: {  	_ =	shalt  }
0x7b: {  	_ =	shalt  }
0x7c: {  	_ =	shalt  }
0x7d: {  	_ =	shalt  }
0x7e: {  	_ =	shalt  }
0x7f: {  	_ =	shalt  }
0x80: {  	_ =	shalt  }
0x81: {  	_ =	shalt  }
0x82: {  	_ =	shalt  }
0x83: {  	_ =	shalt  }
0x84: {  	_ =	shalt  }
0x85: {  	_ =	shalt  }
0x86: {  	_ =	shalt  }
0x87: {  	_ =	shalt  }
.Lfunc_end0:
.L_simem_size_0:
called_computation.1_lowered:
.L_overlay_start_0:
0x88: {  	s2 =	sld [smem:$0x3FD9]  }
0x89: {  	s3 =	sld [smem:$0x3FFE];
	_ =	sdelay $0x1  }
0x8a: {  	s1 =	srdreg.scid  }
0x8b: {  	s0 =	sand.u32 $0x1, s1  }
0x8c: {  	s17 =	sshll.u32 s0, $0xA;
	s2 =	sadd.s32 s3, s2  }
0x8d: {  	s2 =	sadd.s32 s2, s17  }
0x8e: {  	[smem:$0x3FC5] =	sst s2  }
0x8f: {  	_ = 	snop  }
0x90: {  	s2 =	sld [smem:$0x3FD0];
	(tm) =	ssettm $0x1  }
0x91: {  	s18 =	sld [smem:$0x3FFB];
	_ =	sdelay $0x3  }
0x92: {  	_ =	strace s18  }
0x93: {  	s3 =	sld [smem:$0x3FFC];
	_ =	sdelay $0x3  }
0x94: {  	_ =	strace s3  }
0x95: {  	s3 =	sld [smem:$0x3FFD];
	_ =	sdelay $0x3  }
0x96: {  	_ =	strace s3  }
0x97: {  	_ =	strace $0x8FFFFFFF  }
0x98: {  	s19 =	sld [smem:$0x3FDB];
	_ =	sdelay $0x1  }
0x99: {  	s4 =	simm.s32 $_scs_section_size  }
0x9a: {  	s5 =	simm.s32 $_size__tile_overlayer_lowered;
	s6 =	simm.s32 $_tile_overlayer_lowered  }
0x9b: {  	s22 =	simm.s32 $0x1BFF;
	s21 =	sshll.u32 s6, $0x1;
	s3 =	sadd.s32 s4, s19  }
0x9c: {  	s7 =	simm.s32 $0x0;
	s20 =	sshll.u32 s5, $0x1;
	s5 =	sadd.s32 s21, s3  }
0x9d: {  	[timem:s7], [sflag:s22] =	dma.local [hbm:s5], s20  }
0x9e: {  	_ =	swait.ge [sflag:s22], s20  }
0x9f: {  	s4 =	ssub.s32 $0x0, s20;
	[sflag:s22] =	ssyncset.done $0x0  }
0xa0: {  	[sflag:s22] =	ssyncadd.s32 s4;
	_ =	sdelay $0x1  }
0xa1: {  	s23 =	simm.s32 $0x1B8B  }
0xa2: {  	_ =	swait.ge [sflag:s23], $0x1  }
0xa3: {  	[sflag:s23] =	ssyncset.done $0x0  }
0xa4: {  	s25 =	simm.s32 $0x1B8E;
	s24 =	sld [smem:$0x3FFE];
	[sflag:s23] =	ssyncadd.s32 $0xFFFFFFFF  }
0xa5: {  	s26 =	simm.s32 $execute0_lowered;
	[smem:$0x3FD2] =	sst s25  }
0xa6: {  	s5 =	sshll.u32 s26, $0x1;
	_ =	strace $0x80000049;
	[dreg:$0x1] =	wrdreg $0xFFFFFFFF  }
0xa7: {  	s28 =	simm.s32 $_size_execute0_lowered;
	s3 =	sadd.s32 s3, s5;
	[dreg:$0x0] =	wrdreg $0x0  }
0xa8: {  	s5 =	sshll.u32 s28, $0x1;
	[dreg:$0x2] =	wrdreg s3  }
0xa9: {  	[dreg:$0x3] =	wrdreg s5  }
0xaa: {  	[dreg:$0x4] =	wrdreg $0xC0  }
0xab: {  	_ =	task [dreg:s7], $0x5FFFF  }
0xac: {  	[dreg:$0x1] =	wrdreg $0xFFFFFFFF  }
0xad: {  	[dreg:$0x0] =	wrdreg $0x60  }
0xae: {  	[dreg:$0x2] =	wrdreg s24  }
0xaf: {  	[dreg:$0x3] =	wrdreg s2  }
0xb0: {  	[dreg:$0x4] =	wrdreg $0x9  }
0xb1: {  	_ =	task.clear_ibuf [dreg:s7], $0x5FFFF;
	_ =	strace $0x90000049  }
0xb2: {  	s29 =	simm.s32 $0x9;
	_ =	strace $0x8000004B  }
0xb3: {  	_ =	swait.ge [sflag:s29], $0x1  }
0xb4: {  	[sflag:s29] =	ssyncadd.s32 $0xFFFFFFFF  }
0xb5: {  	_ =	strace $0x9000004B  }
0xb6: {  	_ =	sfence  }
0xb7: {  	s30 =	sld [smem:$0x0];
	_ =	sdelay $0x2  }
0xb8: {  	s31 =	sshll.u32 s1, $0xD;
	s1 =	sshrl.u32 s1, $0x2  }
0xb9: {  	s3 =	sand.u32 $0x4000, s31;
	s1 =	sadd.s32 s1, s30  }
0xba: {  	s0 =	sor.u32 s3, s0;
	s1 =	sshll.u32 s1, $0x11  }
0xbb: {  	s0 =	sor.u32 s1, s0  }
0xbc: {  	s0 =	sadd.s32 $0x8F2B, s0  }
0xbd: {  	[sflag:s0] =	ssyncadd.remote.s32 $0x1  }
0xbe: {  	_ =	sfence.sel $0xFFFF  }
0xbf: {  	[dreg:$0x0] =	wrdreg $0xFFFFFFFF;
	(pc) =	sbr.abs _section_cstart, $3  }
0xc0: {  	[dreg:$0x1] =	wrdreg $0xFFFFFFFF  }
0xc1: {  	_ =	task.clear_ibuf [dreg:s7], $0x2FFFF;
	_ =	strace $0x9FFFFFFF  }
0xc2: {  	(tm) =	ssettm $0x7FFFFFFF  }
0xc3: {  	_ =	shalt  }
tec
execute0_lowered:
.L_overlay_start_1:
0x0: {  	(tag) =	ssettag $0x1  }
0x1: {  	s0 =	rddreg [dreg:$0x0];
	s1 =	srdreg.scid  }
0x2: {  	s2 =	stileid.u32;
	s7 =	rddreg [dreg:$0x1]  }
0x3: {  	s9 =	simm.s32 $0x3;
	s10 =	simm.s32 $0xBE00;
	s11 =	simm.s32 $0x80  }
0x4: {  	s13 =	simm.s32 $0x1400;
	s14 =	simm.s32 $0xB400;
	s21 =	simm.s32 $0x1280  }
0x5: {  	s22 =	simm.s32 $0x9C00;
	s23 =	simm.s32 $0x880;
	s24 =	simm.s32 $0xBC80  }
0x6: {  	s28 =	simm.s32 $0x900;
	s29 =	simm.s32 $0xBD00;
	s30 =	simm.s32 $0x1380  }
0x7: {  	s31 =	simm.s32 $0xAC00;
	s12 =	simm.s32 $0x1;
	s15 =	simm.s32 $0x2  }
0x8: {  	s16 =	simm.s32 $0xC200;
	s17 =	simm.s32 $0x0;
	s1 =	sand.u32 $0x1, s1  }
0x9: {  	s3 =	sshll.u32 s2, $0x1;
	s2 =	simm.s32 $0x0;
	s4 =	sadd.s32 $0x800, s0  }
0xa: {  	v0 =	vimm.s32 $0x36147250;
	v1 =	vlaneseq.u32;
	s5 =	sadd.s32 $0x1E8C00, s0;
	s8 =	sor.u32 s1, s3;
	[smem:$0x7FF] =	sst s2  }
0xb: {  	v0 =	vunpack.c.l.s4.s8 v0;
	v6 =	vmul.u32 $0x10, v1;
	s1 =	ssub.s32 $0x2, s1;
	s3 =	smul.u32 $0x140, s8;
	s26 =	sshll.u32 s8, $0x6  }
0xc: {  	v14 =	vmul.u32 $0x5, v1;
	_ =	strace $0x8000004A;
	s25 =	sshrl.u32 s1, $0x1;
	s7 =	sadd.s32 s7, s26  }
0xd: {  	v8 =	vunpack.c.0.s8.s32 v0;
	[tilespmem:$0x1FFD0] =	vst v6;
	s26 =	simm.s32 $0xA400;
	s6 =	sadd.s32 s3, s0;
	s3 =	sadd.s32 $0x1EB600, s0  }
0xe: {  	[tilespmem:$0x1FFE0] =	vst v14;
	s0 =	ssub.s32 s1, s25;
	s25 =	simm.s32 $0x1300;
	s1 =	simm.s32 $0x980  }
0xf: {  	v5 =	vimm.f32 $0.0e+00;
	[tilespmem:$0x1FFF0] =	vst v8;
	s6 =	sadd.s32 $0x1E8E00, s6;
	s8 =	smax.u32 s0, $0x1;
	s0 =	simm.s32 $0xBD80  }
.LBB2_1:
0x10: {  	[tilespmem:s2], [sflag:$0x3] =	stream.linear.gather [hbm4b:s6+s2], $0xA00, $0x38;
	[tilespmem:$0xC400] =	vst v63  }
0x11: {  	_ =	swait.ge [sflag:s9], $0xA00  }
0x12: {  	[sflag:s9] =	ssyncset.done $0x0  }
0x13: {  	[sflag:s9] =	ssyncadd.s32 $0xFFFFF600  }
0x14: {  	[tilespmem:s10], [sflag:$0x3] =	stream.linear.gather [hbm4b:s5+s2], $0x400, $0x38;
	[tilespmem:$0xC400] =	vst v63  }
0x15: {  	_ =	swait.ge [sflag:s9], $0x400  }
0x16: {  	[sflag:s9] =	ssyncset.done $0x0  }
0x17: {  	s18 =	simm.s32 $0x0;
	[sflag:s9] =	ssyncadd.s32 $0xFFFFFC00  }
0x18: {  	v0 =	vld [tilespmem:s18+$0x0]  }
0x19: {  	s19 =	simm.s32 $0x40  }
.LBB2_2:
0x1a: {  	p0 =	sne.s32 s19, $0x27C0  }
.Ltmp0:
0x1b: {  	_ = 	snop;
	(pc) =	sbr.rel @p0 .LBB2_2-.Ltmp0, $4  }
0x1c: {  	_ = 	snop  }
0x1d: {  	s20 =	sshra.s32 s19, $0x2;
	s19 =	sadd.s32 $0x40, s19;
	vm0 =	vlt.s32 v0, $0xF41FF  }
0x1e: {  	v1 =	vnsel vm0, $0xF41FF, v0;
	v0 =	vld [tilespmem:s20+$0x0]  }
0x1f: {  	[tilespmem:s18+$0xA00] =	vst v1;
	s18 =	smov.u32 s20  }
0x20: {  	_ =	sdelay $0x2  }
0x21: {  	vm0 =	vlt.s32 v0, $0xF41FF  }
0x22: {  	v0 =	vnsel vm0, $0xF41FF, v0  }
0x23: {  	s19 =	simm.s32 $0xA00;
	[tilespmem:s18+$0xA00] =	vst v0  }
0x24: {  	[tilespmem:s13], [sflag:$0x1] =	stream.indirect.gather [hbm4b:s4+s11], $0x10, s19, s11, $0xb8;
	[tilespmem:$0xC400] =	vst v63  }
0x25: {  	s18 =	simm.s32 $0x0  }
0x26: {  	[tilespmem:s14], [sflag:$0x2] =	stream.indirect.gather [hbm4b:s3+s11], $0x1, s18, s11, $0xb8;
	[tilespmem:$0xC400] =	vst v63  }
0x27: {  	s20 =	simm.s32 $0x1C00;
	s19 =	simm.s32 $0xA80  }
0x28: {  	[tilespmem:s20], [sflag:$0x1] =	stream.indirect.gather [hbm4b:s4+s11], $0x10, s19, s11, $0xb8;
	[tilespmem:$0xC400] =	vst v63  }
0x29: {  	s20 =	simm.s32 $0xB480  }
0x2a: {  	[tilespmem:s20], [sflag:$0x2] =	stream.indirect.gather [hbm4b:s3+s11], $0x1, s11, s11, $0xb8;
	[tilespmem:$0xC400] =	vst v63  }
0x2b: {  	s19 =	simm.s32 $0xB00;
	s20 =	simm.s32 $0x2400  }
0x2c: {  	[tilespmem:s20], [sflag:$0x1] =	stream.indirect.gather [hbm4b:s4+s11], $0x10, s19, s11, $0xb8;
	[tilespmem:$0xC400] =	vst v63  }
0x2d: {  	s19 =	simm.s32 $0x100;
	s20 =	simm.s32 $0xB500  }
0x2e: {  	[tilespmem:s20], [sflag:$0x2] =	stream.indirect.gather [hbm4b:s3+s11], $0x1, s19, s11, $0xb8;
	[tilespmem:$0xC400] =	vst v63  }
0x2f: {  	s19 =	simm.s32 $0xB80;
	s20 =	simm.s32 $0x2C00  }
0x30: {  	[tilespmem:s20], [sflag:$0x1] =	stream.indirect.gather [hbm4b:s4+s11], $0x10, s19, s11, $0xb8;
	[tilespmem:$0xC400] =	vst v63  }
0x31: {  	s19 =	simm.s32 $0x180;
	s20 =	simm.s32 $0xB580  }
0x32: {  	[tilespmem:s20], [sflag:$0x2] =	stream.indirect.gather [hbm4b:s3+s11], $0x1, s19, s11, $0xb8;
	[tilespmem:$0xC400] =	vst v63  }
0x33: {  	s19 =	simm.s32 $0xC00;
	s20 =	simm.s32 $0x3400  }
0x34: {  	[tilespmem:s20], [sflag:$0x1] =	stream.indirect.gather [hbm4b:s4+s11], $0x10, s19, s11, $0xb8;
	[tilespmem:$0xC400] =	vst v63  }
0x35: {  	s19 =	simm.s32 $0x200;
	s20 =	simm.s32 $0xB600  }
0x36: {  	[tilespmem:s20], [sflag:$0x2] =	stream.indirect.gather [hbm4b:s3+s11], $0x1, s19, s11, $0xb8;
	[tilespmem:$0xC400] =	vst v63  }
0x37: {  	s19 =	simm.s32 $0xC80;
	s20 =	simm.s32 $0x3C00  }
0x38: {  	[tilespmem:s20], [sflag:$0x1] =	stream.indirect.gather [hbm4b:s4+s11], $0x10, s19, s11, $0xb8;
	[tilespmem:$0xC400] =	vst v63  }
0x39: {  	s19 =	simm.s32 $0x280;
	s20 =	simm.s32 $0xB680  }
0x3a: {  	[tilespmem:s20], [sflag:$0x2] =	stream.indirect.gather [hbm4b:s3+s11], $0x1, s19, s11, $0xb8;
	[tilespmem:$0xC400] =	vst v63  }
0x3b: {  	s19 =	simm.s32 $0xD00;
	s20 =	simm.s32 $0x4400  }
0x3c: {  	[tilespmem:s20], [sflag:$0x1] =	stream.indirect.gather [hbm4b:s4+s11], $0x10, s19, s11, $0xb8;
	[tilespmem:$0xC400] =	vst v63  }
0x3d: {  	s19 =	simm.s32 $0x300;
	s20 =	simm.s32 $0xB700  }
0x3e: {  	[tilespmem:s20], [sflag:$0x2] =	stream.indirect.gather [hbm4b:s3+s11], $0x1, s19, s11, $0xb8;
	[tilespmem:$0xC400] =	vst v63  }
0x3f: {  	s19 =	simm.s32 $0xD80;
	s20 =	simm.s32 $0x4C00  }
0x40: {  	[tilespmem:s20], [sflag:$0x1] =	stream.indirect.gather [hbm4b:s4+s11], $0x10, s19, s11, $0xb8;
	[tilespmem:$0xC400] =	vst v63  }
0x41: {  	s19 =	simm.s32 $0x380;
	s20 =	simm.s32 $0xB780  }
0x42: {  	[tilespmem:s20], [sflag:$0x2] =	stream.indirect.gather [hbm4b:s3+s11], $0x1, s19, s11, $0xb8;
	[tilespmem:$0xC400] =	vst v63  }
0x43: {  	s19 =	simm.s32 $0xE00;
	s20 =	simm.s32 $0x5400  }
0x44: {  	[tilespmem:s20], [sflag:$0x1] =	stream.indirect.gather [hbm4b:s4+s11], $0x10, s19, s11, $0xb8;
	[tilespmem:$0xC400] =	vst v63  }
0x45: {  	s19 =	simm.s32 $0x400;
	s20 =	simm.s32 $0xB800  }
0x46: {  	[tilespmem:s20], [sflag:$0x2] =	stream.indirect.gather [hbm4b:s3+s11], $0x1, s19, s11, $0xb8;
	[tilespmem:$0xC400] =	vst v63  }
0x47: {  	s19 =	simm.s32 $0xE80;
	s20 =	simm.s32 $0x5C00  }
0x48: {  	[tilespmem:s20], [sflag:$0x1] =	stream.indirect.gather [hbm4b:s4+s11], $0x10, s19, s11, $0xb8;
	[tilespmem:$0xC400] =	vst v63  }
0x49: {  	s19 =	simm.s32 $0x480;
	s20 =	simm.s32 $0xB880  }
0x4a: {  	[tilespmem:s20], [sflag:$0x2] =	stream.indirect.gather [hbm4b:s3+s11], $0x1, s19, s11, $0xb8;
	[tilespmem:$0xC400] =	vst v63  }
0x4b: {  	s19 =	simm.s32 $0xF00;
	s20 =	simm.s32 $0x6400  }
0x4c: {  	[tilespmem:s20], [sflag:$0x1] =	stream.indirect.gather [hbm4b:s4+s11], $0x10, s19, s11, $0xb8;
	[tilespmem:$0xC400] =	vst v63  }
0x4d: {  	s19 =	simm.s32 $0x500;
	s20 =	simm.s32 $0xB900  }
0x4e: {  	[tilespmem:s20], [sflag:$0x2] =	stream.indirect.gather [hbm4b:s3+s11], $0x1, s19, s11, $0xb8;
	[tilespmem:$0xC400] =	vst v63  }
0x4f: {  	s19 =	simm.s32 $0xF80;
	s20 =	simm.s32 $0x6C00  }
0x50: {  	[tilespmem:s20], [sflag:$0x1] =	stream.indirect.gather [hbm4b:s4+s11], $0x10, s19, s11, $0xb8;
	[tilespmem:$0xC400] =	vst v63  }
0x51: {  	s19 =	simm.s32 $0x580;
	s20 =	simm.s32 $0xB980  }
0x52: {  	[tilespmem:s20], [sflag:$0x2] =	stream.indirect.gather [hbm4b:s3+s11], $0x1, s19, s11, $0xb8;
	[tilespmem:$0xC400] =	vst v63  }
0x53: {  	s19 =	simm.s32 $0x1000;
	s20 =	simm.s32 $0x7400  }
0x54: {  	[tilespmem:s20], [sflag:$0x1] =	stream.indirect.gather [hbm4b:s4+s11], $0x10, s19, s11, $0xb8;
	[tilespmem:$0xC400] =	vst v63  }
0x55: {  	s19 =	simm.s32 $0x600;
	s20 =	simm.s32 $0xBA00  }
0x56: {  	[tilespmem:s20], [sflag:$0x2] =	stream.indirect.gather [hbm4b:s3+s11], $0x1, s19, s11, $0xb8;
	[tilespmem:$0xC400] =	vst v63  }
0x57: {  	s19 =	simm.s32 $0x1080;
	s20 =	simm.s32 $0x7C00  }
0x58: {  	[tilespmem:s20], [sflag:$0x1] =	stream.indirect.gather [hbm4b:s4+s11], $0x10, s19, s11, $0xb8;
	[tilespmem:$0xC400] =	vst v63  }
0x59: {  	s19 =	simm.s32 $0x680;
	s20 =	simm.s32 $0xBA80  }
0x5a: {  	[tilespmem:s20], [sflag:$0x2] =	stream.indirect.gather [hbm4b:s3+s11], $0x1, s19, s11, $0xb8;
	[tilespmem:$0xC400] =	vst v63  }
0x5b: {  	s19 =	simm.s32 $0x1100;
	s20 =	simm.s32 $0x8400  }
0x5c: {  	[tilespmem:s20], [sflag:$0x1] =	stream.indirect.gather [hbm4b:s4+s11], $0x10, s19, s11, $0xb8;
	[tilespmem:$0xC400] =	vst v63  }
0x5d: {  	s19 =	simm.s32 $0x700;
	s20 =	simm.s32 $0xBB00  }
0x5e: {  	[tilespmem:s20], [sflag:$0x2] =	stream.indirect.gather [hbm4b:s3+s11], $0x1, s19, s11, $0xb8;
	[tilespmem:$0xC400] =	vst v63  }
0x5f: {  	s19 =	simm.s32 $0x1180;
	s20 =	simm.s32 $0x8C00  }
0x60: {  	[tilespmem:s20], [sflag:$0x1] =	stream.indirect.gather [hbm4b:s4+s11], $0x10, s19, s11, $0xb8;
	[tilespmem:$0xC400] =	vst v63  }
0x61: {  	s19 =	simm.s32 $0x780;
	s20 =	simm.s32 $0xBB80  }
0x62: {  	[tilespmem:s20], [sflag:$0x2] =	stream.indirect.gather [hbm4b:s3+s11], $0x1, s19, s11, $0xb8;
	[tilespmem:$0xC400] =	vst v63  }
0x63: {  	s19 =	simm.s32 $0x1200;
	s20 =	simm.s32 $0x9400  }
0x64: {  	[tilespmem:s20], [sflag:$0x1] =	stream.indirect.gather [hbm4b:s4+s11], $0x10, s19, s11, $0xb8;
	[tilespmem:$0xC400] =	vst v63  }
0x65: {  	s19 =	simm.s32 $0x800;
	s20 =	simm.s32 $0xBC00  }
0x66: {  	[tilespmem:s20], [sflag:$0x2] =	stream.indirect.gather [hbm4b:s3+s11], $0x1, s19, s11, $0xb8;
	[tilespmem:$0xC400] =	vst v63  }
0x67: {  	_ = 	snop  }
0x68: {  	[tilespmem:s22], [sflag:$0x1] =	stream.indirect.gather [hbm4b:s4+s11], $0x10, s21, s11, $0xb8;
	[tilespmem:$0xC400] =	vst v63  }
0x69: {  	_ = 	snop  }
0x6a: {  	[tilespmem:s24], [sflag:$0x2] =	stream.indirect.gather [hbm4b:s3+s11], $0x1, s23, s11, $0xb8;
	[tilespmem:$0xC400] =	vst v63  }
0x6b: {  	_ = 	snop  }
0x6c: {  	[tilespmem:s26], [sflag:$0x1] =	stream.indirect.gather [hbm4b:s4+s11], $0x10, s25, s11, $0xb8;
	[tilespmem:$0xC400] =	vst v63  }
0x6d: {  	_ = 	snop  }
0x6e: {  	[tilespmem:s29], [sflag:$0x2] =	stream.indirect.gather [hbm4b:s3+s11], $0x1, s28, s11, $0xb8;
	[tilespmem:$0xC400] =	vst v63  }
0x6f: {  	_ = 	snop  }
0x70: {  	[tilespmem:s31], [sflag:$0x1] =	stream.indirect.gather [hbm4b:s4+s11], $0x10, s30, s11, $0xb8;
	[tilespmem:$0xC400] =	vst v63  }
0x71: {  	_ = 	snop  }
0x72: {  	[tilespmem:s0], [sflag:$0x2] =	stream.indirect.gather [hbm4b:s3+s11], $0x1, s1, s11, $0xb8;
	[tilespmem:$0xC400] =	vst v63  }
0x73: {  	_ =	swait.ge [sflag:s12], $0x800  }
0x74: {  	[sflag:s12] =	ssyncset.done $0x0  }
0x75: {  	[sflag:s12] =	ssyncadd.s32 $0xFFFFF800  }
0x76: {  	_ =	swait.ge [sflag:s15], $0x80  }
0x77: {  	[sflag:s15] =	ssyncset.done $0x0  }
0x78: {  	[sflag:s15] =	ssyncadd.s32 $0xFFFFFF80  }
0x79: {  	_ =	swait.ge [sflag:s12], $0x800  }
0x7a: {  	[sflag:s12] =	ssyncset.done $0x0  }
0x7b: {  	[sflag:s12] =	ssyncadd.s32 $0xFFFFF800  }
0x7c: {  	_ =	swait.ge [sflag:s15], $0x80  }
0x7d: {  	[sflag:s15] =	ssyncset.done $0x0  }
0x7e: {  	[sflag:s15] =	ssyncadd.s32 $0xFFFFFF80  }
0x7f: {  	_ =	swait.ge [sflag:s12], $0x800  }
0x80: {  	[sflag:s12] =	ssyncset.done $0x0  }
0x81: {  	[sflag:s12] =	ssyncadd.s32 $0xFFFFF800  }
0x82: {  	_ =	swait.ge [sflag:s15], $0x80  }
0x83: {  	[sflag:s15] =	ssyncset.done $0x0  }
0x84: {  	[sflag:s15] =	ssyncadd.s32 $0xFFFFFF80  }
0x85: {  	_ =	swait.ge [sflag:s12], $0x800  }
0x86: {  	[sflag:s12] =	ssyncset.done $0x0  }
0x87: {  	[sflag:s12] =	ssyncadd.s32 $0xFFFFF800  }
0x88: {  	_ =	swait.ge [sflag:s15], $0x80  }
0x89: {  	[sflag:s15] =	ssyncset.done $0x0  }
0x8a: {  	[sflag:s15] =	ssyncadd.s32 $0xFFFFFF80  }
0x8b: {  	_ =	swait.ge [sflag:s12], $0x800  }
0x8c: {  	[sflag:s12] =	ssyncset.done $0x0  }
0x8d: {  	[sflag:s12] =	ssyncadd.s32 $0xFFFFF800  }
0x8e: {  	_ =	swait.ge [sflag:s15], $0x80  }
0x8f: {  	[sflag:s15] =	ssyncset.done $0x0  }
0x90: {  	[sflag:s15] =	ssyncadd.s32 $0xFFFFFF80  }
0x91: {  	_ =	swait.ge [sflag:s12], $0x800  }
0x92: {  	[sflag:s12] =	ssyncset.done $0x0  }
0x93: {  	[sflag:s12] =	ssyncadd.s32 $0xFFFFF800  }
0x94: {  	_ =	swait.ge [sflag:s15], $0x80  }
0x95: {  	[sflag:s15] =	ssyncset.done $0x0  }
0x96: {  	[sflag:s15] =	ssyncadd.s32 $0xFFFFFF80  }
0x97: {  	_ =	swait.ge [sflag:s12], $0x800  }
0x98: {  	[sflag:s12] =	ssyncset.done $0x0  }
0x99: {  	[sflag:s12] =	ssyncadd.s32 $0xFFFFF800  }
0x9a: {  	_ =	swait.ge [sflag:s15], $0x80  }
0x9b: {  	[sflag:s15] =	ssyncset.done $0x0  }
0x9c: {  	[sflag:s15] =	ssyncadd.s32 $0xFFFFFF80  }
0x9d: {  	_ =	swait.ge [sflag:s12], $0x800  }
0x9e: {  	[sflag:s12] =	ssyncset.done $0x0  }
0x9f: {  	[sflag:s12] =	ssyncadd.s32 $0xFFFFF800  }
0xa0: {  	_ =	swait.ge [sflag:s15], $0x80  }
0xa1: {  	[sflag:s15] =	ssyncset.done $0x0  }
0xa2: {  	[sflag:s15] =	ssyncadd.s32 $0xFFFFFF80  }
0xa3: {  	_ =	swait.ge [sflag:s12], $0x800  }
0xa4: {  	[sflag:s12] =	ssyncset.done $0x0  }
0xa5: {  	[sflag:s12] =	ssyncadd.s32 $0xFFFFF800  }
0xa6: {  	_ =	swait.ge [sflag:s15], $0x80  }
0xa7: {  	[sflag:s15] =	ssyncset.done $0x0  }
0xa8: {  	[sflag:s15] =	ssyncadd.s32 $0xFFFFFF80  }
0xa9: {  	_ =	swait.ge [sflag:s12], $0x800  }
0xaa: {  	[sflag:s12] =	ssyncset.done $0x0  }
0xab: {  	[sflag:s12] =	ssyncadd.s32 $0xFFFFF800  }
0xac: {  	_ =	swait.ge [sflag:s15], $0x80  }
0xad: {  	[sflag:s15] =	ssyncset.done $0x0  }
0xae: {  	[sflag:s15] =	ssyncadd.s32 $0xFFFFFF80  }
0xaf: {  	_ =	swait.ge [sflag:s12], $0x800  }
0xb0: {  	[sflag:s12] =	ssyncset.done $0x0  }
0xb1: {  	[sflag:s12] =	ssyncadd.s32 $0xFFFFF800  }
0xb2: {  	_ =	swait.ge [sflag:s15], $0x80  }
0xb3: {  	[sflag:s15] =	ssyncset.done $0x0  }
0xb4: {  	[sflag:s15] =	ssyncadd.s32 $0xFFFFFF80  }
0xb5: {  	_ =	swait.ge [sflag:s12], $0x800  }
0xb6: {  	[sflag:s12] =	ssyncset.done $0x0  }
0xb7: {  	[sflag:s12] =	ssyncadd.s32 $0xFFFFF800  }
0xb8: {  	_ =	swait.ge [sflag:s15], $0x80  }
0xb9: {  	[sflag:s15] =	ssyncset.done $0x0  }
0xba: {  	[sflag:s15] =	ssyncadd.s32 $0xFFFFFF80  }
0xbb: {  	_ =	swait.ge [sflag:s12], $0x800  }
0xbc: {  	[sflag:s12] =	ssyncset.done $0x0  }
0xbd: {  	[sflag:s12] =	ssyncadd.s32 $0xFFFFF800  }
0xbe: {  	_ =	swait.ge [sflag:s15], $0x80  }
0xbf: {  	[sflag:s15] =	ssyncset.done $0x0  }
0xc0: {  	[sflag:s15] =	ssyncadd.s32 $0xFFFFFF80  }
0xc1: {  	_ =	swait.ge [sflag:s12], $0x800  }
0xc2: {  	[sflag:s12] =	ssyncset.done $0x0  }
0xc3: {  	[sflag:s12] =	ssyncadd.s32 $0xFFFFF800  }
0xc4: {  	_ =	swait.ge [sflag:s15], $0x80  }
0xc5: {  	[sflag:s15] =	ssyncset.done $0x0  }
0xc6: {  	[sflag:s15] =	ssyncadd.s32 $0xFFFFFF80  }
0xc7: {  	_ =	swait.ge [sflag:s12], $0x800  }
0xc8: {  	[sflag:s12] =	ssyncset.done $0x0  }
0xc9: {  	[sflag:s12] =	ssyncadd.s32 $0xFFFFF800  }
0xca: {  	_ =	swait.ge [sflag:s15], $0x80  }
0xcb: {  	[sflag:s15] =	ssyncset.done $0x0  }
0xcc: {  	[sflag:s15] =	ssyncadd.s32 $0xFFFFFF80  }
0xcd: {  	_ =	swait.ge [sflag:s12], $0x800  }
0xce: {  	[sflag:s12] =	ssyncset.done $0x0  }
0xcf: {  	[sflag:s12] =	ssyncadd.s32 $0xFFFFF800  }
0xd0: {  	_ =	swait.ge [sflag:s15], $0x80  }
0xd1: {  	[sflag:s15] =	ssyncset.done $0x0  }
0xd2: {  	[sflag:s15] =	ssyncadd.s32 $0xFFFFFF80  }
0xd3: {  	_ =	swait.ge [sflag:s12], $0x800  }
0xd4: {  	[sflag:s12] =	ssyncset.done $0x0  }
0xd5: {  	[sflag:s12] =	ssyncadd.s32 $0xFFFFF800  }
0xd6: {  	_ =	swait.ge [sflag:s15], $0x80  }
0xd7: {  	[sflag:s15] =	ssyncset.done $0x0  }
0xd8: {  	[sflag:s15] =	ssyncadd.s32 $0xFFFFFF80  }
0xd9: {  	_ =	swait.ge [sflag:s12], $0x800  }
0xda: {  	[sflag:s12] =	ssyncset.done $0x0  }
0xdb: {  	[sflag:s12] =	ssyncadd.s32 $0xFFFFF800  }
0xdc: {  	_ =	swait.ge [sflag:s15], $0x80  }
0xdd: {  	[sflag:s15] =	ssyncset.done $0x0  }
0xde: {  	[sflag:s15] =	ssyncadd.s32 $0xFFFFFF80  }
0xdf: {  	_ =	swait.ge [sflag:s12], $0x800  }
0xe0: {  	[sflag:s12] =	ssyncset.done $0x0  }
0xe1: {  	[sflag:s12] =	ssyncadd.s32 $0xFFFFF800  }
0xe2: {  	_ =	swait.ge [sflag:s15], $0x80  }
0xe3: {  	[sflag:s15] =	ssyncset.done $0x0  }
0xe4: {  	[sflag:s15] =	ssyncadd.s32 $0xFFFFFF80  }
0xe5: {  	_ =	swait.ge [sflag:s12], $0x800  }
.Ltmp1:
0xe6: {  	[sflag:s12] =	ssyncset.done $0x0;
	(pc) =	sbr.rel .LBB2_4-.Ltmp1, $4  }
0xe7: {  	[sflag:s12] =	ssyncadd.s32 $0xFFFFF800  }
0xe8: {  	_ =	swait.ge [sflag:s15], $0x80  }
0xe9: {  	[sflag:s15] =	ssyncset.done $0x0  }
0xea: {  	s19 =	simm.s32 $0x0;
	[sflag:s15] =	ssyncadd.s32 $0xFFFFFF80  }
.LBB2_6:
0xeb: {  	s19 =	sadd.s32 $0x10, s19  }
0xec: {  	p0 =	sne.s32 s19, $0xA00  }
.Ltmp2:
0xed: {  	_ = 	snop;
	(pc) =	sbr.rel @!p0 .LBB2_7-.Ltmp2, $2  }
0xee: {  	_ =	sdelay $0x2  }
0xef: {  	s18 =	sadd.s32 $0x10, s18  }
.LBB2_4:
0xf0: {  	v0 =	vld [tilespmem:s18+$0x0];
	_ =	sdelay $0x4  }
0xf1: {  	vm0 =	vgt.s32 v0, $0xF41FF  }
0xf2: {  	v1 =	vsel vm0, $0x3F800000, v5  }
0xf3: {  	(xrf0) =	vmax.scan.msk.f32 $0xffff, v1;
	_ =	sdelay $0x5  }
0xf4: {  	v1, _, _ =	vpop (xrf0)  }
0xf5: {  	(v2sf) =	vpush v1, $0xF;
	_ =	sdelay $0xe  }
0xf6: {  	s20 =	spop (v2sf)  }
0xf7: {  	p0 =	sgt.f32 s20, $0.0e+00  }
.Ltmp3:
0xf8: {  	_ = 	snop;
	(pc) =	sbr.rel @!p0 .LBB2_6-.Ltmp3, $1  }
0xf9: {  	_ =	sdelay $0x3  }
0xfa: {  	v0 =	vadd.s32 $0xFFF0BE00, v0  }
0xfb: {  	vm1 =	vgt.s32 v0, $0x0  }
0xfc: {  	v0 =	vnsel vm1, $0x0, v0  }
0xfd: {  	v0 =	vmin.u32 v0, $0x3F  }
0xfe: {  	v0 =	vshll.u32 v0, $0x4;
	_ =	sdelay $0x2  }
0xff: {  	v1 =	vmov s19  }
0x100: {  	v1 =	vshll.u32 v1, $0x4  }
0x101: {  	v1 =	vor.u32 v6, v1;
	v2 =	vld.idx.msk [tilespmem:v0+s10+$0x0], vm0  }
0x102: {  	v3 =	vor.u32 $0x1, v0;
	_ =	sdelay $0x3  }
0x103: {  	[tilespmem:v1+s13+$0x0] =	vst.idx.msk vm0, v2  }
0x104: {  	v2 =	vld.idx.msk [tilespmem:v3+s10+$0x0], vm0;
	v3 =	vor.u32 $0x1, v1  }
0x105: {  	v4 =	vor.u32 $0x2, v0;
	_ =	sdelay $0x3  }
0x106: {  	[tilespmem:v3+s13+$0x0] =	vst.idx.msk vm0, v2  }
0x107: {  	v3 =	vor.u32 $0x2, v1;
	v2 =	vld.idx.msk [tilespmem:v4+s10+$0x0], vm0  }
0x108: {  	v4 =	vor.u32 $0x3, v0;
	_ =	sdelay $0x3  }
0x109: {  	[tilespmem:v3+s13+$0x0] =	vst.idx.msk vm0, v2  }
0x10a: {  	v3 =	vor.u32 $0x3, v1;
	v2 =	vld.idx.msk [tilespmem:v4+s10+$0x0], vm0  }
0x10b: {  	v4 =	vor.u32 $0x4, v0;
	_ =	sdelay $0x3  }
0x10c: {  	[tilespmem:v3+s13+$0x0] =	vst.idx.msk vm0, v2  }
0x10d: {  	v3 =	vor.u32 $0x4, v1;
	v2 =	vld.idx.msk [tilespmem:v4+s10+$0x0], vm0  }
0x10e: {  	v4 =	vor.u32 $0x5, v0;
	_ =	sdelay $0x3  }
0x10f: {  	[tilespmem:v3+s13+$0x0] =	vst.idx.msk vm0, v2  }
0x110: {  	v3 =	vor.u32 $0x5, v1;
	v2 =	vld.idx.msk [tilespmem:v4+s10+$0x0], vm0  }
0x111: {  	v4 =	vor.u32 $0x6, v0;
	_ =	sdelay $0x3  }
0x112: {  	[tilespmem:v3+s13+$0x0] =	vst.idx.msk vm0, v2  }
0x113: {  	v3 =	vor.u32 $0x6, v1;
	v2 =	vld.idx.msk [tilespmem:v4+s10+$0x0], vm0  }
0x114: {  	v4 =	vor.u32 $0x7, v0;
	_ =	sdelay $0x3  }
0x115: {  	[tilespmem:v3+s13+$0x0] =	vst.idx.msk vm0, v2  }
0x116: {  	v3 =	vor.u32 $0x7, v1;
	v2 =	vld.idx.msk [tilespmem:v4+s10+$0x0], vm0  }
0x117: {  	v4 =	vor.u32 $0x8, v0;
	_ =	sdelay $0x3  }
0x118: {  	[tilespmem:v3+s13+$0x0] =	vst.idx.msk vm0, v2  }
0x119: {  	v3 =	vor.u32 $0x8, v1;
	v2 =	vld.idx.msk [tilespmem:v4+s10+$0x0], vm0  }
0x11a: {  	v4 =	vor.u32 $0x9, v0;
	_ =	sdelay $0x3  }
0x11b: {  	[tilespmem:v3+s13+$0x0] =	vst.idx.msk vm0, v2  }
0x11c: {  	v3 =	vor.u32 $0x9, v1;
	v2 =	vld.idx.msk [tilespmem:v4+s10+$0x0], vm0  }
0x11d: {  	v4 =	vor.u32 $0xA, v0;
	_ =	sdelay $0x3  }
0x11e: {  	[tilespmem:v3+s13+$0x0] =	vst.idx.msk vm0, v2  }
0x11f: {  	v3 =	vor.u32 $0xA, v1;
	v2 =	vld.idx.msk [tilespmem:v4+s10+$0x0], vm0  }
0x120: {  	v4 =	vor.u32 $0xB, v0;
	_ =	sdelay $0x3  }
0x121: {  	[tilespmem:v3+s13+$0x0] =	vst.idx.msk vm0, v2  }
0x122: {  	v3 =	vor.u32 $0xB, v1;
	v2 =	vld.idx.msk [tilespmem:v4+s10+$0x0], vm0  }
0x123: {  	v4 =	vor.u32 $0xC, v0;
	_ =	sdelay $0x3  }
0x124: {  	[tilespmem:v3+s13+$0x0] =	vst.idx.msk vm0, v2  }
0x125: {  	v3 =	vor.u32 $0xC, v1;
	v2 =	vld.idx.msk [tilespmem:v4+s10+$0x0], vm0  }
0x126: {  	v4 =	vor.u32 $0xD, v0;
	_ =	sdelay $0x3  }
0x127: {  	[tilespmem:v3+s13+$0x0] =	vst.idx.msk vm0, v2  }
0x128: {  	v3 =	vor.u32 $0xD, v1;
	v2 =	vld.idx.msk [tilespmem:v4+s10+$0x0], vm0  }
0x129: {  	v4 =	vor.u32 $0xE, v0;
	_ =	sdelay $0x3  }
0x12a: {  	[tilespmem:v3+s13+$0x0] =	vst.idx.msk vm0, v2  }
0x12b: {  	v3 =	vor.u32 $0xE, v1;
	v2 =	vld.idx.msk [tilespmem:v4+s10+$0x0], vm0  }
0x12c: {  	v0 =	vor.u32 $0xF, v0;
	_ =	sdelay $0x3  }
0x12d: {  	[tilespmem:v3+s13+$0x0] =	vst.idx.msk vm0, v2  }
0x12e: {  	v1 =	vor.u32 $0xF, v1;
	v0 =	vld.idx.msk [tilespmem:v0+s10+$0x0], vm0  }
.Ltmp4:
0x12f: {  	_ = 	snop;
	(pc) =	sbr.rel .LBB2_6-.Ltmp4, $2  }
0x130: {  	_ =	sdelay $0x2  }
0x131: {  	[tilespmem:v1+s13+$0x0] =	vst.idx.msk vm0, v0  }
.LBB2_7:
0x132: {  	s18 =	simm.s32 $0x0  }
0x133: {  	s19 =	simm.s32 $0x4;
	v0 =	vadd.s32 s18, v14  }
0x134: {  	v2 =	vadd.s32 s19, v14;
	v1 =	vand.u32 $0x1FF8, v0  }
0x135: {  	s20 =	simm.s32 $0x3;
	v13 =	vshll.u32 v2, $0x4;
	v1 =	vor.u32 v8, v1  }
0x136: {  	v3 =	vadd.s32 s20, v14;
	[tilespmem:$0x1FE80] =	vst v2;
	v2 =	vor.u32 $0xE, v13  }
0x137: {  	v19 =	vshll.u32 v3, $0x4;
	v7 =	vor.u32 $0xD, v13  }
0x138: {  	v8 =	vor.u32 $0xF, v19  }
0x139: {  	v9 =	vor.u32 $0xC, v13  }
0x13a: {  	v10 =	vor.u32 $0xB, v13;
	v23 =	vld.idx.msk [tilespmem:v1+s14+$0x0], $0xffff  }
0x13b: {  	v33 =	vshll.u32 v0, $0x4;
	v12 =	vor.u32 $0xA, v13;
	v15 =	vld.idx.msk [tilespmem:v2+s13+$0x0], $0xffff  }
0x13c: {  	v24 =	vor.u32 $0xE, v33;
	v17 =	vld.idx.msk [tilespmem:v7+s13+$0x0], $0xffff  }
0x13d: {  	v31 =	vor.u32 $0xD, v33;
	v7 =	vld.idx.msk [tilespmem:v8+s13+$0x0], $0xffff  }
0x13e: {  	s19 =	simm.s32 $0x2;
	v40 =	vor.u32 $0xB, v33;
	v18 =	vld.idx.msk [tilespmem:v9+s13+$0x0], $0xffff  }
0x13f: {  	[tilespmem:$0x1FE70] =	vst v3;
	v3 =	vadd.s32 s19, v14;
	v2 =	vor.u32 $0xD, v19;
	v16 =	vld.idx.msk [tilespmem:v10+s13+$0x0], $0xffff  }
0x140: {  	s20 =	simm.s32 $0x1;
	[tilespmem:$0x1FE60] =	vst v3;
	v3 =	vshll.u32 v3, $0x4;
	v29 =	vor.u32 $0xB, v19;
	v20 =	vld.idx.msk [tilespmem:v12+s13+$0x0], $0xffff  }
0x141: {  	v32 =	vor.u32 $0xC, v19;
	v11 =	vor.u32 $0xF, v3;
	v9 =	vadd.s32 s20, v14;
	v24 =	vld.idx.msk [tilespmem:v24+s13+$0x0], $0xffff  }
0x142: {  	v6 =	vor.u32 $0x9, v13;
	v21 =	vor.u32 $0xE, v3;
	v31 =	vld.idx.msk [tilespmem:v31+s13+$0x0], $0xffff;
	v34 =	vshll.u32 v9, $0x4  }
0x143: {  	v30 =	vor.u32 $0x8, v13;
	v25 =	vor.u32 $0x6, v13;
	v40 =	vld.idx.msk [tilespmem:v40+s13+$0x0], $0xffff;
	v22 =	vor.u32 $0xF, v34  }
0x144: {  	v27 =	vor.u32 $0x7, v13;
	v28 =	vor.u32 $0xA, v19;
	v10 =	vld.idx.msk [tilespmem:v2+s13+$0x0], $0xffff;
	v2 =	vor.u32 $0xF, v33  }
0x145: {  	v36 =	vor.u32 $0xC, v33;
	v43 =	vor.u32 $0xA, v33;
	v29 =	vld.idx.msk [tilespmem:v29+s13+$0x0], $0xffff;
	v26 =	vor.u32 $0xE, v34  }
0x146: {  	v46 =	vor.u32 $0x9, v33;
	v49 =	vor.u32 $0x8, v33;
	v35 =	vor.u32 $0xB, v3;
	v11 =	vld.idx.msk [tilespmem:v11+s13+$0x0], $0xffff  }
0x147: {  	v53 =	vor.u32 $0x7, v33;
	v56 =	vor.u32 $0x6, v33;
	v1 =	vor.u32 $0xE, v19;
	v21 =	vld.idx.msk [tilespmem:v21+s13+$0x0], $0xffff  }
0x148: {  	v60 =	vor.u32 $0x5, v33;
	v4 =	vor.u32 $0x4, v33;
	v37 =	vor.u32 $0xD, v34;
	v22 =	vld.idx.msk [tilespmem:v22+s13+$0x0], $0xffff  }
0x149: {  	v0 =	vor.u32 $0xD, v3;
	v38 =	vor.u32 $0xA, v3;
	v45 =	vor.u32 $0x8, v3;
	v2 =	vld.idx.msk [tilespmem:v2+s13+$0x0], $0xffff  }
0x14a: {  	v47 =	vor.u32 $0x7, v3;
	v51 =	vor.u32 $0x6, v3;
	v39 =	vor.u32 $0xC, v34;
	v26 =	vld.idx.msk [tilespmem:v26+s13+$0x0], $0xffff  }
0x14b: {  	v55 =	vor.u32 $0x5, v3;
	v57 =	vor.u32 $0x4, v3;
	v62 =	vor.u32 $0x3, v3;
	v52 =	vld.idx.msk [tilespmem:v35+s13+$0x0], $0xffff  }
0x14c: {  	v5 =	vor.u32 $0x2, v3;
	v12 =	vor.u32 $0xC, v3;
	v41 =	vor.u32 $0xB, v34;
	v8 =	vld.idx.msk [tilespmem:v1+s13+$0x0], $0xffff  }
0x14d: {  	v44 =	vor.u32 $0xA, v34;
	v48 =	vor.u32 $0x9, v34;
	v1 =	vor.u32 $0xF, v13;
	v59 =	vld.idx.msk [tilespmem:v37+s13+$0x0], $0xffff  }
0x14e: {  	v37 =	vmul.f32 v22, v22;
	v35 =	vmul.f32 v2, v2;
	v2 =	vadd.f32 v22, v2;
	v22 =	vld.idx.msk [tilespmem:v36+s13+$0x0], $0xffff  }
0x14f: {  	v50 =	vor.u32 $0x8, v34;
	v54 =	vor.u32 $0x7, v34;
	[tilespmem:$0x1FE50] =	vst v1;
	v36 =	vld.idx.msk [tilespmem:v39+s13+$0x0], $0xffff;
	v39 =	vadd.f32 v26, v24  }
0x150: {  	v1 =	vld.idx.msk [tilespmem:v0+s13+$0x0], $0xffff;
	v24 =	vmul.f32 v24, v24;
	v26 =	vmul.f32 v26, v26;
	v0 =	vadd.f32 v37, v35  }
0x151: {  	v42 =	vld.idx.msk [tilespmem:v12+s13+$0x0], $0xffff;
	v63 =	vmul.f32 v11, v11;
	v35 =	vadd.f32 v11, v2;
	v37 =	vadd.f32 v21, v39  }
0x152: {  	v38 =	vld.idx.msk [tilespmem:v38+s13+$0x0], $0xffff;
	v2 =	vadd.f32 v26, v24;
	v21 =	vmul.f32 v21, v21;
	v24 =	vadd.f32 v59, v31  }
0x153: {  	v26 =	vmul.f32 v31, v31;
	v31 =	vmul.f32 v59, v59;
	v63 =	vadd.f32 v63, v0;
	v0 =	vld.idx.msk [tilespmem:v41+s13+$0x0], $0xffff  }
0x154: {  	v58 =	vor.u32 $0x6, v34;
	v61 =	vor.u32 $0x5, v34;
	v12 =	vor.u32 $0x9, v3;
	v41 =	vld.idx.msk [tilespmem:v43+s13+$0x0], $0xffff  }
0x155: {  	v11 =	vor.u32 $0x4, v34;
	v59 =	vadd.f32 v21, v2;
	v43 =	vld.idx.msk [tilespmem:v44+s13+$0x0], $0xffff;
	v26 =	vadd.f32 v31, v26  }
0x156: {  	v39 =	vadd.f32 v1, v24;
	v1 =	vmul.f32 v1, v1;
	v44 =	vld.idx.msk [tilespmem:v46+s13+$0x0], $0xffff;
	v24 =	vmul.f32 v42, v42  }
0x157: {  	v46 =	vld.idx.msk [tilespmem:v50+s13+$0x0], $0xffff;
	v2 =	vadd.f32 v36, v22;
	v21 =	vmul.f32 v22, v22;
	v22 =	vmul.f32 v36, v36  }
0x158: {  	v50 =	vld.idx.msk [tilespmem:v53+s13+$0x0], $0xffff;
	v53 =	vor.u32 $0x2, v33;
	v37 =	vadd.f32 v8, v37;
	v39 =	vadd.f32 v10, v39  }
0x159: {  	v31 =	vld.idx.msk [tilespmem:v45+s13+$0x0], $0xffff;
	v8 =	vmul.f32 v8, v8;
	v2 =	vadd.f32 v42, v2;
	v22 =	vadd.f32 v22, v21  }
0x15a: {  	v45 =	vld.idx.msk [tilespmem:v49+s13+$0x0], $0xffff;
	v36 =	vor.u32 $0x3, v33;
	v21 =	vadd.f32 v1, v26;
	v1 =	vadd.f32 v0, v40  }
0x15b: {  	v47 =	vld.idx.msk [tilespmem:v47+s13+$0x0], $0xffff;
	v22 =	vadd.f32 v24, v22;
	v24 =	vmul.f32 v40, v40;
	v0 =	vmul.f32 v0, v0  }
0x15c: {  	v42 =	vld.idx.msk [tilespmem:v48+s13+$0x0], $0xffff;
	v26 =	vadd.f32 v43, v41;
	v49 =	vmul.f32 v41, v41;
	v43 =	vmul.f32 v43, v43  }
0x15d: {  	v28 =	vld.idx.msk [tilespmem:v28+s13+$0x0], $0xffff;
	v48 =	vor.u32 $0x3, v34;
	v41 =	vadd.f32 v52, v1;
	v0 =	vadd.f32 v0, v24  }
0x15e: {  	v12 =	vld.idx.msk [tilespmem:v12+s13+$0x0], $0xffff;
	v1 =	vmul.f32 v52, v52;
	v40 =	vadd.f32 v38, v26;
	v26 =	vadd.f32 v43, v49  }
0x15f: {  	v38 =	vmul.f32 v38, v38;
	v49 =	vld.idx.msk [tilespmem:v54+s13+$0x0], $0xffff;
	v43 =	vadd.f32 v46, v45;
	v45 =	vmul.f32 v45, v45  }
0x160: {  	v39 =	vadd.f32 v17, v39;
	v46 =	vmul.f32 v46, v46;
	v54 =	vld.idx.msk [tilespmem:v61+s13+$0x0], $0xffff;
	v61 =	vmul.f32 v47, v47  }
0x161: {  	v52 =	vld.idx.msk [tilespmem:v56+s13+$0x0], $0xffff;
	v24 =	vadd.f32 v1, v0;
	v1 =	vmul.f32 v42, v42;
	v42 =	vadd.f32 v42, v44  }
0x162: {  	v56 =	vld.idx.msk [tilespmem:v62+s13+$0x0], $0xffff;
	v0 =	vmul.f32 v44, v44;
	v26 =	vadd.f32 v38, v26;
	v43 =	vadd.f32 v31, v43  }
0x163: {  	v38 =	vld.idx.msk [tilespmem:v58+s13+$0x0], $0xffff;
	v45 =	vadd.f32 v46, v45;
	v31 =	vmul.f32 v31, v31;
	v41 =	vadd.f32 v29, v41  }
0x164: {  	v4 =	vld.idx.msk [tilespmem:v4+s13+$0x0], $0xffff;
	v58 =	vmul.f32 v12, v12;
	v40 =	vadd.f32 v28, v40;
	v0 =	vadd.f32 v1, v0  }
0x165: {  	v1 =	vld.idx.msk [tilespmem:v51+s13+$0x0], $0xffff;
	v51 =	vor.u32 $0x2, v34;
	v44 =	vadd.f32 v12, v42;
	v31 =	vadd.f32 v31, v45  }
0x166: {  	v55 =	vld.idx.msk [tilespmem:v55+s13+$0x0], $0xffff;
	v12 =	vor.u32 $0x1, v33;
	v41 =	vadd.f32 v16, v41;
	v40 =	vadd.f32 v20, v40  }
0x167: {  	v42 =	vld.idx.msk [tilespmem:v60+s13+$0x0], $0xffff;
	v46 =	vadd.f32 v49, v50;
	v50 =	vmul.f32 v50, v50;
	v49 =	vmul.f32 v49, v49  }
0x168: {  	v11 =	vld.idx.msk [tilespmem:v11+s13+$0x0], $0xffff;
	v62 =	vmul.f32 v56, v56;
	v0 =	vadd.f32 v58, v0;
	v60 =	vadd.f32 v38, v52  }
0x169: {  	v48 =	vld.idx.msk [tilespmem:v48+s13+$0x0], $0xffff;
	v52 =	vmul.f32 v52, v52;
	v38 =	vmul.f32 v38, v38;
	v49 =	vadd.f32 v49, v50  }
0x16a: {  	v50 =	vld.idx.msk [tilespmem:v57+s13+$0x0], $0xffff;
	v57 =	vor.u32 $0x1, v34;
	v46 =	vadd.f32 v47, v46;
	v45 =	vadd.f32 v1, v60  }
0x16b: {  	v47 =	vld.idx.msk [tilespmem:v36+s13+$0x0], $0xffff;
	v38 =	vadd.f32 v38, v52;
	v1 =	vmul.f32 v1, v1;
	v36 =	vadd.f32 v61, v49  }
0x16c: {  	v49 =	vadd.f32 v54, v42;
	v52 =	vld.idx.msk [tilespmem:v53+s13+$0x0], $0xffff;
	v42 =	vmul.f32 v42, v42;
	v53 =	vmul.f32 v54, v54  }
0x16d: {  	v5 =	vld.idx.msk [tilespmem:v5+s13+$0x0], $0xffff;
	v60 =	vadd.f32 v11, v4;
	v4 =	vmul.f32 v4, v4;
	v11 =	vmul.f32 v11, v11  }
0x16e: {  	v34 =	vld.idx.msk [tilespmem:v34+s13+$0x0], $0xffff;
	v61 =	vmul.f32 v55, v55;
	v38 =	vadd.f32 v1, v38;
	v42 =	vadd.f32 v53, v42  }
0x16f: {  	v1 =	vld.idx.msk [tilespmem:v51+s13+$0x0], $0xffff;
	v4 =	vadd.f32 v11, v4;
	v51 =	vadd.f32 v50, v60;
	v11 =	vmul.f32 v50, v50  }
0x170: {  	v50 =	vld.idx.msk [tilespmem:v33+s13+$0x0], $0xffff;
	v60 =	vadd.f32 v48, v47;
	v47 =	vmul.f32 v47, v47;
	v48 =	vmul.f32 v48, v48  }
0x171: {  	v53 =	vor.u32 $0x1, v3;
	v49 =	vadd.f32 v55, v49;
	v33 =	vadd.f32 v11, v4;
	v4 =	vld.idx.msk [tilespmem:v12+s13+$0x0], $0xffff  }
0x172: {  	v42 =	vadd.f32 v61, v42;
	v61 =	vor.u32 $0x1, v19;
	v47 =	vadd.f32 v48, v47;
	v48 =	vld.idx.msk [tilespmem:v3+s13+$0x0], $0xffff  }
0x173: {  	v11 =	vmul.f32 v52, v52;
	v3 =	vld.idx.msk [tilespmem:v32+s13+$0x0], $0xffff;
	v32 =	vor.u32 $0x1, v13;
	v54 =	vadd.f32 v56, v60  }
0x174: {  	v12 =	vmul.f32 v1, v1;
	v1 =	vadd.f32 v1, v52;
	v52 =	vld.idx.msk [tilespmem:v57+s13+$0x0], $0xffff;
	v47 =	vadd.f32 v62, v47  }
0x175: {  	v58 =	vld.idx.msk [tilespmem:v13+s13+$0x0], $0xffff;
	v60 =	vadd.f32 v34, v50;
	v50 =	vmul.f32 v50, v50;
	v34 =	vmul.f32 v34, v34  }
0x176: {  	v11 =	vadd.f32 v12, v11;
	v12 =	vmul.f32 v5, v5;
	v5 =	vadd.f32 v5, v1  }
0x177: {  	v53 =	vld.idx.msk [tilespmem:v53+s13+$0x0], $0xffff;
	v1 =	vor.u32 $0x2, v19;
	v56 =	vadd.f32 v48, v60;
	v34 =	vadd.f32 v34, v50  }
0x178: {  	v48 =	vmul.f32 v48, v48;
	v2 =	vadd.f32 v3, v2;
	v11 =	vadd.f32 v12, v11;
	v12 =	vld.idx.msk [tilespmem:v19+s13+$0x0], $0xffff  }
0x179: {  	v55 =	vld.idx.msk [tilespmem:v61+s13+$0x0], $0xffff;
	v61 =	vadd.f32 v52, v4;
	v4 =	vmul.f32 v4, v4;
	v52 =	vmul.f32 v52, v52  }
0x17a: {  	v6 =	vld.idx.msk [tilespmem:v6+s13+$0x0], $0xffff;
	v62 =	vmul.f32 v58, v58;
	v50 =	vor.u32 $0x5, v13;
	v34 =	vadd.f32 v48, v34  }
0x17b: {  	v30 =	vld.idx.msk [tilespmem:v30+s13+$0x0], $0xffff;
	v48 =	vor.u32 $0x8, v19;
	v2 =	vadd.f32 v18, v2;
	v4 =	vadd.f32 v52, v4  }
0x17c: {  	v27 =	vld.idx.msk [tilespmem:v27+s13+$0x0], $0xffff;
	v52 =	vor.u32 $0x9, v19;
	v57 =	vadd.f32 v53, v61;
	v53 =	vmul.f32 v53, v53  }
0x17d: {  	v32 =	vld.idx.msk [tilespmem:v32+s13+$0x0], $0xffff;
	v61 =	vor.u32 $0x4, v13;
	v56 =	vadd.f32 v12, v56;
	v12 =	vmul.f32 v12, v12  }
0x17e: {  	v60 =	vld.idx.msk [tilespmem:v1+s13+$0x0], $0xffff;
	v1 =	vadd.f32 v53, v4;
	v4 =	vmul.f32 v55, v55;
	v53 =	vor.u32 $0x7, v19  }
0x17f: {  	v25 =	vld.idx.msk [tilespmem:v25+s13+$0x0], $0xffff;
	v57 =	vadd.f32 v55, v57;
	v55 =	vadd.f32 v58, v56;
	v56 =	vor.u32 $0x6, v19  }
0x180: {  	v48 =	vld.idx.msk [tilespmem:v48+s13+$0x0], $0xffff;
	v12 =	vadd.f32 v12, v34;
	v4 =	vadd.f32 v4, v1;
	v58 =	vor.u32 $0x5, v19  }
0x181: {  	v1 =	vadd.f32 $0.0e+00, v23;
	v23 =	vadd.f32 v15, v37;
	v34 =	vld.idx.msk [tilespmem:v52+s13+$0x0], $0xffff;
	v52 =	vor.u32 $0x4, v19  }
0x182: {  	v50 =	vld.idx.msk [tilespmem:v50+s13+$0x0], $0xffff;
	v57 =	vadd.f32 v32, v57;
	v32 =	vmul.f32 v32, v32;
	v19 =	vor.u32 $0x3, v19  }
0x183: {  	v12 =	vadd.f32 v62, v12;
	v62 =	vor.u32 $0x3, v13;
	v13 =	vor.u32 $0x2, v13;
	v53 =	vld.idx.msk [tilespmem:v53+s13+$0x0], $0xffff  }
0x184: {  	v4 =	vadd.f32 v32, v4;
	v55 =	vmul.f32 v55, v55;
	v57 =	vmul.f32 v57, v57;
	v56 =	vld.idx.msk [tilespmem:v56+s13+$0x0], $0xffff  }
0x185: {  	v5 =	vadd.f32 v60, v5;
	v60 =	vmul.f32 v60, v60;
	v43 =	vadd.f32 v48, v43;
	v58 =	vld.idx.msk [tilespmem:v58+s13+$0x0], $0xffff  }
0x186: {  	v10 =	vmul.f32 v10, v10;
	v12 =	vsub.f32 v55, v12;
	v4 =	vsub.f32 v57, v4;
	v52 =	vld.idx.msk [tilespmem:v52+s13+$0x0], $0xffff  }
0x187: {  	v16 =	vmul.f32 v16, v16;
	v11 =	vadd.f32 v60, v11;
	v44 =	vadd.f32 v34, v44;
	v19 =	vld.idx.msk [tilespmem:v19+s13+$0x0], $0xffff  }
0x188: {  	v20 =	vmul.f32 v20, v20;
	v43 =	vadd.f32 v30, v43;
	v4 =	vadd.f32 v4, v12;
	v13 =	vld.idx.msk [tilespmem:v13+s13+$0x0], $0xffff  }
0x189: {  	v37 =	vld.idx.msk [tilespmem:v61+s13+$0x0], $0xffff;
	v30 =	vmul.f32 v30, v30;
	v44 =	vadd.f32 v6, v44;
	v46 =	vadd.f32 v53, v46  }
0x18a: {  	v6 =	vmul.f32 v6, v6;
	v55 =	vmul.f32 v53, v53;
	v45 =	vadd.f32 v56, v45  }
0x18b: {  	v32 =	vld.idx.msk [tilespmem:v62+s13+$0x0], $0xffff;
	v46 =	vadd.f32 v27, v46;
	v27 =	vmul.f32 v27, v27;
	v49 =	vadd.f32 v58, v49  }
0x18c: {  	v51 =	vadd.f32 v52, v51;
	v54 =	vadd.f32 v19, v54;
	v19 =	vmul.f32 v19, v19  }
0x18d: {  	v45 =	vadd.f32 v25, v45;
	v5 =	vadd.f32 v13, v5;
	v13 =	vmul.f32 v13, v13  }
0x18e: {  	v49 =	vadd.f32 v50, v49;
	v50 =	vmul.f32 v50, v50;
	v51 =	vadd.f32 v37, v51  }
0x18f: {  	v11 =	vadd.f32 v13, v11;
	v13 =	vadd.f32 v19, v47;
	v19 =	vmul.f32 v52, v52  }
0x190: {  	v54 =	vadd.f32 v32, v54;
	v32 =	vmul.f32 v32, v32;
	v5 =	vmul.f32 v5, v5  }
0x191: {  	v37 =	vmul.f32 v37, v37;
	v52 =	vmul.f32 v58, v58;
	v19 =	vadd.f32 v19, v33  }
0x192: {  	v13 =	vadd.f32 v32, v13;
	v5 =	vsub.f32 v5, v11;
	v11 =	vmul.f32 v54, v54  }
0x193: {  	v54 =	vmul.f32 v56, v56;
	v12 =	vadd.f32 v37, v19;
	v19 =	vadd.f32 v52, v42  }
0x194: {  	v4 =	vadd.f32 v5, v4;
	v5 =	vsub.f32 v11, v13;
	v11 =	vmul.f32 v51, v51  }
0x195: {  	v25 =	vmul.f32 v25, v25;
	v13 =	vadd.f32 v50, v19;
	v19 =	vadd.f32 v54, v38  }
0x196: {  	v4 =	vadd.f32 v5, v4;
	v5 =	vsub.f32 v11, v12;
	v11 =	vmul.f32 v49, v49  }
0x197: {  	v12 =	vadd.f32 v25, v19;
	v19 =	vadd.f32 v55, v36;
	v25 =	vmul.f32 v48, v48  }
0x198: {  	v4 =	vadd.f32 v5, v4;
	v5 =	vsub.f32 v11, v13;
	v11 =	vmul.f32 v45, v45  }
0x199: {  	v13 =	vadd.f32 v27, v19;
	v19 =	vadd.f32 v25, v31;
	v25 =	vmul.f32 v34, v34  }
0x19a: {  	v4 =	vadd.f32 v5, v4;
	v5 =	vsub.f32 v11, v12;
	v11 =	vmul.f32 v46, v46  }
0x19b: {  	v12 =	vadd.f32 v30, v19;
	v0 =	vadd.f32 v25, v0;
	v19 =	vmul.f32 v28, v28  }
0x19c: {  	v4 =	vadd.f32 v5, v4;
	v5 =	vsub.f32 v11, v13;
	v11 =	vmul.f32 v43, v43  }
0x19d: {  	v13 =	vmul.f32 v29, v29;
	v0 =	vadd.f32 v6, v0;
	v6 =	vadd.f32 v19, v26  }
0x19e: {  	v4 =	vadd.f32 v5, v4;
	v5 =	vsub.f32 v11, v12;
	v11 =	vmul.f32 v44, v44  }
0x19f: {  	v3 =	vmul.f32 v3, v3;
	v60 =	vld [tilespmem:$0x1FE50];
	v12 =	vadd.f32 v13, v24;
	v6 =	vadd.f32 v20, v6  }
0x1a0: {  	v4 =	vadd.f32 v5, v4;
	v0 =	vsub.f32 v11, v0;
	v5 =	vmul.f32 v40, v40  }
0x1a1: {  	v18 =	vmul.f32 v18, v18;
	v3 =	vadd.f32 v3, v22;
	v11 =	vadd.f32 v16, v12  }
0x1a2: {  	v0 =	vadd.f32 v0, v4;
	v4 =	vsub.f32 v5, v6;
	v5 =	vmul.f32 v41, v41  }
0x1a3: {  	v17 =	vmul.f32 v17, v17;
	v3 =	vadd.f32 v18, v3;
	v6 =	vadd.f32 v10, v21  }
0x1a4: {  	v2 =	vmul.f32 v2, v2;
	v0 =	vadd.f32 v4, v0;
	v4 =	vsub.f32 v5, v11  }
0x1a5: {  	v15 =	vmul.f32 v15, v15;
	v5 =	vadd.f32 v17, v6;
	v6 =	vadd.f32 v8, v59  }
0x1a6: {  	v2 =	vsub.f32 v2, v3;
	v3 =	vmul.f32 v39, v39;
	v8 =	vld [tilespmem:$0x1FE60];
	v0 =	vadd.f32 v4, v0  }
0x1a7: {  	v60 =	vld.idx.msk [tilespmem:v60+s13+$0x0], $0xffff;
	v4 =	vadd.f32 v15, v6  }
0x1a8: {  	v0 =	vadd.f32 v2, v0;
	v2 =	vsub.f32 v3, v5;
	v3 =	vmul.f32 v23, v23;
	v5 =	vld [tilespmem:$0x1FE70]  }
0x1a9: {  	v35 =	vadd.f32 v7, v35  }
0x1aa: {  	v7 =	vmul.f32 v7, v7;
	v0 =	vadd.f32 v2, v0;
	v2 =	vsub.f32 v3, v4;
	v4 =	vld [tilespmem:$0x1FE80];
	_ =	sdelay $0x1  }
0x1ab: {  	v9 =	vld.idx.msk [tilespmem:v9+s14+$0x0], $0xffff;
	v35 =	vadd.f32 v60, v35;
	v6 =	vadd.f32 v7, v63;
	v7 =	vmul.f32 v60, v60;
	_ =	sdelay $0x1  }
0x1ac: {  	v6 =	vadd.f32 v7, v6;
	v3 =	vmul.f32 v35, v35;
	v8 =	vld.idx.msk [tilespmem:v8+s14+$0x0], $0xffff  }
0x1ad: {  	s19 =	simm.s32 $0x54  }
0x1ae: {  	v0 =	vadd.f32 v2, v0;
	v2 =	vsub.f32 v3, v6;
	v3 =	vadd.s32 s19, v14;
	v5 =	vld.idx.msk [tilespmem:v5+s14+$0x0], $0xffff  }
0x1af: {  	v1 =	vadd.f32 v9, v1;
	[tilespmem:$0x1FE90] =	vst v3;
	v23 =	vshll.u32 v3, $0x4;
	v3 =	vld [tilespmem:$0x1FFF0]  }
0x1b0: {  	v4 =	vld.idx.msk [tilespmem:v4+s14+$0x0], $0xffff  }
0x1b1: {  	v1 =	vadd.f32 v8, v1  }
0x1b2: {  	s20 =	simm.s32 $0x50;
	v0 =	vadd.f32 v2, v0  }
0x1b3: {  	v6 =	vadd.s32 s20, v14;
	v1 =	vadd.f32 v5, v1  }
0x1b4: {  	s19 =	simm.s32 $0x53;
	v2 =	vand.u32 $0x1FF8, v6;
	v0 =	vmul.f32 $5.000000000e-01, v0  }
0x1b5: {  	v2 =	vor.u32 v3, v2;
	v5 =	vadd.s32 s19, v14;
	v1 =	vadd.f32 v4, v1  }
0x1b6: {  	s20 =	simm.s32 $0x52;
	v3 =	vor.u32 $0xF, v23;
	v17 =	vshll.u32 v5, $0x4  }
0x1b7: {  	v9 =	vadd.s32 s20, v14;
	[tilespmem:$0x1FEA0] =	vst v5;
	v5 =	vor.u32 $0xF, v17;
	v0 =	vadd.f32 v0, v1  }
0x1b8: {  	s18 =	simm.s32 $0xC200;
	[tilespmem:$0x1FEB0] =	vst v9;
	v19 =	vshll.u32 v9, $0x4;
	v8 =	vor.u32 $0xB, v23  }
0x1b9: {  	s20 =	simm.s32 $0x51;
	v9 =	vor.u32 $0xF, v19;
	[tilespmem:s18+$0x0] =	vst v0  }
0x1ba: {  	v11 =	vadd.s32 s20, v14;
	v10 =	vor.u32 $0xC, v17;
	v7 =	vld.idx.msk [tilespmem:v2+s14+$0x0], $0xffff  }
0x1bb: {  	v26 =	vshll.u32 v6, $0x4;
	v6 =	vor.u32 $0xD, v19;
	v25 =	vshll.u32 v11, $0x4;
	v3 =	vld.idx.msk [tilespmem:v3+s13+$0x0], $0xffff  }
0x1bc: {  	v12 =	vor.u32 $0xF, v25;
	v43 =	vld.idx.msk [tilespmem:v5+s13+$0x0], $0xffff  }
0x1bd: {  	v13 =	vor.u32 $0x8, v23;
	v47 =	vld.idx.msk [tilespmem:v8+s13+$0x0], $0xffff  }
0x1be: {  	v14 =	vor.u32 $0xA, v17;
	v9 =	vld.idx.msk [tilespmem:v9+s13+$0x0], $0xffff  }
0x1bf: {  	v20 =	vor.u32 $0xE, v25;
	v42 =	vld.idx.msk [tilespmem:v10+s13+$0x0], $0xffff  }
0x1c0: {  	v18 =	vor.u32 $0xC, v19;
	v16 =	vld.idx.msk [tilespmem:v6+s13+$0x0], $0xffff  }
0x1c1: {  	v21 =	vor.u32 $0xD, v26;
	v12 =	vld.idx.msk [tilespmem:v12+s13+$0x0], $0xffff  }
0x1c2: {  	v24 =	vor.u32 $0xD, v25;
	v53 =	vld.idx.msk [tilespmem:v13+s13+$0x0], $0xffff  }
0x1c3: {  	v22 =	vor.u32 $0xB, v19;
	v44 =	vld.idx.msk [tilespmem:v14+s13+$0x0], $0xffff  }
0x1c4: {  	v29 =	vor.u32 $0xA, v19;
	v20 =	vld.idx.msk [tilespmem:v20+s13+$0x0], $0xffff  }
0x1c5: {  	v35 =	vor.u32 $0x9, v19;
	v18 =	vld.idx.msk [tilespmem:v18+s13+$0x0], $0xffff  }
0x1c6: {  	v1 =	vor.u32 $0xD, v23;
	v21 =	vld.idx.msk [tilespmem:v21+s13+$0x0], $0xffff  }
0x1c7: {  	v0 =	vor.u32 $0xC, v23;
	v24 =	vld.idx.msk [tilespmem:v24+s13+$0x0], $0xffff  }
0x1c8: {  	v4 =	vor.u32 $0xE, v23;
	v54 =	vld.idx.msk [tilespmem:v22+s13+$0x0], $0xffff  }
0x1c9: {  	v2 =	vor.u32 $0xE, v17;
	v29 =	vld.idx.msk [tilespmem:v29+s13+$0x0], $0xffff  }
0x1ca: {  	v10 =	vor.u32 $0xF, v26;
	v35 =	vld.idx.msk [tilespmem:v35+s13+$0x0], $0xffff  }
0x1cb: {  	v5 =	vor.u32 $0xA, v23;
	v34 =	vld.idx.msk [tilespmem:v1+s13+$0x0], $0xffff  }
0x1cc: {  	v8 =	vor.u32 $0x9, v23;
	v62 =	vld.idx.msk [tilespmem:v0+s13+$0x0], $0xffff  }
0x1cd: {  	v6 =	vor.u32 $0xE, v26;
	[tilespmem:$0x1FF80] =	vst v3;
	v3 =	vld.idx.msk [tilespmem:v4+s13+$0x0], $0xffff  }
0x1ce: {  	v4 =	vor.u32 $0xD, v17;
	v57 =	vld.idx.msk [tilespmem:v2+s13+$0x0], $0xffff  }
0x1cf: {  	v15 =	vor.u32 $0x7, v23;
	v27 =	vor.u32 $0x5, v23;
	v2 =	vor.u32 $0xE, v19;
	v10 =	vld.idx.msk [tilespmem:v10+s13+$0x0], $0xffff  }
0x1d0: {  	v32 =	vor.u32 $0xB, v26;
	v37 =	vor.u32 $0xA, v26;
	v13 =	vor.u32 $0xC, v26;
	v41 =	vld.idx.msk [tilespmem:v5+s13+$0x0], $0xffff  }
0x1d1: {  	v40 =	vor.u32 $0x9, v26;
	v46 =	vor.u32 $0x8, v26;
	v30 =	vor.u32 $0xC, v25;
	v49 =	vld.idx.msk [tilespmem:v8+s13+$0x0], $0xffff  }
0x1d2: {  	v39 =	vor.u32 $0x8, v19;
	v51 =	vor.u32 $0x7, v19;
	v33 =	vor.u32 $0xB, v25;
	v36 =	vld.idx.msk [tilespmem:v6+s13+$0x0], $0xffff  }
0x1d3: {  	v38 =	vor.u32 $0xA, v25;
	v45 =	vor.u32 $0x9, v25;
	v50 =	vor.u32 $0x8, v25;
	v58 =	vld.idx.msk [tilespmem:v4+s13+$0x0], $0xffff  }
0x1d4: {  	[tilespmem:$0x1FEC0] =	vst v11;
	v28 =	vor.u32 $0x9, v17;
	v56 =	vmul.f32 v12, v12;
	v11 =	vld.idx.msk [tilespmem:v2+s13+$0x0], $0xffff;
	v6 =	vmul.f32 v10, v10  }
0x1d5: {  	v31 =	vor.u32 $0x8, v17;
	v60 =	vor.u32 $0x6, v17;
	v10 =	vadd.f32 v12, v10;
	v12 =	vld.idx.msk [tilespmem:v13+s13+$0x0], $0xffff  }
0x1d6: {  	v59 =	vmul.f32 v9, v9;
	v4 =	vor.u32 $0xB, v17;
	v13 =	vld.idx.msk [tilespmem:v30+s13+$0x0], $0xffff;
	v48 =	vadd.f32 v56, v6  }
0x1d7: {  	v61 =	vor.u32 $0x7, v17;
	v63 =	vor.u32 $0x5, v17;
	v22 =	vadd.f32 v24, v21;
	v6 =	vld.idx.msk [tilespmem:v15+s13+$0x0], $0xffff  }
0x1d8: {  	v21 =	vmul.f32 v21, v21;
	v24 =	vmul.f32 v24, v24;
	v14 =	vadd.f32 v59, v48;
	v48 =	vld.idx.msk [tilespmem:v33+s13+$0x0], $0xffff  }
0x1d9: {  	v30 =	vadd.f32 v20, v36;
	v36 =	vmul.f32 v36, v36;
	v20 =	vmul.f32 v20, v20;
	v59 =	vld.idx.msk [tilespmem:v38+s13+$0x0], $0xffff  }
0x1da: {  	v52 =	vor.u32 $0x4, v17;
	v21 =	vadd.f32 v24, v21;
	v15 =	vor.u32 $0x7, v26;
	v38 =	vld.idx.msk [tilespmem:v60+s13+$0x0], $0xffff  }
0x1db: {  	v20 =	vadd.f32 v20, v36;
	v36 =	vadd.f32 v16, v22;
	v16 =	vmul.f32 v16, v16;
	v1 =	vld.idx.msk [tilespmem:v4+s13+$0x0], $0xffff  }
0x1dc: {  	v9 =	vadd.f32 v9, v10;
	v10 =	vor.u32 $0x7, v25;
	v55 =	vadd.f32 v11, v30;
	v30 =	vld.idx.msk [tilespmem:v32+s13+$0x0], $0xffff  }
0x1dd: {  	v0 =	vor.u32 $0x6, v19;
	v11 =	vmul.f32 v11, v11;
	[tilespmem:$0x1FED0] =	vst v14;
	v14 =	vadd.f32 v16, v21;
	v16 =	vld.idx.msk [tilespmem:v40+s13+$0x0], $0xffff  }
0x1de: {  	v8 =	vor.u32 $0x6, v23;
	v5 =	vor.u32 $0x4, v23;
	v7 =	vadd.f32 $0.0e+00, v7;
	v40 =	vld.idx.msk [tilespmem:v28+s13+$0x0], $0xffff  }
0x1df: {  	v2 =	vor.u32 $0x2, v23;
	v56 =	vor.u32 $0x5, v19;
	v11 =	vadd.f32 v11, v20;
	v20 =	vld.idx.msk [tilespmem:v37+s13+$0x0], $0xffff  }
0x1e0: {  	[tilespmem:$0x1FF10] =	vst v7;
	v9 =	vadd.f32 v43, v9;
	v60 =	vor.u32 $0x4, v25;
	v28 =	vmul.f32 v54, v54;
	v15 =	vld.idx.msk [tilespmem:v15+s13+$0x0], $0xffff  }
0x1e1: {  	v4 =	vor.u32 $0x3, v23;
	v10 =	vld.idx.msk [tilespmem:v10+s13+$0x0], $0xffff;
	v32 =	vadd.f32 v57, v55;
	[tilespmem:$0x1FEE0] =	vst v11;
	v11 =	vadd.f32 v13, v12  }
0x1e2: {  	v50 =	vld.idx.msk [tilespmem:v50+s13+$0x0], $0xffff;
	[tilespmem:$0x1FF40] =	vst v57;
	v57 =	vor.u32 $0x5, v25;
	v12 =	vmul.f32 v12, v12;
	v13 =	vmul.f32 v13, v13  }
0x1e3: {  	v7 =	vld.idx.msk [tilespmem:v46+s13+$0x0], $0xffff;
	v22 =	vmul.f32 v48, v48;
	v33 =	vmul.f32 v59, v59;
	v11 =	vadd.f32 v18, v11  }
0x1e4: {  	v46 =	vld.idx.msk [tilespmem:v51+s13+$0x0], $0xffff;
	v12 =	vadd.f32 v13, v12;
	v13 =	vmul.f32 v18, v18;
	v18 =	vmul.f32 v30, v30  }
0x1e5: {  	v21 =	vld.idx.msk [tilespmem:v61+s13+$0x0], $0xffff;
	v30 =	vadd.f32 v48, v30;
	v48 =	vor.u32 $0x6, v26;
	v37 =	vadd.f32 v59, v20  }
0x1e6: {  	[tilespmem:$0x1FF20] =	vst v43;
	v61 =	vld.idx.msk [tilespmem:v2+s13+$0x0], $0xffff;
	v20 =	vmul.f32 v20, v20;
	v59 =	vor.u32 $0x4, v19;
	v55 =	vadd.f32 v10, v15  }
0x1e7: {  	[tilespmem:$0x1FEF0] =	vst v14;
	v15 =	vmul.f32 v15, v15;
	v10 =	vmul.f32 v10, v10;
	v12 =	vadd.f32 v13, v12  }
0x1e8: {  	v18 =	vadd.f32 v22, v18;
	v30 =	vadd.f32 v54, v30;
	v22 =	vld.idx.msk [tilespmem:v39+s13+$0x0], $0xffff;
	v39 =	vmul.f32 v34, v34  }
0x1e9: {  	v13 =	vor.u32 $0x6, v25;
	v14 =	vadd.f32 v29, v37;
	v20 =	vadd.f32 v33, v20;
	[tilespmem:$0x1FF00] =	vst v12;
	v12 =	vld.idx.msk [tilespmem:v45+s13+$0x0], $0xffff  }
0x1ea: {  	v29 =	vmul.f32 v29, v29;
	v10 =	vadd.f32 v10, v15;
	v18 =	vadd.f32 v28, v18;
	v45 =	vld.idx.msk [tilespmem:v8+s13+$0x0], $0xffff  }
0x1eb: {  	v8 =	vadd.f32 v50, v7;
	v28 =	vmul.f32 v50, v50;
	v50 =	vld.idx.msk [tilespmem:v5+s13+$0x0], $0xffff;
	v5 =	vadd.f32 v42, v11  }
0x1ec: {  	v7 =	vmul.f32 v7, v7;
	v11 =	vadd.f32 v46, v55;
	v43 =	vadd.f32 v29, v20;
	v29 =	vld.idx.msk [tilespmem:v48+s13+$0x0], $0xffff  }
0x1ed: {  	v20 =	vmul.f32 v35, v35;
	v48 =	vld.idx.msk [tilespmem:v63+s13+$0x0], $0xffff;
	v2 =	vadd.f32 v44, v14;
	v14 =	vmul.f32 v62, v62  }
0x1ee: {  	v7 =	vadd.f32 v28, v7;
	v28 =	vld.idx.msk [tilespmem:v31+s13+$0x0], $0xffff;
	v31 =	vmul.f32 v46, v46;
	v8 =	vadd.f32 v22, v8  }
0x1ef: {  	v54 =	vmul.f32 v22, v22;
	v22 =	vld.idx.msk [tilespmem:v27+s13+$0x0], $0xffff;
	v27 =	vadd.f32 v58, v36;
	v36 =	vadd.f32 v41, v2  }
0x1f0: {  	[tilespmem:$0x1FF30] =	vst v18;
	v18 =	vadd.f32 v12, v16;
	v16 =	vmul.f32 v16, v16;
	v12 =	vmul.f32 v12, v12  }
0x1f1: {  	v63 =	vor.u32 $0x1, v19;
	v13 =	vld.idx.msk [tilespmem:v13+s13+$0x0], $0xffff;
	v37 =	vadd.f32 v31, v10;
	v10 =	vadd.f32 v1, v30  }
0x1f2: {  	[tilespmem:$0x1FF90] =	vst v1;
	v1 =	vadd.f32 v21, v11;
	v30 =	vmul.f32 v41, v41;
	v12 =	vadd.f32 v12, v16  }
0x1f3: {  	v51 =	vadd.f32 v54, v7;
	v7 =	vor.u32 $0x4, v26;
	v54 =	vld.idx.msk [tilespmem:v4+s13+$0x0], $0xffff;
	v18 =	vadd.f32 v35, v18  }
0x1f4: {  	[tilespmem:$0x1FF60] =	vst v42;
	v4 =	vor.u32 $0x3, v26;
	v24 =	vadd.f32 v20, v12;
	v12 =	vld.idx.msk [tilespmem:v0+s13+$0x0], $0xffff;
	v0 =	vadd.f32 v3, v32  }
0x1f5: {  	v11 =	vld.idx.msk [tilespmem:v56+s13+$0x0], $0xffff;
	v16 =	vor.u32 $0x5, v26;
	v35 =	vmovc v44;
	v2 =	vadd.f32 v28, v8;
	v44 =	vmovc v21;
	v21 =	vor.u32 $0x1, v23  }
0x1f6: {  	v15 =	vadd.f32 v13, v29;
	v29 =	vmul.f32 v29, v29;
	[tilespmem:$0x1FF50] =	vst v0;
	v0 =	vadd.f32 v34, v27  }
0x1f7: {  	v13 =	vmul.f32 v13, v13;
	v32 =	vmovc v58;
	v20 =	vmov v47;
	v47 =	vadd.f32 v47, v10;
	v58 =	vld.idx.msk [tilespmem:v52+s13+$0x0], $0xffff  }
0x1f8: {  	v42 =	vadd.f32 v53, v2;
	v2 =	vor.u32 $0x2, v25;
	v10 =	vld.idx.msk [tilespmem:v59+s13+$0x0], $0xffff;
	[tilespmem:$0x1FF70] =	vst v0;
	v0 =	vadd.f32 v62, v5  }
0x1f9: {  	v13 =	vadd.f32 v13, v29;
	v27 =	vld [tilespmem:$0x1FF80];
	v15 =	vadd.f32 v12, v15;
	v12 =	vmul.f32 v12, v12  }
0x1fa: {  	v52 =	vadd.f32 v6, v1;
	v1 =	vor.u32 $0x2, v26;
	v5 =	vld.idx.msk [tilespmem:v16+s13+$0x0], $0xffff;
	[tilespmem:$0x1FFA0] =	vst v0;
	v0 =	vmul.f32 v3, v3  }
0x1fb: {  	v31 =	vmovc v28;
	v28 =	vor.u32 $0x1, v17;
	v53 =	vmul.f32 v53, v53;
	v55 =	vadd.f32 v12, v13;
	v12 =	vld.idx.msk [tilespmem:v57+s13+$0x0], $0xffff  }
0x1fc: {  	v59 =	vor.u32 $0x3, v17;
	v33 =	vmul.f32 v20, v20;
	v8 =	vld.idx.msk [tilespmem:v7+s13+$0x0], $0xffff;
	[tilespmem:$0x1FFB0] =	vst v0;
	v0 =	vadd.f32 v38, v15  }
0x1fd: {  	v62 =	vor.u32 $0x2, v17;
	v3 =	vadd.f32 v40, v18;
	v13 =	vor.u32 $0x3, v25;
	v15 =	vld.idx.msk [tilespmem:v60+s13+$0x0], $0xffff  }
0x1fe: {  	v16 =	vld.idx.msk [tilespmem:v2+s13+$0x0], $0xffff;
	v7 =	vadd.f32 v27, v9;
	v60 =	vadd.f32 v45, v0;
	v0 =	vor.u32 $0x3, v19  }
0x1ff: {  	v2 =	vor.u32 $0x1, v26;
	v57 =	vmul.f32 v6, v6;
	v9 =	vld.idx.msk [tilespmem:v1+s13+$0x0], $0xffff;
	v34 =	vadd.f32 v49, v3  }
0x200: {  	v49 =	vmul.f32 v49, v49;
	[tilespmem:$0x1FFC0] =	vst v7;
	v7 =	vld.idx.msk [tilespmem:v4+s13+$0x0], $0xffff;
	v4 =	vor.u32 $0x1, v25;
	v6 =	vadd.f32 v12, v5  }
0x201: {  	v29 =	vmovc v40;
	v1 =	vor.u32 $0x2, v19;
	v3 =	vld.idx.msk [tilespmem:v23+s13+$0x0], $0xffff;
	v18 =	vmul.f32 v5, v5;
	v12 =	vmul.f32 v12, v12  }
0x202: {  	s19 =	simm.s32 $0xA4;
	v5 =	vadd.f32 v11, v6;
	v11 =	vmul.f32 v11, v11;
	v6 =	vld.idx.msk [tilespmem:v13+s13+$0x0], $0xffff;
	v13 =	vadd.f32 v15, v8  }
.LBB2_8:
0x203: {  	v0 =	vld.idx.msk [tilespmem:v0+s13+$0x0], $0xffff;
	v8 =	vmul.f32 v8, v8;
	v15 =	vmul.f32 v15, v15  }
0x204: {  	v2 =	vld.idx.msk [tilespmem:v2+s13+$0x0], $0xffff;
	v12 =	vadd.f32 v12, v18;
	v5 =	vadd.f32 v48, v5  }
0x205: {  	v4 =	vld.idx.msk [tilespmem:v4+s13+$0x0], $0xffff;
	v18 =	vmul.f32 v45, v45;
	v8 =	vadd.f32 v15, v8  }
0x206: {  	v1 =	vld.idx.msk [tilespmem:v1+s13+$0x0], $0xffff;
	v15 =	vmul.f32 v22, v22;
	v11 =	vadd.f32 v11, v12;
	v5 =	vadd.f32 v22, v5  }
0x207: {  	v12 =	vld.idx.msk [tilespmem:v62+s13+$0x0], $0xffff;
	v62 =	vmul.f32 v54, v54;
	v13 =	vadd.f32 v10, v13;
	v10 =	vmul.f32 v10, v10  }
0x208: {  	v46 =	vadd.f32 v6, v7;
	v7 =	vmul.f32 v7, v7;
	v6 =	vmul.f32 v6, v6  }
0x209: {  	v40 =	vld.idx.msk [tilespmem:v59+s13+$0x0], $0xffff;
	v41 =	vadd.f32 v16, v9;
	v9 =	vmul.f32 v9, v9;
	v16 =	vmul.f32 v16, v16  }
0x20a: {  	v26 =	vld.idx.msk [tilespmem:v26+s13+$0x0], $0xffff;
	v56 =	vadd.f32 v4, v2;
	v2 =	vmul.f32 v2, v2;
	v13 =	vadd.f32 v58, v13  }
0x20b: {  	v25 =	vld.idx.msk [tilespmem:v25+s13+$0x0], $0xffff;
	v4 =	vmul.f32 v4, v4;
	v8 =	vadd.f32 v10, v8;
	v46 =	vadd.f32 v0, v46  }
0x20c: {  	v10 =	vmul.f32 v50, v50;
	v41 =	vadd.f32 v1, v41;
	v6 =	vadd.f32 v6, v7  }
0x20d: {  	v19 =	vld.idx.msk [tilespmem:v19+s13+$0x0], $0xffff;
	v9 =	vadd.f32 v16, v9;
	v1 =	vmul.f32 v1, v1;
	v2 =	vadd.f32 v4, v2  }
0x20e: {  	v0 =	vmul.f32 v0, v0;
	v7 =	vld.idx.msk [tilespmem:v63+s13+$0x0], $0xffff;
	v13 =	vadd.f32 v50, v13;
	v46 =	vadd.f32 v40, v46  }
0x20f: {  	v16 =	vld.idx.msk [tilespmem:v17+s13+$0x0], $0xffff;
	v17 =	vmul.f32 v61, v61;
	v50 =	vadd.f32 v12, v41;
	v1 =	vadd.f32 v1, v9  }
0x210: {  	v45 =	vld.idx.msk [tilespmem:v28+s13+$0x0], $0xffff;
	v9 =	vadd.f32 v25, v26;
	v26 =	vmul.f32 v26, v26;
	v25 =	vmul.f32 v25, v25  }
0x211: {  	v0 =	vadd.f32 v0, v6;
	v6 =	vmul.f32 v3, v3;
	v46 =	vadd.f32 v54, v46  }
0x212: {  	v41 =	vld.idx.msk [tilespmem:v21+s13+$0x0], $0xffff;
	v9 =	vadd.f32 v19, v9;
	v25 =	vadd.f32 v25, v26;
	v19 =	vmul.f32 v19, v19  }
0x213: {  	v50 =	vadd.f32 v61, v50;
	v26 =	vadd.f32 v7, v56;
	v4 =	vmul.f32 v7, v7  }
0x214: {  	v7 =	vadd.f32 v16, v9;
	v9 =	vadd.f32 v19, v25;
	v16 =	vmul.f32 v16, v16  }
0x215: {  	v19 =	vadd.f32 v45, v26;
	v2 =	vadd.f32 v4, v2;
	v4 =	vmul.f32 v45, v45  }
0x216: {  	v3 =	vadd.f32 v3, v7;
	v7 =	vadd.f32 v16, v9;
	v9 =	vmul.f32 v12, v12  }
0x217: {  	v12 =	vadd.f32 v41, v19;
	v2 =	vadd.f32 v4, v2;
	v4 =	vmul.f32 v41, v41  }
0x218: {  	v6 =	vadd.f32 v6, v7;
	v1 =	vadd.f32 v9, v1;
	v7 =	vmul.f32 v40, v40  }
0x219: {  	v3 =	vmul.f32 v3, v3;
	v2 =	vadd.f32 v4, v2;
	v4 =	vmul.f32 v12, v12  }
0x21a: {  	v1 =	vadd.f32 v17, v1;
	v0 =	vadd.f32 v7, v0;
	v7 =	vmul.f32 v58, v58  }
0x21b: {  	v3 =	vsub.f32 v3, v6;
	v2 =	vsub.f32 v4, v2;
	v4 =	vmul.f32 v50, v50  }
0x21c: {  	v0 =	vadd.f32 v62, v0;
	v6 =	vadd.f32 v7, v8;
	v7 =	vmul.f32 v48, v48  }
0x21d: {  	v2 =	vadd.f32 v2, v3;
	v1 =	vsub.f32 v4, v1;
	v3 =	vmul.f32 v46, v46  }
0x21e: {  	v4 =	vadd.f32 v10, v6;
	v6 =	vadd.f32 v7, v11;
	v7 =	vmul.f32 v38, v38  }
0x21f: {  	v1 =	vadd.f32 v1, v2;
	v0 =	vsub.f32 v3, v0;
	v2 =	vmul.f32 v13, v13  }
0x220: {  	v3 =	vadd.f32 v15, v6;
	v6 =	vadd.f32 v7, v55;
	v7 =	vmul.f32 v44, v44  }
0x221: {  	v0 =	vadd.f32 v0, v1;
	v1 =	vsub.f32 v2, v4;
	v2 =	vmul.f32 v5, v5  }
0x222: {  	v4 =	vadd.f32 v18, v6;
	v5 =	vadd.f32 v7, v37;
	v6 =	vmul.f32 v31, v31  }
0x223: {  	v0 =	vadd.f32 v1, v0;
	v1 =	vsub.f32 v2, v3;
	v2 =	vmul.f32 v60, v60  }
0x224: {  	v3 =	vadd.f32 v57, v5;
	v5 =	vadd.f32 v6, v51;
	v6 =	vmul.f32 v29, v29  }
0x225: {  	v0 =	vadd.f32 v1, v0;
	v1 =	vsub.f32 v2, v4;
	v2 =	vmul.f32 v52, v52  }
0x226: {  	v4 =	vadd.f32 v53, v5;
	v5 =	vadd.f32 v6, v24;
	v6 =	vmul.f32 v35, v35  }
0x227: {  	v0 =	vadd.f32 v1, v0;
	v1 =	vsub.f32 v2, v3  }
0x228: {  	v2 =	vmul.f32 v42, v42;
	v3 =	vadd.f32 v49, v5;
	v5 =	vadd.f32 v6, v43;
	v6 =	vld [tilespmem:$0x1FF90]  }
0x229: {  	v0 =	vadd.f32 v1, v0  }
0x22a: {  	v1 =	vsub.f32 v2, v4;
	v4 =	vadd.f32 v30, v5;
	v5 =	vld [tilespmem:$0x1FF30];
	_ =	sdelay $0x2  }
0x22b: {  	v6 =	vmul.f32 v6, v6  }
0x22c: {  	v2 =	vmul.f32 v34, v34  }
0x22d: {  	v5 =	vadd.f32 v6, v5;
	v6 =	vld [tilespmem:$0x1FF60]  }
0x22e: {  	v0 =	vadd.f32 v1, v0;
	v1 =	vsub.f32 v2, v3;
	v2 =	vmul.f32 v36, v36  }
0x22f: {  	v3 =	vadd.f32 v33, v5;
	v5 =	vld [tilespmem:$0x1FF00]  }
0x230: {  	v0 =	vadd.f32 v1, v0;
	v1 =	vsub.f32 v2, v4;
	v2 =	vmul.f32 v47, v47  }
0x231: {  	v7 =	vld [tilespmem:$0x1FEF0]  }
0x232: {  	v0 =	vadd.f32 v1, v0;
	v1 =	vsub.f32 v2, v3;
	v2 =	vld [tilespmem:$0x1FFA0];
	v6 =	vmul.f32 v6, v6;
	_ =	sdelay $0x1  }
0x233: {  	v5 =	vadd.f32 v6, v5;
	v6 =	vmul.f32 v32, v32  }
0x234: {  	v4 =	vld [tilespmem:$0x1FEC0]  }
0x235: {  	v6 =	vadd.f32 v6, v7;
	v7 =	vld [tilespmem:$0x1FF40]  }
0x236: {  	v8 =	vld [tilespmem:$0x1FEE0];
	v5 =	vadd.f32 v14, v5;
	v2 =	vmul.f32 v2, v2  }
0x237: {  	v3 =	vld [tilespmem:$0x1FEB0]  }
0x238: {  	v0 =	vadd.f32 v1, v0;
	v1 =	vsub.f32 v2, v5;
	v2 =	vld [tilespmem:$0x1FF70]  }
0x239: {  	v5 =	vld [tilespmem:$0x1FFB0]  }
0x23a: {  	v7 =	vmul.f32 v7, v7;
	_ =	sdelay $0x1  }
0x23b: {  	v7 =	vadd.f32 v7, v8;
	v8 =	vld [tilespmem:$0x1FF20]  }
0x23c: {  	v4 =	vld.idx.msk [tilespmem:v4+s14+$0x0], $0xffff;
	v6 =	vadd.f32 v39, v6;
	v2 =	vmul.f32 v2, v2  }
0x23d: {  	v5 =	vadd.f32 v5, v7;
	v7 =	vld [tilespmem:$0x1FED0]  }
0x23e: {  	v0 =	vadd.f32 v1, v0;
	v1 =	vsub.f32 v2, v6;
	v6 =	vld [tilespmem:$0x1FF10]  }
0x23f: {  	v2 =	vld [tilespmem:$0x1FF50]  }
0x240: {  	v3 =	vld.idx.msk [tilespmem:v3+s14+$0x0], $0xffff;
	v8 =	vmul.f32 v8, v8;
	_ =	sdelay $0x1  }
0x241: {  	v9 =	vld [tilespmem:$0x1FEA0];
	v7 =	vadd.f32 v8, v7;
	v8 =	vmul.f32 v27, v27  }
0x242: {  	v4 =	vadd.f32 v4, v6  }
0x243: {  	v2 =	vmul.f32 v2, v2;
	v6 =	vadd.f32 v8, v7;
	v7 =	vld [tilespmem:$0x1FE90]  }
0x244: {  	v3 =	vadd.f32 v3, v4;
	v4 =	vld [tilespmem:$0x1FFE0]  }
0x245: {  	v0 =	vadd.f32 v1, v0;
	v1 =	vsub.f32 v2, v5;
	v2 =	vld [tilespmem:$0x1FFC0];
	_ =	sdelay $0x3  }
0x246: {  	v9 =	vld.idx.msk [tilespmem:v9+s14+$0x0], $0xffff;
	v5 =	vadd.s32 s19, v4  }
0x247: {  	v2 =	vmul.f32 v2, v2;
	[tilespmem:$0x1FE90] =	vst v5;
	v49 =	vshll.u32 v5, $0x4;
	v5 =	vld [tilespmem:$0x1FFF0]  }
0x248: {  	v7 =	vld.idx.msk [tilespmem:v7+s14+$0x0], $0xffff  }
0x249: {  	s20 =	sadd.s32 $0xFFFFFFFC, s19;
	v0 =	vadd.f32 v1, v0;
	v1 =	vsub.f32 v2, v6  }
0x24a: {  	v2 =	vadd.s32 s20, v4  }
0x24b: {  	v3 =	vadd.f32 v9, v3;
	v0 =	vadd.f32 v1, v0;
	v1 =	vand.u32 $0x1FF8, v2  }
0x24c: {  	v1 =	vor.u32 v5, v1  }
0x24d: {  	v0 =	vmul.f32 $5.000000000e-01, v0;
	v5 =	vor.u32 $0xF, v49;
	v3 =	vadd.f32 v7, v3;
	_ =	sdelay $0x1  }
0x24e: {  	v6 =	vor.u32 $0xE, v49;
	v26 =	vshll.u32 v2, $0x4;
	v0 =	vadd.f32 v0, v3  }
0x24f: {  	s18 =	sadd.s32 $0x10, s18;
	s20 =	sadd.s32 $0xFFFFFFFF, s19;
	v16 =	vor.u32 $0xE, v26  }
0x250: {  	v23 =	vor.u32 $0xC, v26;
	v7 =	vadd.s32 s20, v4;
	[tilespmem:s18+$0x0] =	vst v0  }
0x251: {  	v17 =	vshll.u32 v7, $0x4;
	v3 =	vor.u32 $0xD, v49;
	v5 =	vld.idx.msk [tilespmem:v5+s13+$0x0], $0xffff  }
0x252: {  	[tilespmem:$0x1FEA0] =	vst v7;
	v7 =	vor.u32 $0xF, v17;
	v50 =	vld.idx.msk [tilespmem:v1+s14+$0x0], $0xffff  }
0x253: {  	v11 =	vor.u32 $0xA, v17;
	v34 =	vld.idx.msk [tilespmem:v6+s13+$0x0], $0xffff  }
0x254: {  	v0 =	vor.u32 $0xC, v49;
	v16 =	vld.idx.msk [tilespmem:v16+s13+$0x0], $0xffff  }
0x255: {  	s20 =	sadd.s32 $0xFFFFFFFE, s19;
	v1 =	vor.u32 $0xE, v17;
	v23 =	vld.idx.msk [tilespmem:v23+s13+$0x0], $0xffff  }
0x256: {  	v8 =	vadd.s32 s20, v4;
	v52 =	vld.idx.msk [tilespmem:v3+s13+$0x0], $0xffff;
	[tilespmem:$0x1FF80] =	vst v5;
	v5 =	vor.u32 $0xB, v49  }
0x257: {  	[tilespmem:$0x1FEB0] =	vst v8;
	v19 =	vshll.u32 v8, $0x4;
	v8 =	vor.u32 $0x7, v49;
	v39 =	vld.idx.msk [tilespmem:v7+s13+$0x0], $0xffff  }
0x258: {  	v28 =	vor.u32 $0x8, v17;
	v37 =	vld.idx.msk [tilespmem:v11+s13+$0x0], $0xffff  }
0x259: {  	v32 =	vor.u32 $0x7, v17;
	v0 =	vld.idx.msk [tilespmem:v0+s13+$0x0], $0xffff  }
0x25a: {  	v2 =	vor.u32 $0xD, v19;
	v43 =	vld.idx.msk [tilespmem:v1+s13+$0x0], $0xffff  }
0x25b: {  	v3 =	vor.u32 $0xF, v19;
	v1 =	vld.idx.msk [tilespmem:v5+s13+$0x0], $0xffff  }
0x25c: {  	v6 =	vor.u32 $0xD, v17;
	v57 =	vld.idx.msk [tilespmem:v8+s13+$0x0], $0xffff  }
0x25d: {  	v13 =	vor.u32 $0xC, v19;
	v30 =	vld.idx.msk [tilespmem:v28+s13+$0x0], $0xffff  }
0x25e: {  	v27 =	vor.u32 $0xA, v19;
	v21 =	vld.idx.msk [tilespmem:v32+s13+$0x0], $0xffff  }
0x25f: {  	s20 =	sadd.s32 $0xFFFFFFFD, s19;
	v15 =	vld.idx.msk [tilespmem:v2+s13+$0x0], $0xffff;
	[tilespmem:$0x1FDA0] =	vst v0;
	v0 =	vor.u32 $0xC, v17  }
0x260: {  	v9 =	vld.idx.msk [tilespmem:v3+s13+$0x0], $0xffff;
	v3 =	vadd.s32 s20, v4;
	[tilespmem:$0x1FDC0] =	vst v1;
	v1 =	vor.u32 $0xE, v19  }
0x261: {  	v7 =	vor.u32 $0xA, v49;
	v6 =	vld.idx.msk [tilespmem:v6+s13+$0x0], $0xffff;
	v25 =	vshll.u32 v3, $0x4  }
0x262: {  	v13 =	vld.idx.msk [tilespmem:v13+s13+$0x0], $0xffff;
	v20 =	vor.u32 $0xE, v25  }
0x263: {  	v27 =	vld.idx.msk [tilespmem:v27+s13+$0x0], $0xffff;
	v5 =	vor.u32 $0x9, v49  }
0x264: {  	v42 =	vld.idx.msk [tilespmem:v0+s13+$0x0], $0xffff;
	v0 =	vor.u32 $0xF, v26  }
0x265: {  	v10 =	vld.idx.msk [tilespmem:v1+s13+$0x0], $0xffff;
	v1 =	vor.u32 $0xF, v25  }
0x266: {  	v55 =	vld.idx.msk [tilespmem:v7+s13+$0x0], $0xffff;
	[tilespmem:$0x1FD90] =	vst v6;
	v6 =	vor.u32 $0xB, v17  }
0x267: {  	v38 =	vor.u32 $0x9, v19;
	v20 =	vld.idx.msk [tilespmem:v20+s13+$0x0], $0xffff  }
0x268: {  	v7 =	vor.u32 $0x8, v49;
	[tilespmem:$0x1FEC0] =	vst v3;
	v3 =	vld.idx.msk [tilespmem:v5+s13+$0x0], $0xffff  }
0x269: {  	v24 =	vor.u32 $0xD, v25;
	v18 =	vld.idx.msk [tilespmem:v0+s13+$0x0], $0xffff  }
0x26a: {  	v5 =	vor.u32 $0x6, v49;
	v22 =	vld.idx.msk [tilespmem:v1+s13+$0x0], $0xffff  }
0x26b: {  	v14 =	vld.idx.msk [tilespmem:v6+s13+$0x0], $0xffff;
	v6 =	vor.u32 $0x5, v49;
	v0 =	vor.u32 $0x1, v49  }
0x26c: {  	v32 =	vld.idx.msk [tilespmem:v38+s13+$0x0], $0xffff;
	v50 =	vadd.f32 $0.0e+00, v50;
	[tilespmem:$0x1FE30] =	vst v0;
	v0 =	vor.u32 $0xD, v26  }
0x26d: {  	v12 =	vor.u32 $0x4, v49;
	v11 =	vor.u32 $0xC, v25;
	v53 =	vld.idx.msk [tilespmem:v7+s13+$0x0], $0xffff  }
0x26e: {  	v29 =	vor.u32 $0xB, v26;
	v48 =	vor.u32 $0xA, v26;
	[tilespmem:$0x1FF10] =	vst v50;
	v24 =	vld.idx.msk [tilespmem:v24+s13+$0x0], $0xffff;
	v63 =	vadd.f32 v20, v16  }
0x26f: {  	v45 =	vld.idx.msk [tilespmem:v5+s13+$0x0], $0xffff;
	v5 =	vadd.f32 v22, v18;
	v18 =	vmul.f32 v18, v18;
	v50 =	vmul.f32 v22, v22  }
0x270: {  	v20 =	vmul.f32 v20, v20;
	v63 =	vadd.f32 v10, v63;
	v22 =	vld.idx.msk [tilespmem:v6+s13+$0x0], $0xffff;
	v6 =	vmul.f32 v16, v16  }
0x271: {  	v46 =	vld.idx.msk [tilespmem:v0+s13+$0x0], $0xffff;
	v5 =	vadd.f32 v9, v5;
	v9 =	vmul.f32 v9, v9;
	v18 =	vadd.f32 v50, v18  }
0x272: {  	v2 =	vor.u32 $0x2, v49;
	v11 =	vld.idx.msk [tilespmem:v11+s13+$0x0], $0xffff;
	v10 =	vmul.f32 v10, v10;
	v20 =	vadd.f32 v20, v6  }
0x273: {  	[tilespmem:$0x1FDB0] =	vst v2;
	v54 =	vor.u32 $0xA, v25;
	v50 =	vld.idx.msk [tilespmem:v12+s13+$0x0], $0xffff;
	v6 =	vadd.f32 v9, v18;
	v18 =	vadd.f32 v43, v63  }
0x274: {  	v31 =	vor.u32 $0x3, v49;
	[tilespmem:$0x1FF40] =	vst v43;
	v43 =	vld [tilespmem:$0x1FF80];
	v10 =	vadd.f32 v10, v20  }
0x275: {  	v2 =	vor.u32 $0x6, v17;
	[tilespmem:$0x1FF20] =	vst v39;
	v9 =	vld.idx.msk [tilespmem:v29+s13+$0x0], $0xffff;
	v18 =	vadd.f32 v34, v18  }
0x276: {  	v35 =	vor.u32 $0xB, v25;
	v5 =	vadd.f32 v39, v5;
	v29 =	vadd.f32 v24, v46;
	v39 =	vld [tilespmem:$0x1FD90];
	[tilespmem:$0x1FEE0] =	vst v10  }
0x277: {  	v7 =	vor.u32 $0x9, v17;
	v12 =	vmul.f32 v24, v24;
	v10 =	vmul.f32 v46, v46;
	[tilespmem:$0x1FF50] =	vst v18;
	v18 =	vld.idx.msk [tilespmem:v48+s13+$0x0], $0xffff  }
0x278: {  	v1 =	vor.u32 $0xB, v19;
	v20 =	vadd.f32 v11, v23;
	v24 =	vadd.f32 v15, v29;
	v48 =	vld.idx.msk [tilespmem:v54+s13+$0x0], $0xffff  }
0x279: {  	v15 =	vmul.f32 v15, v15;
	v10 =	vadd.f32 v12, v10;
	v54 =	vld.idx.msk [tilespmem:v31+s13+$0x0], $0xffff;
	v5 =	vadd.f32 v43, v5  }
0x27a: {  	v47 =	vor.u32 $0x9, v26;
	v23 =	vmul.f32 v23, v23;
	v11 =	vmul.f32 v11, v11;
	v31 =	vld [tilespmem:$0x1FDA0]  }
0x27b: {  	v41 =	vor.u32 $0x9, v25;
	v20 =	vadd.f32 v13, v20;
	v10 =	vadd.f32 v15, v10;
	[tilespmem:$0x1FFC0] =	vst v5;
	v5 =	vld.idx.msk [tilespmem:v35+s13+$0x0], $0xffff  }
0x27c: {  	v40 =	vor.u32 $0x8, v26;
	v38 =	vld.idx.msk [tilespmem:v2+s13+$0x0], $0xffff;
	v11 =	vadd.f32 v11, v23;
	v13 =	vmul.f32 v13, v13  }
0x27d: {  	v4 =	vor.u32 $0x6, v19;
	v51 =	vld.idx.msk [tilespmem:v7+s13+$0x0], $0xffff;
	[tilespmem:$0x1FEF0] =	vst v10;
	v10 =	vadd.f32 v42, v20  }
0x27e: {  	[tilespmem:$0x1FDD0] =	vst v4;
	v56 =	vor.u32 $0x8, v25;
	v4 =	vld.idx.msk [tilespmem:v1+s13+$0x0], $0xffff;
	v11 =	vadd.f32 v13, v11;
	v24 =	vadd.f32 v39, v24  }
0x27f: {  	[tilespmem:$0x1FDF0] =	vst v3;
	v3 =	vor.u32 $0x5, v17;
	v15 =	vld.idx.msk [tilespmem:v47+s13+$0x0], $0xffff;
	v10 =	vadd.f32 v31, v10  }
0x280: {  	v61 =	vor.u32 $0x8, v19;
	[tilespmem:$0x1FF00] =	vst v11;
	v11 =	vld.idx.msk [tilespmem:v41+s13+$0x0], $0xffff;
	v2 =	vadd.f32 v52, v24;
	v24 =	vadd.f32 v5, v9  }
0x281: {  	v8 =	vor.u32 $0x6, v25;
	v9 =	vmul.f32 v9, v9;
	v5 =	vmul.f32 v5, v5;
	[tilespmem:$0x1FFA0] =	vst v10;
	v10 =	vld.idx.msk [tilespmem:v40+s13+$0x0], $0xffff  }
0x282: {  	v36 =	vor.u32 $0x7, v25;
	v7 =	vor.u32 $0x6, v26;
	v13 =	vadd.f32 v48, v18;
	v40 =	vld [tilespmem:$0x1FDC0]  }
0x283: {  	v47 =	vmul.f32 v4, v4;
	v41 =	vld.idx.msk [tilespmem:v56+s13+$0x0], $0xffff;
	v24 =	vadd.f32 v4, v24;
	v5 =	vadd.f32 v5, v9  }
0x284: {  	v18 =	vmul.f32 v18, v18;
	v20 =	vmul.f32 v48, v48;
	v48 =	vld.idx.msk [tilespmem:v3+s13+$0x0], $0xffff;
	v3 =	vadd.f32 v27, v13  }
0x285: {  	v46 =	vld.idx.msk [tilespmem:v61+s13+$0x0], $0xffff;
	v9 =	vadd.f32 v14, v24;
	v5 =	vadd.f32 v47, v5  }
0x286: {  	v44 =	vor.u32 $0x7, v19;
	v18 =	vadd.f32 v20, v18;
	v24 =	vmul.f32 v27, v27;
	v27 =	vld.idx.msk [tilespmem:v8+s13+$0x0], $0xffff  }
0x287: {  	v0 =	vor.u32 $0x4, v19;
	v3 =	vadd.f32 v37, v3;
	[tilespmem:$0x1FF30] =	vst v5;
	v5 =	vld [tilespmem:$0x1FDB0];
	v20 =	vadd.f32 v40, v9  }
0x288: {  	v8 =	vmul.f32 v10, v10;
	v9 =	vadd.f32 v11, v15;
	v56 =	vadd.f32 v24, v18;
	v18 =	vld.idx.msk [tilespmem:v36+s13+$0x0], $0xffff  }
0x289: {  	v15 =	vmul.f32 v15, v15;
	v36 =	vadd.f32 v55, v3;
	v3 =	vld.idx.msk [tilespmem:v7+s13+$0x0], $0xffff;
	v7 =	vadd.f32 v41, v10  }
0x28a: {  	[tilespmem:$0x1FE40] =	vst v0;
	v0 =	vor.u32 $0x5, v25;
	v11 =	vmul.f32 v11, v11;
	v10 =	vmul.f32 v41, v41  }
0x28b: {  	v1 =	vor.u32 $0x5, v19;
	v9 =	vadd.f32 v32, v9;
	v7 =	vadd.f32 v46, v7  }
0x28c: {  	[tilespmem:$0x1FE00] =	vst v0;
	v11 =	vadd.f32 v11, v15;
	v15 =	vld [tilespmem:$0x1FDD0];
	v8 =	vadd.f32 v10, v8;
	v10 =	vmul.f32 v46, v46  }
0x28d: {  	[tilespmem:$0x1FDE0] =	vst v1;
	v1 =	vor.u32 $0x4, v26;
	v13 =	vld.idx.msk [tilespmem:v44+s13+$0x0], $0xffff;
	v7 =	vadd.f32 v30, v7  }
0x28e: {  	v33 =	vor.u32 $0x7, v26;
	[tilespmem:$0x1FE10] =	vst v1;
	v29 =	vmovc v51;
	v9 =	vadd.f32 v51, v9;
	v51 =	vadd.f32 v10, v8;
	v8 =	vld [tilespmem:$0x1FE00]  }
0x28f: {  	[tilespmem:$0x1FF60] =	vst v42;
	v42 =	vadd.f32 v53, v7;
	v7 =	vld [tilespmem:$0x1FE10]  }
0x290: {  	v35 =	vmov v37;
	v37 =	vld [tilespmem:$0x1FDF0];
	v24 =	vmul.f32 v32, v32  }
0x291: {  	v61 =	vld.idx.msk [tilespmem:v5+s13+$0x0], $0xffff;
	v5 =	vmul.f32 v34, v34  }
0x292: {  	v24 =	vadd.f32 v24, v11;
	v11 =	vld [tilespmem:$0x1FDE0]  }
0x293: {  	v60 =	vor.u32 $0x5, v26;
	v1 =	vor.u32 $0x4, v25;
	[tilespmem:$0x1FFB0] =	vst v5;
	v5 =	vld.idx.msk [tilespmem:v33+s13+$0x0], $0xffff  }
0x294: {  	v58 =	vor.u32 $0x4, v17;
	v59 =	vor.u32 $0x3, v17;
	[tilespmem:$0x1FE20] =	vst v1;
	v32 =	vld.idx.msk [tilespmem:v15+s13+$0x0], $0xffff  }
0x295: {  	v62 =	vor.u32 $0x2, v17;
	v28 =	vor.u32 $0x1, v17;
	v0 =	vor.u32 $0x3, v19;
	v15 =	vld [tilespmem:$0x1FE20]  }
0x296: {  	v16 =	vor.u32 $0x3, v26;
	v1 =	vor.u32 $0x2, v19;
	[tilespmem:$0x1FED0] =	vst v6;
	v6 =	vor.u32 $0x3, v25;
	v41 =	vld.idx.msk [tilespmem:v8+s13+$0x0], $0xffff  }
0x297: {  	v63 =	vor.u32 $0x1, v19;
	v23 =	vor.u32 $0x2, v25;
	v8 =	vld.idx.msk [tilespmem:v7+s13+$0x0], $0xffff;
	v7 =	vadd.f32 v27, v3  }
0x298: {  	[tilespmem:$0x1FF90] =	vst v14;
	v12 =	vor.u32 $0x2, v26;
	v14 =	vmul.f32 v31, v31;
	v33 =	vmul.f32 v40, v40;
	v40 =	vld.idx.msk [tilespmem:v60+s13+$0x0], $0xffff  }
0x299: {  	v31 =	vmovc v30;
	v30 =	vmul.f32 v55, v55;
	v10 =	vmul.f32 v18, v18;
	v55 =	vadd.f32 v32, v7;
	v7 =	vld [tilespmem:$0x1FE40]  }
0x29a: {  	v58 =	vld.idx.msk [tilespmem:v58+s13+$0x0], $0xffff;
	v34 =	vadd.f32 v37, v9;
	v27 =	vmul.f32 v27, v27;
	v9 =	vadd.f32 v18, v5  }
0x29b: {  	v6 =	vld.idx.msk [tilespmem:v6+s13+$0x0], $0xffff;
	[tilespmem:$0x1FF70] =	vst v2;
	v2 =	vor.u32 $0x1, v26;
	v5 =	vmul.f32 v5, v5;
	v18 =	vmul.f32 v3, v3  }
0x29c: {  	v47 =	vmul.f32 v52, v52;
	v53 =	vmul.f32 v53, v53;
	v11 =	vld.idx.msk [tilespmem:v11+s13+$0x0], $0xffff;
	v9 =	vadd.f32 v13, v9  }
0x29d: {  	v3 =	vld.idx.msk [tilespmem:v49+s13+$0x0], $0xffff;
	v13 =	vmul.f32 v13, v13;
	v5 =	vadd.f32 v10, v5;
	v18 =	vadd.f32 v27, v18  }
0x29e: {  	p0 =	sne.s32 s19, $0x9B4;
	v60 =	vmul.f32 v32, v32;
	v32 =	vadd.f32 v41, v40;
	v15 =	vld.idx.msk [tilespmem:v15+s13+$0x0], $0xffff;
	v9 =	vadd.f32 v21, v9  }
.Ltmp5:
0x29f: {  	v44 =	vmovc v21;
	v49 =	vmul.f32 v37, v37;
	v21 =	vld [tilespmem:$0x1FE30];
	v37 =	vadd.f32 v13, v5;
	v5 =	vadd.f32 v38, v55;
	(pc) =	sbr.rel @p0 .LBB2_8-.Ltmp5, $4  }
0x2a0: {  	v55 =	vadd.f32 v60, v18;
	v18 =	vmul.f32 v40, v40;
	v52 =	vadd.f32 v57, v9;
	v9 =	vld.idx.msk [tilespmem:v12+s13+$0x0], $0xffff  }
0x2a1: {  	v4 =	vor.u32 $0x1, v25;
	v27 =	vmovc v43;
	v57 =	vmul.f32 v57, v57;
	v12 =	vmul.f32 v41, v41;
	v10 =	vld.idx.msk [tilespmem:v7+s13+$0x0], $0xffff  }
0x2a2: {  	v43 =	vmovc v56;
	v60 =	vadd.f32 v45, v5;
	v5 =	vadd.f32 v11, v32;
	v32 =	vmov v39;
	v7 =	vld.idx.msk [tilespmem:v16+s13+$0x0], $0xffff  }
0x2a3: {  	s19 =	sadd.s32 $0x50, s19;
	v39 =	vmovc v47;
	v47 =	vmov v20;
	v11 =	vmul.f32 v11, v11;
	v13 =	vadd.f32 v15, v8;
	v16 =	vld.idx.msk [tilespmem:v23+s13+$0x0], $0xffff  }
0x2a4: {  	_ =	sdelay $0x3  }
0x2a5: {  	v0 =	vld.idx.msk [tilespmem:v0+s13+$0x0], $0xffff;
	v8 =	vmul.f32 v8, v8;
	v15 =	vmul.f32 v15, v15  }
0x2a6: {  	v12 =	vadd.f32 v12, v18;
	v1 =	vld.idx.msk [tilespmem:v1+s13+$0x0], $0xffff  }
0x2a7: {  	v2 =	vld.idx.msk [tilespmem:v2+s13+$0x0], $0xffff;
	v5 =	vadd.f32 v48, v5;
	v8 =	vadd.f32 v15, v8  }
0x2a8: {  	v4 =	vld.idx.msk [tilespmem:v4+s13+$0x0], $0xffff;
	v11 =	vadd.f32 v11, v12;
	v12 =	vadd.f32 v10, v13;
	v10 =	vmul.f32 v10, v10  }
0x2a9: {  	v15 =	vld.idx.msk [tilespmem:v26+s13+$0x0], $0xffff;
	v56 =	vadd.f32 v6, v7;
	v7 =	vmul.f32 v7, v7;
	v6 =	vmul.f32 v6, v6  }
0x2aa: {  	v13 =	vld.idx.msk [tilespmem:v25+s13+$0x0], $0xffff;
	v5 =	vadd.f32 v22, v5;
	v8 =	vadd.f32 v10, v8;
	v10 =	vmul.f32 v9, v9  }
0x2ab: {  	v18 =	vld.idx.msk [tilespmem:v63+s13+$0x0], $0xffff;
	v23 =	vmul.f32 v16, v16;
	v9 =	vadd.f32 v16, v9;
	v6 =	vadd.f32 v6, v7  }
0x2ac: {  	v7 =	vld.idx.msk [tilespmem:v19+s13+$0x0], $0xffff;
	v25 =	vmul.f32 v0, v0;
	v0 =	vadd.f32 v0, v56;
	v26 =	vmul.f32 v1, v1  }
0x2ad: {  	v46 =	vmul.f32 v2, v2;
	v2 =	vadd.f32 v4, v2;
	v1 =	vadd.f32 v1, v9;
	v9 =	vld.idx.msk [tilespmem:v62+s13+$0x0], $0xffff  }
0x2ae: {  	v56 =	vmul.f32 v4, v4;
	v10 =	vadd.f32 v23, v10;
	v23 =	vld.idx.msk [tilespmem:v59+s13+$0x0], $0xffff;
	v6 =	vadd.f32 v25, v6  }
0x2af: {  	v16 =	vld.idx.msk [tilespmem:v17+s13+$0x0], $0xffff;
	v40 =	vmul.f32 v15, v15;
	v41 =	vmul.f32 v13, v13;
	v13 =	vadd.f32 v13, v15  }
0x2b0: {  	v63 =	vmul.f32 v18, v18;
	v15 =	vld.idx.msk [tilespmem:v28+s13+$0x0], $0xffff;
	v2 =	vadd.f32 v18, v2;
	v10 =	vadd.f32 v26, v10  }
0x2b1: {  	v4 =	vadd.f32 v41, v40;
	v62 =	vmul.f32 v7, v7;
	v7 =	vadd.f32 v7, v13  }
0x2b2: {  	v13 =	vadd.f32 v56, v46;
	v1 =	vadd.f32 v9, v1;
	v9 =	vmul.f32 v9, v9  }
0x2b3: {  	v25 =	vld.idx.msk [tilespmem:v21+s13+$0x0], $0xffff;
	v0 =	vadd.f32 v23, v0;
	v28 =	vmul.f32 v23, v23;
	v4 =	vadd.f32 v62, v4  }
0x2b4: {  	v13 =	vadd.f32 v63, v13;
	v7 =	vadd.f32 v16, v7;
	v16 =	vmul.f32 v16, v16  }
0x2b5: {  	v26 =	vmul.f32 v15, v15;
	v2 =	vadd.f32 v15, v2;
	v9 =	vadd.f32 v9, v10  }
0x2b6: {  	v15 =	vmul.f32 v61, v61;
	v1 =	vadd.f32 v61, v1;
	v6 =	vadd.f32 v28, v6  }
0x2b7: {  	v4 =	vadd.f32 v16, v4;
	v7 =	vadd.f32 v3, v7;
	v3 =	vmul.f32 v3, v3  }
0x2b8: {  	v10 =	vmul.f32 v25, v25;
	v13 =	vadd.f32 v26, v13;
	v2 =	vadd.f32 v25, v2  }
0x2b9: {  	v0 =	vadd.f32 v54, v0;
	v3 =	vadd.f32 v3, v4;
	v7 =	vmul.f32 v7, v7  }
0x2ba: {  	v4 =	vadd.f32 v10, v13;
	v10 =	vmul.f32 v54, v54;
	v2 =	vmul.f32 v2, v2  }
0x2bb: {  	v3 =	vsub.f32 v7, v3;
	v7 =	vadd.f32 v58, v12;
	v12 =	vmul.f32 v58, v58  }
0x2bc: {  	v9 =	vadd.f32 v15, v9;
	v1 =	vmul.f32 v1, v1;
	v2 =	vsub.f32 v2, v4  }
0x2bd: {  	v4 =	vadd.f32 v10, v6;
	v6 =	vadd.f32 v12, v8;
	v8 =	vmul.f32 v48, v48  }
0x2be: {  	v0 =	vmul.f32 v0, v0;
	v1 =	vsub.f32 v1, v9;
	v2 =	vadd.f32 v2, v3  }
0x2bf: {  	v7 =	vadd.f32 v50, v7;
	v3 =	vadd.f32 v8, v11;
	v8 =	vmul.f32 v50, v50  }
0x2c0: {  	v40 =	vmul.f32 v38, v38;
	v9 =	vmul.f32 v22, v22;
	v0 =	vsub.f32 v0, v4  }
0x2c1: {  	v1 =	vadd.f32 v1, v2;
	v4 =	vmul.f32 v7, v7;
	v6 =	vadd.f32 v8, v6  }
0x2c2: {  	v2 =	vadd.f32 v40, v55;
	v7 =	vmul.f32 v45, v45;
	v8 =	vmul.f32 v44, v44  }
0x2c3: {  	v3 =	vadd.f32 v9, v3;
	v41 =	vsub.f32 v4, v6;
	v4 =	vmul.f32 v5, v5  }
0x2c4: {  	v5 =	vadd.f32 v8, v37;
	v6 =	vmul.f32 v31, v31  }
0x2c5: {  	v2 =	vadd.f32 v7, v2;
	v44 =	vsub.f32 v4, v3;
	v3 =	vmul.f32 v60, v60  }
0x2c6: {  	v4 =	vadd.f32 v57, v5;
	v5 =	vadd.f32 v6, v51;
	v6 =	vmul.f32 v29, v29  }
0x2c7: {  	v46 =	vmul.f32 v52, v52;
	v45 =	vsub.f32 v3, v2  }
0x2c8: {  	v3 =	vadd.f32 v53, v5;
	v5 =	vadd.f32 v6, v24;
	v6 =	vmul.f32 v35, v35  }
0x2c9: {  	v48 =	vsub.f32 v46, v4  }
0x2ca: {  	v50 =	vmul.f32 v42, v42;
	v4 =	vadd.f32 v49, v5;
	v5 =	vadd.f32 v6, v43;
	v6 =	vld [tilespmem:$0x1FF90];
	_ =	sdelay $0x1  }
0x2cb: {  	v51 =	vsub.f32 v50, v3;
	v3 =	vadd.f32 v30, v5;
	v5 =	vld [tilespmem:$0x1FF30];
	_ =	sdelay $0x2  }
0x2cc: {  	v6 =	vmul.f32 v6, v6;
	_ =	sdelay $0x1  }
0x2cd: {  	v52 =	vmul.f32 v34, v34;
	v5 =	vadd.f32 v6, v5;
	v6 =	vld [tilespmem:$0x1FF60];
	_ =	sdelay $0x1  }
0x2ce: {  	v53 =	vsub.f32 v52, v4;
	v4 =	vadd.f32 v33, v5;
	v5 =	vld [tilespmem:$0x1FF00];
	_ =	sdelay $0x2  }
0x2cf: {  	v6 =	vmul.f32 v6, v6;
	_ =	sdelay $0x1  }
0x2d0: {  	v54 =	vmul.f32 v36, v36;
	v5 =	vadd.f32 v6, v5;
	_ =	sdelay $0x1  }
0x2d1: {  	v56 =	vmul.f32 v47, v47;
	v55 =	vsub.f32 v54, v3;
	v3 =	vadd.f32 v14, v5;
	v5 =	vld [tilespmem:$0x1FEF0];
	_ =	sdelay $0x1  }
0x2d2: {  	v57 =	vsub.f32 v56, v4;
	v4 =	vld [tilespmem:$0x1FFA0]  }
0x2d3: {  	v6 =	vmul.f32 v32, v32;
	_ =	sdelay $0x1  }
0x2d4: {  	v5 =	vadd.f32 v6, v5;
	v6 =	vld [tilespmem:$0x1FF40]  }
0x2d5: {  	v58 =	vld [tilespmem:$0x1FEC0]  }
0x2d6: {  	v7 =	vld [tilespmem:$0x1FEE0];
	v4 =	vmul.f32 v4, v4  }
0x2d7: {  	v8 =	vld [tilespmem:$0x1FFB0]  }
0x2d8: {  	v0 =	vadd.f32 v0, v1;
	v59 =	vsub.f32 v4, v3;
	v4 =	vld [tilespmem:$0x1FF70]  }
0x2d9: {  	v3 =	vld [tilespmem:$0x1FEB0];
	v6 =	vmul.f32 v6, v6  }
0x2da: {  	v0 =	vadd.f32 v41, v0  }
0x2db: {  	v6 =	vadd.f32 v6, v7;
	v7 =	vld [tilespmem:$0x1FF20]  }
0x2dc: {  	v0 =	vadd.f32 v44, v0  }
0x2dd: {  	v5 =	vadd.f32 v39, v5;
	v4 =	vmul.f32 v4, v4;
	v6 =	vadd.f32 v8, v6;
	v8 =	vld [tilespmem:$0x1FED0]  }
0x2de: {  	v2 =	vld.idx.msk [tilespmem:v58+s14+$0x0], $0xffff  }
0x2df: {  	v0 =	vadd.f32 v45, v0;
	v60 =	vsub.f32 v4, v5;
	v5 =	vld [tilespmem:$0x1FF10]  }
0x2e0: {  	v4 =	vld [tilespmem:$0x1FF50];
	v7 =	vmul.f32 v7, v7  }
0x2e1: {  	v0 =	vadd.f32 v48, v0;
	v3 =	vld.idx.msk [tilespmem:v3+s14+$0x0], $0xffff  }
0x2e2: {  	v7 =	vadd.f32 v7, v8;
	v8 =	vmul.f32 v27, v27  }
0x2e3: {  	v0 =	vadd.f32 v51, v0  }
0x2e4: {  	v2 =	vadd.f32 v2, v5;
	v5 =	vadd.f32 v8, v7;
	v7 =	vld [tilespmem:$0x1FEA0]  }
0x2e5: {  	v0 =	vadd.f32 v53, v0  }
0x2e6: {  	v4 =	vmul.f32 v4, v4;
	v2 =	vadd.f32 v3, v2;
	v3 =	vld [tilespmem:$0x1FE90]  }
0x2e7: {  	v0 =	vadd.f32 v55, v0  }
0x2e8: {  	v61 =	vsub.f32 v4, v6;
	v4 =	vld [tilespmem:$0x1FFC0]  }
0x2e9: {  	v0 =	vadd.f32 v57, v0;
	_ =	sdelay $0x1  }
0x2ea: {  	v0 =	vadd.f32 v59, v0  }
0x2eb: {  	v7 =	vld.idx.msk [tilespmem:v7+s14+$0x0], $0xffff  }
0x2ec: {  	v0 =	vadd.f32 v60, v0;
	v4 =	vmul.f32 v4, v4  }
0x2ed: {  	v3 =	vld.idx.msk [tilespmem:v3+s14+$0x0], $0xffff  }
0x2ee: {  	v0 =	vadd.f32 v61, v0;
	v62 =	vsub.f32 v4, v5;
	_ =	sdelay $0x1  }
0x2ef: {  	v0 =	vadd.f32 v62, v0;
	v2 =	vadd.f32 v7, v2;
	_ =	sdelay $0x1  }
0x2f0: {  	v0 =	vmul.f32 $5.000000000e-01, v0;
	v63 =	vadd.f32 v3, v2;
	_ =	sdelay $0x1  }
0x2f1: {  	v0 =	vadd.f32 v0, v63  }
0x2f2: {  	s18 =	sadd.s32 $0x10, s18;
	s17 =	sadd.s32 $0x1, s17  }
0x2f3: {  	p0 =	sne.s32 s17, s8;
	[tilespmem:s18+$0x0] =	vst v0  }
0x2f4: {  	[hbm4b:s7+s2] =	stream.linear.scatter [tilespmem:s16], [sflag:$0x3], $0x200, $0x38;
	[tilespmem:$0xC400] =	vst v63  }
.Ltmp6:
0x2f5: {  	_ = 	snop;
	(pc) =	sbr.rel @p0 .LBB2_1-.Ltmp6, $4  }
0x2f6: {  	_ =	swait.ge [sflag:s9], $0x200  }
0x2f7: {  	v6 =	vld [tilespmem:$0x1FFD0]  }
0x2f8: {  	[sflag:s9] =	ssyncset.done $0x0;
	v14 =	vld [tilespmem:$0x1FFE0]  }
0x2f9: {  	v5 =	vimm.f32 $0.0e+00;
	v8 =	vld [tilespmem:$0x1FFF0];
	[sflag:s9] =	ssyncadd.s32 $0xFFFFFE00  }
0x2fa: {  	_ =	sfence.sel $0x180000  }
0x2fb: {  	[bflag:$0x0] =	sbarrier.arrive $0xFFFF  }
0x2fc: {  	_ =	strace $0x9000004A  }
0x2fd: {  	s0 =	stileid.u32;
	[bflag:$0x2] =	sbarrier.arrive $0xFFFF  }
0x2fe: {  	p0 =	sne.s32 s0, $0x0;
	s0 =	rddreg [dreg:$0x2]  }
0x2ff: {  	s0 =	sadd.s32 @!p0 $0x100000, s0  }
0x300: {  	[sflag:s0] =	ssyncadd.tile.s32 @!p0 $0x1;
	_ =	shalt  }
.Lfunc_end2:
_tile_overlayer_lowered:
.L_overlay_start_2:
0x301: {  	(tag) =	ssettag $0x2  }
0x302: {  	s0 =	rddreg [dreg:$0x0];
	s2 =	stileid.u32  }
0x303: {  	s1 =	rddreg [dreg:$0x1];
	p0 =	sne.s32 s2, $0x0  }
0x304: {  	s3 =	rddreg [dreg:$0x2];
	[bflag:$0x3] =	sbarrier.arrive $0xFFFF;
	s2 =	simm.s32 @!p0 $0x1C03  }
0x305: {  	[timem:s3], [sflag:s2] =	dma.local @!p0 [hbm:s0], s1  }
0x306: {  	s0 =	simm.s32 @!p0 $0x3  }
0x307: {  	_ =	swait.ge @!p0 [sflag:s0], s1  }
0x308: {  	s1 =	ssub.s32 @!p0 $0x0, s1;
	[sflag:s0] =	ssyncset.done @!p0 $0x0  }
0x309: {  	[sflag:s0] =	ssyncadd.s32 @!p0 s1  }
0x30a: {  	[bflag:$0x3] =	sbarrier.arrive $0xFFFF  }
0x30b: {  	_ =	shalt  }

</sc_bundles>
